<compile_context>
chip_gen: v7x
topology: tpu7x:2x2x1
jax: 0.10.2.dev20260603
libtpu: 0.0.44.dev20260713+nightly
codegen_flags: <defaults>
</compile_context>

<pallas_src>
import functools

import jax
import jax.numpy as jnp
from jax import lax
from jax.experimental import pallas as pl
from jax.experimental.pallas import tpu as pltpu
from jax.experimental.pallas import tpu_sc as plsc

N = 10000
NPAD = 10240
E = 320000
NC, NS = 2, 16
NW = NC * NS
EPT = E // NW
CK = 80
NCHUNK = EPT // CK
RPS = NPAD // NS
RPW = NPAD // NW

BN = 1024
GN = NPAD // BN

_mesh = plsc.VectorSubcoreMesh(
    core_axis_name="c", subcore_axis_name="s", num_cores=NC, num_subcores=NS)



def _seg_sum_body(with_deg, *refs):
    if with_deg:
        (h_hbm, src_hbm, dst_hbm, z2_hbm, z1_hbm, ones_hbm,
         out_hbm, dout_hbm,
         acc, dacc, sidx0, sidx1, didx0, didx1, rows0, rows1, onesv,
         sem_g0, sem_g1, sem_i0, sem_i1) = refs
    else:
        (h_hbm, src_hbm, dst_hbm, z2_hbm,
         out_hbm,
         acc, sidx0, sidx1, didx0, didx1, rows0, rows1,
         sem_g0, sem_g1, sem_i0, sem_i1) = refs
        onesv = dacc = dout_hbm = None
    sidx = (sidx0, sidx1)
    didx = (didx0, didx1)
    rows = (rows0, rows1)
    sem_g = (sem_g0, sem_g1)
    sem_i = (sem_i0, sem_i1)
    c = lax.axis_index("c")
    s = lax.axis_index("s")
    wid = c * NS + s

    r0 = s * RPS
    pltpu.sync_copy(z2_hbm.at[pl.ds(r0, RPS)], acc.at[pl.ds(r0, RPS)])
    if with_deg:
        pltpu.sync_copy(z1_hbm.at[pl.ds(r0, RPS)], dacc.at[pl.ds(r0, RPS)])
        pltpu.sync_copy(ones_hbm, onesv)
    plsc.subcore_barrier()

    e0 = wid * EPT
    emax = e0 + EPT - CK

    def wait_idx(b):
        pltpu.make_async_copy(src_hbm.at[pl.ds(0, CK)], sidx[b], sem_i[b]).wait()
        pltpu.make_async_copy(dst_hbm.at[pl.ds(0, CK)], didx[b], sem_i[b]).wait()

    def load_idx(b, base):
        pltpu.async_copy(src_hbm.at[pl.ds(base, CK)], sidx[b], sem_i[b])
        pltpu.async_copy(dst_hbm.at[pl.ds(base, CK)], didx[b], sem_i[b])

    def wait_gather(b):
        pltpu.make_async_copy(h_hbm.at[pl.ds(0, CK)], rows[b], sem_g[b]).wait()

    def consume(b):
        pltpu.sync_copy(rows[b], acc.at[didx[b]], add=True)
        if with_deg:
            pltpu.sync_copy(onesv, dacc.at[didx[b]], add=True)

    pltpu.sync_copy(src_hbm.at[pl.ds(e0, CK)], sidx0)
    pltpu.sync_copy(dst_hbm.at[pl.ds(e0, CK)], didx0)
    pltpu.async_copy(h_hbm.at[sidx0], rows0, sem_g0)
    load_idx(1, e0 + CK)

    def pair(g, carry):
        for b in range(2):
            i = 2 * g + b
            cur, nxt = b, 1 - b
            wait_idx(nxt)
            pltpu.async_copy(h_hbm.at[sidx[nxt]], rows[nxt], sem_g[nxt])
            wait_gather(cur)
            consume(cur)
            base2 = jnp.minimum(e0 + (i + 2) * CK, emax)
            load_idx(cur, base2)
        return carry

    lax.fori_loop(0, (NCHUNK - 1) // 2, pair, 0)
    wait_gather(0)
    consume(0)
    wait_idx(1)
    plsc.subcore_barrier()

    pltpu.sync_copy(acc.at[pl.ds(r0, RPS)], out_hbm.at[c, pl.ds(r0, RPS)])
    if with_deg:
        pltpu.sync_copy(dacc.at[pl.ds(r0, RPS)],
                        dout_hbm.at[pl.ds(c * NPAD + r0, RPS)])


def _make_seg_sum(with_deg):
    out_type = [jax.ShapeDtypeStruct((NC, NPAD, 128), jnp.float32)]
    scratch = [
        pltpu.VMEM_SHARED((NPAD, 128), jnp.float32),
        pltpu.VMEM((CK,), jnp.int32),
        pltpu.VMEM((CK,), jnp.int32),
        pltpu.VMEM((CK,), jnp.int32),
        pltpu.VMEM((CK,), jnp.int32),
        pltpu.VMEM((CK, 128), jnp.float32),
        pltpu.VMEM((CK, 128), jnp.float32),
        pltpu.SemaphoreType.DMA,
        pltpu.SemaphoreType.DMA,
        pltpu.SemaphoreType.DMA,
        pltpu.SemaphoreType.DMA,
    ]
    if with_deg:
        out_type.append(jax.ShapeDtypeStruct((NC * NPAD,), jnp.float32))
        scratch.insert(1, pltpu.VMEM_SHARED((NPAD,), jnp.float32))
        scratch.insert(8, pltpu.VMEM((CK,), jnp.float32))
    return pl.kernel(
        functools.partial(_seg_sum_body, with_deg),
        out_type=out_type, mesh=_mesh, scratch_types=scratch,
        name="sc_seg_sum%s" % ("_deg" if with_deg else ""))


_seg_sum_deg = _make_seg_sum(True)
_seg_sum = _make_seg_sum(False)


def _rdeg_body(degp_hbm, out_hbm, a_v, b_v):
    c = lax.axis_index("c")
    s = lax.axis_index("s")
    wid = c * NS + s
    r0 = wid * RPW
    pltpu.sync_copy(degp_hbm.at[pl.ds(r0, RPW)], a_v)
    pltpu.sync_copy(degp_hbm.at[pl.ds(NPAD + r0, RPW)], b_v)

    def step(j, carry):
        o = j * 16
        v = a_v[pl.ds(o, 16)] + b_v[pl.ds(o, 16)]
        a_v[pl.ds(o, 16)] = 1.0 / jnp.maximum(v, 1.0)
        return carry

    lax.fori_loop(0, RPW // 16, step, 0)
    pltpu.sync_copy(a_v, out_hbm.at[pl.ds(r0, RPW)])


_rdeg_kernel = pl.kernel(
    _rdeg_body,
    out_type=[jax.ShapeDtypeStruct((NPAD,), jnp.float32)],
    mesh=_mesh,
    scratch_types=[pltpu.VMEM((RPW,), jnp.float32),
                   pltpu.VMEM((RPW,), jnp.float32)],
    name="sc_rdeg")


def _edge_gather_body(hsd_hbm, src_hbm, dst_hbm, ze_hbm,
                      sidx0, sidx1, didx0, didx1,
                      rs0, rs1, rd0, rd1, zb0, zb1,
                      sg0, sg1, si0, si1, sw0, sw1):
    sidx = (sidx0, sidx1)
    didx = (didx0, didx1)
    rows_s = (rs0, rs1)
    rows_d = (rd0, rd1)
    zbuf = (zb0, zb1)
    sem_g = (sg0, sg1)
    sem_i = (si0, si1)
    sem_w = (sw0, sw1)
    c = lax.axis_index("c")
    s = lax.axis_index("s")
    wid = c * NS + s
    e0 = wid * EPT
    emax = e0 + EPT - CK

    def wait_idx(b):
        pltpu.make_async_copy(src_hbm.at[pl.ds(0, CK)], sidx[b], sem_i[b]).wait()
        pltpu.make_async_copy(dst_hbm.at[pl.ds(0, CK)], didx[b], sem_i[b]).wait()

    def load_idx(b, base):
        pltpu.async_copy(src_hbm.at[pl.ds(base, CK)], sidx[b], sem_i[b])
        pltpu.async_copy(dst_hbm.at[pl.ds(base, CK)], didx[b], sem_i[b])

    def start_gathers(b):
        pltpu.async_copy(hsd_hbm.at[sidx[b]], rows_s[b], sem_g[b])
        pltpu.async_copy(hsd_hbm.at[didx[b]], rows_d[b], sem_g[b])

    def wait_gathers(b):
        pltpu.make_async_copy(hsd_hbm.at[pl.ds(0, CK)], rows_s[b], sem_g[b]).wait()
        pltpu.make_async_copy(hsd_hbm.at[pl.ds(0, CK)], rows_d[b], sem_g[b]).wait()

    def compute(b):
        def crow(r, carry):
            for k in range(4):
                zbuf[b][r, pl.ds(16 * k, 16)] = (
                    rows_s[b][r, pl.ds(16 * k, 16)]
                    + rows_d[b][r, pl.ds(64 + 16 * k, 16)])
            return carry
        lax.fori_loop(0, CK, crow, 0)

    def start_write(b, base):
        pltpu.async_copy(zbuf[b], ze_hbm.at[pl.ds(base, CK)], sem_w[b])

    def wait_write(b):
        pltpu.make_async_copy(zbuf[b], ze_hbm.at[pl.ds(0, CK)], sem_w[b]).wait()

    pltpu.sync_copy(src_hbm.at[pl.ds(e0, CK)], sidx0)
    pltpu.sync_copy(dst_hbm.at[pl.ds(e0, CK)], didx0)
    start_gathers(0)
    load_idx(1, e0 + CK)

    def pair(g, carry):
        for b in range(2):
            i = 2 * g + b
            cur, nxt = b, 1 - b
            if b == 0:
                @pl.when(g > 0)
                def _():
                    wait_write(nxt)
            else:
                wait_write(nxt)
            wait_idx(nxt)
            start_gathers(nxt)
            wait_gathers(cur)
            compute(cur)
            start_write(cur, e0 + i * CK)
            base2 = jnp.minimum(e0 + (i + 2) * CK, emax)
            load_idx(cur, base2)
        return carry

    lax.fori_loop(0, (NCHUNK - 1) // 2, pair, 0)
    wait_write(1)
    wait_gathers(0)
    compute(0)
    start_write(0, emax)
    wait_idx(1)
    wait_write(0)


_edge_gather = pl.kernel(
    _edge_gather_body,
    out_type=[jax.ShapeDtypeStruct((E, 64), jnp.float32)],
    mesh=_mesh,
    scratch_types=[pltpu.VMEM((CK,), jnp.int32),
                   pltpu.VMEM((CK,), jnp.int32),
                   pltpu.VMEM((CK,), jnp.int32),
                   pltpu.VMEM((CK,), jnp.int32),
                   pltpu.VMEM((CK, 128), jnp.float32),
                   pltpu.VMEM((CK, 128), jnp.float32),
                   pltpu.VMEM((CK, 128), jnp.float32),
                   pltpu.VMEM((CK, 128), jnp.float32),
                   pltpu.VMEM((CK, 64), jnp.float32),
                   pltpu.VMEM((CK, 64), jnp.float32),
                   pltpu.SemaphoreType.DMA,
                   pltpu.SemaphoreType.DMA,
                   pltpu.SemaphoreType.DMA,
                   pltpu.SemaphoreType.DMA,
                   pltpu.SemaphoreType.DMA,
                   pltpu.SemaphoreType.DMA],
    name="sc_edge_gather")


def _msg_scatter_body(msg_hbm, dst_hbm, z1_hbm, out_hbm,
                      acc, didx0, didx1, mval0, mval1, sem0, sem1):
    c = lax.axis_index("c")
    s = lax.axis_index("s")
    wid = c * NS + s
    r0 = s * RPS
    pltpu.sync_copy(z1_hbm.at[pl.ds(r0, RPS)], acc.at[pl.ds(r0, RPS)])
    plsc.subcore_barrier()

    e0 = wid * EPT

    didx = (didx0, didx1)
    mval = (mval0, mval1)
    sem = (sem0, sem1)

    def load(b, base):
        pltpu.async_copy(dst_hbm.at[pl.ds(base, CK)], didx[b], sem[b])
        pltpu.async_copy(msg_hbm.at[pl.ds(base, CK)], mval[b], sem[b])

    def wait_load(b):
        pltpu.make_async_copy(dst_hbm.at[pl.ds(0, CK)], didx[b], sem[b]).wait()
        pltpu.make_async_copy(msg_hbm.at[pl.ds(0, CK)], mval[b], sem[b]).wait()

    load(0, e0)

    def pair(g, carry):
        for b in range(2):
            i = 2 * g + b
            cur, nxt = b, 1 - b
            load(nxt, e0 + (i + 1) * CK)
            wait_load(cur)
            pltpu.sync_copy(mval[cur], acc.at[didx[cur]], add=True)
        return carry

    lax.fori_loop(0, (NCHUNK - 1) // 2, pair, 0)
    wait_load(0)
    pltpu.sync_copy(mval[0], acc.at[didx[0]], add=True)
    plsc.subcore_barrier()
    pltpu.sync_copy(acc.at[pl.ds(r0, RPS)], out_hbm.at[pl.ds(c * NPAD + r0, RPS)])


_msg_scatter = pl.kernel(
    _msg_scatter_body,
    out_type=[jax.ShapeDtypeStruct((NC * NPAD,), jnp.float32)],
    mesh=_mesh,
    scratch_types=[pltpu.VMEM_SHARED((NPAD,), jnp.float32),
                   pltpu.VMEM((CK,), jnp.int32),
                   pltpu.VMEM((CK,), jnp.int32),
                   pltpu.VMEM((CK,), jnp.float32),
                   pltpu.VMEM((CK,), jnp.float32),
                   pltpu.SemaphoreType.DMA,
                   pltpu.SemaphoreType.DMA],
    name="sc_msg_scatter")


def _pred_den_body(mp_hbm, rdeg_hbm, out_hbm, a_v, b_v, r_v):
    c = lax.axis_index("c")
    s = lax.axis_index("s")
    wid = c * NS + s
    r0 = wid * RPW
    pltpu.sync_copy(mp_hbm.at[pl.ds(r0, RPW)], a_v)
    pltpu.sync_copy(mp_hbm.at[pl.ds(NPAD + r0, RPW)], b_v)
    pltpu.sync_copy(rdeg_hbm.at[pl.ds(r0, RPW)], r_v)

    def step(j, carry):
        o = j * 16
        a_v[pl.ds(o, 16)] = (a_v[pl.ds(o, 16)] + b_v[pl.ds(o, 16)]) * r_v[pl.ds(o, 16)]
        return carry

    lax.fori_loop(0, RPW // 16, step, 0)
    pltpu.sync_copy(a_v, out_hbm.at[pl.ds(r0, RPW)])


_pred_den_kernel = pl.kernel(
    _pred_den_body,
    out_type=[jax.ShapeDtypeStruct((NPAD,), jnp.float32)],
    mesh=_mesh,
    scratch_types=[pltpu.VMEM((RPW,), jnp.float32),
                   pltpu.VMEM((RPW,), jnp.float32),
                   pltpu.VMEM((RPW,), jnp.float32)],
    name="sc_pred_den")



def _dot(a, b):
    return jnp.dot(a, b, preferred_element_type=jnp.float32)


def _tc0_body(f_ref, cf_ref, wn_ref, ws_ref, b_ref, h_ref, s_ref):
    f = f_ref[...]
    cf = cf_ref[...]
    h_ref[...] = _dot(f, wn_ref[0:128, :]) + _dot(cf, wn_ref[128:256, :])
    s_ref[...] = (_dot(f, ws_ref[0:128, :]) + _dot(cf, ws_ref[128:256, :])
                  + b_ref[...])


def _tc0(f, cf, wn, ws, b):
    return pl.pallas_call(
        _tc0_body,
        grid=(GN,),
        in_specs=[
            pl.BlockSpec((BN, 128), lambda i: (i, 0)),
            pl.BlockSpec((BN, 128), lambda i: (i, 0)),
            pl.BlockSpec((256, 128), lambda i: (0, 0)),
            pl.BlockSpec((256, 128), lambda i: (0, 0)),
            pl.BlockSpec((1, 128), lambda i: (0, 0)),
        ],
        out_specs=[
            pl.BlockSpec((BN, 128), lambda i: (i, 0)),
            pl.BlockSpec((BN, 128), lambda i: (i, 0)),
        ],
        out_shape=[jax.ShapeDtypeStruct((NPAD, 128), jnp.float32),
                   jax.ShapeDtypeStruct((NPAD, 128), jnp.float32)],
    )(f, cf, wn, ws, b)


def _tc_layer_body(din, do, p_ref, sp_ref, rd_ref, wn_ref, ws_ref, b_ref,
                   h_ref, s_ref):
    agg = (p_ref[0, :, 0:din] + p_ref[1, :, 0:din]) * rd_ref[...]
    x = jnp.maximum(sp_ref[...] + agg, 0.0)
    h = _dot(x, wn_ref[...])
    if do < 128:
        h_ref[:, 0:do] = h
        h_ref[:, do:128] = jnp.zeros((x.shape[0], 128 - do), jnp.float32)
    else:
        h_ref[...] = h
    s_ref[...] = _dot(x, ws_ref[...]) + b_ref[...]


def _tc_layer(p, s_prev, rdeg, wn, ws, b, din, do):
    return pl.pallas_call(
        functools.partial(_tc_layer_body, din, do),
        grid=(GN,),
        in_specs=[
            pl.BlockSpec((NC, BN, 128), lambda i: (0, i, 0)),
            pl.BlockSpec((BN, din), lambda i: (i, 0)),
            pl.BlockSpec((BN, 1), lambda i: (i, 0)),
            pl.BlockSpec((din, do), lambda i: (0, 0)),
            pl.BlockSpec((din, do), lambda i: (0, 0)),
            pl.BlockSpec((1, do), lambda i: (0, 0)),
        ],
        out_specs=[
            pl.BlockSpec((BN, 128), lambda i: (i, 0)),
            pl.BlockSpec((BN, do), lambda i: (i, 0)),
        ],
        out_shape=[jax.ShapeDtypeStruct((NPAD, 128), jnp.float32),
                   jax.ShapeDtypeStruct((NPAD, do), jnp.float32)],
    )(p, s_prev, rdeg, wn, ws, b)


def _tc_head_body(p_ref, sp_ref, rd_ref, wsrc_ref, wdst_ref, b_ref, o_ref):
    agg = (p_ref[0, :, 0:64] + p_ref[1, :, 0:64]) * rd_ref[...]
    x = jnp.maximum(sp_ref[...] + agg, 0.0)
    o_ref[:, 0:64] = _dot(x, wsrc_ref[...])
    o_ref[:, 64:128] = _dot(x, wdst_ref[...]) + b_ref[...]


def _tc_head(p, s_prev, rdeg, wsrc, wdst, bsum):
    return pl.pallas_call(
        _tc_head_body,
        grid=(GN,),
        in_specs=[
            pl.BlockSpec((NC, BN, 128), lambda i: (0, i, 0)),
            pl.BlockSpec((BN, 64), lambda i: (i, 0)),
            pl.BlockSpec((BN, 1), lambda i: (i, 0)),
            pl.BlockSpec((64, 64), lambda i: (0, 0)),
            pl.BlockSpec((64, 64), lambda i: (0, 0)),
            pl.BlockSpec((1, 64), lambda i: (0, 0)),
        ],
        out_specs=[pl.BlockSpec((BN, 128), lambda i: (i, 0))],
        out_shape=[jax.ShapeDtypeStruct((NPAD, 128), jnp.float32)],
    )(p, s_prev, rdeg, wsrc, wdst, bsum)


BE = 5000
GE = E // BE


def _tc_edge_body(ze_ref, ra_ref, a1_ref, wc1_ref, bc1_ref, a2_ref,
                  wc2_ref, bc2_ref, pc_ref, msg_ref):
    z = ze_ref[...]
    z = jnp.where(z > 0, z, a1_ref[...] * z)
    y = _dot(z, wc1_ref[...]) + bc1_ref[...]
    y = jnp.where(y > 0, y, a2_ref[...] * y)
    pc = _dot(y, wc2_ref[...]) + bc2_ref[...]
    pc_ref[...] = pc
    d = jnp.tanh((pc[:, 1:2] - pc[:, 0:1]) * 0.5)
    msg_ref[...] = ra_ref[...] * d


def _tc_edge(ze, ra, a1, wc1, bc1, a2, wc2, bc2):
    return pl.pallas_call(
        _tc_edge_body,
        grid=(GE,),
        in_specs=[
            pl.BlockSpec((BE, 64), lambda i: (i, 0)),
            pl.BlockSpec((BE, 1), lambda i: (i, 0)),
            pl.BlockSpec((1, 64), lambda i: (0, 0)),
            pl.BlockSpec((64, 64), lambda i: (0, 0)),
            pl.BlockSpec((1, 64), lambda i: (0, 0)),
            pl.BlockSpec((1, 64), lambda i: (0, 0)),
            pl.BlockSpec((64, 2), lambda i: (0, 0)),
            pl.BlockSpec((1, 2), lambda i: (0, 0)),
        ],
        out_specs=[
            pl.BlockSpec((BE, 2), lambda i: (i, 0)),
            pl.BlockSpec((BE, 1), lambda i: (i, 0)),
        ],
        out_shape=[jax.ShapeDtypeStruct((E, 2), jnp.float32),
                   jax.ShapeDtypeStruct((E, 1), jnp.float32)],
    )(ze, ra, a1, wc1, bc1, a2, wc2, bc2)



@jax.jit
def kernel(features, cluster_features, edge_index, raw_affine,
           W_self0, W_neigh0, b0, W_self1, W_neigh1, b1,
           W_self2, W_neigh2, b2, W_self3, W_neigh3, b3,
           W_src, b_src, W_dst, b_dst, a1, W_c1, b_c1, a2, W_c2, b_c2):
    pad = ((0, NPAD - N), (0, 0))
    f = jnp.pad(features, pad)
    cf = jnp.pad(cluster_features, pad)
    src = edge_index[0].astype(jnp.int32)
    dst = edge_index[1].astype(jnp.int32)

    z128 = jnp.zeros((NPAD, 128), jnp.float32)
    z1 = jnp.zeros((NPAD,), jnp.float32)
    ones = jnp.ones((CK,), jnp.float32)

    h0, s0 = _tc0(f, cf, W_neigh0, W_self0, b0.reshape(1, -1))
    p0, degp = _seg_sum_deg(h0, src, dst, z128, z1, ones)
    (rdeg,) = _rdeg_kernel(degp)
    rdeg_c = rdeg.reshape(NPAD, 1)

    h1, s1 = _tc_layer(p0, s0, rdeg_c, W_neigh1, W_self1, b1.reshape(1, -1),
                       128, 128)
    (p1,) = _seg_sum(h1, src, dst, z128)

    h2, s2 = _tc_layer(p1, s1, rdeg_c, W_neigh2, W_self2, b2.reshape(1, -1),
                       128, 64)
    (p2,) = _seg_sum(h2, src, dst, z128)

    h3, s3 = _tc_layer(p2, s2, rdeg_c, W_neigh3, W_self3, b3.reshape(1, -1),
                       64, 64)
    (p3,) = _seg_sum(h3, src, dst, z128)

    bsum = (b_src + b_dst).reshape(1, -1)
    (hsd,) = _tc_head(p3, s3, rdeg_c, W_src, W_dst, bsum)

    (ze,) = _edge_gather(hsd, src, dst)
    pred_conn, msg = _tc_edge(ze, raw_affine.reshape(E, 1),
                              a1.reshape(1, -1), W_c1, b_c1.reshape(1, -1),
                              a2.reshape(1, -1), W_c2, b_c2.reshape(1, -1))

    (mp,) = _msg_scatter(msg.reshape(E), dst, z1)
    (pred_den,) = _pred_den_kernel(mp, rdeg)

    return pred_conn, pred_den[:N]

# --- scband reference (transcript-rebuilt; emitter-appended) ---
"""Pipeline reference for scband-main-model-43525198578059 (READ-ONLY COPY).

The authoritative reference and input builder live on the scoring server;
editing this copy changes nothing except your own understanding.
"""

import jax, jax.numpy as jnp
import numpy as np

N = 10000
E = 320000
D = 128
IN_DIMS = (256, 128, 128, 64)
OUT_DIMS = (128, 128, 64, 64)
NH = 64

def setup_inputs(seed: int = 0):
    key = jax.random.key(seed)
    ks = jax.random.split(key, 40)
    inp = {}
    inp['features'] = jax.random.normal(ks[0], (N, D), dtype=jnp.float32)
    inp['cluster_features'] = jax.random.normal(ks[1], (N, D), dtype=jnp.float32)
    inp['edge_index'] = jax.random.randint(ks[2], (2, E), 0, N)
    inp['raw_affine'] = jax.random.normal(ks[3], (E,), dtype=jnp.float32)
    k = 4
    for i in range(4):
        di, do = IN_DIMS[i], OUT_DIMS[i]
        inp['W_self%d' % i] = jax.random.normal(ks[k], (di, do), dtype=jnp.float32) / np.sqrt(di); k += 1
        inp['W_neigh%d' % i] = jax.random.normal(ks[k], (di, do), dtype=jnp.float32) / np.sqrt(di); k += 1
        inp['b%d' % i] = jnp.zeros((do,), dtype=jnp.float32)
    inp['W_src'] = jax.random.normal(ks[k], (NH, NH), dtype=jnp.float32) / np.sqrt(NH); k += 1
    inp['b_src'] = jnp.zeros((NH,), dtype=jnp.float32)
    inp['W_dst'] = jax.random.normal(ks[k], (NH, NH), dtype=jnp.float32) / np.sqrt(NH); k += 1
    inp['b_dst'] = jnp.zeros((NH,), dtype=jnp.float32)
    inp['a1'] = jnp.full((NH,), 0.25, dtype=jnp.float32)
    inp['W_c1'] = jax.random.normal(ks[k], (NH, NH), dtype=jnp.float32) / np.sqrt(NH); k += 1
    inp['b_c1'] = jnp.zeros((NH,), dtype=jnp.float32)
    inp['a2'] = jnp.full((NH,), 0.25, dtype=jnp.float32)
    inp['W_c2'] = jax.random.normal(ks[k], (NH, 2), dtype=jnp.float32) / np.sqrt(NH); k += 1
    inp['b_c2'] = jnp.zeros((2,), dtype=jnp.float32)
    return inp

def reference(features, cluster_features, edge_index, raw_affine, W_self0, W_neigh0, b0, W_self1, W_neigh1, b1, W_self2, W_neigh2, b2, W_self3, W_neigh3, b3, W_src, b_src, W_dst, b_dst, a1, W_c1, b_c1, a2, W_c2, b_c2):
    n = features.shape[0]
    src = edge_index[0]
    dst = edge_index[1]
    deg = jax.ops.segment_sum(jnp.ones((src.shape[0],), jnp.float32), dst, num_segments=n)
    degc = jnp.maximum(deg, 1.0)
    def gconv(x, Ws, Wn, b):
        agg = jax.ops.segment_sum(x[src], dst, num_segments=n) / degc[:, None]
        return jax.nn.relu(x @ Ws + agg @ Wn + b)
    x = jnp.concatenate([features, cluster_features], axis=1)
    for Ws, Wn, b in ((W_self0, W_neigh0, b0), (W_self1, W_neigh1, b1), (W_self2, W_neigh2, b2), (W_self3, W_neigh3, b3)):
        x = gconv(x, Ws, Wn, b)
    z = (x[src] @ W_src + b_src) + (x[dst] @ W_dst + b_dst)
    z = jnp.where(z > 0, z, a1 * z)
    z = z @ W_c1 + b_c1
    z = jnp.where(z > 0, z, a2 * z)
    pred_conn = z @ W_c2 + b_c2
    prob = jax.nn.softmax(pred_conn, axis=1)
    msg = raw_affine * (prob[:, 1] - prob[:, 0])
    pred_den = jax.ops.segment_sum(msg, dst, num_segments=n) / degc
    return pred_conn, pred_den

if __name__ == "__main__":
    import jax
    _d = setup_inputs()
    print(jax.jit(kernel)(*tuple(_d.values())))

</pallas_src>

<mosaic_0001>
#map = affine_map<(d0, d1) -> (0, 0)>
#map1 = affine_map<(d0, d1) -> (0)>
#map2 = affine_map<(d0, d1) -> (0, 0, 0)>
module attributes {stable_mosaic.version = 14 : i64} {
  func.func @sc_seg_sum_deg(%arg0: i32, %arg1: i32, %arg2: memref<10240x128xf32, #tpu.memory_space<hbm>>, %arg3: memref<320000xi32, #tpu.memory_space<hbm>>, %arg4: memref<320000xi32, #tpu.memory_space<hbm>>, %arg5: memref<10240x128xf32, #tpu.memory_space<hbm>>, %arg6: memref<10240xf32, #tpu.memory_space<hbm>>, %arg7: memref<80xf32, #tpu.memory_space<hbm>>, %arg8: memref<2x10240x128xf32, #tpu.memory_space<hbm>>, %arg9: memref<20480xf32, #tpu.memory_space<hbm>>, %arg10: memref<10240x128xf32, #tpu.memory_space<vmem_shared>>, %arg11: memref<10240xf32, #tpu.memory_space<vmem_shared>>, %arg12: memref<80xi32, #tpu.memory_space<vmem>>, %arg13: memref<80xi32, #tpu.memory_space<vmem>>, %arg14: memref<80xi32, #tpu.memory_space<vmem>>, %arg15: memref<80xi32, #tpu.memory_space<vmem>>, %arg16: memref<80x128xf32, #tpu.memory_space<vmem>>, %arg17: memref<80x128xf32, #tpu.memory_space<vmem>>, %arg18: memref<80xf32, #tpu.memory_space<vmem>>, %arg19: memref<!tpu.dma_semaphore, #tpu.memory_space<semaphore_mem>>, %arg20: memref<!tpu.dma_semaphore, #tpu.memory_space<semaphore_mem>>, %arg21: memref<!tpu.dma_semaphore, #tpu.memory_space<semaphore_mem>>, %arg22: memref<!tpu.dma_semaphore, #tpu.memory_space<semaphore_mem>>) attributes {dimension_semantics = [#tpu.dimension_semantics<core_parallel>, #tpu.dimension_semantics<subcore_parallel>], iteration_bounds = array<i64: 2, 16>, scalar_prefetch = 0 : i64, scratch_operands = 13 : i64, tpu.core_type = #tpu.core_type<sc_vector_subcore>, window_params = [{transform_indices = #map}, {transform_indices = #map1}, {transform_indices = #map1}, {transform_indices = #map}, {transform_indices = #map1}, {transform_indices = #map1}, {transform_indices = #map2}, {transform_indices = #map1}]} {
    %mul3A = arith.constant 16 : i32
    %mul3A_0 = arith.muli %arg0, %mul3A : i32
    %add3A = arith.addi %mul3A_0, %arg1 : i32
    %mul3A_1 = arith.constant 640 : i32
    %mul3A_2 = arith.muli %arg1, %mul3A_1 : i32
    "tpu.region"() ({
      %run_scoped3A = tpu.sem_alloc : memref<!tpu.dma_semaphore, #tpu.memory_space<semaphore_mem>>
      %dma_start3A_38 = arith.constant 0 : i32
      %dma_start3A_39 = tpu.memref_slice %arg10[%mul3A_2, %dma_start3A_38] : memref<10240x128xf32, #tpu.memory_space<vmem_shared>> -> memref<640x128xf32, #tpu.memory_space<vmem_shared>>
      %dma_start3A_40 = arith.constant 0 : i32
      %dma_start3A_41 = tpu.memref_slice %arg5[%mul3A_2, %dma_start3A_40] : memref<10240x128xf32, #tpu.memory_space<hbm>> -> memref<640x128xf32, #tpu.memory_space<hbm>>
      tpu.enqueue_dma source(%dma_start3A_41 : memref<640x128xf32, #tpu.memory_space<hbm>>) target(%dma_start3A_39 : memref<640x128xf32, #tpu.memory_space<vmem_shared>>) target_semaphore(%run_scoped3A : memref<!tpu.dma_semaphore, #tpu.memory_space<semaphore_mem>>)
      %dma_wait3A_42 = arith.constant 0 : i32
      %dma_wait3A_43 = tpu.memref_slice %arg10[%mul3A_2, %dma_wait3A_42] : memref<10240x128xf32, #tpu.memory_space<vmem_shared>> -> memref<640x128xf32, #tpu.memory_space<vmem_shared>>
      %dma_wait3A_44 = arith.constant 0 : i32
      %dma_wait3A_45 = tpu.memref_slice %arg5[%mul3A_2, %dma_wait3A_44] : memref<10240x128xf32, #tpu.memory_space<hbm>> -> memref<640x128xf32, #tpu.memory_space<hbm>>
      tpu.wait_dma2 semaphore(%run_scoped3A : memref<!tpu.dma_semaphore, #tpu.memory_space<semaphore_mem>>) src(%dma_wait3A_45 : memref<640x128xf32, #tpu.memory_space<hbm>>) dst(%dma_wait3A_43 : memref<640x128xf32, #tpu.memory_space<vmem_shared>>)
      tpu.yield
    }) : () -> ()
    "tpu.region"() ({
      %run_scoped3A = tpu.sem_alloc : memref<!tpu.dma_semaphore, #tpu.memory_space<semaphore_mem>>
      %dma_start3A_38 = tpu.memref_slice %arg11[%mul3A_2] : memref<10240xf32, #tpu.memory_space<vmem_shared>> -> memref<640xf32, #tpu.memory_space<vmem_shared>>
      %dma_start3A_39 = tpu.memref_slice %arg6[%mul3A_2] : memref<10240xf32, #tpu.memory_space<hbm>> -> memref<640xf32, #tpu.memory_space<hbm>>
      tpu.enqueue_dma source(%dma_start3A_39 : memref<640xf32, #tpu.memory_space<hbm>>) target(%dma_start3A_38 : memref<640xf32, #tpu.memory_space<vmem_shared>>) target_semaphore(%run_scoped3A : memref<!tpu.dma_semaphore, #tpu.memory_space<semaphore_mem>>)
      %dma_wait3A_40 = tpu.memref_slice %arg11[%mul3A_2] : memref<10240xf32, #tpu.memory_space<vmem_shared>> -> memref<640xf32, #tpu.memory_space<vmem_shared>>
      %dma_wait3A_41 = tpu.memref_slice %arg6[%mul3A_2] : memref<10240xf32, #tpu.memory_space<hbm>> -> memref<640xf32, #tpu.memory_space<hbm>>
      tpu.wait_dma2 semaphore(%run_scoped3A : memref<!tpu.dma_semaphore, #tpu.memory_space<semaphore_mem>>) src(%dma_wait3A_41 : memref<640xf32, #tpu.memory_space<hbm>>) dst(%dma_wait3A_40 : memref<640xf32, #tpu.memory_space<vmem_shared>>)
      tpu.yield
    }) : () -> ()
    "tpu.region"() ({
      %run_scoped3A = tpu.sem_alloc : memref<!tpu.dma_semaphore, #tpu.memory_space<semaphore_mem>>
      tpu.enqueue_dma source(%arg7 : memref<80xf32, #tpu.memory_space<hbm>>) target(%arg18 : memref<80xf32, #tpu.memory_space<vmem>>) target_semaphore(%run_scoped3A : memref<!tpu.dma_semaphore, #tpu.memory_space<semaphore_mem>>)
      tpu.wait_dma2 semaphore(%run_scoped3A : memref<!tpu.dma_semaphore, #tpu.memory_space<semaphore_mem>>) src(%arg7 : memref<80xf32, #tpu.memory_space<hbm>>) dst(%arg18 : memref<80xf32, #tpu.memory_space<vmem>>)
      tpu.yield
    }) : () -> ()
    %barrier3A = arith.constant 0 : index
    tpu.barrier barrier_id(%barrier3A)
    %mul3A_3 = arith.constant 10000 : i32
    %mul3A_4 = arith.muli %add3A, %mul3A_3 : i32
    %add3A_5 = arith.constant 10000 : i32
    %add3A_6 = arith.addi %mul3A_4, %add3A_5 : i32
    %sub3A = arith.constant 80 : i32
    %sub3A_7 = arith.subi %add3A_6, %sub3A : i32
    "tpu.region"() ({
      %run_scoped3A = tpu.sem_alloc : memref<!tpu.dma_semaphore, #tpu.memory_space<semaphore_mem>>
      %dma_start3A_38 = tpu.memref_slice %arg3[%mul3A_4] : memref<320000xi32, #tpu.memory_space<hbm>> -> memref<80xi32, #tpu.memory_space<hbm>>
      %dma_start3A_39 = tpu.memref_slice %arg3[%mul3A_4] : memref<320000xi32, #tpu.memory_space<hbm>> -> memref<80xi32, #tpu.memory_space<hbm>>
      tpu.enqueue_dma source(%dma_start3A_39 : memref<80xi32, #tpu.memory_space<hbm>>) target(%arg12 : memref<80xi32, #tpu.memory_space<vmem>>) target_semaphore(%run_scoped3A : memref<!tpu.dma_semaphore, #tpu.memory_space<semaphore_mem>>)
      %dma_wait3A_40 = tpu.memref_slice %arg3[%mul3A_4] : memref<320000xi32, #tpu.memory_space<hbm>> -> memref<80xi32, #tpu.memory_space<hbm>>
      %dma_wait3A_41 = tpu.memref_slice %arg3[%mul3A_4] : memref<320000xi32, #tpu.memory_space<hbm>> -> memref<80xi32, #tpu.memory_space<hbm>>
      tpu.wait_dma2 semaphore(%run_scoped3A : memref<!tpu.dma_semaphore, #tpu.memory_space<semaphore_mem>>) src(%dma_wait3A_41 : memref<80xi32, #tpu.memory_space<hbm>>) dst(%arg12 : memref<80xi32, #tpu.memory_space<vmem>>)
      tpu.yield
    }) : () -> ()
    "tpu.region"() ({
      %run_scoped3A = tpu.sem_alloc : memref<!tpu.dma_semaphore, #tpu.memory_space<semaphore_mem>>
      %dma_start3A_38 = tpu.memref_slice %arg4[%mul3A_4] : memref<320000xi32, #tpu.memory_space<hbm>> -> memref<80xi32, #tpu.memory_space<hbm>>
      %dma_start3A_39 = tpu.memref_slice %arg4[%mul3A_4] : memref<320000xi32, #tpu.memory_space<hbm>> -> memref<80xi32, #tpu.memory_space<hbm>>
      tpu.enqueue_dma source(%dma_start3A_39 : memref<80xi32, #tpu.memory_space<hbm>>) target(%arg14 : memref<80xi32, #tpu.memory_space<vmem>>) target_semaphore(%run_scoped3A : memref<!tpu.dma_semaphore, #tpu.memory_space<semaphore_mem>>)
      %dma_wait3A_40 = tpu.memref_slice %arg4[%mul3A_4] : memref<320000xi32, #tpu.memory_space<hbm>> -> memref<80xi32, #tpu.memory_space<hbm>>
      %dma_wait3A_41 = tpu.memref_slice %arg4[%mul3A_4] : memref<320000xi32, #tpu.memory_space<hbm>> -> memref<80xi32, #tpu.memory_space<hbm>>
      tpu.wait_dma2 semaphore(%run_scoped3A : memref<!tpu.dma_semaphore, #tpu.memory_space<semaphore_mem>>) src(%dma_wait3A_41 : memref<80xi32, #tpu.memory_space<hbm>>) dst(%arg14 : memref<80xi32, #tpu.memory_space<vmem>>)
      tpu.yield
    }) : () -> ()
    %dma_start3A = arith.constant 0 : i32
    %dma_start3A_8 = arith.constant 0 : i32
    %dma_start3A_9 = tpu.memref_slice %arg2[%dma_start3A, %dma_start3A_8] : memref<10240x128xf32, #tpu.memory_space<hbm>> -> memref<10240x128xf32, #tpu.memory_space<hbm>>
    tpu.enqueue_indirect_dma source(%dma_start3A_9 : memref<10240x128xf32, #tpu.memory_space<hbm>>) target(%arg16 : memref<80x128xf32, #tpu.memory_space<vmem>>) offsets(%arg12 : memref<80xi32, #tpu.memory_space<vmem>>) semaphore(%arg19 : memref<!tpu.dma_semaphore, #tpu.memory_space<semaphore_mem>>)
    %add3A_10 = arith.constant 80 : i32
    %add3A_11 = arith.addi %mul3A_4, %add3A_10 : i32
    %dma_start3A_12 = tpu.memref_slice %arg3[%add3A_11] : memref<320000xi32, #tpu.memory_space<hbm>> -> memref<80xi32, #tpu.memory_space<hbm>>
    %dma_start3A_13 = tpu.memref_slice %arg3[%add3A_11] : memref<320000xi32, #tpu.memory_space<hbm>> -> memref<80xi32, #tpu.memory_space<hbm>>
    tpu.enqueue_dma source(%dma_start3A_13 : memref<80xi32, #tpu.memory_space<hbm>>) target(%arg13 : memref<80xi32, #tpu.memory_space<vmem>>) target_semaphore(%arg22 : memref<!tpu.dma_semaphore, #tpu.memory_space<semaphore_mem>>)
    %dma_start3A_14 = tpu.memref_slice %arg4[%add3A_11] : memref<320000xi32, #tpu.memory_space<hbm>> -> memref<80xi32, #tpu.memory_space<hbm>>
    %dma_start3A_15 = tpu.memref_slice %arg4[%add3A_11] : memref<320000xi32, #tpu.memory_space<hbm>> -> memref<80xi32, #tpu.memory_space<hbm>>
    tpu.enqueue_dma source(%dma_start3A_15 : memref<80xi32, #tpu.memory_space<hbm>>) target(%arg15 : memref<80xi32, #tpu.memory_space<vmem>>) target_semaphore(%arg22 : memref<!tpu.dma_semaphore, #tpu.memory_space<semaphore_mem>>)
    %scan3A = arith.constant 0 : i32
    %scan3A_16 = arith.constant 0 : i32
    %scan3A_17 = arith.constant 62 : i32
    %scan3A_18 = arith.addi %scan3A_16, %scan3A_17 : i32
    %scan3A_19 = arith.constant 1 : i32
    scf.for %scan3A_38 = %scan3A_16 to %scan3A_18 step %scan3A_19  : i32 {
      %mul3A_39 = arith.constant 2 : i32
      %mul3A_40 = arith.muli %mul3A_39, %scan3A_38 : i32
      %add3A_41 = arith.constant 0 : i32
      %add3A_42 = arith.addi %mul3A_40, %add3A_41 : i32
      %dma_wait3A_43 = arith.constant 0 : i32
      %dma_wait3A_44 = tpu.memref_slice %arg3[%dma_wait3A_43] : memref<320000xi32, #tpu.memory_space<hbm>> -> memref<80xi32, #tpu.memory_space<hbm>>
      %dma_wait3A_45 = arith.constant 0 : i32
      %dma_wait3A_46 = tpu.memref_slice %arg3[%dma_wait3A_45] : memref<320000xi32, #tpu.memory_space<hbm>> -> memref<80xi32, #tpu.memory_space<hbm>>
      tpu.wait_dma2 semaphore(%arg22 : memref<!tpu.dma_semaphore, #tpu.memory_space<semaphore_mem>>) src(%dma_wait3A_46 : memref<80xi32, #tpu.memory_space<hbm>>) dst(%arg13 : memref<80xi32, #tpu.memory_space<vmem>>)
      %dma_wait3A_47 = arith.constant 0 : i32
      %dma_wait3A_48 = tpu.memref_slice %arg4[%dma_wait3A_47] : memref<320000xi32, #tpu.memory_space<hbm>> -> memref<80xi32, #tpu.memory_space<hbm>>
      %dma_wait3A_49 = arith.constant 0 : i32
      %dma_wait3A_50 = tpu.memref_slice %arg4[%dma_wait3A_49] : memref<320000xi32, #tpu.memory_space<hbm>> -> memref<80xi32, #tpu.memory_space<hbm>>
      tpu.wait_dma2 semaphore(%arg22 : memref<!tpu.dma_semaphore, #tpu.memory_space<semaphore_mem>>) src(%dma_wait3A_50 : memref<80xi32, #tpu.memory_space<hbm>>) dst(%arg15 : memref<80xi32, #tpu.memory_space<vmem>>)
      %dma_start3A_51 = arith.constant 0 : i32
      %dma_start3A_52 = arith.constant 0 : i32
      %dma_start3A_53 = tpu.memref_slice %arg2[%dma_start3A_51, %dma_start3A_52] : memref<10240x128xf32, #tpu.memory_space<hbm>> -> memref<10240x128xf32, #tpu.memory_space<hbm>>
      tpu.enqueue_indirect_dma source(%dma_start3A_53 : memref<10240x128xf32, #tpu.memory_space<hbm>>) target(%arg17 : memref<80x128xf32, #tpu.memory_space<vmem>>) offsets(%arg13 : memref<80xi32, #tpu.memory_space<vmem>>) semaphore(%arg20 : memref<!tpu.dma_semaphore, #tpu.memory_space<semaphore_mem>>)
      %dma_wait3A_54 = arith.constant 0 : i32
      %dma_wait3A_55 = arith.constant 0 : i32
      %dma_wait3A_56 = tpu.memref_slice %arg2[%dma_wait3A_54, %dma_wait3A_55] : memref<10240x128xf32, #tpu.memory_space<hbm>> -> memref<80x128xf32, #tpu.memory_space<hbm>>
      %dma_wait3A_57 = arith.constant 0 : i32
      %dma_wait3A_58 = arith.constant 0 : i32
      %dma_wait3A_59 = tpu.memref_slice %arg2[%dma_wait3A_57, %dma_wait3A_58] : memref<10240x128xf32, #tpu.memory_space<hbm>> -> memref<80x128xf32, #tpu.memory_space<hbm>>
      tpu.wait_dma2 semaphore(%arg19 : memref<!tpu.dma_semaphore, #tpu.memory_space<semaphore_mem>>) src(%dma_wait3A_59 : memref<80x128xf32, #tpu.memory_space<hbm>>) dst(%arg16 : memref<80x128xf32, #tpu.memory_space<vmem>>)
      "tpu.region"() ({
        %run_scoped3A = tpu.sem_alloc : memref<!tpu.dma_semaphore, #tpu.memory_space<semaphore_mem>>
        %dma_start3A_100 = arith.constant 0 : i32
        %dma_start3A_101 = arith.constant 0 : i32
        %dma_start3A_102 = tpu.memref_slice %arg10[%dma_start3A_100, %dma_start3A_101] : memref<10240x128xf32, #tpu.memory_space<vmem_shared>> -> memref<10240x128xf32, #tpu.memory_space<vmem_shared>>
        tpu.enqueue_indirect_dma source(%arg16 : memref<80x128xf32, #tpu.memory_space<vmem>>) target(%dma_start3A_102 : memref<10240x128xf32, #tpu.memory_space<vmem_shared>>) offsets(%arg14 : memref<80xi32, #tpu.memory_space<vmem>>) semaphore(%run_scoped3A : memref<!tpu.dma_semaphore, #tpu.memory_space<semaphore_mem>>) {add = true}
        %dma_wait3A_103 = arith.constant 0 : i32
        %dma_wait3A_104 = arith.constant 0 : i32
        %dma_wait3A_105 = tpu.memref_slice %arg10[%dma_wait3A_103, %dma_wait3A_104] : memref<10240x128xf32, #tpu.memory_space<vmem_shared>> -> memref<10240x128xf32, #tpu.memory_space<vmem_shared>>
        tpu.wait_indirect_dma semaphore(%run_scoped3A : memref<!tpu.dma_semaphore, #tpu.memory_space<semaphore_mem>>) src(%arg16 : memref<80x128xf32, #tpu.memory_space<vmem>>) dst(%dma_wait3A_105 : memref<10240x128xf32, #tpu.memory_space<vmem_shared>>)
        tpu.yield
      }) : () -> ()
      "tpu.region"() ({
        %run_scoped3A = tpu.sem_alloc : memref<!tpu.dma_semaphore, #tpu.memory_space<semaphore_mem>>
        %dma_start3A_100 = arith.constant 0 : i32
        %dma_start3A_101 = tpu.memref_slice %arg11[%dma_start3A_100] : memref<10240xf32, #tpu.memory_space<vmem_shared>> -> memref<10240xf32, #tpu.memory_space<vmem_shared>>
        tpu.enqueue_indirect_dma source(%arg18 : memref<80xf32, #tpu.memory_space<vmem>>) target(%dma_start3A_101 : memref<10240xf32, #tpu.memory_space<vmem_shared>>) offsets(%arg14 : memref<80xi32, #tpu.memory_space<vmem>>) semaphore(%run_scoped3A : memref<!tpu.dma_semaphore, #tpu.memory_space<semaphore_mem>>) {add = true}
        %dma_wait3A_102 = arith.constant 0 : i32
        %dma_wait3A_103 = tpu.memref_slice %arg11[%dma_wait3A_102] : memref<10240xf32, #tpu.memory_space<vmem_shared>> -> memref<10240xf32, #tpu.memory_space<vmem_shared>>
        tpu.wait_indirect_dma semaphore(%run_scoped3A : memref<!tpu.dma_semaphore, #tpu.memory_space<semaphore_mem>>) src(%arg18 : memref<80xf32, #tpu.memory_space<vmem>>) dst(%dma_wait3A_103 : memref<10240xf32, #tpu.memory_space<vmem_shared>>)
        tpu.yield
      }) : () -> ()
      %add3A_60 = arith.constant 2 : i32
      %add3A_61 = arith.addi %add3A_42, %add3A_60 : i32
      %mul3A_62 = arith.constant 80 : i32
      %mul3A_63 = arith.muli %add3A_61, %mul3A_62 : i32
      %add3A_64 = arith.addi %mul3A_4, %mul3A_63 : i32
      %min3A = arith.minsi %add3A_64, %sub3A_7 : i32
      %dma_start3A_65 = tpu.memref_slice %arg3[%min3A] : memref<320000xi32, #tpu.memory_space<hbm>> -> memref<80xi32, #tpu.memory_space<hbm>>
      %dma_start3A_66 = tpu.memref_slice %arg3[%min3A] : memref<320000xi32, #tpu.memory_space<hbm>> -> memref<80xi32, #tpu.memory_space<hbm>>
      tpu.enqueue_dma source(%dma_start3A_66 : memref<80xi32, #tpu.memory_space<hbm>>) target(%arg12 : memref<80xi32, #tpu.memory_space<vmem>>) target_semaphore(%arg21 : memref<!tpu.dma_semaphore, #tpu.memory_space<semaphore_mem>>)
      %dma_start3A_67 = tpu.memref_slice %arg4[%min3A] : memref<320000xi32, #tpu.memory_space<hbm>> -> memref<80xi32, #tpu.memory_space<hbm>>
      %dma_start3A_68 = tpu.memref_slice %arg4[%min3A] : memref<320000xi32, #tpu.memory_space<hbm>> -> memref<80xi32, #tpu.memory_space<hbm>>
      tpu.enqueue_dma source(%dma_start3A_68 : memref<80xi32, #tpu.memory_space<hbm>>) target(%arg14 : memref<80xi32, #tpu.memory_space<vmem>>) target_semaphore(%arg21 : memref<!tpu.dma_semaphore, #tpu.memory_space<semaphore_mem>>)
      %mul3A_69 = arith.constant 2 : i32
      %mul3A_70 = arith.muli %mul3A_69, %scan3A_38 : i32
      %add3A_71 = arith.constant 1 : i32
      %add3A_72 = arith.addi %mul3A_70, %add3A_71 : i32
      %dma_wait3A_73 = arith.constant 0 : i32
      %dma_wait3A_74 = tpu.memref_slice %arg3[%dma_wait3A_73] : memref<320000xi32, #tpu.memory_space<hbm>> -> memref<80xi32, #tpu.memory_space<hbm>>
      %dma_wait3A_75 = arith.constant 0 : i32
      %dma_wait3A_76 = tpu.memref_slice %arg3[%dma_wait3A_75] : memref<320000xi32, #tpu.memory_space<hbm>> -> memref<80xi32, #tpu.memory_space<hbm>>
      tpu.wait_dma2 semaphore(%arg21 : memref<!tpu.dma_semaphore, #tpu.memory_space<semaphore_mem>>) src(%dma_wait3A_76 : memref<80xi32, #tpu.memory_space<hbm>>) dst(%arg12 : memref<80xi32, #tpu.memory_space<vmem>>)
      %dma_wait3A_77 = arith.constant 0 : i32
      %dma_wait3A_78 = tpu.memref_slice %arg4[%dma_wait3A_77] : memref<320000xi32, #tpu.memory_space<hbm>> -> memref<80xi32, #tpu.memory_space<hbm>>
      %dma_wait3A_79 = arith.constant 0 : i32
      %dma_wait3A_80 = tpu.memref_slice %arg4[%dma_wait3A_79] : memref<320000xi32, #tpu.memory_space<hbm>> -> memref<80xi32, #tpu.memory_space<hbm>>
      tpu.wait_dma2 semaphore(%arg21 : memref<!tpu.dma_semaphore, #tpu.memory_space<semaphore_mem>>) src(%dma_wait3A_80 : memref<80xi32, #tpu.memory_space<hbm>>) dst(%arg14 : memref<80xi32, #tpu.memory_space<vmem>>)
      %dma_start3A_81 = arith.constant 0 : i32
      %dma_start3A_82 = arith.constant 0 : i32
      %dma_start3A_83 = tpu.memref_slice %arg2[%dma_start3A_81, %dma_start3A_82] : memref<10240x128xf32, #tpu.memory_space<hbm>> -> memref<10240x128xf32, #tpu.memory_space<hbm>>
      tpu.enqueue_indirect_dma source(%dma_start3A_83 : memref<10240x128xf32, #tpu.memory_space<hbm>>) target(%arg16 : memref<80x128xf32, #tpu.memory_space<vmem>>) offsets(%arg12 : memref<80xi32, #tpu.memory_space<vmem>>) semaphore(%arg19 : memref<!tpu.dma_semaphore, #tpu.memory_space<semaphore_mem>>)
      %dma_wait3A_84 = arith.constant 0 : i32
      %dma_wait3A_85 = arith.constant 0 : i32
      %dma_wait3A_86 = tpu.memref_slice %arg2[%dma_wait3A_84, %dma_wait3A_85] : memref<10240x128xf32, #tpu.memory_space<hbm>> -> memref<80x128xf32, #tpu.memory_space<hbm>>
      %dma_wait3A_87 = arith.constant 0 : i32
      %dma_wait3A_88 = arith.constant 0 : i32
      %dma_wait3A_89 = tpu.memref_slice %arg2[%dma_wait3A_87, %dma_wait3A_88] : memref<10240x128xf32, #tpu.memory_space<hbm>> -> memref<80x128xf32, #tpu.memory_space<hbm>>
      tpu.wait_dma2 semaphore(%arg20 : memref<!tpu.dma_semaphore, #tpu.memory_space<semaphore_mem>>) src(%dma_wait3A_89 : memref<80x128xf32, #tpu.memory_space<hbm>>) dst(%arg17 : memref<80x128xf32, #tpu.memory_space<vmem>>)
      "tpu.region"() ({
        %run_scoped3A = tpu.sem_alloc : memref<!tpu.dma_semaphore, #tpu.memory_space<semaphore_mem>>
        %dma_start3A_100 = arith.constant 0 : i32
        %dma_start3A_101 = arith.constant 0 : i32
        %dma_start3A_102 = tpu.memref_slice %arg10[%dma_start3A_100, %dma_start3A_101] : memref<10240x128xf32, #tpu.memory_space<vmem_shared>> -> memref<10240x128xf32, #tpu.memory_space<vmem_shared>>
        tpu.enqueue_indirect_dma source(%arg17 : memref<80x128xf32, #tpu.memory_space<vmem>>) target(%dma_start3A_102 : memref<10240x128xf32, #tpu.memory_space<vmem_shared>>) offsets(%arg15 : memref<80xi32, #tpu.memory_space<vmem>>) semaphore(%run_scoped3A : memref<!tpu.dma_semaphore, #tpu.memory_space<semaphore_mem>>) {add = true}
        %dma_wait3A_103 = arith.constant 0 : i32
        %dma_wait3A_104 = arith.constant 0 : i32
        %dma_wait3A_105 = tpu.memref_slice %arg10[%dma_wait3A_103, %dma_wait3A_104] : memref<10240x128xf32, #tpu.memory_space<vmem_shared>> -> memref<10240x128xf32, #tpu.memory_space<vmem_shared>>
        tpu.wait_indirect_dma semaphore(%run_scoped3A : memref<!tpu.dma_semaphore, #tpu.memory_space<semaphore_mem>>) src(%arg17 : memref<80x128xf32, #tpu.memory_space<vmem>>) dst(%dma_wait3A_105 : memref<10240x128xf32, #tpu.memory_space<vmem_shared>>)
        tpu.yield
      }) : () -> ()
      "tpu.region"() ({
        %run_scoped3A = tpu.sem_alloc : memref<!tpu.dma_semaphore, #tpu.memory_space<semaphore_mem>>
        %dma_start3A_100 = arith.constant 0 : i32
        %dma_start3A_101 = tpu.memref_slice %arg11[%dma_start3A_100] : memref<10240xf32, #tpu.memory_space<vmem_shared>> -> memref<10240xf32, #tpu.memory_space<vmem_shared>>
        tpu.enqueue_indirect_dma source(%arg18 : memref<80xf32, #tpu.memory_space<vmem>>) target(%dma_start3A_101 : memref<10240xf32, #tpu.memory_space<vmem_shared>>) offsets(%arg15 : memref<80xi32, #tpu.memory_space<vmem>>) semaphore(%run_scoped3A : memref<!tpu.dma_semaphore, #tpu.memory_space<semaphore_mem>>) {add = true}
        %dma_wait3A_102 = arith.constant 0 : i32
        %dma_wait3A_103 = tpu.memref_slice %arg11[%dma_wait3A_102] : memref<10240xf32, #tpu.memory_space<vmem_shared>> -> memref<10240xf32, #tpu.memory_space<vmem_shared>>
        tpu.wait_indirect_dma semaphore(%run_scoped3A : memref<!tpu.dma_semaphore, #tpu.memory_space<semaphore_mem>>) src(%arg18 : memref<80xf32, #tpu.memory_space<vmem>>) dst(%dma_wait3A_103 : memref<10240xf32, #tpu.memory_space<vmem_shared>>)
        tpu.yield
      }) : () -> ()
      %add3A_90 = arith.constant 2 : i32
      %add3A_91 = arith.addi %add3A_72, %add3A_90 : i32
      %mul3A_92 = arith.constant 80 : i32
      %mul3A_93 = arith.muli %add3A_91, %mul3A_92 : i32
      %add3A_94 = arith.addi %mul3A_4, %mul3A_93 : i32
      %min3A_95 = arith.minsi %add3A_94, %sub3A_7 : i32
      %dma_start3A_96 = tpu.memref_slice %arg3[%min3A_95] : memref<320000xi32, #tpu.memory_space<hbm>> -> memref<80xi32, #tpu.memory_space<hbm>>
      %dma_start3A_97 = tpu.memref_slice %arg3[%min3A_95] : memref<320000xi32, #tpu.memory_space<hbm>> -> memref<80xi32, #tpu.memory_space<hbm>>
      tpu.enqueue_dma source(%dma_start3A_97 : memref<80xi32, #tpu.memory_space<hbm>>) target(%arg13 : memref<80xi32, #tpu.memory_space<vmem>>) target_semaphore(%arg22 : memref<!tpu.dma_semaphore, #tpu.memory_space<semaphore_mem>>)
      %dma_start3A_98 = tpu.memref_slice %arg4[%min3A_95] : memref<320000xi32, #tpu.memory_space<hbm>> -> memref<80xi32, #tpu.memory_space<hbm>>
      %dma_start3A_99 = tpu.memref_slice %arg4[%min3A_95] : memref<320000xi32, #tpu.memory_space<hbm>> -> memref<80xi32, #tpu.memory_space<hbm>>
      tpu.enqueue_dma source(%dma_start3A_99 : memref<80xi32, #tpu.memory_space<hbm>>) target(%arg15 : memref<80xi32, #tpu.memory_space<vmem>>) target_semaphore(%arg22 : memref<!tpu.dma_semaphore, #tpu.memory_space<semaphore_mem>>)
    }
    %scan3A_20 = arith.constant 62 : i32
    %dma_wait3A = arith.constant 0 : i32
    %dma_wait3A_21 = arith.constant 0 : i32
    %dma_wait3A_22 = tpu.memref_slice %arg2[%dma_wait3A, %dma_wait3A_21] : memref<10240x128xf32, #tpu.memory_space<hbm>> -> memref<80x128xf32, #tpu.memory_space<hbm>>
    %dma_wait3A_23 = arith.constant 0 : i32
    %dma_wait3A_24 = arith.constant 0 : i32
    %dma_wait3A_25 = tpu.memref_slice %arg2[%dma_wait3A_23, %dma_wait3A_24] : memref<10240x128xf32, #tpu.memory_space<hbm>> -> memref<80x128xf32, #tpu.memory_space<hbm>>
    tpu.wait_dma2 semaphore(%arg19 : memref<!tpu.dma_semaphore, #tpu.memory_space<semaphore_mem>>) src(%dma_wait3A_25 : memref<80x128xf32, #tpu.memory_space<hbm>>) dst(%arg16 : memref<80x128xf32, #tpu.memory_space<vmem>>)
    "tpu.region"() ({
      %run_scoped3A = tpu.sem_alloc : memref<!tpu.dma_semaphore, #tpu.memory_space<semaphore_mem>>
      %dma_start3A_38 = arith.constant 0 : i32
      %dma_start3A_39 = arith.constant 0 : i32
      %dma_start3A_40 = tpu.memref_slice %arg10[%dma_start3A_38, %dma_start3A_39] : memref<10240x128xf32, #tpu.memory_space<vmem_shared>> -> memref<10240x128xf32, #tpu.memory_space<vmem_shared>>
      tpu.enqueue_indirect_dma source(%arg16 : memref<80x128xf32, #tpu.memory_space<vmem>>) target(%dma_start3A_40 : memref<10240x128xf32, #tpu.memory_space<vmem_shared>>) offsets(%arg14 : memref<80xi32, #tpu.memory_space<vmem>>) semaphore(%run_scoped3A : memref<!tpu.dma_semaphore, #tpu.memory_space<semaphore_mem>>) {add = true}
      %dma_wait3A_41 = arith.constant 0 : i32
      %dma_wait3A_42 = arith.constant 0 : i32
      %dma_wait3A_43 = tpu.memref_slice %arg10[%dma_wait3A_41, %dma_wait3A_42] : memref<10240x128xf32, #tpu.memory_space<vmem_shared>> -> memref<10240x128xf32, #tpu.memory_space<vmem_shared>>
      tpu.wait_indirect_dma semaphore(%run_scoped3A : memref<!tpu.dma_semaphore, #tpu.memory_space<semaphore_mem>>) src(%arg16 : memref<80x128xf32, #tpu.memory_space<vmem>>) dst(%dma_wait3A_43 : memref<10240x128xf32, #tpu.memory_space<vmem_shared>>)
      tpu.yield
    }) : () -> ()
    "tpu.region"() ({
      %run_scoped3A = tpu.sem_alloc : memref<!tpu.dma_semaphore, #tpu.memory_space<semaphore_mem>>
      %dma_start3A_38 = arith.constant 0 : i32
      %dma_start3A_39 = tpu.memref_slice %arg11[%dma_start3A_38] : memref<10240xf32, #tpu.memory_space<vmem_shared>> -> memref<10240xf32, #tpu.memory_space<vmem_shared>>
      tpu.enqueue_indirect_dma source(%arg18 : memref<80xf32, #tpu.memory_space<vmem>>) target(%dma_start3A_39 : memref<10240xf32, #tpu.memory_space<vmem_shared>>) offsets(%arg14 : memref<80xi32, #tpu.memory_space<vmem>>) semaphore(%run_scoped3A : memref<!tpu.dma_semaphore, #tpu.memory_space<semaphore_mem>>) {add = true}
      %dma_wait3A_40 = arith.constant 0 : i32
      %dma_wait3A_41 = tpu.memref_slice %arg11[%dma_wait3A_40] : memref<10240xf32, #tpu.memory_space<vmem_shared>> -> memref<10240xf32, #tpu.memory_space<vmem_shared>>
      tpu.wait_indirect_dma semaphore(%run_scoped3A : memref<!tpu.dma_semaphore, #tpu.memory_space<semaphore_mem>>) src(%arg18 : memref<80xf32, #tpu.memory_space<vmem>>) dst(%dma_wait3A_41 : memref<10240xf32, #tpu.memory_space<vmem_shared>>)
      tpu.yield
    }) : () -> ()
    %dma_wait3A_26 = arith.constant 0 : i32
    %dma_wait3A_27 = tpu.memref_slice %arg3[%dma_wait3A_26] : memref<320000xi32, #tpu.memory_space<hbm>> -> memref<80xi32, #tpu.memory_space<hbm>>
    %dma_wait3A_28 = arith.constant 0 : i32
    %dma_wait3A_29 = tpu.memref_slice %arg3[%dma_wait3A_28] : memref<320000xi32, #tpu.memory_space<hbm>> -> memref<80xi32, #tpu.memory_space<hbm>>
    tpu.wait_dma2 semaphore(%arg22 : memref<!tpu.dma_semaphore, #tpu.memory_space<semaphore_mem>>) src(%dma_wait3A_29 : memref<80xi32, #tpu.memory_space<hbm>>) dst(%arg13 : memref<80xi32, #tpu.memory_space<vmem>>)
    %dma_wait3A_30 = arith.constant 0 : i32
    %dma_wait3A_31 = tpu.memref_slice %arg4[%dma_wait3A_30] : memref<320000xi32, #tpu.memory_space<hbm>> -> memref<80xi32, #tpu.memory_space<hbm>>
    %dma_wait3A_32 = arith.constant 0 : i32
    %dma_wait3A_33 = tpu.memref_slice %arg4[%dma_wait3A_32] : memref<320000xi32, #tpu.memory_space<hbm>> -> memref<80xi32, #tpu.memory_space<hbm>>
    tpu.wait_dma2 semaphore(%arg22 : memref<!tpu.dma_semaphore, #tpu.memory_space<semaphore_mem>>) src(%dma_wait3A_33 : memref<80xi32, #tpu.memory_space<hbm>>) dst(%arg15 : memref<80xi32, #tpu.memory_space<vmem>>)
    %barrier3A_34 = arith.constant 0 : index
    tpu.barrier barrier_id(%barrier3A_34)
    "tpu.region"() ({
      %run_scoped3A = tpu.sem_alloc : memref<!tpu.dma_semaphore, #tpu.memory_space<semaphore_mem>>
      %dma_start3A_38 = arith.constant 0 : i32
      %dma_start3A_39 = tpu.memref_slice %arg8[%arg0, %mul3A_2, %dma_start3A_38] : memref<2x10240x128xf32, #tpu.memory_space<hbm>> -> memref<1x640x128xf32, #tpu.memory_space<hbm>>
      %dma_start3A_40 = tpu.memref_squeeze %dma_start3A_39 : memref<1x640x128xf32, #tpu.memory_space<hbm>> -> memref<640x128xf32, #tpu.memory_space<hbm>>
      %dma_start3A_41 = arith.constant 0 : i32
      %dma_start3A_42 = tpu.memref_slice %arg10[%mul3A_2, %dma_start3A_41] : memref<10240x128xf32, #tpu.memory_space<vmem_shared>> -> memref<640x128xf32, #tpu.memory_space<vmem_shared>>
      tpu.enqueue_dma source(%dma_start3A_42 : memref<640x128xf32, #tpu.memory_space<vmem_shared>>) target(%dma_start3A_40 : memref<640x128xf32, #tpu.memory_space<hbm>>) target_semaphore(%run_scoped3A : memref<!tpu.dma_semaphore, #tpu.memory_space<semaphore_mem>>)
      %dma_wait3A_43 = arith.constant 0 : i32
      %dma_wait3A_44 = tpu.memref_slice %arg8[%arg0, %mul3A_2, %dma_wait3A_43] : memref<2x10240x128xf32, #tpu.memory_space<hbm>> -> memref<1x640x128xf32, #tpu.memory_space<hbm>>
      %dma_wait3A_45 = tpu.memref_squeeze %dma_wait3A_44 : memref<1x640x128xf32, #tpu.memory_space<hbm>> -> memref<640x128xf32, #tpu.memory_space<hbm>>
      %dma_wait3A_46 = arith.constant 0 : i32
      %dma_wait3A_47 = tpu.memref_slice %arg10[%mul3A_2, %dma_wait3A_46] : memref<10240x128xf32, #tpu.memory_space<vmem_shared>> -> memref<640x128xf32, #tpu.memory_space<vmem_shared>>
      tpu.wait_dma2 semaphore(%run_scoped3A : memref<!tpu.dma_semaphore, #tpu.memory_space<semaphore_mem>>) src(%dma_wait3A_47 : memref<640x128xf32, #tpu.memory_space<vmem_shared>>) dst(%dma_wait3A_45 : memref<640x128xf32, #tpu.memory_space<hbm>>)
      tpu.yield
    }) : () -> ()
    %mul3A_35 = arith.constant 10240 : i32
    %mul3A_36 = arith.muli %arg0, %mul3A_35 : i32
    %add3A_37 = arith.addi %mul3A_36, %mul3A_2 : i32
    "tpu.region"() ({
      %run_scoped3A = tpu.sem_alloc : memref<!tpu.dma_semaphore, #tpu.memory_space<semaphore_mem>>
      %dma_start3A_38 = tpu.memref_slice %arg9[%add3A_37] : memref<20480xf32, #tpu.memory_space<hbm>> -> memref<640xf32, #tpu.memory_space<hbm>>
      %dma_start3A_39 = tpu.memref_slice %arg11[%mul3A_2] : memref<10240xf32, #tpu.memory_space<vmem_shared>> -> memref<640xf32, #tpu.memory_space<vmem_shared>>
      tpu.enqueue_dma source(%dma_start3A_39 : memref<640xf32, #tpu.memory_space<vmem_shared>>) target(%dma_start3A_38 : memref<640xf32, #tpu.memory_space<hbm>>) target_semaphore(%run_scoped3A : memref<!tpu.dma_semaphore, #tpu.memory_space<semaphore_mem>>)
      %dma_wait3A_40 = tpu.memref_slice %arg9[%add3A_37] : memref<20480xf32, #tpu.memory_space<hbm>> -> memref<640xf32, #tpu.memory_space<hbm>>
      %dma_wait3A_41 = tpu.memref_slice %arg11[%mul3A_2] : memref<10240xf32, #tpu.memory_space<vmem_shared>> -> memref<640xf32, #tpu.memory_space<vmem_shared>>
      tpu.wait_dma2 semaphore(%run_scoped3A : memref<!tpu.dma_semaphore, #tpu.memory_space<semaphore_mem>>) src(%dma_wait3A_41 : memref<640xf32, #tpu.memory_space<vmem_shared>>) dst(%dma_wait3A_40 : memref<640xf32, #tpu.memory_space<hbm>>)
      tpu.yield
    }) : () -> ()
    return
  }
}

#map = affine_map<(d0, d1) -> (0)>
module attributes {stable_mosaic.version = 14 : i64} {
  func.func @sc_rdeg(%arg0: i32, %arg1: i32, %arg2: memref<20480xf32, #tpu.memory_space<hbm>>, %arg3: memref<10240xf32, #tpu.memory_space<hbm>>, %arg4: memref<320xf32, #tpu.memory_space<vmem>>, %arg5: memref<320xf32, #tpu.memory_space<vmem>>) attributes {dimension_semantics = [#tpu.dimension_semantics<core_parallel>, #tpu.dimension_semantics<subcore_parallel>], iteration_bounds = array<i64: 2, 16>, scalar_prefetch = 0 : i64, scratch_operands = 2 : i64, tpu.core_type = #tpu.core_type<sc_vector_subcore>, window_params = [{transform_indices = #map}, {transform_indices = #map}]} {
    %mul3A = arith.constant 16 : i32
    %mul3A_0 = arith.muli %arg0, %mul3A : i32
    %add3A = arith.addi %mul3A_0, %arg1 : i32
    %mul3A_1 = arith.constant 320 : i32
    %mul3A_2 = arith.muli %add3A, %mul3A_1 : i32
    "tpu.region"() ({
      %run_scoped3A = tpu.sem_alloc : memref<!tpu.dma_semaphore, #tpu.memory_space<semaphore_mem>>
      %dma_start3A = tpu.memref_slice %arg2[%mul3A_2] : memref<20480xf32, #tpu.memory_space<hbm>> -> memref<320xf32, #tpu.memory_space<hbm>>
      %dma_start3A_10 = tpu.memref_slice %arg2[%mul3A_2] : memref<20480xf32, #tpu.memory_space<hbm>> -> memref<320xf32, #tpu.memory_space<hbm>>
      tpu.enqueue_dma source(%dma_start3A_10 : memref<320xf32, #tpu.memory_space<hbm>>) target(%arg4 : memref<320xf32, #tpu.memory_space<vmem>>) target_semaphore(%run_scoped3A : memref<!tpu.dma_semaphore, #tpu.memory_space<semaphore_mem>>)
      %dma_wait3A = tpu.memref_slice %arg2[%mul3A_2] : memref<20480xf32, #tpu.memory_space<hbm>> -> memref<320xf32, #tpu.memory_space<hbm>>
      %dma_wait3A_11 = tpu.memref_slice %arg2[%mul3A_2] : memref<20480xf32, #tpu.memory_space<hbm>> -> memref<320xf32, #tpu.memory_space<hbm>>
      tpu.wait_dma2 semaphore(%run_scoped3A : memref<!tpu.dma_semaphore, #tpu.memory_space<semaphore_mem>>) src(%dma_wait3A_11 : memref<320xf32, #tpu.memory_space<hbm>>) dst(%arg4 : memref<320xf32, #tpu.memory_space<vmem>>)
      tpu.yield
    }) : () -> ()
    %add3A_3 = arith.constant 10240 : i32
    %add3A_4 = arith.addi %add3A_3, %mul3A_2 : i32
    "tpu.region"() ({
      %run_scoped3A = tpu.sem_alloc : memref<!tpu.dma_semaphore, #tpu.memory_space<semaphore_mem>>
      %dma_start3A = tpu.memref_slice %arg2[%add3A_4] : memref<20480xf32, #tpu.memory_space<hbm>> -> memref<320xf32, #tpu.memory_space<hbm>>
      %dma_start3A_10 = tpu.memref_slice %arg2[%add3A_4] : memref<20480xf32, #tpu.memory_space<hbm>> -> memref<320xf32, #tpu.memory_space<hbm>>
      tpu.enqueue_dma source(%dma_start3A_10 : memref<320xf32, #tpu.memory_space<hbm>>) target(%arg5 : memref<320xf32, #tpu.memory_space<vmem>>) target_semaphore(%run_scoped3A : memref<!tpu.dma_semaphore, #tpu.memory_space<semaphore_mem>>)
      %dma_wait3A = tpu.memref_slice %arg2[%add3A_4] : memref<20480xf32, #tpu.memory_space<hbm>> -> memref<320xf32, #tpu.memory_space<hbm>>
      %dma_wait3A_11 = tpu.memref_slice %arg2[%add3A_4] : memref<20480xf32, #tpu.memory_space<hbm>> -> memref<320xf32, #tpu.memory_space<hbm>>
      tpu.wait_dma2 semaphore(%run_scoped3A : memref<!tpu.dma_semaphore, #tpu.memory_space<semaphore_mem>>) src(%dma_wait3A_11 : memref<320xf32, #tpu.memory_space<hbm>>) dst(%arg5 : memref<320xf32, #tpu.memory_space<vmem>>)
      tpu.yield
    }) : () -> ()
    %scan3A = arith.constant 0 : i32
    %scan3A_5 = arith.constant 0 : i32
    %scan3A_6 = arith.constant 20 : i32
    %scan3A_7 = arith.addi %scan3A_5, %scan3A_6 : i32
    %scan3A_8 = arith.constant 1 : i32
    scf.for %scan3A_10 = %scan3A_5 to %scan3A_7 step %scan3A_8  : i32 {
      %mul3A_11 = arith.constant 16 : i32
      %mul3A_12 = arith.muli %scan3A_10, %mul3A_11 : i32
      %get3A = arith.index_cast %mul3A_12 : i32 to index
      %get3A_13 = tpu.vector_load %arg4[%get3A] {strides = array<i32>} : memref<320xf32, #tpu.memory_space<vmem>>, vector<16xf32>,
      %get3A_14 = vector.shape_cast %get3A_13 : vector<16xf32> to vector<16xf32>
      %get3A_15 = arith.index_cast %mul3A_12 : i32 to index
      %get3A_16 = tpu.vector_load %arg5[%get3A_15] {strides = array<i32>} : memref<320xf32, #tpu.memory_space<vmem>>, vector<16xf32>,
      %get3A_17 = vector.shape_cast %get3A_16 : vector<16xf32> to vector<16xf32>
      %add3A_18 = arith.addf %get3A_14, %get3A_17 : vector<16xf32>
      %max3A = arith.constant 1.000000e+00 : f32
      %max3A_19 = vector.broadcast %max3A : f32 to vector<16xf32>
      %max3A_20 = arith.maximumf %add3A_18, %max3A_19 : vector<16xf32>
      %div3A = arith.constant 1.000000e+00 : f32
      %div3A_21 = vector.broadcast %div3A : f32 to vector<16xf32>
      %div3A_22 = arith.divf %div3A_21, %max3A_20 : vector<16xf32>
      %swap3A = arith.index_cast %mul3A_12 : i32 to index
      %swap3A_23 = tpu.vector_load %arg4[%swap3A] {strides = array<i32>} : memref<320xf32, #tpu.memory_space<vmem>>, vector<16xf32>,
      %swap3A_24 = vector.shape_cast %swap3A_23 : vector<16xf32> to vector<16xf32>
      %swap3A_25 = vector.shape_cast %div3A_22 : vector<16xf32> to vector<16xf32>
      tpu.vector_store %arg4[%swap3A], %swap3A_25 {strides = array<i32>} : memref<320xf32, #tpu.memory_space<vmem>>, vector<16xf32>,
    }
    %scan3A_9 = arith.constant 20 : i32
    "tpu.region"() ({
      %run_scoped3A = tpu.sem_alloc : memref<!tpu.dma_semaphore, #tpu.memory_space<semaphore_mem>>
      %dma_start3A = tpu.memref_slice %arg3[%mul3A_2] : memref<10240xf32, #tpu.memory_space<hbm>> -> memref<320xf32, #tpu.memory_space<hbm>>
      %dma_start3A_10 = tpu.memref_slice %arg3[%mul3A_2] : memref<10240xf32, #tpu.memory_space<hbm>> -> memref<320xf32, #tpu.memory_space<hbm>>
      tpu.enqueue_dma source(%arg4 : memref<320xf32, #tpu.memory_space<vmem>>) target(%dma_start3A_10 : memref<320xf32, #tpu.memory_space<hbm>>) target_semaphore(%run_scoped3A : memref<!tpu.dma_semaphore, #tpu.memory_space<semaphore_mem>>)
      %dma_wait3A = tpu.memref_slice %arg3[%mul3A_2] : memref<10240xf32, #tpu.memory_space<hbm>> -> memref<320xf32, #tpu.memory_space<hbm>>
      %dma_wait3A_11 = tpu.memref_slice %arg3[%mul3A_2] : memref<10240xf32, #tpu.memory_space<hbm>> -> memref<320xf32, #tpu.memory_space<hbm>>
      tpu.wait_dma2 semaphore(%run_scoped3A : memref<!tpu.dma_semaphore, #tpu.memory_space<semaphore_mem>>) src(%arg4 : memref<320xf32, #tpu.memory_space<vmem>>) dst(%dma_wait3A_11 : memref<320xf32, #tpu.memory_space<hbm>>)
      tpu.yield
    }) : () -> ()
    return
  }
}

#map = affine_map<(d0, d1) -> (0, 0)>
#map1 = affine_map<(d0, d1) -> (0)>
#map2 = affine_map<(d0, d1) -> (0, 0, 0)>
module attributes {stable_mosaic.version = 14 : i64} {
  func.func @sc_seg_sum(%arg0: i32, %arg1: i32, %arg2: memref<10240x128xf32, #tpu.memory_space<hbm>>, %arg3: memref<320000xi32, #tpu.memory_space<hbm>>, %arg4: memref<320000xi32, #tpu.memory_space<hbm>>, %arg5: memref<10240x128xf32, #tpu.memory_space<hbm>>, %arg6: memref<2x10240x128xf32, #tpu.memory_space<hbm>>, %arg7: memref<10240x128xf32, #tpu.memory_space<vmem_shared>>, %arg8: memref<80xi32, #tpu.memory_space<vmem>>, %arg9: memref<80xi32, #tpu.memory_space<vmem>>, %arg10: memref<80xi32, #tpu.memory_space<vmem>>, %arg11: memref<80xi32, #tpu.memory_space<vmem>>, %arg12: memref<80x128xf32, #tpu.memory_space<vmem>>, %arg13: memref<80x128xf32, #tpu.memory_space<vmem>>, %arg14: memref<!tpu.dma_semaphore, #tpu.memory_space<semaphore_mem>>, %arg15: memref<!tpu.dma_semaphore, #tpu.memory_space<semaphore_mem>>, %arg16: memref<!tpu.dma_semaphore, #tpu.memory_space<semaphore_mem>>, %arg17: memref<!tpu.dma_semaphore, #tpu.memory_space<semaphore_mem>>) attributes {dimension_semantics = [#tpu.dimension_semantics<core_parallel>, #tpu.dimension_semantics<subcore_parallel>], iteration_bounds = array<i64: 2, 16>, scalar_prefetch = 0 : i64, scratch_operands = 11 : i64, tpu.core_type = #tpu.core_type<sc_vector_subcore>, window_params = [{transform_indices = #map}, {transform_indices = #map1}, {transform_indices = #map1}, {transform_indices = #map}, {transform_indices = #map2}]} {
    %mul3A = arith.constant 16 : i32
    %mul3A_0 = arith.muli %arg0, %mul3A : i32
    %add3A = arith.addi %mul3A_0, %arg1 : i32
    %mul3A_1 = arith.constant 640 : i32
    %mul3A_2 = arith.muli %arg1, %mul3A_1 : i32
    "tpu.region"() ({
      %run_scoped3A = tpu.sem_alloc : memref<!tpu.dma_semaphore, #tpu.memory_space<semaphore_mem>>
      %dma_start3A_35 = arith.constant 0 : i32
      %dma_start3A_36 = tpu.memref_slice %arg7[%mul3A_2, %dma_start3A_35] : memref<10240x128xf32, #tpu.memory_space<vmem_shared>> -> memref<640x128xf32, #tpu.memory_space<vmem_shared>>
      %dma_start3A_37 = arith.constant 0 : i32
      %dma_start3A_38 = tpu.memref_slice %arg5[%mul3A_2, %dma_start3A_37] : memref<10240x128xf32, #tpu.memory_space<hbm>> -> memref<640x128xf32, #tpu.memory_space<hbm>>
      tpu.enqueue_dma source(%dma_start3A_38 : memref<640x128xf32, #tpu.memory_space<hbm>>) target(%dma_start3A_36 : memref<640x128xf32, #tpu.memory_space<vmem_shared>>) target_semaphore(%run_scoped3A : memref<!tpu.dma_semaphore, #tpu.memory_space<semaphore_mem>>)
      %dma_wait3A_39 = arith.constant 0 : i32
      %dma_wait3A_40 = tpu.memref_slice %arg7[%mul3A_2, %dma_wait3A_39] : memref<10240x128xf32, #tpu.memory_space<vmem_shared>> -> memref<640x128xf32, #tpu.memory_space<vmem_shared>>
      %dma_wait3A_41 = arith.constant 0 : i32
      %dma_wait3A_42 = tpu.memref_slice %arg5[%mul3A_2, %dma_wait3A_41] : memref<10240x128xf32, #tpu.memory_space<hbm>> -> memref<640x128xf32, #tpu.memory_space<hbm>>
      tpu.wait_dma2 semaphore(%run_scoped3A : memref<!tpu.dma_semaphore, #tpu.memory_space<semaphore_mem>>) src(%dma_wait3A_42 : memref<640x128xf32, #tpu.memory_space<hbm>>) dst(%dma_wait3A_40 : memref<640x128xf32, #tpu.memory_space<vmem_shared>>)
      tpu.yield
    }) : () -> ()
    %barrier3A = arith.constant 0 : index
    tpu.barrier barrier_id(%barrier3A)
    %mul3A_3 = arith.constant 10000 : i32
    %mul3A_4 = arith.muli %add3A, %mul3A_3 : i32
    %add3A_5 = arith.constant 10000 : i32
    %add3A_6 = arith.addi %mul3A_4, %add3A_5 : i32
    %sub3A = arith.constant 80 : i32
    %sub3A_7 = arith.subi %add3A_6, %sub3A : i32
    "tpu.region"() ({
      %run_scoped3A = tpu.sem_alloc : memref<!tpu.dma_semaphore, #tpu.memory_space<semaphore_mem>>
      %dma_start3A_35 = tpu.memref_slice %arg3[%mul3A_4] : memref<320000xi32, #tpu.memory_space<hbm>> -> memref<80xi32, #tpu.memory_space<hbm>>
      %dma_start3A_36 = tpu.memref_slice %arg3[%mul3A_4] : memref<320000xi32, #tpu.memory_space<hbm>> -> memref<80xi32, #tpu.memory_space<hbm>>
      tpu.enqueue_dma source(%dma_start3A_36 : memref<80xi32, #tpu.memory_space<hbm>>) target(%arg8 : memref<80xi32, #tpu.memory_space<vmem>>) target_semaphore(%run_scoped3A : memref<!tpu.dma_semaphore, #tpu.memory_space<semaphore_mem>>)
      %dma_wait3A_37 = tpu.memref_slice %arg3[%mul3A_4] : memref<320000xi32, #tpu.memory_space<hbm>> -> memref<80xi32, #tpu.memory_space<hbm>>
      %dma_wait3A_38 = tpu.memref_slice %arg3[%mul3A_4] : memref<320000xi32, #tpu.memory_space<hbm>> -> memref<80xi32, #tpu.memory_space<hbm>>
      tpu.wait_dma2 semaphore(%run_scoped3A : memref<!tpu.dma_semaphore, #tpu.memory_space<semaphore_mem>>) src(%dma_wait3A_38 : memref<80xi32, #tpu.memory_space<hbm>>) dst(%arg8 : memref<80xi32, #tpu.memory_space<vmem>>)
      tpu.yield
    }) : () -> ()
    "tpu.region"() ({
      %run_scoped3A = tpu.sem_alloc : memref<!tpu.dma_semaphore, #tpu.memory_space<semaphore_mem>>
      %dma_start3A_35 = tpu.memref_slice %arg4[%mul3A_4] : memref<320000xi32, #tpu.memory_space<hbm>> -> memref<80xi32, #tpu.memory_space<hbm>>
      %dma_start3A_36 = tpu.memref_slice %arg4[%mul3A_4] : memref<320000xi32, #tpu.memory_space<hbm>> -> memref<80xi32, #tpu.memory_space<hbm>>
      tpu.enqueue_dma source(%dma_start3A_36 : memref<80xi32, #tpu.memory_space<hbm>>) target(%arg10 : memref<80xi32, #tpu.memory_space<vmem>>) target_semaphore(%run_scoped3A : memref<!tpu.dma_semaphore, #tpu.memory_space<semaphore_mem>>)
      %dma_wait3A_37 = tpu.memref_slice %arg4[%mul3A_4] : memref<320000xi32, #tpu.memory_space<hbm>> -> memref<80xi32, #tpu.memory_space<hbm>>
      %dma_wait3A_38 = tpu.memref_slice %arg4[%mul3A_4] : memref<320000xi32, #tpu.memory_space<hbm>> -> memref<80xi32, #tpu.memory_space<hbm>>
      tpu.wait_dma2 semaphore(%run_scoped3A : memref<!tpu.dma_semaphore, #tpu.memory_space<semaphore_mem>>) src(%dma_wait3A_38 : memref<80xi32, #tpu.memory_space<hbm>>) dst(%arg10 : memref<80xi32, #tpu.memory_space<vmem>>)
      tpu.yield
    }) : () -> ()
    %dma_start3A = arith.constant 0 : i32
    %dma_start3A_8 = arith.constant 0 : i32
    %dma_start3A_9 = tpu.memref_slice %arg2[%dma_start3A, %dma_start3A_8] : memref<10240x128xf32, #tpu.memory_space<hbm>> -> memref<10240x128xf32, #tpu.memory_space<hbm>>
    tpu.enqueue_indirect_dma source(%dma_start3A_9 : memref<10240x128xf32, #tpu.memory_space<hbm>>) target(%arg12 : memref<80x128xf32, #tpu.memory_space<vmem>>) offsets(%arg8 : memref<80xi32, #tpu.memory_space<vmem>>) semaphore(%arg14 : memref<!tpu.dma_semaphore, #tpu.memory_space<semaphore_mem>>)
    %add3A_10 = arith.constant 80 : i32
    %add3A_11 = arith.addi %mul3A_4, %add3A_10 : i32
    %dma_start3A_12 = tpu.memref_slice %arg3[%add3A_11] : memref<320000xi32, #tpu.memory_space<hbm>> -> memref<80xi32, #tpu.memory_space<hbm>>
    %dma_start3A_13 = tpu.memref_slice %arg3[%add3A_11] : memref<320000xi32, #tpu.memory_space<hbm>> -> memref<80xi32, #tpu.memory_space<hbm>>
    tpu.enqueue_dma source(%dma_start3A_13 : memref<80xi32, #tpu.memory_space<hbm>>) target(%arg9 : memref<80xi32, #tpu.memory_space<vmem>>) target_semaphore(%arg17 : memref<!tpu.dma_semaphore, #tpu.memory_space<semaphore_mem>>)
    %dma_start3A_14 = tpu.memref_slice %arg4[%add3A_11] : memref<320000xi32, #tpu.memory_space<hbm>> -> memref<80xi32, #tpu.memory_space<hbm>>
    %dma_start3A_15 = tpu.memref_slice %arg4[%add3A_11] : memref<320000xi32, #tpu.memory_space<hbm>> -> memref<80xi32, #tpu.memory_space<hbm>>
    tpu.enqueue_dma source(%dma_start3A_15 : memref<80xi32, #tpu.memory_space<hbm>>) target(%arg11 : memref<80xi32, #tpu.memory_space<vmem>>) target_semaphore(%arg17 : memref<!tpu.dma_semaphore, #tpu.memory_space<semaphore_mem>>)
    %scan3A = arith.constant 0 : i32
    %scan3A_16 = arith.constant 0 : i32
    %scan3A_17 = arith.constant 62 : i32
    %scan3A_18 = arith.addi %scan3A_16, %scan3A_17 : i32
    %scan3A_19 = arith.constant 1 : i32
    scf.for %scan3A_35 = %scan3A_16 to %scan3A_18 step %scan3A_19  : i32 {
      %mul3A_36 = arith.constant 2 : i32
      %mul3A_37 = arith.muli %mul3A_36, %scan3A_35 : i32
      %add3A_38 = arith.constant 0 : i32
      %add3A_39 = arith.addi %mul3A_37, %add3A_38 : i32
      %dma_wait3A_40 = arith.constant 0 : i32
      %dma_wait3A_41 = tpu.memref_slice %arg3[%dma_wait3A_40] : memref<320000xi32, #tpu.memory_space<hbm>> -> memref<80xi32, #tpu.memory_space<hbm>>
      %dma_wait3A_42 = arith.constant 0 : i32
      %dma_wait3A_43 = tpu.memref_slice %arg3[%dma_wait3A_42] : memref<320000xi32, #tpu.memory_space<hbm>> -> memref<80xi32, #tpu.memory_space<hbm>>
      tpu.wait_dma2 semaphore(%arg17 : memref<!tpu.dma_semaphore, #tpu.memory_space<semaphore_mem>>) src(%dma_wait3A_43 : memref<80xi32, #tpu.memory_space<hbm>>) dst(%arg9 : memref<80xi32, #tpu.memory_space<vmem>>)
      %dma_wait3A_44 = arith.constant 0 : i32
      %dma_wait3A_45 = tpu.memref_slice %arg4[%dma_wait3A_44] : memref<320000xi32, #tpu.memory_space<hbm>> -> memref<80xi32, #tpu.memory_space<hbm>>
      %dma_wait3A_46 = arith.constant 0 : i32
      %dma_wait3A_47 = tpu.memref_slice %arg4[%dma_wait3A_46] : memref<320000xi32, #tpu.memory_space<hbm>> -> memref<80xi32, #tpu.memory_space<hbm>>
      tpu.wait_dma2 semaphore(%arg17 : memref<!tpu.dma_semaphore, #tpu.memory_space<semaphore_mem>>) src(%dma_wait3A_47 : memref<80xi32, #tpu.memory_space<hbm>>) dst(%arg11 : memref<80xi32, #tpu.memory_space<vmem>>)
      %dma_start3A_48 = arith.constant 0 : i32
      %dma_start3A_49 = arith.constant 0 : i32
      %dma_start3A_50 = tpu.memref_slice %arg2[%dma_start3A_48, %dma_start3A_49] : memref<10240x128xf32, #tpu.memory_space<hbm>> -> memref<10240x128xf32, #tpu.memory_space<hbm>>
      tpu.enqueue_indirect_dma source(%dma_start3A_50 : memref<10240x128xf32, #tpu.memory_space<hbm>>) target(%arg13 : memref<80x128xf32, #tpu.memory_space<vmem>>) offsets(%arg9 : memref<80xi32, #tpu.memory_space<vmem>>) semaphore(%arg15 : memref<!tpu.dma_semaphore, #tpu.memory_space<semaphore_mem>>)
      %dma_wait3A_51 = arith.constant 0 : i32
      %dma_wait3A_52 = arith.constant 0 : i32
      %dma_wait3A_53 = tpu.memref_slice %arg2[%dma_wait3A_51, %dma_wait3A_52] : memref<10240x128xf32, #tpu.memory_space<hbm>> -> memref<80x128xf32, #tpu.memory_space<hbm>>
      %dma_wait3A_54 = arith.constant 0 : i32
      %dma_wait3A_55 = arith.constant 0 : i32
      %dma_wait3A_56 = tpu.memref_slice %arg2[%dma_wait3A_54, %dma_wait3A_55] : memref<10240x128xf32, #tpu.memory_space<hbm>> -> memref<80x128xf32, #tpu.memory_space<hbm>>
      tpu.wait_dma2 semaphore(%arg14 : memref<!tpu.dma_semaphore, #tpu.memory_space<semaphore_mem>>) src(%dma_wait3A_56 : memref<80x128xf32, #tpu.memory_space<hbm>>) dst(%arg12 : memref<80x128xf32, #tpu.memory_space<vmem>>)
      "tpu.region"() ({
        %run_scoped3A = tpu.sem_alloc : memref<!tpu.dma_semaphore, #tpu.memory_space<semaphore_mem>>
        %dma_start3A_97 = arith.constant 0 : i32
        %dma_start3A_98 = arith.constant 0 : i32
        %dma_start3A_99 = tpu.memref_slice %arg7[%dma_start3A_97, %dma_start3A_98] : memref<10240x128xf32, #tpu.memory_space<vmem_shared>> -> memref<10240x128xf32, #tpu.memory_space<vmem_shared>>
        tpu.enqueue_indirect_dma source(%arg12 : memref<80x128xf32, #tpu.memory_space<vmem>>) target(%dma_start3A_99 : memref<10240x128xf32, #tpu.memory_space<vmem_shared>>) offsets(%arg10 : memref<80xi32, #tpu.memory_space<vmem>>) semaphore(%run_scoped3A : memref<!tpu.dma_semaphore, #tpu.memory_space<semaphore_mem>>) {add = true}
        %dma_wait3A_100 = arith.constant 0 : i32
        %dma_wait3A_101 = arith.constant 0 : i32
        %dma_wait3A_102 = tpu.memref_slice %arg7[%dma_wait3A_100, %dma_wait3A_101] : memref<10240x128xf32, #tpu.memory_space<vmem_shared>> -> memref<10240x128xf32, #tpu.memory_space<vmem_shared>>
        tpu.wait_indirect_dma semaphore(%run_scoped3A : memref<!tpu.dma_semaphore, #tpu.memory_space<semaphore_mem>>) src(%arg12 : memref<80x128xf32, #tpu.memory_space<vmem>>) dst(%dma_wait3A_102 : memref<10240x128xf32, #tpu.memory_space<vmem_shared>>)
        tpu.yield
      }) : () -> ()
      %add3A_57 = arith.constant 2 : i32
      %add3A_58 = arith.addi %add3A_39, %add3A_57 : i32
      %mul3A_59 = arith.constant 80 : i32
      %mul3A_60 = arith.muli %add3A_58, %mul3A_59 : i32
      %add3A_61 = arith.addi %mul3A_4, %mul3A_60 : i32
      %min3A = arith.minsi %add3A_61, %sub3A_7 : i32
      %dma_start3A_62 = tpu.memref_slice %arg3[%min3A] : memref<320000xi32, #tpu.memory_space<hbm>> -> memref<80xi32, #tpu.memory_space<hbm>>
      %dma_start3A_63 = tpu.memref_slice %arg3[%min3A] : memref<320000xi32, #tpu.memory_space<hbm>> -> memref<80xi32, #tpu.memory_space<hbm>>
      tpu.enqueue_dma source(%dma_start3A_63 : memref<80xi32, #tpu.memory_space<hbm>>) target(%arg8 : memref<80xi32, #tpu.memory_space<vmem>>) target_semaphore(%arg16 : memref<!tpu.dma_semaphore, #tpu.memory_space<semaphore_mem>>)
      %dma_start3A_64 = tpu.memref_slice %arg4[%min3A] : memref<320000xi32, #tpu.memory_space<hbm>> -> memref<80xi32, #tpu.memory_space<hbm>>
      %dma_start3A_65 = tpu.memref_slice %arg4[%min3A] : memref<320000xi32, #tpu.memory_space<hbm>> -> memref<80xi32, #tpu.memory_space<hbm>>
      tpu.enqueue_dma source(%dma_start3A_65 : memref<80xi32, #tpu.memory_space<hbm>>) target(%arg10 : memref<80xi32, #tpu.memory_space<vmem>>) target_semaphore(%arg16 : memref<!tpu.dma_semaphore, #tpu.memory_space<semaphore_mem>>)
      %mul3A_66 = arith.constant 2 : i32
      %mul3A_67 = arith.muli %mul3A_66, %scan3A_35 : i32
      %add3A_68 = arith.constant 1 : i32
      %add3A_69 = arith.addi %mul3A_67, %add3A_68 : i32
      %dma_wait3A_70 = arith.constant 0 : i32
      %dma_wait3A_71 = tpu.memref_slice %arg3[%dma_wait3A_70] : memref<320000xi32, #tpu.memory_space<hbm>> -> memref<80xi32, #tpu.memory_space<hbm>>
      %dma_wait3A_72 = arith.constant 0 : i32
      %dma_wait3A_73 = tpu.memref_slice %arg3[%dma_wait3A_72] : memref<320000xi32, #tpu.memory_space<hbm>> -> memref<80xi32, #tpu.memory_space<hbm>>
      tpu.wait_dma2 semaphore(%arg16 : memref<!tpu.dma_semaphore, #tpu.memory_space<semaphore_mem>>) src(%dma_wait3A_73 : memref<80xi32, #tpu.memory_space<hbm>>) dst(%arg8 : memref<80xi32, #tpu.memory_space<vmem>>)
      %dma_wait3A_74 = arith.constant 0 : i32
      %dma_wait3A_75 = tpu.memref_slice %arg4[%dma_wait3A_74] : memref<320000xi32, #tpu.memory_space<hbm>> -> memref<80xi32, #tpu.memory_space<hbm>>
      %dma_wait3A_76 = arith.constant 0 : i32
      %dma_wait3A_77 = tpu.memref_slice %arg4[%dma_wait3A_76] : memref<320000xi32, #tpu.memory_space<hbm>> -> memref<80xi32, #tpu.memory_space<hbm>>
      tpu.wait_dma2 semaphore(%arg16 : memref<!tpu.dma_semaphore, #tpu.memory_space<semaphore_mem>>) src(%dma_wait3A_77 : memref<80xi32, #tpu.memory_space<hbm>>) dst(%arg10 : memref<80xi32, #tpu.memory_space<vmem>>)
      %dma_start3A_78 = arith.constant 0 : i32
      %dma_start3A_79 = arith.constant 0 : i32
      %dma_start3A_80 = tpu.memref_slice %arg2[%dma_start3A_78, %dma_start3A_79] : memref<10240x128xf32, #tpu.memory_space<hbm>> -> memref<10240x128xf32, #tpu.memory_space<hbm>>
      tpu.enqueue_indirect_dma source(%dma_start3A_80 : memref<10240x128xf32, #tpu.memory_space<hbm>>) target(%arg12 : memref<80x128xf32, #tpu.memory_space<vmem>>) offsets(%arg8 : memref<80xi32, #tpu.memory_space<vmem>>) semaphore(%arg14 : memref<!tpu.dma_semaphore, #tpu.memory_space<semaphore_mem>>)
      %dma_wait3A_81 = arith.constant 0 : i32
      %dma_wait3A_82 = arith.constant 0 : i32
      %dma_wait3A_83 = tpu.memref_slice %arg2[%dma_wait3A_81, %dma_wait3A_82] : memref<10240x128xf32, #tpu.memory_space<hbm>> -> memref<80x128xf32, #tpu.memory_space<hbm>>
      %dma_wait3A_84 = arith.constant 0 : i32
      %dma_wait3A_85 = arith.constant 0 : i32
      %dma_wait3A_86 = tpu.memref_slice %arg2[%dma_wait3A_84, %dma_wait3A_85] : memref<10240x128xf32, #tpu.memory_space<hbm>> -> memref<80x128xf32, #tpu.memory_space<hbm>>
      tpu.wait_dma2 semaphore(%arg15 : memref<!tpu.dma_semaphore, #tpu.memory_space<semaphore_mem>>) src(%dma_wait3A_86 : memref<80x128xf32, #tpu.memory_space<hbm>>) dst(%arg13 : memref<80x128xf32, #tpu.memory_space<vmem>>)
      "tpu.region"() ({
        %run_scoped3A = tpu.sem_alloc : memref<!tpu.dma_semaphore, #tpu.memory_space<semaphore_mem>>
        %dma_start3A_97 = arith.constant 0 : i32
        %dma_start3A_98 = arith.constant 0 : i32
        %dma_start3A_99 = tpu.memref_slice %arg7[%dma_start3A_97, %dma_start3A_98] : memref<10240x128xf32, #tpu.memory_space<vmem_shared>> -> memref<10240x128xf32, #tpu.memory_space<vmem_shared>>
        tpu.enqueue_indirect_dma source(%arg13 : memref<80x128xf32, #tpu.memory_space<vmem>>) target(%dma_start3A_99 : memref<10240x128xf32, #tpu.memory_space<vmem_shared>>) offsets(%arg11 : memref<80xi32, #tpu.memory_space<vmem>>) semaphore(%run_scoped3A : memref<!tpu.dma_semaphore, #tpu.memory_space<semaphore_mem>>) {add = true}
        %dma_wait3A_100 = arith.constant 0 : i32
        %dma_wait3A_101 = arith.constant 0 : i32
        %dma_wait3A_102 = tpu.memref_slice %arg7[%dma_wait3A_100, %dma_wait3A_101] : memref<10240x128xf32, #tpu.memory_space<vmem_shared>> -> memref<10240x128xf32, #tpu.memory_space<vmem_shared>>
        tpu.wait_indirect_dma semaphore(%run_scoped3A : memref<!tpu.dma_semaphore, #tpu.memory_space<semaphore_mem>>) src(%arg13 : memref<80x128xf32, #tpu.memory_space<vmem>>) dst(%dma_wait3A_102 : memref<10240x128xf32, #tpu.memory_space<vmem_shared>>)
        tpu.yield
      }) : () -> ()
      %add3A_87 = arith.constant 2 : i32
      %add3A_88 = arith.addi %add3A_69, %add3A_87 : i32
      %mul3A_89 = arith.constant 80 : i32
      %mul3A_90 = arith.muli %add3A_88, %mul3A_89 : i32
      %add3A_91 = arith.addi %mul3A_4, %mul3A_90 : i32
      %min3A_92 = arith.minsi %add3A_91, %sub3A_7 : i32
      %dma_start3A_93 = tpu.memref_slice %arg3[%min3A_92] : memref<320000xi32, #tpu.memory_space<hbm>> -> memref<80xi32, #tpu.memory_space<hbm>>
      %dma_start3A_94 = tpu.memref_slice %arg3[%min3A_92] : memref<320000xi32, #tpu.memory_space<hbm>> -> memref<80xi32, #tpu.memory_space<hbm>>
      tpu.enqueue_dma source(%dma_start3A_94 : memref<80xi32, #tpu.memory_space<hbm>>) target(%arg9 : memref<80xi32, #tpu.memory_space<vmem>>) target_semaphore(%arg17 : memref<!tpu.dma_semaphore, #tpu.memory_space<semaphore_mem>>)
      %dma_start3A_95 = tpu.memref_slice %arg4[%min3A_92] : memref<320000xi32, #tpu.memory_space<hbm>> -> memref<80xi32, #tpu.memory_space<hbm>>
      %dma_start3A_96 = tpu.memref_slice %arg4[%min3A_92] : memref<320000xi32, #tpu.memory_space<hbm>> -> memref<80xi32, #tpu.memory_space<hbm>>
      tpu.enqueue_dma source(%dma_start3A_96 : memref<80xi32, #tpu.memory_space<hbm>>) target(%arg11 : memref<80xi32, #tpu.memory_space<vmem>>) target_semaphore(%arg17 : memref<!tpu.dma_semaphore, #tpu.memory_space<semaphore_mem>>)
    }
    %scan3A_20 = arith.constant 62 : i32
    %dma_wait3A = arith.constant 0 : i32
    %dma_wait3A_21 = arith.constant 0 : i32
    %dma_wait3A_22 = tpu.memref_slice %arg2[%dma_wait3A, %dma_wait3A_21] : memref<10240x128xf32, #tpu.memory_space<hbm>> -> memref<80x128xf32, #tpu.memory_space<hbm>>
    %dma_wait3A_23 = arith.constant 0 : i32
    %dma_wait3A_24 = arith.constant 0 : i32
    %dma_wait3A_25 = tpu.memref_slice %arg2[%dma_wait3A_23, %dma_wait3A_24] : memref<10240x128xf32, #tpu.memory_space<hbm>> -> memref<80x128xf32, #tpu.memory_space<hbm>>
    tpu.wait_dma2 semaphore(%arg14 : memref<!tpu.dma_semaphore, #tpu.memory_space<semaphore_mem>>) src(%dma_wait3A_25 : memref<80x128xf32, #tpu.memory_space<hbm>>) dst(%arg12 : memref<80x128xf32, #tpu.memory_space<vmem>>)
    "tpu.region"() ({
      %run_scoped3A = tpu.sem_alloc : memref<!tpu.dma_semaphore, #tpu.memory_space<semaphore_mem>>
      %dma_start3A_35 = arith.constant 0 : i32
      %dma_start3A_36 = arith.constant 0 : i32
      %dma_start3A_37 = tpu.memref_slice %arg7[%dma_start3A_35, %dma_start3A_36] : memref<10240x128xf32, #tpu.memory_space<vmem_shared>> -> memref<10240x128xf32, #tpu.memory_space<vmem_shared>>
      tpu.enqueue_indirect_dma source(%arg12 : memref<80x128xf32, #tpu.memory_space<vmem>>) target(%dma_start3A_37 : memref<10240x128xf32, #tpu.memory_space<vmem_shared>>) offsets(%arg10 : memref<80xi32, #tpu.memory_space<vmem>>) semaphore(%run_scoped3A : memref<!tpu.dma_semaphore, #tpu.memory_space<semaphore_mem>>) {add = true}
      %dma_wait3A_38 = arith.constant 0 : i32
      %dma_wait3A_39 = arith.constant 0 : i32
      %dma_wait3A_40 = tpu.memref_slice %arg7[%dma_wait3A_38, %dma_wait3A_39] : memref<10240x128xf32, #tpu.memory_space<vmem_shared>> -> memref<10240x128xf32, #tpu.memory_space<vmem_shared>>
      tpu.wait_indirect_dma semaphore(%run_scoped3A : memref<!tpu.dma_semaphore, #tpu.memory_space<semaphore_mem>>) src(%arg12 : memref<80x128xf32, #tpu.memory_space<vmem>>) dst(%dma_wait3A_40 : memref<10240x128xf32, #tpu.memory_space<vmem_shared>>)
      tpu.yield
    }) : () -> ()
    %dma_wait3A_26 = arith.constant 0 : i32
    %dma_wait3A_27 = tpu.memref_slice %arg3[%dma_wait3A_26] : memref<320000xi32, #tpu.memory_space<hbm>> -> memref<80xi32, #tpu.memory_space<hbm>>
    %dma_wait3A_28 = arith.constant 0 : i32
    %dma_wait3A_29 = tpu.memref_slice %arg3[%dma_wait3A_28] : memref<320000xi32, #tpu.memory_space<hbm>> -> memref<80xi32, #tpu.memory_space<hbm>>
    tpu.wait_dma2 semaphore(%arg17 : memref<!tpu.dma_semaphore, #tpu.memory_space<semaphore_mem>>) src(%dma_wait3A_29 : memref<80xi32, #tpu.memory_space<hbm>>) dst(%arg9 : memref<80xi32, #tpu.memory_space<vmem>>)
    %dma_wait3A_30 = arith.constant 0 : i32
    %dma_wait3A_31 = tpu.memref_slice %arg4[%dma_wait3A_30] : memref<320000xi32, #tpu.memory_space<hbm>> -> memref<80xi32, #tpu.memory_space<hbm>>
    %dma_wait3A_32 = arith.constant 0 : i32
    %dma_wait3A_33 = tpu.memref_slice %arg4[%dma_wait3A_32] : memref<320000xi32, #tpu.memory_space<hbm>> -> memref<80xi32, #tpu.memory_space<hbm>>
    tpu.wait_dma2 semaphore(%arg17 : memref<!tpu.dma_semaphore, #tpu.memory_space<semaphore_mem>>) src(%dma_wait3A_33 : memref<80xi32, #tpu.memory_space<hbm>>) dst(%arg11 : memref<80xi32, #tpu.memory_space<vmem>>)
    %barrier3A_34 = arith.constant 0 : index
    tpu.barrier barrier_id(%barrier3A_34)
    "tpu.region"() ({
      %run_scoped3A = tpu.sem_alloc : memref<!tpu.dma_semaphore, #tpu.memory_space<semaphore_mem>>
      %dma_start3A_35 = arith.constant 0 : i32
      %dma_start3A_36 = tpu.memref_slice %arg6[%arg0, %mul3A_2, %dma_start3A_35] : memref<2x10240x128xf32, #tpu.memory_space<hbm>> -> memref<1x640x128xf32, #tpu.memory_space<hbm>>
      %dma_start3A_37 = tpu.memref_squeeze %dma_start3A_36 : memref<1x640x128xf32, #tpu.memory_space<hbm>> -> memref<640x128xf32, #tpu.memory_space<hbm>>
      %dma_start3A_38 = arith.constant 0 : i32
      %dma_start3A_39 = tpu.memref_slice %arg7[%mul3A_2, %dma_start3A_38] : memref<10240x128xf32, #tpu.memory_space<vmem_shared>> -> memref<640x128xf32, #tpu.memory_space<vmem_shared>>
      tpu.enqueue_dma source(%dma_start3A_39 : memref<640x128xf32, #tpu.memory_space<vmem_shared>>) target(%dma_start3A_37 : memref<640x128xf32, #tpu.memory_space<hbm>>) target_semaphore(%run_scoped3A : memref<!tpu.dma_semaphore, #tpu.memory_space<semaphore_mem>>)
      %dma_wait3A_40 = arith.constant 0 : i32
      %dma_wait3A_41 = tpu.memref_slice %arg6[%arg0, %mul3A_2, %dma_wait3A_40] : memref<2x10240x128xf32, #tpu.memory_space<hbm>> -> memref<1x640x128xf32, #tpu.memory_space<hbm>>
      %dma_wait3A_42 = tpu.memref_squeeze %dma_wait3A_41 : memref<1x640x128xf32, #tpu.memory_space<hbm>> -> memref<640x128xf32, #tpu.memory_space<hbm>>
      %dma_wait3A_43 = arith.constant 0 : i32
      %dma_wait3A_44 = tpu.memref_slice %arg7[%mul3A_2, %dma_wait3A_43] : memref<10240x128xf32, #tpu.memory_space<vmem_shared>> -> memref<640x128xf32, #tpu.memory_space<vmem_shared>>
      tpu.wait_dma2 semaphore(%run_scoped3A : memref<!tpu.dma_semaphore, #tpu.memory_space<semaphore_mem>>) src(%dma_wait3A_44 : memref<640x128xf32, #tpu.memory_space<vmem_shared>>) dst(%dma_wait3A_42 : memref<640x128xf32, #tpu.memory_space<hbm>>)
      tpu.yield
    }) : () -> ()
    return
  }
}

#map = affine_map<(d0, d1) -> (0, 0)>
#map1 = affine_map<(d0, d1) -> (0)>
#map2 = affine_map<(d0, d1) -> (0, 0, 0)>
module attributes {stable_mosaic.version = 14 : i64} {
  func.func @sc_seg_sum(%arg0: i32, %arg1: i32, %arg2: memref<10240x128xf32, #tpu.memory_space<hbm>>, %arg3: memref<320000xi32, #tpu.memory_space<hbm>>, %arg4: memref<320000xi32, #tpu.memory_space<hbm>>, %arg5: memref<10240x128xf32, #tpu.memory_space<hbm>>, %arg6: memref<2x10240x128xf32, #tpu.memory_space<hbm>>, %arg7: memref<10240x128xf32, #tpu.memory_space<vmem_shared>>, %arg8: memref<80xi32, #tpu.memory_space<vmem>>, %arg9: memref<80xi32, #tpu.memory_space<vmem>>, %arg10: memref<80xi32, #tpu.memory_space<vmem>>, %arg11: memref<80xi32, #tpu.memory_space<vmem>>, %arg12: memref<80x128xf32, #tpu.memory_space<vmem>>, %arg13: memref<80x128xf32, #tpu.memory_space<vmem>>, %arg14: memref<!tpu.dma_semaphore, #tpu.memory_space<semaphore_mem>>, %arg15: memref<!tpu.dma_semaphore, #tpu.memory_space<semaphore_mem>>, %arg16: memref<!tpu.dma_semaphore, #tpu.memory_space<semaphore_mem>>, %arg17: memref<!tpu.dma_semaphore, #tpu.memory_space<semaphore_mem>>) attributes {dimension_semantics = [#tpu.dimension_semantics<core_parallel>, #tpu.dimension_semantics<subcore_parallel>], iteration_bounds = array<i64: 2, 16>, scalar_prefetch = 0 : i64, scratch_operands = 11 : i64, tpu.core_type = #tpu.core_type<sc_vector_subcore>, window_params = [{transform_indices = #map}, {transform_indices = #map1}, {transform_indices = #map1}, {transform_indices = #map}, {transform_indices = #map2}]} {
    %mul3A = arith.constant 16 : i32
    %mul3A_0 = arith.muli %arg0, %mul3A : i32
    %add3A = arith.addi %mul3A_0, %arg1 : i32
    %mul3A_1 = arith.constant 640 : i32
    %mul3A_2 = arith.muli %arg1, %mul3A_1 : i32
    "tpu.region"() ({
      %run_scoped3A = tpu.sem_alloc : memref<!tpu.dma_semaphore, #tpu.memory_space<semaphore_mem>>
      %dma_start3A_35 = arith.constant 0 : i32
      %dma_start3A_36 = tpu.memref_slice %arg7[%mul3A_2, %dma_start3A_35] : memref<10240x128xf32, #tpu.memory_space<vmem_shared>> -> memref<640x128xf32, #tpu.memory_space<vmem_shared>>
      %dma_start3A_37 = arith.constant 0 : i32
      %dma_start3A_38 = tpu.memref_slice %arg5[%mul3A_2, %dma_start3A_37] : memref<10240x128xf32, #tpu.memory_space<hbm>> -> memref<640x128xf32, #tpu.memory_space<hbm>>
      tpu.enqueue_dma source(%dma_start3A_38 : memref<640x128xf32, #tpu.memory_space<hbm>>) target(%dma_start3A_36 : memref<640x128xf32, #tpu.memory_space<vmem_shared>>) target_semaphore(%run_scoped3A : memref<!tpu.dma_semaphore, #tpu.memory_space<semaphore_mem>>)
      %dma_wait3A_39 = arith.constant 0 : i32
      %dma_wait3A_40 = tpu.memref_slice %arg7[%mul3A_2, %dma_wait3A_39] : memref<10240x128xf32, #tpu.memory_space<vmem_shared>> -> memref<640x128xf32, #tpu.memory_space<vmem_shared>>
      %dma_wait3A_41 = arith.constant 0 : i32
      %dma_wait3A_42 = tpu.memref_slice %arg5[%mul3A_2, %dma_wait3A_41] : memref<10240x128xf32, #tpu.memory_space<hbm>> -> memref<640x128xf32, #tpu.memory_space<hbm>>
      tpu.wait_dma2 semaphore(%run_scoped3A : memref<!tpu.dma_semaphore, #tpu.memory_space<semaphore_mem>>) src(%dma_wait3A_42 : memref<640x128xf32, #tpu.memory_space<hbm>>) dst(%dma_wait3A_40 : memref<640x128xf32, #tpu.memory_space<vmem_shared>>)
      tpu.yield
    }) : () -> ()
    %barrier3A = arith.constant 0 : index
    tpu.barrier barrier_id(%barrier3A)
    %mul3A_3 = arith.constant 10000 : i32
    %mul3A_4 = arith.muli %add3A, %mul3A_3 : i32
    %add3A_5 = arith.constant 10000 : i32
    %add3A_6 = arith.addi %mul3A_4, %add3A_5 : i32
    %sub3A = arith.constant 80 : i32
    %sub3A_7 = arith.subi %add3A_6, %sub3A : i32
    "tpu.region"() ({
      %run_scoped3A = tpu.sem_alloc : memref<!tpu.dma_semaphore, #tpu.memory_space<semaphore_mem>>
      %dma_start3A_35 = tpu.memref_slice %arg3[%mul3A_4] : memref<320000xi32, #tpu.memory_space<hbm>> -> memref<80xi32, #tpu.memory_space<hbm>>
      %dma_start3A_36 = tpu.memref_slice %arg3[%mul3A_4] : memref<320000xi32, #tpu.memory_space<hbm>> -> memref<80xi32, #tpu.memory_space<hbm>>
      tpu.enqueue_dma source(%dma_start3A_36 : memref<80xi32, #tpu.memory_space<hbm>>) target(%arg8 : memref<80xi32, #tpu.memory_space<vmem>>) target_semaphore(%run_scoped3A : memref<!tpu.dma_semaphore, #tpu.memory_space<semaphore_mem>>)
      %dma_wait3A_37 = tpu.memref_slice %arg3[%mul3A_4] : memref<320000xi32, #tpu.memory_space<hbm>> -> memref<80xi32, #tpu.memory_space<hbm>>
      %dma_wait3A_38 = tpu.memref_slice %arg3[%mul3A_4] : memref<320000xi32, #tpu.memory_space<hbm>> -> memref<80xi32, #tpu.memory_space<hbm>>
      tpu.wait_dma2 semaphore(%run_scoped3A : memref<!tpu.dma_semaphore, #tpu.memory_space<semaphore_mem>>) src(%dma_wait3A_38 : memref<80xi32, #tpu.memory_space<hbm>>) dst(%arg8 : memref<80xi32, #tpu.memory_space<vmem>>)
      tpu.yield
    }) : () -> ()
    "tpu.region"() ({
      %run_scoped3A = tpu.sem_alloc : memref<!tpu.dma_semaphore, #tpu.memory_space<semaphore_mem>>
      %dma_start3A_35 = tpu.memref_slice %arg4[%mul3A_4] : memref<320000xi32, #tpu.memory_space<hbm>> -> memref<80xi32, #tpu.memory_space<hbm>>
      %dma_start3A_36 = tpu.memref_slice %arg4[%mul3A_4] : memref<320000xi32, #tpu.memory_space<hbm>> -> memref<80xi32, #tpu.memory_space<hbm>>
      tpu.enqueue_dma source(%dma_start3A_36 : memref<80xi32, #tpu.memory_space<hbm>>) target(%arg10 : memref<80xi32, #tpu.memory_space<vmem>>) target_semaphore(%run_scoped3A : memref<!tpu.dma_semaphore, #tpu.memory_space<semaphore_mem>>)
      %dma_wait3A_37 = tpu.memref_slice %arg4[%mul3A_4] : memref<320000xi32, #tpu.memory_space<hbm>> -> memref<80xi32, #tpu.memory_space<hbm>>
      %dma_wait3A_38 = tpu.memref_slice %arg4[%mul3A_4] : memref<320000xi32, #tpu.memory_space<hbm>> -> memref<80xi32, #tpu.memory_space<hbm>>
      tpu.wait_dma2 semaphore(%run_scoped3A : memref<!tpu.dma_semaphore, #tpu.memory_space<semaphore_mem>>) src(%dma_wait3A_38 : memref<80xi32, #tpu.memory_space<hbm>>) dst(%arg10 : memref<80xi32, #tpu.memory_space<vmem>>)
      tpu.yield
    }) : () -> ()
    %dma_start3A = arith.constant 0 : i32
    %dma_start3A_8 = arith.constant 0 : i32
    %dma_start3A_9 = tpu.memref_slice %arg2[%dma_start3A, %dma_start3A_8] : memref<10240x128xf32, #tpu.memory_space<hbm>> -> memref<10240x128xf32, #tpu.memory_space<hbm>>
    tpu.enqueue_indirect_dma source(%dma_start3A_9 : memref<10240x128xf32, #tpu.memory_space<hbm>>) target(%arg12 : memref<80x128xf32, #tpu.memory_space<vmem>>) offsets(%arg8 : memref<80xi32, #tpu.memory_space<vmem>>) semaphore(%arg14 : memref<!tpu.dma_semaphore, #tpu.memory_space<semaphore_mem>>)
    %add3A_10 = arith.constant 80 : i32
    %add3A_11 = arith.addi %mul3A_4, %add3A_10 : i32
    %dma_start3A_12 = tpu.memref_slice %arg3[%add3A_11] : memref<320000xi32, #tpu.memory_space<hbm>> -> memref<80xi32, #tpu.memory_space<hbm>>
    %dma_start3A_13 = tpu.memref_slice %arg3[%add3A_11] : memref<320000xi32, #tpu.memory_space<hbm>> -> memref<80xi32, #tpu.memory_space<hbm>>
    tpu.enqueue_dma source(%dma_start3A_13 : memref<80xi32, #tpu.memory_space<hbm>>) target(%arg9 : memref<80xi32, #tpu.memory_space<vmem>>) target_semaphore(%arg17 : memref<!tpu.dma_semaphore, #tpu.memory_space<semaphore_mem>>)
    %dma_start3A_14 = tpu.memref_slice %arg4[%add3A_11] : memref<320000xi32, #tpu.memory_space<hbm>> -> memref<80xi32, #tpu.memory_space<hbm>>
    %dma_start3A_15 = tpu.memref_slice %arg4[%add3A_11] : memref<320000xi32, #tpu.memory_space<hbm>> -> memref<80xi32, #tpu.memory_space<hbm>>
    tpu.enqueue_dma source(%dma_start3A_15 : memref<80xi32, #tpu.memory_space<hbm>>) target(%arg11 : memref<80xi32, #tpu.memory_space<vmem>>) target_semaphore(%arg17 : memref<!tpu.dma_semaphore, #tpu.memory_space<semaphore_mem>>)
    %scan3A = arith.constant 0 : i32
    %scan3A_16 = arith.constant 0 : i32
    %scan3A_17 = arith.constant 62 : i32
    %scan3A_18 = arith.addi %scan3A_16, %scan3A_17 : i32
    %scan3A_19 = arith.constant 1 : i32
    scf.for %scan3A_35 = %scan3A_16 to %scan3A_18 step %scan3A_19  : i32 {
      %mul3A_36 = arith.constant 2 : i32
      %mul3A_37 = arith.muli %mul3A_36, %scan3A_35 : i32
      %add3A_38 = arith.constant 0 : i32
      %add3A_39 = arith.addi %mul3A_37, %add3A_38 : i32
      %dma_wait3A_40 = arith.constant 0 : i32
      %dma_wait3A_41 = tpu.memref_slice %arg3[%dma_wait3A_40] : memref<320000xi32, #tpu.memory_space<hbm>> -> memref<80xi32, #tpu.memory_space<hbm>>
      %dma_wait3A_42 = arith.constant 0 : i32
      %dma_wait3A_43 = tpu.memref_slice %arg3[%dma_wait3A_42] : memref<320000xi32, #tpu.memory_space<hbm>> -> memref<80xi32, #tpu.memory_space<hbm>>
      tpu.wait_dma2 semaphore(%arg17 : memref<!tpu.dma_semaphore, #tpu.memory_space<semaphore_mem>>) src(%dma_wait3A_43 : memref<80xi32, #tpu.memory_space<hbm>>) dst(%arg9 : memref<80xi32, #tpu.memory_space<vmem>>)
      %dma_wait3A_44 = arith.constant 0 : i32
      %dma_wait3A_45 = tpu.memref_slice %arg4[%dma_wait3A_44] : memref<320000xi32, #tpu.memory_space<hbm>> -> memref<80xi32, #tpu.memory_space<hbm>>
      %dma_wait3A_46 = arith.constant 0 : i32
      %dma_wait3A_47 = tpu.memref_slice %arg4[%dma_wait3A_46] : memref<320000xi32, #tpu.memory_space<hbm>> -> memref<80xi32, #tpu.memory_space<hbm>>
      tpu.wait_dma2 semaphore(%arg17 : memref<!tpu.dma_semaphore, #tpu.memory_space<semaphore_mem>>) src(%dma_wait3A_47 : memref<80xi32, #tpu.memory_space<hbm>>) dst(%arg11 : memref<80xi32, #tpu.memory_space<vmem>>)
      %dma_start3A_48 = arith.constant 0 : i32
      %dma_start3A_49 = arith.constant 0 : i32
      %dma_start3A_50 = tpu.memref_slice %arg2[%dma_start3A_48, %dma_start3A_49] : memref<10240x128xf32, #tpu.memory_space<hbm>> -> memref<10240x128xf32, #tpu.memory_space<hbm>>
      tpu.enqueue_indirect_dma source(%dma_start3A_50 : memref<10240x128xf32, #tpu.memory_space<hbm>>) target(%arg13 : memref<80x128xf32, #tpu.memory_space<vmem>>) offsets(%arg9 : memref<80xi32, #tpu.memory_space<vmem>>) semaphore(%arg15 : memref<!tpu.dma_semaphore, #tpu.memory_space<semaphore_mem>>)
      %dma_wait3A_51 = arith.constant 0 : i32
      %dma_wait3A_52 = arith.constant 0 : i32
      %dma_wait3A_53 = tpu.memref_slice %arg2[%dma_wait3A_51, %dma_wait3A_52] : memref<10240x128xf32, #tpu.memory_space<hbm>> -> memref<80x128xf32, #tpu.memory_space<hbm>>
      %dma_wait3A_54 = arith.constant 0 : i32
      %dma_wait3A_55 = arith.constant 0 : i32
      %dma_wait3A_56 = tpu.memref_slice %arg2[%dma_wait3A_54, %dma_wait3A_55] : memref<10240x128xf32, #tpu.memory_space<hbm>> -> memref<80x128xf32, #tpu.memory_space<hbm>>
      tpu.wait_dma2 semaphore(%arg14 : memref<!tpu.dma_semaphore, #tpu.memory_space<semaphore_mem>>) src(%dma_wait3A_56 : memref<80x128xf32, #tpu.memory_space<hbm>>) dst(%arg12 : memref<80x128xf32, #tpu.memory_space<vmem>>)
      "tpu.region"() ({
        %run_scoped3A = tpu.sem_alloc : memref<!tpu.dma_semaphore, #tpu.memory_space<semaphore_mem>>
        %dma_start3A_97 = arith.constant 0 : i32
        %dma_start3A_98 = arith.constant 0 : i32
        %dma_start3A_99 = tpu.memref_slice %arg7[%dma_start3A_97, %dma_start3A_98] : memref<10240x128xf32, #tpu.memory_space<vmem_shared>> -> memref<10240x128xf32, #tpu.memory_space<vmem_shared>>
        tpu.enqueue_indirect_dma source(%arg12 : memref<80x128xf32, #tpu.memory_space<vmem>>) target(%dma_start3A_99 : memref<10240x128xf32, #tpu.memory_space<vmem_shared>>) offsets(%arg10 : memref<80xi32, #tpu.memory_space<vmem>>) semaphore(%run_scoped3A : memref<!tpu.dma_semaphore, #tpu.memory_space<semaphore_mem>>) {add = true}
        %dma_wait3A_100 = arith.constant 0 : i32
        %dma_wait3A_101 = arith.constant 0 : i32
        %dma_wait3A_102 = tpu.memref_slice %arg7[%dma_wait3A_100, %dma_wait3A_101] : memref<10240x128xf32, #tpu.memory_space<vmem_shared>> -> memref<10240x128xf32, #tpu.memory_space<vmem_shared>>
        tpu.wait_indirect_dma semaphore(%run_scoped3A : memref<!tpu.dma_semaphore, #tpu.memory_space<semaphore_mem>>) src(%arg12 : memref<80x128xf32, #tpu.memory_space<vmem>>) dst(%dma_wait3A_102 : memref<10240x128xf32, #tpu.memory_space<vmem_shared>>)
        tpu.yield
      }) : () -> ()
      %add3A_57 = arith.constant 2 : i32
      %add3A_58 = arith.addi %add3A_39, %add3A_57 : i32
      %mul3A_59 = arith.constant 80 : i32
      %mul3A_60 = arith.muli %add3A_58, %mul3A_59 : i32
      %add3A_61 = arith.addi %mul3A_4, %mul3A_60 : i32
      %min3A = arith.minsi %add3A_61, %sub3A_7 : i32
      %dma_start3A_62 = tpu.memref_slice %arg3[%min3A] : memref<320000xi32, #tpu.memory_space<hbm>> -> memref<80xi32, #tpu.memory_space<hbm>>
      %dma_start3A_63 = tpu.memref_slice %arg3[%min3A] : memref<320000xi32, #tpu.memory_space<hbm>> -> memref<80xi32, #tpu.memory_space<hbm>>
      tpu.enqueue_dma source(%dma_start3A_63 : memref<80xi32, #tpu.memory_space<hbm>>) target(%arg8 : memref<80xi32, #tpu.memory_space<vmem>>) target_semaphore(%arg16 : memref<!tpu.dma_semaphore, #tpu.memory_space<semaphore_mem>>)
      %dma_start3A_64 = tpu.memref_slice %arg4[%min3A] : memref<320000xi32, #tpu.memory_space<hbm>> -> memref<80xi32, #tpu.memory_space<hbm>>
      %dma_start3A_65 = tpu.memref_slice %arg4[%min3A] : memref<320000xi32, #tpu.memory_space<hbm>> -> memref<80xi32, #tpu.memory_space<hbm>>
      tpu.enqueue_dma source(%dma_start3A_65 : memref<80xi32, #tpu.memory_space<hbm>>) target(%arg10 : memref<80xi32, #tpu.memory_space<vmem>>) target_semaphore(%arg16 : memref<!tpu.dma_semaphore, #tpu.memory_space<semaphore_mem>>)
      %mul3A_66 = arith.constant 2 : i32
      %mul3A_67 = arith.muli %mul3A_66, %scan3A_35 : i32
      %add3A_68 = arith.constant 1 : i32
      %add3A_69 = arith.addi %mul3A_67, %add3A_68 : i32
      %dma_wait3A_70 = arith.constant 0 : i32
      %dma_wait3A_71 = tpu.memref_slice %arg3[%dma_wait3A_70] : memref<320000xi32, #tpu.memory_space<hbm>> -> memref<80xi32, #tpu.memory_space<hbm>>
      %dma_wait3A_72 = arith.constant 0 : i32
      %dma_wait3A_73 = tpu.memref_slice %arg3[%dma_wait3A_72] : memref<320000xi32, #tpu.memory_space<hbm>> -> memref<80xi32, #tpu.memory_space<hbm>>
      tpu.wait_dma2 semaphore(%arg16 : memref<!tpu.dma_semaphore, #tpu.memory_space<semaphore_mem>>) src(%dma_wait3A_73 : memref<80xi32, #tpu.memory_space<hbm>>) dst(%arg8 : memref<80xi32, #tpu.memory_space<vmem>>)
      %dma_wait3A_74 = arith.constant 0 : i32
      %dma_wait3A_75 = tpu.memref_slice %arg4[%dma_wait3A_74] : memref<320000xi32, #tpu.memory_space<hbm>> -> memref<80xi32, #tpu.memory_space<hbm>>
      %dma_wait3A_76 = arith.constant 0 : i32
      %dma_wait3A_77 = tpu.memref_slice %arg4[%dma_wait3A_76] : memref<320000xi32, #tpu.memory_space<hbm>> -> memref<80xi32, #tpu.memory_space<hbm>>
      tpu.wait_dma2 semaphore(%arg16 : memref<!tpu.dma_semaphore, #tpu.memory_space<semaphore_mem>>) src(%dma_wait3A_77 : memref<80xi32, #tpu.memory_space<hbm>>) dst(%arg10 : memref<80xi32, #tpu.memory_space<vmem>>)
      %dma_start3A_78 = arith.constant 0 : i32
      %dma_start3A_79 = arith.constant 0 : i32
      %dma_start3A_80 = tpu.memref_slice %arg2[%dma_start3A_78, %dma_start3A_79] : memref<10240x128xf32, #tpu.memory_space<hbm>> -> memref<10240x128xf32, #tpu.memory_space<hbm>>
      tpu.enqueue_indirect_dma source(%dma_start3A_80 : memref<10240x128xf32, #tpu.memory_space<hbm>>) target(%arg12 : memref<80x128xf32, #tpu.memory_space<vmem>>) offsets(%arg8 : memref<80xi32, #tpu.memory_space<vmem>>) semaphore(%arg14 : memref<!tpu.dma_semaphore, #tpu.memory_space<semaphore_mem>>)
      %dma_wait3A_81 = arith.constant 0 : i32
      %dma_wait3A_82 = arith.constant 0 : i32
      %dma_wait3A_83 = tpu.memref_slice %arg2[%dma_wait3A_81, %dma_wait3A_82] : memref<10240x128xf32, #tpu.memory_space<hbm>> -> memref<80x128xf32, #tpu.memory_space<hbm>>
      %dma_wait3A_84 = arith.constant 0 : i32
      %dma_wait3A_85 = arith.constant 0 : i32
      %dma_wait3A_86 = tpu.memref_slice %arg2[%dma_wait3A_84, %dma_wait3A_85] : memref<10240x128xf32, #tpu.memory_space<hbm>> -> memref<80x128xf32, #tpu.memory_space<hbm>>
      tpu.wait_dma2 semaphore(%arg15 : memref<!tpu.dma_semaphore, #tpu.memory_space<semaphore_mem>>) src(%dma_wait3A_86 : memref<80x128xf32, #tpu.memory_space<hbm>>) dst(%arg13 : memref<80x128xf32, #tpu.memory_space<vmem>>)
      "tpu.region"() ({
        %run_scoped3A = tpu.sem_alloc : memref<!tpu.dma_semaphore, #tpu.memory_space<semaphore_mem>>
        %dma_start3A_97 = arith.constant 0 : i32
        %dma_start3A_98 = arith.constant 0 : i32
        %dma_start3A_99 = tpu.memref_slice %arg7[%dma_start3A_97, %dma_start3A_98] : memref<10240x128xf32, #tpu.memory_space<vmem_shared>> -> memref<10240x128xf32, #tpu.memory_space<vmem_shared>>
        tpu.enqueue_indirect_dma source(%arg13 : memref<80x128xf32, #tpu.memory_space<vmem>>) target(%dma_start3A_99 : memref<10240x128xf32, #tpu.memory_space<vmem_shared>>) offsets(%arg11 : memref<80xi32, #tpu.memory_space<vmem>>) semaphore(%run_scoped3A : memref<!tpu.dma_semaphore, #tpu.memory_space<semaphore_mem>>) {add = true}
        %dma_wait3A_100 = arith.constant 0 : i32
        %dma_wait3A_101 = arith.constant 0 : i32
        %dma_wait3A_102 = tpu.memref_slice %arg7[%dma_wait3A_100, %dma_wait3A_101] : memref<10240x128xf32, #tpu.memory_space<vmem_shared>> -> memref<10240x128xf32, #tpu.memory_space<vmem_shared>>
        tpu.wait_indirect_dma semaphore(%run_scoped3A : memref<!tpu.dma_semaphore, #tpu.memory_space<semaphore_mem>>) src(%arg13 : memref<80x128xf32, #tpu.memory_space<vmem>>) dst(%dma_wait3A_102 : memref<10240x128xf32, #tpu.memory_space<vmem_shared>>)
        tpu.yield
      }) : () -> ()
      %add3A_87 = arith.constant 2 : i32
      %add3A_88 = arith.addi %add3A_69, %add3A_87 : i32
      %mul3A_89 = arith.constant 80 : i32
      %mul3A_90 = arith.muli %add3A_88, %mul3A_89 : i32
      %add3A_91 = arith.addi %mul3A_4, %mul3A_90 : i32
      %min3A_92 = arith.minsi %add3A_91, %sub3A_7 : i32
      %dma_start3A_93 = tpu.memref_slice %arg3[%min3A_92] : memref<320000xi32, #tpu.memory_space<hbm>> -> memref<80xi32, #tpu.memory_space<hbm>>
      %dma_start3A_94 = tpu.memref_slice %arg3[%min3A_92] : memref<320000xi32, #tpu.memory_space<hbm>> -> memref<80xi32, #tpu.memory_space<hbm>>
      tpu.enqueue_dma source(%dma_start3A_94 : memref<80xi32, #tpu.memory_space<hbm>>) target(%arg9 : memref<80xi32, #tpu.memory_space<vmem>>) target_semaphore(%arg17 : memref<!tpu.dma_semaphore, #tpu.memory_space<semaphore_mem>>)
      %dma_start3A_95 = tpu.memref_slice %arg4[%min3A_92] : memref<320000xi32, #tpu.memory_space<hbm>> -> memref<80xi32, #tpu.memory_space<hbm>>
      %dma_start3A_96 = tpu.memref_slice %arg4[%min3A_92] : memref<320000xi32, #tpu.memory_space<hbm>> -> memref<80xi32, #tpu.memory_space<hbm>>
      tpu.enqueue_dma source(%dma_start3A_96 : memref<80xi32, #tpu.memory_space<hbm>>) target(%arg11 : memref<80xi32, #tpu.memory_space<vmem>>) target_semaphore(%arg17 : memref<!tpu.dma_semaphore, #tpu.memory_space<semaphore_mem>>)
    }
    %scan3A_20 = arith.constant 62 : i32
    %dma_wait3A = arith.constant 0 : i32
    %dma_wait3A_21 = arith.constant 0 : i32
    %dma_wait3A_22 = tpu.memref_slice %arg2[%dma_wait3A, %dma_wait3A_21] : memref<10240x128xf32, #tpu.memory_space<hbm>> -> memref<80x128xf32, #tpu.memory_space<hbm>>
    %dma_wait3A_23 = arith.constant 0 : i32
    %dma_wait3A_24 = arith.constant 0 : i32
    %dma_wait3A_25 = tpu.memref_slice %arg2[%dma_wait3A_23, %dma_wait3A_24] : memref<10240x128xf32, #tpu.memory_space<hbm>> -> memref<80x128xf32, #tpu.memory_space<hbm>>
    tpu.wait_dma2 semaphore(%arg14 : memref<!tpu.dma_semaphore, #tpu.memory_space<semaphore_mem>>) src(%dma_wait3A_25 : memref<80x128xf32, #tpu.memory_space<hbm>>) dst(%arg12 : memref<80x128xf32, #tpu.memory_space<vmem>>)
    "tpu.region"() ({
      %run_scoped3A = tpu.sem_alloc : memref<!tpu.dma_semaphore, #tpu.memory_space<semaphore_mem>>
      %dma_start3A_35 = arith.constant 0 : i32
      %dma_start3A_36 = arith.constant 0 : i32
      %dma_start3A_37 = tpu.memref_slice %arg7[%dma_start3A_35, %dma_start3A_36] : memref<10240x128xf32, #tpu.memory_space<vmem_shared>> -> memref<10240x128xf32, #tpu.memory_space<vmem_shared>>
      tpu.enqueue_indirect_dma source(%arg12 : memref<80x128xf32, #tpu.memory_space<vmem>>) target(%dma_start3A_37 : memref<10240x128xf32, #tpu.memory_space<vmem_shared>>) offsets(%arg10 : memref<80xi32, #tpu.memory_space<vmem>>) semaphore(%run_scoped3A : memref<!tpu.dma_semaphore, #tpu.memory_space<semaphore_mem>>) {add = true}
      %dma_wait3A_38 = arith.constant 0 : i32
      %dma_wait3A_39 = arith.constant 0 : i32
      %dma_wait3A_40 = tpu.memref_slice %arg7[%dma_wait3A_38, %dma_wait3A_39] : memref<10240x128xf32, #tpu.memory_space<vmem_shared>> -> memref<10240x128xf32, #tpu.memory_space<vmem_shared>>
      tpu.wait_indirect_dma semaphore(%run_scoped3A : memref<!tpu.dma_semaphore, #tpu.memory_space<semaphore_mem>>) src(%arg12 : memref<80x128xf32, #tpu.memory_space<vmem>>) dst(%dma_wait3A_40 : memref<10240x128xf32, #tpu.memory_space<vmem_shared>>)
      tpu.yield
    }) : () -> ()
    %dma_wait3A_26 = arith.constant 0 : i32
    %dma_wait3A_27 = tpu.memref_slice %arg3[%dma_wait3A_26] : memref<320000xi32, #tpu.memory_space<hbm>> -> memref<80xi32, #tpu.memory_space<hbm>>
    %dma_wait3A_28 = arith.constant 0 : i32
    %dma_wait3A_29 = tpu.memref_slice %arg3[%dma_wait3A_28] : memref<320000xi32, #tpu.memory_space<hbm>> -> memref<80xi32, #tpu.memory_space<hbm>>
    tpu.wait_dma2 semaphore(%arg17 : memref<!tpu.dma_semaphore, #tpu.memory_space<semaphore_mem>>) src(%dma_wait3A_29 : memref<80xi32, #tpu.memory_space<hbm>>) dst(%arg9 : memref<80xi32, #tpu.memory_space<vmem>>)
    %dma_wait3A_30 = arith.constant 0 : i32
    %dma_wait3A_31 = tpu.memref_slice %arg4[%dma_wait3A_30] : memref<320000xi32, #tpu.memory_space<hbm>> -> memref<80xi32, #tpu.memory_space<hbm>>
    %dma_wait3A_32 = arith.constant 0 : i32
    %dma_wait3A_33 = tpu.memref_slice %arg4[%dma_wait3A_32] : memref<320000xi32, #tpu.memory_space<hbm>> -> memref<80xi32, #tpu.memory_space<hbm>>
    tpu.wait_dma2 semaphore(%arg17 : memref<!tpu.dma_semaphore, #tpu.memory_space<semaphore_mem>>) src(%dma_wait3A_33 : memref<80xi32, #tpu.memory_space<hbm>>) dst(%arg11 : memref<80xi32, #tpu.memory_space<vmem>>)
    %barrier3A_34 = arith.constant 0 : index
    tpu.barrier barrier_id(%barrier3A_34)
    "tpu.region"() ({
      %run_scoped3A = tpu.sem_alloc : memref<!tpu.dma_semaphore, #tpu.memory_space<semaphore_mem>>
      %dma_start3A_35 = arith.constant 0 : i32
      %dma_start3A_36 = tpu.memref_slice %arg6[%arg0, %mul3A_2, %dma_start3A_35] : memref<2x10240x128xf32, #tpu.memory_space<hbm>> -> memref<1x640x128xf32, #tpu.memory_space<hbm>>
      %dma_start3A_37 = tpu.memref_squeeze %dma_start3A_36 : memref<1x640x128xf32, #tpu.memory_space<hbm>> -> memref<640x128xf32, #tpu.memory_space<hbm>>
      %dma_start3A_38 = arith.constant 0 : i32
      %dma_start3A_39 = tpu.memref_slice %arg7[%mul3A_2, %dma_start3A_38] : memref<10240x128xf32, #tpu.memory_space<vmem_shared>> -> memref<640x128xf32, #tpu.memory_space<vmem_shared>>
      tpu.enqueue_dma source(%dma_start3A_39 : memref<640x128xf32, #tpu.memory_space<vmem_shared>>) target(%dma_start3A_37 : memref<640x128xf32, #tpu.memory_space<hbm>>) target_semaphore(%run_scoped3A : memref<!tpu.dma_semaphore, #tpu.memory_space<semaphore_mem>>)
      %dma_wait3A_40 = arith.constant 0 : i32
      %dma_wait3A_41 = tpu.memref_slice %arg6[%arg0, %mul3A_2, %dma_wait3A_40] : memref<2x10240x128xf32, #tpu.memory_space<hbm>> -> memref<1x640x128xf32, #tpu.memory_space<hbm>>
      %dma_wait3A_42 = tpu.memref_squeeze %dma_wait3A_41 : memref<1x640x128xf32, #tpu.memory_space<hbm>> -> memref<640x128xf32, #tpu.memory_space<hbm>>
      %dma_wait3A_43 = arith.constant 0 : i32
      %dma_wait3A_44 = tpu.memref_slice %arg7[%mul3A_2, %dma_wait3A_43] : memref<10240x128xf32, #tpu.memory_space<vmem_shared>> -> memref<640x128xf32, #tpu.memory_space<vmem_shared>>
      tpu.wait_dma2 semaphore(%run_scoped3A : memref<!tpu.dma_semaphore, #tpu.memory_space<semaphore_mem>>) src(%dma_wait3A_44 : memref<640x128xf32, #tpu.memory_space<vmem_shared>>) dst(%dma_wait3A_42 : memref<640x128xf32, #tpu.memory_space<hbm>>)
      tpu.yield
    }) : () -> ()
    return
  }
}

#map = affine_map<(d0, d1) -> (0, 0)>
#map1 = affine_map<(d0, d1) -> (0)>
#map2 = affine_map<(d0, d1) -> (0, 0, 0)>
module attributes {stable_mosaic.version = 14 : i64} {
  func.func @sc_seg_sum(%arg0: i32, %arg1: i32, %arg2: memref<10240x128xf32, #tpu.memory_space<hbm>>, %arg3: memref<320000xi32, #tpu.memory_space<hbm>>, %arg4: memref<320000xi32, #tpu.memory_space<hbm>>, %arg5: memref<10240x128xf32, #tpu.memory_space<hbm>>, %arg6: memref<2x10240x128xf32, #tpu.memory_space<hbm>>, %arg7: memref<10240x128xf32, #tpu.memory_space<vmem_shared>>, %arg8: memref<80xi32, #tpu.memory_space<vmem>>, %arg9: memref<80xi32, #tpu.memory_space<vmem>>, %arg10: memref<80xi32, #tpu.memory_space<vmem>>, %arg11: memref<80xi32, #tpu.memory_space<vmem>>, %arg12: memref<80x128xf32, #tpu.memory_space<vmem>>, %arg13: memref<80x128xf32, #tpu.memory_space<vmem>>, %arg14: memref<!tpu.dma_semaphore, #tpu.memory_space<semaphore_mem>>, %arg15: memref<!tpu.dma_semaphore, #tpu.memory_space<semaphore_mem>>, %arg16: memref<!tpu.dma_semaphore, #tpu.memory_space<semaphore_mem>>, %arg17: memref<!tpu.dma_semaphore, #tpu.memory_space<semaphore_mem>>) attributes {dimension_semantics = [#tpu.dimension_semantics<core_parallel>, #tpu.dimension_semantics<subcore_parallel>], iteration_bounds = array<i64: 2, 16>, scalar_prefetch = 0 : i64, scratch_operands = 11 : i64, tpu.core_type = #tpu.core_type<sc_vector_subcore>, window_params = [{transform_indices = #map}, {transform_indices = #map1}, {transform_indices = #map1}, {transform_indices = #map}, {transform_indices = #map2}]} {
    %mul3A = arith.constant 16 : i32
    %mul3A_0 = arith.muli %arg0, %mul3A : i32
    %add3A = arith.addi %mul3A_0, %arg1 : i32
    %mul3A_1 = arith.constant 640 : i32
    %mul3A_2 = arith.muli %arg1, %mul3A_1 : i32
    "tpu.region"() ({
      %run_scoped3A = tpu.sem_alloc : memref<!tpu.dma_semaphore, #tpu.memory_space<semaphore_mem>>
      %dma_start3A_35 = arith.constant 0 : i32
      %dma_start3A_36 = tpu.memref_slice %arg7[%mul3A_2, %dma_start3A_35] : memref<10240x128xf32, #tpu.memory_space<vmem_shared>> -> memref<640x128xf32, #tpu.memory_space<vmem_shared>>
      %dma_start3A_37 = arith.constant 0 : i32
      %dma_start3A_38 = tpu.memref_slice %arg5[%mul3A_2, %dma_start3A_37] : memref<10240x128xf32, #tpu.memory_space<hbm>> -> memref<640x128xf32, #tpu.memory_space<hbm>>
      tpu.enqueue_dma source(%dma_start3A_38 : memref<640x128xf32, #tpu.memory_space<hbm>>) target(%dma_start3A_36 : memref<640x128xf32, #tpu.memory_space<vmem_shared>>) target_semaphore(%run_scoped3A : memref<!tpu.dma_semaphore, #tpu.memory_space<semaphore_mem>>)
      %dma_wait3A_39 = arith.constant 0 : i32
      %dma_wait3A_40 = tpu.memref_slice %arg7[%mul3A_2, %dma_wait3A_39] : memref<10240x128xf32, #tpu.memory_space<vmem_shared>> -> memref<640x128xf32, #tpu.memory_space<vmem_shared>>
      %dma_wait3A_41 = arith.constant 0 : i32
      %dma_wait3A_42 = tpu.memref_slice %arg5[%mul3A_2, %dma_wait3A_41] : memref<10240x128xf32, #tpu.memory_space<hbm>> -> memref<640x128xf32, #tpu.memory_space<hbm>>
      tpu.wait_dma2 semaphore(%run_scoped3A : memref<!tpu.dma_semaphore, #tpu.memory_space<semaphore_mem>>) src(%dma_wait3A_42 : memref<640x128xf32, #tpu.memory_space<hbm>>) dst(%dma_wait3A_40 : memref<640x128xf32, #tpu.memory_space<vmem_shared>>)
      tpu.yield
    }) : () -> ()
    %barrier3A = arith.constant 0 : index
    tpu.barrier barrier_id(%barrier3A)
    %mul3A_3 = arith.constant 10000 : i32
    %mul3A_4 = arith.muli %add3A, %mul3A_3 : i32
    %add3A_5 = arith.constant 10000 : i32
    %add3A_6 = arith.addi %mul3A_4, %add3A_5 : i32
    %sub3A = arith.constant 80 : i32
    %sub3A_7 = arith.subi %add3A_6, %sub3A : i32
    "tpu.region"() ({
      %run_scoped3A = tpu.sem_alloc : memref<!tpu.dma_semaphore, #tpu.memory_space<semaphore_mem>>
      %dma_start3A_35 = tpu.memref_slice %arg3[%mul3A_4] : memref<320000xi32, #tpu.memory_space<hbm>> -> memref<80xi32, #tpu.memory_space<hbm>>
      %dma_start3A_36 = tpu.memref_slice %arg3[%mul3A_4] : memref<320000xi32, #tpu.memory_space<hbm>> -> memref<80xi32, #tpu.memory_space<hbm>>
      tpu.enqueue_dma source(%dma_start3A_36 : memref<80xi32, #tpu.memory_space<hbm>>) target(%arg8 : memref<80xi32, #tpu.memory_space<vmem>>) target_semaphore(%run_scoped3A : memref<!tpu.dma_semaphore, #tpu.memory_space<semaphore_mem>>)
      %dma_wait3A_37 = tpu.memref_slice %arg3[%mul3A_4] : memref<320000xi32, #tpu.memory_space<hbm>> -> memref<80xi32, #tpu.memory_space<hbm>>
      %dma_wait3A_38 = tpu.memref_slice %arg3[%mul3A_4] : memref<320000xi32, #tpu.memory_space<hbm>> -> memref<80xi32, #tpu.memory_space<hbm>>
      tpu.wait_dma2 semaphore(%run_scoped3A : memref<!tpu.dma_semaphore, #tpu.memory_space<semaphore_mem>>) src(%dma_wait3A_38 : memref<80xi32, #tpu.memory_space<hbm>>) dst(%arg8 : memref<80xi32, #tpu.memory_space<vmem>>)
      tpu.yield
    }) : () -> ()
    "tpu.region"() ({
      %run_scoped3A = tpu.sem_alloc : memref<!tpu.dma_semaphore, #tpu.memory_space<semaphore_mem>>
      %dma_start3A_35 = tpu.memref_slice %arg4[%mul3A_4] : memref<320000xi32, #tpu.memory_space<hbm>> -> memref<80xi32, #tpu.memory_space<hbm>>
      %dma_start3A_36 = tpu.memref_slice %arg4[%mul3A_4] : memref<320000xi32, #tpu.memory_space<hbm>> -> memref<80xi32, #tpu.memory_space<hbm>>
      tpu.enqueue_dma source(%dma_start3A_36 : memref<80xi32, #tpu.memory_space<hbm>>) target(%arg10 : memref<80xi32, #tpu.memory_space<vmem>>) target_semaphore(%run_scoped3A : memref<!tpu.dma_semaphore, #tpu.memory_space<semaphore_mem>>)
      %dma_wait3A_37 = tpu.memref_slice %arg4[%mul3A_4] : memref<320000xi32, #tpu.memory_space<hbm>> -> memref<80xi32, #tpu.memory_space<hbm>>
      %dma_wait3A_38 = tpu.memref_slice %arg4[%mul3A_4] : memref<320000xi32, #tpu.memory_space<hbm>> -> memref<80xi32, #tpu.memory_space<hbm>>
      tpu.wait_dma2 semaphore(%run_scoped3A : memref<!tpu.dma_semaphore, #tpu.memory_space<semaphore_mem>>) src(%dma_wait3A_38 : memref<80xi32, #tpu.memory_space<hbm>>) dst(%arg10 : memref<80xi32, #tpu.memory_space<vmem>>)
      tpu.yield
    }) : () -> ()
    %dma_start3A = arith.constant 0 : i32
    %dma_start3A_8 = arith.constant 0 : i32
    %dma_start3A_9 = tpu.memref_slice %arg2[%dma_start3A, %dma_start3A_8] : memref<10240x128xf32, #tpu.memory_space<hbm>> -> memref<10240x128xf32, #tpu.memory_space<hbm>>
    tpu.enqueue_indirect_dma source(%dma_start3A_9 : memref<10240x128xf32, #tpu.memory_space<hbm>>) target(%arg12 : memref<80x128xf32, #tpu.memory_space<vmem>>) offsets(%arg8 : memref<80xi32, #tpu.memory_space<vmem>>) semaphore(%arg14 : memref<!tpu.dma_semaphore, #tpu.memory_space<semaphore_mem>>)
    %add3A_10 = arith.constant 80 : i32
    %add3A_11 = arith.addi %mul3A_4, %add3A_10 : i32
    %dma_start3A_12 = tpu.memref_slice %arg3[%add3A_11] : memref<320000xi32, #tpu.memory_space<hbm>> -> memref<80xi32, #tpu.memory_space<hbm>>
    %dma_start3A_13 = tpu.memref_slice %arg3[%add3A_11] : memref<320000xi32, #tpu.memory_space<hbm>> -> memref<80xi32, #tpu.memory_space<hbm>>
    tpu.enqueue_dma source(%dma_start3A_13 : memref<80xi32, #tpu.memory_space<hbm>>) target(%arg9 : memref<80xi32, #tpu.memory_space<vmem>>) target_semaphore(%arg17 : memref<!tpu.dma_semaphore, #tpu.memory_space<semaphore_mem>>)
    %dma_start3A_14 = tpu.memref_slice %arg4[%add3A_11] : memref<320000xi32, #tpu.memory_space<hbm>> -> memref<80xi32, #tpu.memory_space<hbm>>
    %dma_start3A_15 = tpu.memref_slice %arg4[%add3A_11] : memref<320000xi32, #tpu.memory_space<hbm>> -> memref<80xi32, #tpu.memory_space<hbm>>
    tpu.enqueue_dma source(%dma_start3A_15 : memref<80xi32, #tpu.memory_space<hbm>>) target(%arg11 : memref<80xi32, #tpu.memory_space<vmem>>) target_semaphore(%arg17 : memref<!tpu.dma_semaphore, #tpu.memory_space<semaphore_mem>>)
    %scan3A = arith.constant 0 : i32
    %scan3A_16 = arith.constant 0 : i32
    %scan3A_17 = arith.constant 62 : i32
    %scan3A_18 = arith.addi %scan3A_16, %scan3A_17 : i32
    %scan3A_19 = arith.constant 1 : i32
    scf.for %scan3A_35 = %scan3A_16 to %scan3A_18 step %scan3A_19  : i32 {
      %mul3A_36 = arith.constant 2 : i32
      %mul3A_37 = arith.muli %mul3A_36, %scan3A_35 : i32
      %add3A_38 = arith.constant 0 : i32
      %add3A_39 = arith.addi %mul3A_37, %add3A_38 : i32
      %dma_wait3A_40 = arith.constant 0 : i32
      %dma_wait3A_41 = tpu.memref_slice %arg3[%dma_wait3A_40] : memref<320000xi32, #tpu.memory_space<hbm>> -> memref<80xi32, #tpu.memory_space<hbm>>
      %dma_wait3A_42 = arith.constant 0 : i32
      %dma_wait3A_43 = tpu.memref_slice %arg3[%dma_wait3A_42] : memref<320000xi32, #tpu.memory_space<hbm>> -> memref<80xi32, #tpu.memory_space<hbm>>
      tpu.wait_dma2 semaphore(%arg17 : memref<!tpu.dma_semaphore, #tpu.memory_space<semaphore_mem>>) src(%dma_wait3A_43 : memref<80xi32, #tpu.memory_space<hbm>>) dst(%arg9 : memref<80xi32, #tpu.memory_space<vmem>>)
      %dma_wait3A_44 = arith.constant 0 : i32
      %dma_wait3A_45 = tpu.memref_slice %arg4[%dma_wait3A_44] : memref<320000xi32, #tpu.memory_space<hbm>> -> memref<80xi32, #tpu.memory_space<hbm>>
      %dma_wait3A_46 = arith.constant 0 : i32
      %dma_wait3A_47 = tpu.memref_slice %arg4[%dma_wait3A_46] : memref<320000xi32, #tpu.memory_space<hbm>> -> memref<80xi32, #tpu.memory_space<hbm>>
      tpu.wait_dma2 semaphore(%arg17 : memref<!tpu.dma_semaphore, #tpu.memory_space<semaphore_mem>>) src(%dma_wait3A_47 : memref<80xi32, #tpu.memory_space<hbm>>) dst(%arg11 : memref<80xi32, #tpu.memory_space<vmem>>)
      %dma_start3A_48 = arith.constant 0 : i32
      %dma_start3A_49 = arith.constant 0 : i32
      %dma_start3A_50 = tpu.memref_slice %arg2[%dma_start3A_48, %dma_start3A_49] : memref<10240x128xf32, #tpu.memory_space<hbm>> -> memref<10240x128xf32, #tpu.memory_space<hbm>>
      tpu.enqueue_indirect_dma source(%dma_start3A_50 : memref<10240x128xf32, #tpu.memory_space<hbm>>) target(%arg13 : memref<80x128xf32, #tpu.memory_space<vmem>>) offsets(%arg9 : memref<80xi32, #tpu.memory_space<vmem>>) semaphore(%arg15 : memref<!tpu.dma_semaphore, #tpu.memory_space<semaphore_mem>>)
      %dma_wait3A_51 = arith.constant 0 : i32
      %dma_wait3A_52 = arith.constant 0 : i32
      %dma_wait3A_53 = tpu.memref_slice %arg2[%dma_wait3A_51, %dma_wait3A_52] : memref<10240x128xf32, #tpu.memory_space<hbm>> -> memref<80x128xf32, #tpu.memory_space<hbm>>
      %dma_wait3A_54 = arith.constant 0 : i32
      %dma_wait3A_55 = arith.constant 0 : i32
      %dma_wait3A_56 = tpu.memref_slice %arg2[%dma_wait3A_54, %dma_wait3A_55] : memref<10240x128xf32, #tpu.memory_space<hbm>> -> memref<80x128xf32, #tpu.memory_space<hbm>>
      tpu.wait_dma2 semaphore(%arg14 : memref<!tpu.dma_semaphore, #tpu.memory_space<semaphore_mem>>) src(%dma_wait3A_56 : memref<80x128xf32, #tpu.memory_space<hbm>>) dst(%arg12 : memref<80x128xf32, #tpu.memory_space<vmem>>)
      "tpu.region"() ({
        %run_scoped3A = tpu.sem_alloc : memref<!tpu.dma_semaphore, #tpu.memory_space<semaphore_mem>>
        %dma_start3A_97 = arith.constant 0 : i32
        %dma_start3A_98 = arith.constant 0 : i32
        %dma_start3A_99 = tpu.memref_slice %arg7[%dma_start3A_97, %dma_start3A_98] : memref<10240x128xf32, #tpu.memory_space<vmem_shared>> -> memref<10240x128xf32, #tpu.memory_space<vmem_shared>>
        tpu.enqueue_indirect_dma source(%arg12 : memref<80x128xf32, #tpu.memory_space<vmem>>) target(%dma_start3A_99 : memref<10240x128xf32, #tpu.memory_space<vmem_shared>>) offsets(%arg10 : memref<80xi32, #tpu.memory_space<vmem>>) semaphore(%run_scoped3A : memref<!tpu.dma_semaphore, #tpu.memory_space<semaphore_mem>>) {add = true}
        %dma_wait3A_100 = arith.constant 0 : i32
        %dma_wait3A_101 = arith.constant 0 : i32
        %dma_wait3A_102 = tpu.memref_slice %arg7[%dma_wait3A_100, %dma_wait3A_101] : memref<10240x128xf32, #tpu.memory_space<vmem_shared>> -> memref<10240x128xf32, #tpu.memory_space<vmem_shared>>
        tpu.wait_indirect_dma semaphore(%run_scoped3A : memref<!tpu.dma_semaphore, #tpu.memory_space<semaphore_mem>>) src(%arg12 : memref<80x128xf32, #tpu.memory_space<vmem>>) dst(%dma_wait3A_102 : memref<10240x128xf32, #tpu.memory_space<vmem_shared>>)
        tpu.yield
      }) : () -> ()
      %add3A_57 = arith.constant 2 : i32
      %add3A_58 = arith.addi %add3A_39, %add3A_57 : i32
      %mul3A_59 = arith.constant 80 : i32
      %mul3A_60 = arith.muli %add3A_58, %mul3A_59 : i32
      %add3A_61 = arith.addi %mul3A_4, %mul3A_60 : i32
      %min3A = arith.minsi %add3A_61, %sub3A_7 : i32
      %dma_start3A_62 = tpu.memref_slice %arg3[%min3A] : memref<320000xi32, #tpu.memory_space<hbm>> -> memref<80xi32, #tpu.memory_space<hbm>>
      %dma_start3A_63 = tpu.memref_slice %arg3[%min3A] : memref<320000xi32, #tpu.memory_space<hbm>> -> memref<80xi32, #tpu.memory_space<hbm>>
      tpu.enqueue_dma source(%dma_start3A_63 : memref<80xi32, #tpu.memory_space<hbm>>) target(%arg8 : memref<80xi32, #tpu.memory_space<vmem>>) target_semaphore(%arg16 : memref<!tpu.dma_semaphore, #tpu.memory_space<semaphore_mem>>)
      %dma_start3A_64 = tpu.memref_slice %arg4[%min3A] : memref<320000xi32, #tpu.memory_space<hbm>> -> memref<80xi32, #tpu.memory_space<hbm>>
      %dma_start3A_65 = tpu.memref_slice %arg4[%min3A] : memref<320000xi32, #tpu.memory_space<hbm>> -> memref<80xi32, #tpu.memory_space<hbm>>
      tpu.enqueue_dma source(%dma_start3A_65 : memref<80xi32, #tpu.memory_space<hbm>>) target(%arg10 : memref<80xi32, #tpu.memory_space<vmem>>) target_semaphore(%arg16 : memref<!tpu.dma_semaphore, #tpu.memory_space<semaphore_mem>>)
      %mul3A_66 = arith.constant 2 : i32
      %mul3A_67 = arith.muli %mul3A_66, %scan3A_35 : i32
      %add3A_68 = arith.constant 1 : i32
      %add3A_69 = arith.addi %mul3A_67, %add3A_68 : i32
      %dma_wait3A_70 = arith.constant 0 : i32
      %dma_wait3A_71 = tpu.memref_slice %arg3[%dma_wait3A_70] : memref<320000xi32, #tpu.memory_space<hbm>> -> memref<80xi32, #tpu.memory_space<hbm>>
      %dma_wait3A_72 = arith.constant 0 : i32
      %dma_wait3A_73 = tpu.memref_slice %arg3[%dma_wait3A_72] : memref<320000xi32, #tpu.memory_space<hbm>> -> memref<80xi32, #tpu.memory_space<hbm>>
      tpu.wait_dma2 semaphore(%arg16 : memref<!tpu.dma_semaphore, #tpu.memory_space<semaphore_mem>>) src(%dma_wait3A_73 : memref<80xi32, #tpu.memory_space<hbm>>) dst(%arg8 : memref<80xi32, #tpu.memory_space<vmem>>)
      %dma_wait3A_74 = arith.constant 0 : i32
      %dma_wait3A_75 = tpu.memref_slice %arg4[%dma_wait3A_74] : memref<320000xi32, #tpu.memory_space<hbm>> -> memref<80xi32, #tpu.memory_space<hbm>>
      %dma_wait3A_76 = arith.constant 0 : i32
      %dma_wait3A_77 = tpu.memref_slice %arg4[%dma_wait3A_76] : memref<320000xi32, #tpu.memory_space<hbm>> -> memref<80xi32, #tpu.memory_space<hbm>>
      tpu.wait_dma2 semaphore(%arg16 : memref<!tpu.dma_semaphore, #tpu.memory_space<semaphore_mem>>) src(%dma_wait3A_77 : memref<80xi32, #tpu.memory_space<hbm>>) dst(%arg10 : memref<80xi32, #tpu.memory_space<vmem>>)
      %dma_start3A_78 = arith.constant 0 : i32
      %dma_start3A_79 = arith.constant 0 : i32
      %dma_start3A_80 = tpu.memref_slice %arg2[%dma_start3A_78, %dma_start3A_79] : memref<10240x128xf32, #tpu.memory_space<hbm>> -> memref<10240x128xf32, #tpu.memory_space<hbm>>
      tpu.enqueue_indirect_dma source(%dma_start3A_80 : memref<10240x128xf32, #tpu.memory_space<hbm>>) target(%arg12 : memref<80x128xf32, #tpu.memory_space<vmem>>) offsets(%arg8 : memref<80xi32, #tpu.memory_space<vmem>>) semaphore(%arg14 : memref<!tpu.dma_semaphore, #tpu.memory_space<semaphore_mem>>)
      %dma_wait3A_81 = arith.constant 0 : i32
      %dma_wait3A_82 = arith.constant 0 : i32
      %dma_wait3A_83 = tpu.memref_slice %arg2[%dma_wait3A_81, %dma_wait3A_82] : memref<10240x128xf32, #tpu.memory_space<hbm>> -> memref<80x128xf32, #tpu.memory_space<hbm>>
      %dma_wait3A_84 = arith.constant 0 : i32
      %dma_wait3A_85 = arith.constant 0 : i32
      %dma_wait3A_86 = tpu.memref_slice %arg2[%dma_wait3A_84, %dma_wait3A_85] : memref<10240x128xf32, #tpu.memory_space<hbm>> -> memref<80x128xf32, #tpu.memory_space<hbm>>
      tpu.wait_dma2 semaphore(%arg15 : memref<!tpu.dma_semaphore, #tpu.memory_space<semaphore_mem>>) src(%dma_wait3A_86 : memref<80x128xf32, #tpu.memory_space<hbm>>) dst(%arg13 : memref<80x128xf32, #tpu.memory_space<vmem>>)
      "tpu.region"() ({
        %run_scoped3A = tpu.sem_alloc : memref<!tpu.dma_semaphore, #tpu.memory_space<semaphore_mem>>
        %dma_start3A_97 = arith.constant 0 : i32
        %dma_start3A_98 = arith.constant 0 : i32
        %dma_start3A_99 = tpu.memref_slice %arg7[%dma_start3A_97, %dma_start3A_98] : memref<10240x128xf32, #tpu.memory_space<vmem_shared>> -> memref<10240x128xf32, #tpu.memory_space<vmem_shared>>
        tpu.enqueue_indirect_dma source(%arg13 : memref<80x128xf32, #tpu.memory_space<vmem>>) target(%dma_start3A_99 : memref<10240x128xf32, #tpu.memory_space<vmem_shared>>) offsets(%arg11 : memref<80xi32, #tpu.memory_space<vmem>>) semaphore(%run_scoped3A : memref<!tpu.dma_semaphore, #tpu.memory_space<semaphore_mem>>) {add = true}
        %dma_wait3A_100 = arith.constant 0 : i32
        %dma_wait3A_101 = arith.constant 0 : i32
        %dma_wait3A_102 = tpu.memref_slice %arg7[%dma_wait3A_100, %dma_wait3A_101] : memref<10240x128xf32, #tpu.memory_space<vmem_shared>> -> memref<10240x128xf32, #tpu.memory_space<vmem_shared>>
        tpu.wait_indirect_dma semaphore(%run_scoped3A : memref<!tpu.dma_semaphore, #tpu.memory_space<semaphore_mem>>) src(%arg13 : memref<80x128xf32, #tpu.memory_space<vmem>>) dst(%dma_wait3A_102 : memref<10240x128xf32, #tpu.memory_space<vmem_shared>>)
        tpu.yield
      }) : () -> ()
      %add3A_87 = arith.constant 2 : i32
      %add3A_88 = arith.addi %add3A_69, %add3A_87 : i32
      %mul3A_89 = arith.constant 80 : i32
      %mul3A_90 = arith.muli %add3A_88, %mul3A_89 : i32
      %add3A_91 = arith.addi %mul3A_4, %mul3A_90 : i32
      %min3A_92 = arith.minsi %add3A_91, %sub3A_7 : i32
      %dma_start3A_93 = tpu.memref_slice %arg3[%min3A_92] : memref<320000xi32, #tpu.memory_space<hbm>> -> memref<80xi32, #tpu.memory_space<hbm>>
      %dma_start3A_94 = tpu.memref_slice %arg3[%min3A_92] : memref<320000xi32, #tpu.memory_space<hbm>> -> memref<80xi32, #tpu.memory_space<hbm>>
      tpu.enqueue_dma source(%dma_start3A_94 : memref<80xi32, #tpu.memory_space<hbm>>) target(%arg9 : memref<80xi32, #tpu.memory_space<vmem>>) target_semaphore(%arg17 : memref<!tpu.dma_semaphore, #tpu.memory_space<semaphore_mem>>)
      %dma_start3A_95 = tpu.memref_slice %arg4[%min3A_92] : memref<320000xi32, #tpu.memory_space<hbm>> -> memref<80xi32, #tpu.memory_space<hbm>>
      %dma_start3A_96 = tpu.memref_slice %arg4[%min3A_92] : memref<320000xi32, #tpu.memory_space<hbm>> -> memref<80xi32, #tpu.memory_space<hbm>>
      tpu.enqueue_dma source(%dma_start3A_96 : memref<80xi32, #tpu.memory_space<hbm>>) target(%arg11 : memref<80xi32, #tpu.memory_space<vmem>>) target_semaphore(%arg17 : memref<!tpu.dma_semaphore, #tpu.memory_space<semaphore_mem>>)
    }
    %scan3A_20 = arith.constant 62 : i32
    %dma_wait3A = arith.constant 0 : i32
    %dma_wait3A_21 = arith.constant 0 : i32
    %dma_wait3A_22 = tpu.memref_slice %arg2[%dma_wait3A, %dma_wait3A_21] : memref<10240x128xf32, #tpu.memory_space<hbm>> -> memref<80x128xf32, #tpu.memory_space<hbm>>
    %dma_wait3A_23 = arith.constant 0 : i32
    %dma_wait3A_24 = arith.constant 0 : i32
    %dma_wait3A_25 = tpu.memref_slice %arg2[%dma_wait3A_23, %dma_wait3A_24] : memref<10240x128xf32, #tpu.memory_space<hbm>> -> memref<80x128xf32, #tpu.memory_space<hbm>>
    tpu.wait_dma2 semaphore(%arg14 : memref<!tpu.dma_semaphore, #tpu.memory_space<semaphore_mem>>) src(%dma_wait3A_25 : memref<80x128xf32, #tpu.memory_space<hbm>>) dst(%arg12 : memref<80x128xf32, #tpu.memory_space<vmem>>)
    "tpu.region"() ({
      %run_scoped3A = tpu.sem_alloc : memref<!tpu.dma_semaphore, #tpu.memory_space<semaphore_mem>>
      %dma_start3A_35 = arith.constant 0 : i32
      %dma_start3A_36 = arith.constant 0 : i32
      %dma_start3A_37 = tpu.memref_slice %arg7[%dma_start3A_35, %dma_start3A_36] : memref<10240x128xf32, #tpu.memory_space<vmem_shared>> -> memref<10240x128xf32, #tpu.memory_space<vmem_shared>>
      tpu.enqueue_indirect_dma source(%arg12 : memref<80x128xf32, #tpu.memory_space<vmem>>) target(%dma_start3A_37 : memref<10240x128xf32, #tpu.memory_space<vmem_shared>>) offsets(%arg10 : memref<80xi32, #tpu.memory_space<vmem>>) semaphore(%run_scoped3A : memref<!tpu.dma_semaphore, #tpu.memory_space<semaphore_mem>>) {add = true}
      %dma_wait3A_38 = arith.constant 0 : i32
      %dma_wait3A_39 = arith.constant 0 : i32
      %dma_wait3A_40 = tpu.memref_slice %arg7[%dma_wait3A_38, %dma_wait3A_39] : memref<10240x128xf32, #tpu.memory_space<vmem_shared>> -> memref<10240x128xf32, #tpu.memory_space<vmem_shared>>
      tpu.wait_indirect_dma semaphore(%run_scoped3A : memref<!tpu.dma_semaphore, #tpu.memory_space<semaphore_mem>>) src(%arg12 : memref<80x128xf32, #tpu.memory_space<vmem>>) dst(%dma_wait3A_40 : memref<10240x128xf32, #tpu.memory_space<vmem_shared>>)
      tpu.yield
    }) : () -> ()
    %dma_wait3A_26 = arith.constant 0 : i32
    %dma_wait3A_27 = tpu.memref_slice %arg3[%dma_wait3A_26] : memref<320000xi32, #tpu.memory_space<hbm>> -> memref<80xi32, #tpu.memory_space<hbm>>
    %dma_wait3A_28 = arith.constant 0 : i32
    %dma_wait3A_29 = tpu.memref_slice %arg3[%dma_wait3A_28] : memref<320000xi32, #tpu.memory_space<hbm>> -> memref<80xi32, #tpu.memory_space<hbm>>
    tpu.wait_dma2 semaphore(%arg17 : memref<!tpu.dma_semaphore, #tpu.memory_space<semaphore_mem>>) src(%dma_wait3A_29 : memref<80xi32, #tpu.memory_space<hbm>>) dst(%arg9 : memref<80xi32, #tpu.memory_space<vmem>>)
    %dma_wait3A_30 = arith.constant 0 : i32
    %dma_wait3A_31 = tpu.memref_slice %arg4[%dma_wait3A_30] : memref<320000xi32, #tpu.memory_space<hbm>> -> memref<80xi32, #tpu.memory_space<hbm>>
    %dma_wait3A_32 = arith.constant 0 : i32
    %dma_wait3A_33 = tpu.memref_slice %arg4[%dma_wait3A_32] : memref<320000xi32, #tpu.memory_space<hbm>> -> memref<80xi32, #tpu.memory_space<hbm>>
    tpu.wait_dma2 semaphore(%arg17 : memref<!tpu.dma_semaphore, #tpu.memory_space<semaphore_mem>>) src(%dma_wait3A_33 : memref<80xi32, #tpu.memory_space<hbm>>) dst(%arg11 : memref<80xi32, #tpu.memory_space<vmem>>)
    %barrier3A_34 = arith.constant 0 : index
    tpu.barrier barrier_id(%barrier3A_34)
    "tpu.region"() ({
      %run_scoped3A = tpu.sem_alloc : memref<!tpu.dma_semaphore, #tpu.memory_space<semaphore_mem>>
      %dma_start3A_35 = arith.constant 0 : i32
      %dma_start3A_36 = tpu.memref_slice %arg6[%arg0, %mul3A_2, %dma_start3A_35] : memref<2x10240x128xf32, #tpu.memory_space<hbm>> -> memref<1x640x128xf32, #tpu.memory_space<hbm>>
      %dma_start3A_37 = tpu.memref_squeeze %dma_start3A_36 : memref<1x640x128xf32, #tpu.memory_space<hbm>> -> memref<640x128xf32, #tpu.memory_space<hbm>>
      %dma_start3A_38 = arith.constant 0 : i32
      %dma_start3A_39 = tpu.memref_slice %arg7[%mul3A_2, %dma_start3A_38] : memref<10240x128xf32, #tpu.memory_space<vmem_shared>> -> memref<640x128xf32, #tpu.memory_space<vmem_shared>>
      tpu.enqueue_dma source(%dma_start3A_39 : memref<640x128xf32, #tpu.memory_space<vmem_shared>>) target(%dma_start3A_37 : memref<640x128xf32, #tpu.memory_space<hbm>>) target_semaphore(%run_scoped3A : memref<!tpu.dma_semaphore, #tpu.memory_space<semaphore_mem>>)
      %dma_wait3A_40 = arith.constant 0 : i32
      %dma_wait3A_41 = tpu.memref_slice %arg6[%arg0, %mul3A_2, %dma_wait3A_40] : memref<2x10240x128xf32, #tpu.memory_space<hbm>> -> memref<1x640x128xf32, #tpu.memory_space<hbm>>
      %dma_wait3A_42 = tpu.memref_squeeze %dma_wait3A_41 : memref<1x640x128xf32, #tpu.memory_space<hbm>> -> memref<640x128xf32, #tpu.memory_space<hbm>>
      %dma_wait3A_43 = arith.constant 0 : i32
      %dma_wait3A_44 = tpu.memref_slice %arg7[%mul3A_2, %dma_wait3A_43] : memref<10240x128xf32, #tpu.memory_space<vmem_shared>> -> memref<640x128xf32, #tpu.memory_space<vmem_shared>>
      tpu.wait_dma2 semaphore(%run_scoped3A : memref<!tpu.dma_semaphore, #tpu.memory_space<semaphore_mem>>) src(%dma_wait3A_44 : memref<640x128xf32, #tpu.memory_space<vmem_shared>>) dst(%dma_wait3A_42 : memref<640x128xf32, #tpu.memory_space<hbm>>)
      tpu.yield
    }) : () -> ()
    return
  }
}

#map = affine_map<(d0, d1) -> (0, 0)>
#map1 = affine_map<(d0, d1) -> (0)>
module attributes {stable_mosaic.version = 14 : i64} {
  func.func @sc_edge_gather(%arg0: i32, %arg1: i32, %arg2: memref<10240x128xf32, #tpu.memory_space<hbm>>, %arg3: memref<320000xi32, #tpu.memory_space<hbm>>, %arg4: memref<320000xi32, #tpu.memory_space<hbm>>, %arg5: memref<320000x64xf32, #tpu.memory_space<hbm>>, %arg6: memref<80xi32, #tpu.memory_space<vmem>>, %arg7: memref<80xi32, #tpu.memory_space<vmem>>, %arg8: memref<80xi32, #tpu.memory_space<vmem>>, %arg9: memref<80xi32, #tpu.memory_space<vmem>>, %arg10: memref<80x128xf32, #tpu.memory_space<vmem>>, %arg11: memref<80x128xf32, #tpu.memory_space<vmem>>, %arg12: memref<80x128xf32, #tpu.memory_space<vmem>>, %arg13: memref<80x128xf32, #tpu.memory_space<vmem>>, %arg14: memref<80x64xf32, #tpu.memory_space<vmem>>, %arg15: memref<80x64xf32, #tpu.memory_space<vmem>>, %arg16: memref<!tpu.dma_semaphore, #tpu.memory_space<semaphore_mem>>, %arg17: memref<!tpu.dma_semaphore, #tpu.memory_space<semaphore_mem>>, %arg18: memref<!tpu.dma_semaphore, #tpu.memory_space<semaphore_mem>>, %arg19: memref<!tpu.dma_semaphore, #tpu.memory_space<semaphore_mem>>, %arg20: memref<!tpu.dma_semaphore, #tpu.memory_space<semaphore_mem>>, %arg21: memref<!tpu.dma_semaphore, #tpu.memory_space<semaphore_mem>>) attributes {dimension_semantics = [#tpu.dimension_semantics<core_parallel>, #tpu.dimension_semantics<subcore_parallel>], iteration_bounds = array<i64: 2, 16>, scalar_prefetch = 0 : i64, scratch_operands = 16 : i64, tpu.core_type = #tpu.core_type<sc_vector_subcore>, window_params = [{transform_indices = #map}, {transform_indices = #map1}, {transform_indices = #map1}, {transform_indices = #map}]} {
    %mul3A = arith.constant 16 : i32
    %mul3A_0 = arith.muli %arg0, %mul3A : i32
    %add3A = arith.addi %mul3A_0, %arg1 : i32
    %mul3A_1 = arith.constant 10000 : i32
    %mul3A_2 = arith.muli %add3A, %mul3A_1 : i32
    %add3A_3 = arith.constant 10000 : i32
    %add3A_4 = arith.addi %mul3A_2, %add3A_3 : i32
    %sub3A = arith.constant 80 : i32
    %sub3A_5 = arith.subi %add3A_4, %sub3A : i32
    "tpu.region"() ({
      %run_scoped3A = tpu.sem_alloc : memref<!tpu.dma_semaphore, #tpu.memory_space<semaphore_mem>>
      %dma_start3A_63 = tpu.memref_slice %arg3[%mul3A_2] : memref<320000xi32, #tpu.memory_space<hbm>> -> memref<80xi32, #tpu.memory_space<hbm>>
      %dma_start3A_64 = tpu.memref_slice %arg3[%mul3A_2] : memref<320000xi32, #tpu.memory_space<hbm>> -> memref<80xi32, #tpu.memory_space<hbm>>
      tpu.enqueue_dma source(%dma_start3A_64 : memref<80xi32, #tpu.memory_space<hbm>>) target(%arg6 : memref<80xi32, #tpu.memory_space<vmem>>) target_semaphore(%run_scoped3A : memref<!tpu.dma_semaphore, #tpu.memory_space<semaphore_mem>>)
      %dma_wait3A_65 = tpu.memref_slice %arg3[%mul3A_2] : memref<320000xi32, #tpu.memory_space<hbm>> -> memref<80xi32, #tpu.memory_space<hbm>>
      %dma_wait3A_66 = tpu.memref_slice %arg3[%mul3A_2] : memref<320000xi32, #tpu.memory_space<hbm>> -> memref<80xi32, #tpu.memory_space<hbm>>
      tpu.wait_dma2 semaphore(%run_scoped3A : memref<!tpu.dma_semaphore, #tpu.memory_space<semaphore_mem>>) src(%dma_wait3A_66 : memref<80xi32, #tpu.memory_space<hbm>>) dst(%arg6 : memref<80xi32, #tpu.memory_space<vmem>>)
      tpu.yield
    }) : () -> ()
    "tpu.region"() ({
      %run_scoped3A = tpu.sem_alloc : memref<!tpu.dma_semaphore, #tpu.memory_space<semaphore_mem>>
      %dma_start3A_63 = tpu.memref_slice %arg4[%mul3A_2] : memref<320000xi32, #tpu.memory_space<hbm>> -> memref<80xi32, #tpu.memory_space<hbm>>
      %dma_start3A_64 = tpu.memref_slice %arg4[%mul3A_2] : memref<320000xi32, #tpu.memory_space<hbm>> -> memref<80xi32, #tpu.memory_space<hbm>>
      tpu.enqueue_dma source(%dma_start3A_64 : memref<80xi32, #tpu.memory_space<hbm>>) target(%arg8 : memref<80xi32, #tpu.memory_space<vmem>>) target_semaphore(%run_scoped3A : memref<!tpu.dma_semaphore, #tpu.memory_space<semaphore_mem>>)
      %dma_wait3A_65 = tpu.memref_slice %arg4[%mul3A_2] : memref<320000xi32, #tpu.memory_space<hbm>> -> memref<80xi32, #tpu.memory_space<hbm>>
      %dma_wait3A_66 = tpu.memref_slice %arg4[%mul3A_2] : memref<320000xi32, #tpu.memory_space<hbm>> -> memref<80xi32, #tpu.memory_space<hbm>>
      tpu.wait_dma2 semaphore(%run_scoped3A : memref<!tpu.dma_semaphore, #tpu.memory_space<semaphore_mem>>) src(%dma_wait3A_66 : memref<80xi32, #tpu.memory_space<hbm>>) dst(%arg8 : memref<80xi32, #tpu.memory_space<vmem>>)
      tpu.yield
    }) : () -> ()
    %dma_start3A = arith.constant 0 : i32
    %dma_start3A_6 = arith.constant 0 : i32
    %dma_start3A_7 = tpu.memref_slice %arg2[%dma_start3A, %dma_start3A_6] : memref<10240x128xf32, #tpu.memory_space<hbm>> -> memref<10240x128xf32, #tpu.memory_space<hbm>>
    tpu.enqueue_indirect_dma source(%dma_start3A_7 : memref<10240x128xf32, #tpu.memory_space<hbm>>) target(%arg10 : memref<80x128xf32, #tpu.memory_space<vmem>>) offsets(%arg6 : memref<80xi32, #tpu.memory_space<vmem>>) semaphore(%arg16 : memref<!tpu.dma_semaphore, #tpu.memory_space<semaphore_mem>>)
    %dma_start3A_8 = arith.constant 0 : i32
    %dma_start3A_9 = arith.constant 0 : i32
    %dma_start3A_10 = tpu.memref_slice %arg2[%dma_start3A_8, %dma_start3A_9] : memref<10240x128xf32, #tpu.memory_space<hbm>> -> memref<10240x128xf32, #tpu.memory_space<hbm>>
    tpu.enqueue_indirect_dma source(%dma_start3A_10 : memref<10240x128xf32, #tpu.memory_space<hbm>>) target(%arg12 : memref<80x128xf32, #tpu.memory_space<vmem>>) offsets(%arg8 : memref<80xi32, #tpu.memory_space<vmem>>) semaphore(%arg16 : memref<!tpu.dma_semaphore, #tpu.memory_space<semaphore_mem>>)
    %add3A_11 = arith.constant 80 : i32
    %add3A_12 = arith.addi %mul3A_2, %add3A_11 : i32
    %dma_start3A_13 = tpu.memref_slice %arg3[%add3A_12] : memref<320000xi32, #tpu.memory_space<hbm>> -> memref<80xi32, #tpu.memory_space<hbm>>
    %dma_start3A_14 = tpu.memref_slice %arg3[%add3A_12] : memref<320000xi32, #tpu.memory_space<hbm>> -> memref<80xi32, #tpu.memory_space<hbm>>
    tpu.enqueue_dma source(%dma_start3A_14 : memref<80xi32, #tpu.memory_space<hbm>>) target(%arg7 : memref<80xi32, #tpu.memory_space<vmem>>) target_semaphore(%arg19 : memref<!tpu.dma_semaphore, #tpu.memory_space<semaphore_mem>>)
    %dma_start3A_15 = tpu.memref_slice %arg4[%add3A_12] : memref<320000xi32, #tpu.memory_space<hbm>> -> memref<80xi32, #tpu.memory_space<hbm>>
    %dma_start3A_16 = tpu.memref_slice %arg4[%add3A_12] : memref<320000xi32, #tpu.memory_space<hbm>> -> memref<80xi32, #tpu.memory_space<hbm>>
    tpu.enqueue_dma source(%dma_start3A_16 : memref<80xi32, #tpu.memory_space<hbm>>) target(%arg9 : memref<80xi32, #tpu.memory_space<vmem>>) target_semaphore(%arg19 : memref<!tpu.dma_semaphore, #tpu.memory_space<semaphore_mem>>)
    %scan3A = arith.constant 0 : i32
    %scan3A_17 = arith.constant 0 : i32
    %scan3A_18 = arith.constant 62 : i32
    %scan3A_19 = arith.addi %scan3A_17, %scan3A_18 : i32
    %scan3A_20 = arith.constant 1 : i32
    scf.for %scan3A_63 = %scan3A_17 to %scan3A_19 step %scan3A_20  : i32 {
      %mul3A_64 = arith.constant 2 : i32
      %mul3A_65 = arith.muli %mul3A_64, %scan3A_63 : i32
      %add3A_66 = arith.constant 0 : i32
      %add3A_67 = arith.addi %mul3A_65, %add3A_66 : i32
      %gt3A = arith.constant 0 : i32
      %gt3A_68 = arith.cmpi sgt, %scan3A_63, %gt3A : i32
      %convert_element_type3A = arith.extui %gt3A_68 : i1 to i32
      %cond3A = arith.constant 0 : i32
      %cond3A_69 = arith.cmpi ne, %convert_element_type3A, %cond3A : i32
      scf.if %cond3A_69 {
        %dma_wait3A_177 = arith.constant 0 : i32
        %dma_wait3A_178 = arith.constant 0 : i32
        %dma_wait3A_179 = tpu.memref_slice %arg5[%dma_wait3A_177, %dma_wait3A_178] : memref<320000x64xf32, #tpu.memory_space<hbm>> -> memref<80x64xf32, #tpu.memory_space<hbm>>
        %dma_wait3A_180 = arith.constant 0 : i32
        %dma_wait3A_181 = arith.constant 0 : i32
        %dma_wait3A_182 = tpu.memref_slice %arg5[%dma_wait3A_180, %dma_wait3A_181] : memref<320000x64xf32, #tpu.memory_space<hbm>> -> memref<80x64xf32, #tpu.memory_space<hbm>>
        tpu.wait_dma2 semaphore(%arg21 : memref<!tpu.dma_semaphore, #tpu.memory_space<semaphore_mem>>) src(%arg15 : memref<80x64xf32, #tpu.memory_space<vmem>>) dst(%dma_wait3A_182 : memref<80x64xf32, #tpu.memory_space<hbm>>)
      } else {
      }
      %dma_wait3A_70 = arith.constant 0 : i32
      %dma_wait3A_71 = tpu.memref_slice %arg3[%dma_wait3A_70] : memref<320000xi32, #tpu.memory_space<hbm>> -> memref<80xi32, #tpu.memory_space<hbm>>
      %dma_wait3A_72 = arith.constant 0 : i32
      %dma_wait3A_73 = tpu.memref_slice %arg3[%dma_wait3A_72] : memref<320000xi32, #tpu.memory_space<hbm>> -> memref<80xi32, #tpu.memory_space<hbm>>
      tpu.wait_dma2 semaphore(%arg19 : memref<!tpu.dma_semaphore, #tpu.memory_space<semaphore_mem>>) src(%dma_wait3A_73 : memref<80xi32, #tpu.memory_space<hbm>>) dst(%arg7 : memref<80xi32, #tpu.memory_space<vmem>>)
      %dma_wait3A_74 = arith.constant 0 : i32
      %dma_wait3A_75 = tpu.memref_slice %arg4[%dma_wait3A_74] : memref<320000xi32, #tpu.memory_space<hbm>> -> memref<80xi32, #tpu.memory_space<hbm>>
      %dma_wait3A_76 = arith.constant 0 : i32
      %dma_wait3A_77 = tpu.memref_slice %arg4[%dma_wait3A_76] : memref<320000xi32, #tpu.memory_space<hbm>> -> memref<80xi32, #tpu.memory_space<hbm>>
      tpu.wait_dma2 semaphore(%arg19 : memref<!tpu.dma_semaphore, #tpu.memory_space<semaphore_mem>>) src(%dma_wait3A_77 : memref<80xi32, #tpu.memory_space<hbm>>) dst(%arg9 : memref<80xi32, #tpu.memory_space<vmem>>)
      %dma_start3A_78 = arith.constant 0 : i32
      %dma_start3A_79 = arith.constant 0 : i32
      %dma_start3A_80 = tpu.memref_slice %arg2[%dma_start3A_78, %dma_start3A_79] : memref<10240x128xf32, #tpu.memory_space<hbm>> -> memref<10240x128xf32, #tpu.memory_space<hbm>>
      tpu.enqueue_indirect_dma source(%dma_start3A_80 : memref<10240x128xf32, #tpu.memory_space<hbm>>) target(%arg11 : memref<80x128xf32, #tpu.memory_space<vmem>>) offsets(%arg7 : memref<80xi32, #tpu.memory_space<vmem>>) semaphore(%arg17 : memref<!tpu.dma_semaphore, #tpu.memory_space<semaphore_mem>>)
      %dma_start3A_81 = arith.constant 0 : i32
      %dma_start3A_82 = arith.constant 0 : i32
      %dma_start3A_83 = tpu.memref_slice %arg2[%dma_start3A_81, %dma_start3A_82] : memref<10240x128xf32, #tpu.memory_space<hbm>> -> memref<10240x128xf32, #tpu.memory_space<hbm>>
      tpu.enqueue_indirect_dma source(%dma_start3A_83 : memref<10240x128xf32, #tpu.memory_space<hbm>>) target(%arg13 : memref<80x128xf32, #tpu.memory_space<vmem>>) offsets(%arg9 : memref<80xi32, #tpu.memory_space<vmem>>) semaphore(%arg17 : memref<!tpu.dma_semaphore, #tpu.memory_space<semaphore_mem>>)
      %dma_wait3A_84 = arith.constant 0 : i32
      %dma_wait3A_85 = arith.constant 0 : i32
      %dma_wait3A_86 = tpu.memref_slice %arg2[%dma_wait3A_84, %dma_wait3A_85] : memref<10240x128xf32, #tpu.memory_space<hbm>> -> memref<80x128xf32, #tpu.memory_space<hbm>>
      %dma_wait3A_87 = arith.constant 0 : i32
      %dma_wait3A_88 = arith.constant 0 : i32
      %dma_wait3A_89 = tpu.memref_slice %arg2[%dma_wait3A_87, %dma_wait3A_88] : memref<10240x128xf32, #tpu.memory_space<hbm>> -> memref<80x128xf32, #tpu.memory_space<hbm>>
      tpu.wait_dma2 semaphore(%arg16 : memref<!tpu.dma_semaphore, #tpu.memory_space<semaphore_mem>>) src(%dma_wait3A_89 : memref<80x128xf32, #tpu.memory_space<hbm>>) dst(%arg10 : memref<80x128xf32, #tpu.memory_space<vmem>>)
      %dma_wait3A_90 = arith.constant 0 : i32
      %dma_wait3A_91 = arith.constant 0 : i32
      %dma_wait3A_92 = tpu.memref_slice %arg2[%dma_wait3A_90, %dma_wait3A_91] : memref<10240x128xf32, #tpu.memory_space<hbm>> -> memref<80x128xf32, #tpu.memory_space<hbm>>
      %dma_wait3A_93 = arith.constant 0 : i32
      %dma_wait3A_94 = arith.constant 0 : i32
      %dma_wait3A_95 = tpu.memref_slice %arg2[%dma_wait3A_93, %dma_wait3A_94] : memref<10240x128xf32, #tpu.memory_space<hbm>> -> memref<80x128xf32, #tpu.memory_space<hbm>>
      tpu.wait_dma2 semaphore(%arg16 : memref<!tpu.dma_semaphore, #tpu.memory_space<semaphore_mem>>) src(%dma_wait3A_95 : memref<80x128xf32, #tpu.memory_space<hbm>>) dst(%arg12 : memref<80x128xf32, #tpu.memory_space<vmem>>)
      %scan3A_96 = arith.constant 0 : i32
      %scan3A_97 = arith.constant 0 : i32
      %scan3A_98 = arith.constant 80 : i32
      %scan3A_99 = arith.addi %scan3A_97, %scan3A_98 : i32
      %scan3A_100 = arith.constant 1 : i32
      scf.for %scan3A_177 = %scan3A_97 to %scan3A_99 step %scan3A_100  : i32 {
        %get3A = arith.index_cast %scan3A_177 : i32 to index
        %get3A_178 = arith.constant 0 : index
        %get3A_179 = tpu.vector_load %arg10[%get3A, %get3A_178] {strides = array<i32>} : memref<80x128xf32, #tpu.memory_space<vmem>>, vector<1x16xf32>,
        %get3A_180 = vector.shape_cast %get3A_179 : vector<1x16xf32> to vector<16xf32>
        %get3A_181 = arith.index_cast %scan3A_177 : i32 to index
        %get3A_182 = arith.constant 64 : index
        %get3A_183 = tpu.vector_load %arg12[%get3A_181, %get3A_182] {strides = array<i32>} : memref<80x128xf32, #tpu.memory_space<vmem>>, vector<1x16xf32>,
        %get3A_184 = vector.shape_cast %get3A_183 : vector<1x16xf32> to vector<16xf32>
        %add3A_185 = arith.addf %get3A_180, %get3A_184 : vector<16xf32>
        %swap3A = arith.index_cast %scan3A_177 : i32 to index
        %swap3A_186 = arith.constant 0 : index
        %swap3A_187 = tpu.vector_load %arg14[%swap3A, %swap3A_186] {strides = array<i32>} : memref<80x64xf32, #tpu.memory_space<vmem>>, vector<1x16xf32>,
        %swap3A_188 = vector.shape_cast %swap3A_187 : vector<1x16xf32> to vector<16xf32>
        %swap3A_189 = vector.shape_cast %add3A_185 : vector<16xf32> to vector<1x16xf32>
        tpu.vector_store %arg14[%swap3A, %swap3A_186], %swap3A_189 {strides = array<i32>} : memref<80x64xf32, #tpu.memory_space<vmem>>, vector<1x16xf32>,
        %get3A_190 = arith.index_cast %scan3A_177 : i32 to index
        %get3A_191 = arith.constant 16 : index
        %get3A_192 = tpu.vector_load %arg10[%get3A_190, %get3A_191] {strides = array<i32>} : memref<80x128xf32, #tpu.memory_space<vmem>>, vector<1x16xf32>,
        %get3A_193 = vector.shape_cast %get3A_192 : vector<1x16xf32> to vector<16xf32>
        %get3A_194 = arith.index_cast %scan3A_177 : i32 to index
        %get3A_195 = arith.constant 80 : index
        %get3A_196 = tpu.vector_load %arg12[%get3A_194, %get3A_195] {strides = array<i32>} : memref<80x128xf32, #tpu.memory_space<vmem>>, vector<1x16xf32>,
        %get3A_197 = vector.shape_cast %get3A_196 : vector<1x16xf32> to vector<16xf32>
        %add3A_198 = arith.addf %get3A_193, %get3A_197 : vector<16xf32>
        %swap3A_199 = arith.index_cast %scan3A_177 : i32 to index
        %swap3A_200 = arith.constant 16 : index
        %swap3A_201 = tpu.vector_load %arg14[%swap3A_199, %swap3A_200] {strides = array<i32>} : memref<80x64xf32, #tpu.memory_space<vmem>>, vector<1x16xf32>,
        %swap3A_202 = vector.shape_cast %swap3A_201 : vector<1x16xf32> to vector<16xf32>
        %swap3A_203 = vector.shape_cast %add3A_198 : vector<16xf32> to vector<1x16xf32>
        tpu.vector_store %arg14[%swap3A_199, %swap3A_200], %swap3A_203 {strides = array<i32>} : memref<80x64xf32, #tpu.memory_space<vmem>>, vector<1x16xf32>,
        %get3A_204 = arith.index_cast %scan3A_177 : i32 to index
        %get3A_205 = arith.constant 32 : index
        %get3A_206 = tpu.vector_load %arg10[%get3A_204, %get3A_205] {strides = array<i32>} : memref<80x128xf32, #tpu.memory_space<vmem>>, vector<1x16xf32>,
        %get3A_207 = vector.shape_cast %get3A_206 : vector<1x16xf32> to vector<16xf32>
        %get3A_208 = arith.index_cast %scan3A_177 : i32 to index
        %get3A_209 = arith.constant 96 : index
        %get3A_210 = tpu.vector_load %arg12[%get3A_208, %get3A_209] {strides = array<i32>} : memref<80x128xf32, #tpu.memory_space<vmem>>, vector<1x16xf32>,
        %get3A_211 = vector.shape_cast %get3A_210 : vector<1x16xf32> to vector<16xf32>
        %add3A_212 = arith.addf %get3A_207, %get3A_211 : vector<16xf32>
        %swap3A_213 = arith.index_cast %scan3A_177 : i32 to index
        %swap3A_214 = arith.constant 32 : index
        %swap3A_215 = tpu.vector_load %arg14[%swap3A_213, %swap3A_214] {strides = array<i32>} : memref<80x64xf32, #tpu.memory_space<vmem>>, vector<1x16xf32>,
        %swap3A_216 = vector.shape_cast %swap3A_215 : vector<1x16xf32> to vector<16xf32>
        %swap3A_217 = vector.shape_cast %add3A_212 : vector<16xf32> to vector<1x16xf32>
        tpu.vector_store %arg14[%swap3A_213, %swap3A_214], %swap3A_217 {strides = array<i32>} : memref<80x64xf32, #tpu.memory_space<vmem>>, vector<1x16xf32>,
        %get3A_218 = arith.index_cast %scan3A_177 : i32 to index
        %get3A_219 = arith.constant 48 : index
        %get3A_220 = tpu.vector_load %arg10[%get3A_218, %get3A_219] {strides = array<i32>} : memref<80x128xf32, #tpu.memory_space<vmem>>, vector<1x16xf32>,
        %get3A_221 = vector.shape_cast %get3A_220 : vector<1x16xf32> to vector<16xf32>
        %get3A_222 = arith.index_cast %scan3A_177 : i32 to index
        %get3A_223 = arith.constant 112 : index
        %get3A_224 = tpu.vector_load %arg12[%get3A_222, %get3A_223] {strides = array<i32>} : memref<80x128xf32, #tpu.memory_space<vmem>>, vector<1x16xf32>,
        %get3A_225 = vector.shape_cast %get3A_224 : vector<1x16xf32> to vector<16xf32>
        %add3A_226 = arith.addf %get3A_221, %get3A_225 : vector<16xf32>
        %swap3A_227 = arith.index_cast %scan3A_177 : i32 to index
        %swap3A_228 = arith.constant 48 : index
        %swap3A_229 = tpu.vector_load %arg14[%swap3A_227, %swap3A_228] {strides = array<i32>} : memref<80x64xf32, #tpu.memory_space<vmem>>, vector<1x16xf32>,
        %swap3A_230 = vector.shape_cast %swap3A_229 : vector<1x16xf32> to vector<16xf32>
        %swap3A_231 = vector.shape_cast %add3A_226 : vector<16xf32> to vector<1x16xf32>
        tpu.vector_store %arg14[%swap3A_227, %swap3A_228], %swap3A_231 {strides = array<i32>} : memref<80x64xf32, #tpu.memory_space<vmem>>, vector<1x16xf32>,
      }
      %scan3A_101 = arith.constant 80 : i32
      %mul3A_102 = arith.constant 80 : i32
      %mul3A_103 = arith.muli %add3A_67, %mul3A_102 : i32
      %add3A_104 = arith.addi %mul3A_2, %mul3A_103 : i32
      %dma_start3A_105 = arith.constant 0 : i32
      %dma_start3A_106 = tpu.memref_slice %arg5[%add3A_104, %dma_start3A_105] : memref<320000x64xf32, #tpu.memory_space<hbm>> -> memref<80x64xf32, #tpu.memory_space<hbm>>
      %dma_start3A_107 = arith.constant 0 : i32
      %dma_start3A_108 = tpu.memref_slice %arg5[%add3A_104, %dma_start3A_107] : memref<320000x64xf32, #tpu.memory_space<hbm>> -> memref<80x64xf32, #tpu.memory_space<hbm>>
      tpu.enqueue_dma source(%arg14 : memref<80x64xf32, #tpu.memory_space<vmem>>) target(%dma_start3A_108 : memref<80x64xf32, #tpu.memory_space<hbm>>) target_semaphore(%arg20 : memref<!tpu.dma_semaphore, #tpu.memory_space<semaphore_mem>>)
      %add3A_109 = arith.constant 2 : i32
      %add3A_110 = arith.addi %add3A_67, %add3A_109 : i32
      %mul3A_111 = arith.constant 80 : i32
      %mul3A_112 = arith.muli %add3A_110, %mul3A_111 : i32
      %add3A_113 = arith.addi %mul3A_2, %mul3A_112 : i32
      %min3A = arith.minsi %add3A_113, %sub3A_5 : i32
      %dma_start3A_114 = tpu.memref_slice %arg3[%min3A] : memref<320000xi32, #tpu.memory_space<hbm>> -> memref<80xi32, #tpu.memory_space<hbm>>
      %dma_start3A_115 = tpu.memref_slice %arg3[%min3A] : memref<320000xi32, #tpu.memory_space<hbm>> -> memref<80xi32, #tpu.memory_space<hbm>>
      tpu.enqueue_dma source(%dma_start3A_115 : memref<80xi32, #tpu.memory_space<hbm>>) target(%arg6 : memref<80xi32, #tpu.memory_space<vmem>>) target_semaphore(%arg18 : memref<!tpu.dma_semaphore, #tpu.memory_space<semaphore_mem>>)
      %dma_start3A_116 = tpu.memref_slice %arg4[%min3A] : memref<320000xi32, #tpu.memory_space<hbm>> -> memref<80xi32, #tpu.memory_space<hbm>>
      %dma_start3A_117 = tpu.memref_slice %arg4[%min3A] : memref<320000xi32, #tpu.memory_space<hbm>> -> memref<80xi32, #tpu.memory_space<hbm>>
      tpu.enqueue_dma source(%dma_start3A_117 : memref<80xi32, #tpu.memory_space<hbm>>) target(%arg8 : memref<80xi32, #tpu.memory_space<vmem>>) target_semaphore(%arg18 : memref<!tpu.dma_semaphore, #tpu.memory_space<semaphore_mem>>)
      %mul3A_118 = arith.constant 2 : i32
      %mul3A_119 = arith.muli %mul3A_118, %scan3A_63 : i32
      %add3A_120 = arith.constant 1 : i32
      %add3A_121 = arith.addi %mul3A_119, %add3A_120 : i32
      %dma_wait3A_122 = arith.constant 0 : i32
      %dma_wait3A_123 = arith.constant 0 : i32
      %dma_wait3A_124 = tpu.memref_slice %arg5[%dma_wait3A_122, %dma_wait3A_123] : memref<320000x64xf32, #tpu.memory_space<hbm>> -> memref<80x64xf32, #tpu.memory_space<hbm>>
      %dma_wait3A_125 = arith.constant 0 : i32
      %dma_wait3A_126 = arith.constant 0 : i32
      %dma_wait3A_127 = tpu.memref_slice %arg5[%dma_wait3A_125, %dma_wait3A_126] : memref<320000x64xf32, #tpu.memory_space<hbm>> -> memref<80x64xf32, #tpu.memory_space<hbm>>
      tpu.wait_dma2 semaphore(%arg20 : memref<!tpu.dma_semaphore, #tpu.memory_space<semaphore_mem>>) src(%arg14 : memref<80x64xf32, #tpu.memory_space<vmem>>) dst(%dma_wait3A_127 : memref<80x64xf32, #tpu.memory_space<hbm>>)
      %dma_wait3A_128 = arith.constant 0 : i32
      %dma_wait3A_129 = tpu.memref_slice %arg3[%dma_wait3A_128] : memref<320000xi32, #tpu.memory_space<hbm>> -> memref<80xi32, #tpu.memory_space<hbm>>
      %dma_wait3A_130 = arith.constant 0 : i32
      %dma_wait3A_131 = tpu.memref_slice %arg3[%dma_wait3A_130] : memref<320000xi32, #tpu.memory_space<hbm>> -> memref<80xi32, #tpu.memory_space<hbm>>
      tpu.wait_dma2 semaphore(%arg18 : memref<!tpu.dma_semaphore, #tpu.memory_space<semaphore_mem>>) src(%dma_wait3A_131 : memref<80xi32, #tpu.memory_space<hbm>>) dst(%arg6 : memref<80xi32, #tpu.memory_space<vmem>>)
      %dma_wait3A_132 = arith.constant 0 : i32
      %dma_wait3A_133 = tpu.memref_slice %arg4[%dma_wait3A_132] : memref<320000xi32, #tpu.memory_space<hbm>> -> memref<80xi32, #tpu.memory_space<hbm>>
      %dma_wait3A_134 = arith.constant 0 : i32
      %dma_wait3A_135 = tpu.memref_slice %arg4[%dma_wait3A_134] : memref<320000xi32, #tpu.memory_space<hbm>> -> memref<80xi32, #tpu.memory_space<hbm>>
      tpu.wait_dma2 semaphore(%arg18 : memref<!tpu.dma_semaphore, #tpu.memory_space<semaphore_mem>>) src(%dma_wait3A_135 : memref<80xi32, #tpu.memory_space<hbm>>) dst(%arg8 : memref<80xi32, #tpu.memory_space<vmem>>)
      %dma_start3A_136 = arith.constant 0 : i32
      %dma_start3A_137 = arith.constant 0 : i32
      %dma_start3A_138 = tpu.memref_slice %arg2[%dma_start3A_136, %dma_start3A_137] : memref<10240x128xf32, #tpu.memory_space<hbm>> -> memref<10240x128xf32, #tpu.memory_space<hbm>>
      tpu.enqueue_indirect_dma source(%dma_start3A_138 : memref<10240x128xf32, #tpu.memory_space<hbm>>) target(%arg10 : memref<80x128xf32, #tpu.memory_space<vmem>>) offsets(%arg6 : memref<80xi32, #tpu.memory_space<vmem>>) semaphore(%arg16 : memref<!tpu.dma_semaphore, #tpu.memory_space<semaphore_mem>>)
      %dma_start3A_139 = arith.constant 0 : i32
      %dma_start3A_140 = arith.constant 0 : i32
      %dma_start3A_141 = tpu.memref_slice %arg2[%dma_start3A_139, %dma_start3A_140] : memref<10240x128xf32, #tpu.memory_space<hbm>> -> memref<10240x128xf32, #tpu.memory_space<hbm>>
      tpu.enqueue_indirect_dma source(%dma_start3A_141 : memref<10240x128xf32, #tpu.memory_space<hbm>>) target(%arg12 : memref<80x128xf32, #tpu.memory_space<vmem>>) offsets(%arg8 : memref<80xi32, #tpu.memory_space<vmem>>) semaphore(%arg16 : memref<!tpu.dma_semaphore, #tpu.memory_space<semaphore_mem>>)
      %dma_wait3A_142 = arith.constant 0 : i32
      %dma_wait3A_143 = arith.constant 0 : i32
      %dma_wait3A_144 = tpu.memref_slice %arg2[%dma_wait3A_142, %dma_wait3A_143] : memref<10240x128xf32, #tpu.memory_space<hbm>> -> memref<80x128xf32, #tpu.memory_space<hbm>>
      %dma_wait3A_145 = arith.constant 0 : i32
      %dma_wait3A_146 = arith.constant 0 : i32
      %dma_wait3A_147 = tpu.memref_slice %arg2[%dma_wait3A_145, %dma_wait3A_146] : memref<10240x128xf32, #tpu.memory_space<hbm>> -> memref<80x128xf32, #tpu.memory_space<hbm>>
      tpu.wait_dma2 semaphore(%arg17 : memref<!tpu.dma_semaphore, #tpu.memory_space<semaphore_mem>>) src(%dma_wait3A_147 : memref<80x128xf32, #tpu.memory_space<hbm>>) dst(%arg11 : memref<80x128xf32, #tpu.memory_space<vmem>>)
      %dma_wait3A_148 = arith.constant 0 : i32
      %dma_wait3A_149 = arith.constant 0 : i32
      %dma_wait3A_150 = tpu.memref_slice %arg2[%dma_wait3A_148, %dma_wait3A_149] : memref<10240x128xf32, #tpu.memory_space<hbm>> -> memref<80x128xf32, #tpu.memory_space<hbm>>
      %dma_wait3A_151 = arith.constant 0 : i32
      %dma_wait3A_152 = arith.constant 0 : i32
      %dma_wait3A_153 = tpu.memref_slice %arg2[%dma_wait3A_151, %dma_wait3A_152] : memref<10240x128xf32, #tpu.memory_space<hbm>> -> memref<80x128xf32, #tpu.memory_space<hbm>>
      tpu.wait_dma2 semaphore(%arg17 : memref<!tpu.dma_semaphore, #tpu.memory_space<semaphore_mem>>) src(%dma_wait3A_153 : memref<80x128xf32, #tpu.memory_space<hbm>>) dst(%arg13 : memref<80x128xf32, #tpu.memory_space<vmem>>)
      %scan3A_154 = arith.constant 0 : i32
      %scan3A_155 = arith.constant 0 : i32
      %scan3A_156 = arith.constant 80 : i32
      %scan3A_157 = arith.addi %scan3A_155, %scan3A_156 : i32
      %scan3A_158 = arith.constant 1 : i32
      scf.for %scan3A_177 = %scan3A_155 to %scan3A_157 step %scan3A_158  : i32 {
        %get3A = arith.index_cast %scan3A_177 : i32 to index
        %get3A_178 = arith.constant 0 : index
        %get3A_179 = tpu.vector_load %arg11[%get3A, %get3A_178] {strides = array<i32>} : memref<80x128xf32, #tpu.memory_space<vmem>>, vector<1x16xf32>,
        %get3A_180 = vector.shape_cast %get3A_179 : vector<1x16xf32> to vector<16xf32>
        %get3A_181 = arith.index_cast %scan3A_177 : i32 to index
        %get3A_182 = arith.constant 64 : index
        %get3A_183 = tpu.vector_load %arg13[%get3A_181, %get3A_182] {strides = array<i32>} : memref<80x128xf32, #tpu.memory_space<vmem>>, vector<1x16xf32>,
        %get3A_184 = vector.shape_cast %get3A_183 : vector<1x16xf32> to vector<16xf32>
        %add3A_185 = arith.addf %get3A_180, %get3A_184 : vector<16xf32>
        %swap3A = arith.index_cast %scan3A_177 : i32 to index
        %swap3A_186 = arith.constant 0 : index
        %swap3A_187 = tpu.vector_load %arg15[%swap3A, %swap3A_186] {strides = array<i32>} : memref<80x64xf32, #tpu.memory_space<vmem>>, vector<1x16xf32>,
        %swap3A_188 = vector.shape_cast %swap3A_187 : vector<1x16xf32> to vector<16xf32>
        %swap3A_189 = vector.shape_cast %add3A_185 : vector<16xf32> to vector<1x16xf32>
        tpu.vector_store %arg15[%swap3A, %swap3A_186], %swap3A_189 {strides = array<i32>} : memref<80x64xf32, #tpu.memory_space<vmem>>, vector<1x16xf32>,
        %get3A_190 = arith.index_cast %scan3A_177 : i32 to index
        %get3A_191 = arith.constant 16 : index
        %get3A_192 = tpu.vector_load %arg11[%get3A_190, %get3A_191] {strides = array<i32>} : memref<80x128xf32, #tpu.memory_space<vmem>>, vector<1x16xf32>,
        %get3A_193 = vector.shape_cast %get3A_192 : vector<1x16xf32> to vector<16xf32>
        %get3A_194 = arith.index_cast %scan3A_177 : i32 to index
        %get3A_195 = arith.constant 80 : index
        %get3A_196 = tpu.vector_load %arg13[%get3A_194, %get3A_195] {strides = array<i32>} : memref<80x128xf32, #tpu.memory_space<vmem>>, vector<1x16xf32>,
        %get3A_197 = vector.shape_cast %get3A_196 : vector<1x16xf32> to vector<16xf32>
        %add3A_198 = arith.addf %get3A_193, %get3A_197 : vector<16xf32>
        %swap3A_199 = arith.index_cast %scan3A_177 : i32 to index
        %swap3A_200 = arith.constant 16 : index
        %swap3A_201 = tpu.vector_load %arg15[%swap3A_199, %swap3A_200] {strides = array<i32>} : memref<80x64xf32, #tpu.memory_space<vmem>>, vector<1x16xf32>,
        %swap3A_202 = vector.shape_cast %swap3A_201 : vector<1x16xf32> to vector<16xf32>
        %swap3A_203 = vector.shape_cast %add3A_198 : vector<16xf32> to vector<1x16xf32>
        tpu.vector_store %arg15[%swap3A_199, %swap3A_200], %swap3A_203 {strides = array<i32>} : memref<80x64xf32, #tpu.memory_space<vmem>>, vector<1x16xf32>,
        %get3A_204 = arith.index_cast %scan3A_177 : i32 to index
        %get3A_205 = arith.constant 32 : index
        %get3A_206 = tpu.vector_load %arg11[%get3A_204, %get3A_205] {strides = array<i32>} : memref<80x128xf32, #tpu.memory_space<vmem>>, vector<1x16xf32>,
        %get3A_207 = vector.shape_cast %get3A_206 : vector<1x16xf32> to vector<16xf32>
        %get3A_208 = arith.index_cast %scan3A_177 : i32 to index
        %get3A_209 = arith.constant 96 : index
        %get3A_210 = tpu.vector_load %arg13[%get3A_208, %get3A_209] {strides = array<i32>} : memref<80x128xf32, #tpu.memory_space<vmem>>, vector<1x16xf32>,
        %get3A_211 = vector.shape_cast %get3A_210 : vector<1x16xf32> to vector<16xf32>
        %add3A_212 = arith.addf %get3A_207, %get3A_211 : vector<16xf32>
        %swap3A_213 = arith.index_cast %scan3A_177 : i32 to index
        %swap3A_214 = arith.constant 32 : index
        %swap3A_215 = tpu.vector_load %arg15[%swap3A_213, %swap3A_214] {strides = array<i32>} : memref<80x64xf32, #tpu.memory_space<vmem>>, vector<1x16xf32>,
        %swap3A_216 = vector.shape_cast %swap3A_215 : vector<1x16xf32> to vector<16xf32>
        %swap3A_217 = vector.shape_cast %add3A_212 : vector<16xf32> to vector<1x16xf32>
        tpu.vector_store %arg15[%swap3A_213, %swap3A_214], %swap3A_217 {strides = array<i32>} : memref<80x64xf32, #tpu.memory_space<vmem>>, vector<1x16xf32>,
        %get3A_218 = arith.index_cast %scan3A_177 : i32 to index
        %get3A_219 = arith.constant 48 : index
        %get3A_220 = tpu.vector_load %arg11[%get3A_218, %get3A_219] {strides = array<i32>} : memref<80x128xf32, #tpu.memory_space<vmem>>, vector<1x16xf32>,
        %get3A_221 = vector.shape_cast %get3A_220 : vector<1x16xf32> to vector<16xf32>
        %get3A_222 = arith.index_cast %scan3A_177 : i32 to index
        %get3A_223 = arith.constant 112 : index
        %get3A_224 = tpu.vector_load %arg13[%get3A_222, %get3A_223] {strides = array<i32>} : memref<80x128xf32, #tpu.memory_space<vmem>>, vector<1x16xf32>,
        %get3A_225 = vector.shape_cast %get3A_224 : vector<1x16xf32> to vector<16xf32>
        %add3A_226 = arith.addf %get3A_221, %get3A_225 : vector<16xf32>
        %swap3A_227 = arith.index_cast %scan3A_177 : i32 to index
        %swap3A_228 = arith.constant 48 : index
        %swap3A_229 = tpu.vector_load %arg15[%swap3A_227, %swap3A_228] {strides = array<i32>} : memref<80x64xf32, #tpu.memory_space<vmem>>, vector<1x16xf32>,
        %swap3A_230 = vector.shape_cast %swap3A_229 : vector<1x16xf32> to vector<16xf32>
        %swap3A_231 = vector.shape_cast %add3A_226 : vector<16xf32> to vector<1x16xf32>
        tpu.vector_store %arg15[%swap3A_227, %swap3A_228], %swap3A_231 {strides = array<i32>} : memref<80x64xf32, #tpu.memory_space<vmem>>, vector<1x16xf32>,
      }
      %scan3A_159 = arith.constant 80 : i32
      %mul3A_160 = arith.constant 80 : i32
      %mul3A_161 = arith.muli %add3A_121, %mul3A_160 : i32
      %add3A_162 = arith.addi %mul3A_2, %mul3A_161 : i32
      %dma_start3A_163 = arith.constant 0 : i32
      %dma_start3A_164 = tpu.memref_slice %arg5[%add3A_162, %dma_start3A_163] : memref<320000x64xf32, #tpu.memory_space<hbm>> -> memref<80x64xf32, #tpu.memory_space<hbm>>
      %dma_start3A_165 = arith.constant 0 : i32
      %dma_start3A_166 = tpu.memref_slice %arg5[%add3A_162, %dma_start3A_165] : memref<320000x64xf32, #tpu.memory_space<hbm>> -> memref<80x64xf32, #tpu.memory_space<hbm>>
      tpu.enqueue_dma source(%arg15 : memref<80x64xf32, #tpu.memory_space<vmem>>) target(%dma_start3A_166 : memref<80x64xf32, #tpu.memory_space<hbm>>) target_semaphore(%arg21 : memref<!tpu.dma_semaphore, #tpu.memory_space<semaphore_mem>>)
      %add3A_167 = arith.constant 2 : i32
      %add3A_168 = arith.addi %add3A_121, %add3A_167 : i32
      %mul3A_169 = arith.constant 80 : i32
      %mul3A_170 = arith.muli %add3A_168, %mul3A_169 : i32
      %add3A_171 = arith.addi %mul3A_2, %mul3A_170 : i32
      %min3A_172 = arith.minsi %add3A_171, %sub3A_5 : i32
      %dma_start3A_173 = tpu.memref_slice %arg3[%min3A_172] : memref<320000xi32, #tpu.memory_space<hbm>> -> memref<80xi32, #tpu.memory_space<hbm>>
      %dma_start3A_174 = tpu.memref_slice %arg3[%min3A_172] : memref<320000xi32, #tpu.memory_space<hbm>> -> memref<80xi32, #tpu.memory_space<hbm>>
      tpu.enqueue_dma source(%dma_start3A_174 : memref<80xi32, #tpu.memory_space<hbm>>) target(%arg7 : memref<80xi32, #tpu.memory_space<vmem>>) target_semaphore(%arg19 : memref<!tpu.dma_semaphore, #tpu.memory_space<semaphore_mem>>)
      %dma_start3A_175 = tpu.memref_slice %arg4[%min3A_172] : memref<320000xi32, #tpu.memory_space<hbm>> -> memref<80xi32, #tpu.memory_space<hbm>>
      %dma_start3A_176 = tpu.memref_slice %arg4[%min3A_172] : memref<320000xi32, #tpu.memory_space<hbm>> -> memref<80xi32, #tpu.memory_space<hbm>>
      tpu.enqueue_dma source(%dma_start3A_176 : memref<80xi32, #tpu.memory_space<hbm>>) target(%arg9 : memref<80xi32, #tpu.memory_space<vmem>>) target_semaphore(%arg19 : memref<!tpu.dma_semaphore, #tpu.memory_space<semaphore_mem>>)
    }
    %scan3A_21 = arith.constant 62 : i32
    %dma_wait3A = arith.constant 0 : i32
    %dma_wait3A_22 = arith.constant 0 : i32
    %dma_wait3A_23 = tpu.memref_slice %arg5[%dma_wait3A, %dma_wait3A_22] : memref<320000x64xf32, #tpu.memory_space<hbm>> -> memref<80x64xf32, #tpu.memory_space<hbm>>
    %dma_wait3A_24 = arith.constant 0 : i32
    %dma_wait3A_25 = arith.constant 0 : i32
    %dma_wait3A_26 = tpu.memref_slice %arg5[%dma_wait3A_24, %dma_wait3A_25] : memref<320000x64xf32, #tpu.memory_space<hbm>> -> memref<80x64xf32, #tpu.memory_space<hbm>>
    tpu.wait_dma2 semaphore(%arg21 : memref<!tpu.dma_semaphore, #tpu.memory_space<semaphore_mem>>) src(%arg15 : memref<80x64xf32, #tpu.memory_space<vmem>>) dst(%dma_wait3A_26 : memref<80x64xf32, #tpu.memory_space<hbm>>)
    %dma_wait3A_27 = arith.constant 0 : i32
    %dma_wait3A_28 = arith.constant 0 : i32
    %dma_wait3A_29 = tpu.memref_slice %arg2[%dma_wait3A_27, %dma_wait3A_28] : memref<10240x128xf32, #tpu.memory_space<hbm>> -> memref<80x128xf32, #tpu.memory_space<hbm>>
    %dma_wait3A_30 = arith.constant 0 : i32
    %dma_wait3A_31 = arith.constant 0 : i32
    %dma_wait3A_32 = tpu.memref_slice %arg2[%dma_wait3A_30, %dma_wait3A_31] : memref<10240x128xf32, #tpu.memory_space<hbm>> -> memref<80x128xf32, #tpu.memory_space<hbm>>
    tpu.wait_dma2 semaphore(%arg16 : memref<!tpu.dma_semaphore, #tpu.memory_space<semaphore_mem>>) src(%dma_wait3A_32 : memref<80x128xf32, #tpu.memory_space<hbm>>) dst(%arg10 : memref<80x128xf32, #tpu.memory_space<vmem>>)
    %dma_wait3A_33 = arith.constant 0 : i32
    %dma_wait3A_34 = arith.constant 0 : i32
    %dma_wait3A_35 = tpu.memref_slice %arg2[%dma_wait3A_33, %dma_wait3A_34] : memref<10240x128xf32, #tpu.memory_space<hbm>> -> memref<80x128xf32, #tpu.memory_space<hbm>>
    %dma_wait3A_36 = arith.constant 0 : i32
    %dma_wait3A_37 = arith.constant 0 : i32
    %dma_wait3A_38 = tpu.memref_slice %arg2[%dma_wait3A_36, %dma_wait3A_37] : memref<10240x128xf32, #tpu.memory_space<hbm>> -> memref<80x128xf32, #tpu.memory_space<hbm>>
    tpu.wait_dma2 semaphore(%arg16 : memref<!tpu.dma_semaphore, #tpu.memory_space<semaphore_mem>>) src(%dma_wait3A_38 : memref<80x128xf32, #tpu.memory_space<hbm>>) dst(%arg12 : memref<80x128xf32, #tpu.memory_space<vmem>>)
    %scan3A_39 = arith.constant 0 : i32
    %scan3A_40 = arith.constant 0 : i32
    %scan3A_41 = arith.constant 80 : i32
    %scan3A_42 = arith.addi %scan3A_40, %scan3A_41 : i32
    %scan3A_43 = arith.constant 1 : i32
    scf.for %scan3A_63 = %scan3A_40 to %scan3A_42 step %scan3A_43  : i32 {
      %get3A = arith.index_cast %scan3A_63 : i32 to index
      %get3A_64 = arith.constant 0 : index
      %get3A_65 = tpu.vector_load %arg10[%get3A, %get3A_64] {strides = array<i32>} : memref<80x128xf32, #tpu.memory_space<vmem>>, vector<1x16xf32>,
      %get3A_66 = vector.shape_cast %get3A_65 : vector<1x16xf32> to vector<16xf32>
      %get3A_67 = arith.index_cast %scan3A_63 : i32 to index
      %get3A_68 = arith.constant 64 : index
      %get3A_69 = tpu.vector_load %arg12[%get3A_67, %get3A_68] {strides = array<i32>} : memref<80x128xf32, #tpu.memory_space<vmem>>, vector<1x16xf32>,
      %get3A_70 = vector.shape_cast %get3A_69 : vector<1x16xf32> to vector<16xf32>
      %add3A_71 = arith.addf %get3A_66, %get3A_70 : vector<16xf32>
      %swap3A = arith.index_cast %scan3A_63 : i32 to index
      %swap3A_72 = arith.constant 0 : index
      %swap3A_73 = tpu.vector_load %arg14[%swap3A, %swap3A_72] {strides = array<i32>} : memref<80x64xf32, #tpu.memory_space<vmem>>, vector<1x16xf32>,
      %swap3A_74 = vector.shape_cast %swap3A_73 : vector<1x16xf32> to vector<16xf32>
      %swap3A_75 = vector.shape_cast %add3A_71 : vector<16xf32> to vector<1x16xf32>
      tpu.vector_store %arg14[%swap3A, %swap3A_72], %swap3A_75 {strides = array<i32>} : memref<80x64xf32, #tpu.memory_space<vmem>>, vector<1x16xf32>,
      %get3A_76 = arith.index_cast %scan3A_63 : i32 to index
      %get3A_77 = arith.constant 16 : index
      %get3A_78 = tpu.vector_load %arg10[%get3A_76, %get3A_77] {strides = array<i32>} : memref<80x128xf32, #tpu.memory_space<vmem>>, vector<1x16xf32>,
      %get3A_79 = vector.shape_cast %get3A_78 : vector<1x16xf32> to vector<16xf32>
      %get3A_80 = arith.index_cast %scan3A_63 : i32 to index
      %get3A_81 = arith.constant 80 : index
      %get3A_82 = tpu.vector_load %arg12[%get3A_80, %get3A_81] {strides = array<i32>} : memref<80x128xf32, #tpu.memory_space<vmem>>, vector<1x16xf32>,
      %get3A_83 = vector.shape_cast %get3A_82 : vector<1x16xf32> to vector<16xf32>
      %add3A_84 = arith.addf %get3A_79, %get3A_83 : vector<16xf32>
      %swap3A_85 = arith.index_cast %scan3A_63 : i32 to index
      %swap3A_86 = arith.constant 16 : index
      %swap3A_87 = tpu.vector_load %arg14[%swap3A_85, %swap3A_86] {strides = array<i32>} : memref<80x64xf32, #tpu.memory_space<vmem>>, vector<1x16xf32>,
      %swap3A_88 = vector.shape_cast %swap3A_87 : vector<1x16xf32> to vector<16xf32>
      %swap3A_89 = vector.shape_cast %add3A_84 : vector<16xf32> to vector<1x16xf32>
      tpu.vector_store %arg14[%swap3A_85, %swap3A_86], %swap3A_89 {strides = array<i32>} : memref<80x64xf32, #tpu.memory_space<vmem>>, vector<1x16xf32>,
      %get3A_90 = arith.index_cast %scan3A_63 : i32 to index
      %get3A_91 = arith.constant 32 : index
      %get3A_92 = tpu.vector_load %arg10[%get3A_90, %get3A_91] {strides = array<i32>} : memref<80x128xf32, #tpu.memory_space<vmem>>, vector<1x16xf32>,
      %get3A_93 = vector.shape_cast %get3A_92 : vector<1x16xf32> to vector<16xf32>
      %get3A_94 = arith.index_cast %scan3A_63 : i32 to index
      %get3A_95 = arith.constant 96 : index
      %get3A_96 = tpu.vector_load %arg12[%get3A_94, %get3A_95] {strides = array<i32>} : memref<80x128xf32, #tpu.memory_space<vmem>>, vector<1x16xf32>,
      %get3A_97 = vector.shape_cast %get3A_96 : vector<1x16xf32> to vector<16xf32>
      %add3A_98 = arith.addf %get3A_93, %get3A_97 : vector<16xf32>
      %swap3A_99 = arith.index_cast %scan3A_63 : i32 to index
      %swap3A_100 = arith.constant 32 : index
      %swap3A_101 = tpu.vector_load %arg14[%swap3A_99, %swap3A_100] {strides = array<i32>} : memref<80x64xf32, #tpu.memory_space<vmem>>, vector<1x16xf32>,
      %swap3A_102 = vector.shape_cast %swap3A_101 : vector<1x16xf32> to vector<16xf32>
      %swap3A_103 = vector.shape_cast %add3A_98 : vector<16xf32> to vector<1x16xf32>
      tpu.vector_store %arg14[%swap3A_99, %swap3A_100], %swap3A_103 {strides = array<i32>} : memref<80x64xf32, #tpu.memory_space<vmem>>, vector<1x16xf32>,
      %get3A_104 = arith.index_cast %scan3A_63 : i32 to index
      %get3A_105 = arith.constant 48 : index
      %get3A_106 = tpu.vector_load %arg10[%get3A_104, %get3A_105] {strides = array<i32>} : memref<80x128xf32, #tpu.memory_space<vmem>>, vector<1x16xf32>,
      %get3A_107 = vector.shape_cast %get3A_106 : vector<1x16xf32> to vector<16xf32>
      %get3A_108 = arith.index_cast %scan3A_63 : i32 to index
      %get3A_109 = arith.constant 112 : index
      %get3A_110 = tpu.vector_load %arg12[%get3A_108, %get3A_109] {strides = array<i32>} : memref<80x128xf32, #tpu.memory_space<vmem>>, vector<1x16xf32>,
      %get3A_111 = vector.shape_cast %get3A_110 : vector<1x16xf32> to vector<16xf32>
      %add3A_112 = arith.addf %get3A_107, %get3A_111 : vector<16xf32>
      %swap3A_113 = arith.index_cast %scan3A_63 : i32 to index
      %swap3A_114 = arith.constant 48 : index
      %swap3A_115 = tpu.vector_load %arg14[%swap3A_113, %swap3A_114] {strides = array<i32>} : memref<80x64xf32, #tpu.memory_space<vmem>>, vector<1x16xf32>,
      %swap3A_116 = vector.shape_cast %swap3A_115 : vector<1x16xf32> to vector<16xf32>
      %swap3A_117 = vector.shape_cast %add3A_112 : vector<16xf32> to vector<1x16xf32>
      tpu.vector_store %arg14[%swap3A_113, %swap3A_114], %swap3A_117 {strides = array<i32>} : memref<80x64xf32, #tpu.memory_space<vmem>>, vector<1x16xf32>,
    }
    %scan3A_44 = arith.constant 80 : i32
    %dma_start3A_45 = arith.constant 0 : i32
    %dma_start3A_46 = tpu.memref_slice %arg5[%sub3A_5, %dma_start3A_45] : memref<320000x64xf32, #tpu.memory_space<hbm>> -> memref<80x64xf32, #tpu.memory_space<hbm>>
    %dma_start3A_47 = arith.constant 0 : i32
    %dma_start3A_48 = tpu.memref_slice %arg5[%sub3A_5, %dma_start3A_47] : memref<320000x64xf32, #tpu.memory_space<hbm>> -> memref<80x64xf32, #tpu.memory_space<hbm>>
    tpu.enqueue_dma source(%arg14 : memref<80x64xf32, #tpu.memory_space<vmem>>) target(%dma_start3A_48 : memref<80x64xf32, #tpu.memory_space<hbm>>) target_semaphore(%arg20 : memref<!tpu.dma_semaphore, #tpu.memory_space<semaphore_mem>>)
    %dma_wait3A_49 = arith.constant 0 : i32
    %dma_wait3A_50 = tpu.memref_slice %arg3[%dma_wait3A_49] : memref<320000xi32, #tpu.memory_space<hbm>> -> memref<80xi32, #tpu.memory_space<hbm>>
    %dma_wait3A_51 = arith.constant 0 : i32
    %dma_wait3A_52 = tpu.memref_slice %arg3[%dma_wait3A_51] : memref<320000xi32, #tpu.memory_space<hbm>> -> memref<80xi32, #tpu.memory_space<hbm>>
    tpu.wait_dma2 semaphore(%arg19 : memref<!tpu.dma_semaphore, #tpu.memory_space<semaphore_mem>>) src(%dma_wait3A_52 : memref<80xi32, #tpu.memory_space<hbm>>) dst(%arg7 : memref<80xi32, #tpu.memory_space<vmem>>)
    %dma_wait3A_53 = arith.constant 0 : i32
    %dma_wait3A_54 = tpu.memref_slice %arg4[%dma_wait3A_53] : memref<320000xi32, #tpu.memory_space<hbm>> -> memref<80xi32, #tpu.memory_space<hbm>>
    %dma_wait3A_55 = arith.constant 0 : i32
    %dma_wait3A_56 = tpu.memref_slice %arg4[%dma_wait3A_55] : memref<320000xi32, #tpu.memory_space<hbm>> -> memref<80xi32, #tpu.memory_space<hbm>>
    tpu.wait_dma2 semaphore(%arg19 : memref<!tpu.dma_semaphore, #tpu.memory_space<semaphore_mem>>) src(%dma_wait3A_56 : memref<80xi32, #tpu.memory_space<hbm>>) dst(%arg9 : memref<80xi32, #tpu.memory_space<vmem>>)
    %dma_wait3A_57 = arith.constant 0 : i32
    %dma_wait3A_58 = arith.constant 0 : i32
    %dma_wait3A_59 = tpu.memref_slice %arg5[%dma_wait3A_57, %dma_wait3A_58] : memref<320000x64xf32, #tpu.memory_space<hbm>> -> memref<80x64xf32, #tpu.memory_space<hbm>>
    %dma_wait3A_60 = arith.constant 0 : i32
    %dma_wait3A_61 = arith.constant 0 : i32
    %dma_wait3A_62 = tpu.memref_slice %arg5[%dma_wait3A_60, %dma_wait3A_61] : memref<320000x64xf32, #tpu.memory_space<hbm>> -> memref<80x64xf32, #tpu.memory_space<hbm>>
    tpu.wait_dma2 semaphore(%arg20 : memref<!tpu.dma_semaphore, #tpu.memory_space<semaphore_mem>>) src(%arg14 : memref<80x64xf32, #tpu.memory_space<vmem>>) dst(%dma_wait3A_62 : memref<80x64xf32, #tpu.memory_space<hbm>>)
    return
  }
}

#map = affine_map<(d0, d1) -> (0)>
module attributes {stable_mosaic.version = 14 : i64} {
  func.func @sc_msg_scatter(%arg0: i32, %arg1: i32, %arg2: memref<320000xf32, #tpu.memory_space<hbm>>, %arg3: memref<320000xi32, #tpu.memory_space<hbm>>, %arg4: memref<10240xf32, #tpu.memory_space<hbm>>, %arg5: memref<20480xf32, #tpu.memory_space<hbm>>, %arg6: memref<10240xf32, #tpu.memory_space<vmem_shared>>, %arg7: memref<80xi32, #tpu.memory_space<vmem>>, %arg8: memref<80xi32, #tpu.memory_space<vmem>>, %arg9: memref<80xf32, #tpu.memory_space<vmem>>, %arg10: memref<80xf32, #tpu.memory_space<vmem>>, %arg11: memref<!tpu.dma_semaphore, #tpu.memory_space<semaphore_mem>>, %arg12: memref<!tpu.dma_semaphore, #tpu.memory_space<semaphore_mem>>) attributes {dimension_semantics = [#tpu.dimension_semantics<core_parallel>, #tpu.dimension_semantics<subcore_parallel>], iteration_bounds = array<i64: 2, 16>, scalar_prefetch = 0 : i64, scratch_operands = 7 : i64, tpu.core_type = #tpu.core_type<sc_vector_subcore>, window_params = [{transform_indices = #map}, {transform_indices = #map}, {transform_indices = #map}, {transform_indices = #map}]} {
    %mul3A = arith.constant 16 : i32
    %mul3A_0 = arith.muli %arg0, %mul3A : i32
    %add3A = arith.addi %mul3A_0, %arg1 : i32
    %mul3A_1 = arith.constant 640 : i32
    %mul3A_2 = arith.muli %arg1, %mul3A_1 : i32
    "tpu.region"() ({
      %run_scoped3A = tpu.sem_alloc : memref<!tpu.dma_semaphore, #tpu.memory_space<semaphore_mem>>
      %dma_start3A_24 = tpu.memref_slice %arg6[%mul3A_2] : memref<10240xf32, #tpu.memory_space<vmem_shared>> -> memref<640xf32, #tpu.memory_space<vmem_shared>>
      %dma_start3A_25 = tpu.memref_slice %arg4[%mul3A_2] : memref<10240xf32, #tpu.memory_space<hbm>> -> memref<640xf32, #tpu.memory_space<hbm>>
      tpu.enqueue_dma source(%dma_start3A_25 : memref<640xf32, #tpu.memory_space<hbm>>) target(%dma_start3A_24 : memref<640xf32, #tpu.memory_space<vmem_shared>>) target_semaphore(%run_scoped3A : memref<!tpu.dma_semaphore, #tpu.memory_space<semaphore_mem>>)
      %dma_wait3A_26 = tpu.memref_slice %arg6[%mul3A_2] : memref<10240xf32, #tpu.memory_space<vmem_shared>> -> memref<640xf32, #tpu.memory_space<vmem_shared>>
      %dma_wait3A_27 = tpu.memref_slice %arg4[%mul3A_2] : memref<10240xf32, #tpu.memory_space<hbm>> -> memref<640xf32, #tpu.memory_space<hbm>>
      tpu.wait_dma2 semaphore(%run_scoped3A : memref<!tpu.dma_semaphore, #tpu.memory_space<semaphore_mem>>) src(%dma_wait3A_27 : memref<640xf32, #tpu.memory_space<hbm>>) dst(%dma_wait3A_26 : memref<640xf32, #tpu.memory_space<vmem_shared>>)
      tpu.yield
    }) : () -> ()
    %barrier3A = arith.constant 0 : index
    tpu.barrier barrier_id(%barrier3A)
    %mul3A_3 = arith.constant 10000 : i32
    %mul3A_4 = arith.muli %add3A, %mul3A_3 : i32
    %dma_start3A = tpu.memref_slice %arg3[%mul3A_4] : memref<320000xi32, #tpu.memory_space<hbm>> -> memref<80xi32, #tpu.memory_space<hbm>>
    %dma_start3A_5 = tpu.memref_slice %arg3[%mul3A_4] : memref<320000xi32, #tpu.memory_space<hbm>> -> memref<80xi32, #tpu.memory_space<hbm>>
    tpu.enqueue_dma source(%dma_start3A_5 : memref<80xi32, #tpu.memory_space<hbm>>) target(%arg7 : memref<80xi32, #tpu.memory_space<vmem>>) target_semaphore(%arg11 : memref<!tpu.dma_semaphore, #tpu.memory_space<semaphore_mem>>)
    %dma_start3A_6 = tpu.memref_slice %arg2[%mul3A_4] : memref<320000xf32, #tpu.memory_space<hbm>> -> memref<80xf32, #tpu.memory_space<hbm>>
    %dma_start3A_7 = tpu.memref_slice %arg2[%mul3A_4] : memref<320000xf32, #tpu.memory_space<hbm>> -> memref<80xf32, #tpu.memory_space<hbm>>
    tpu.enqueue_dma source(%dma_start3A_7 : memref<80xf32, #tpu.memory_space<hbm>>) target(%arg9 : memref<80xf32, #tpu.memory_space<vmem>>) target_semaphore(%arg11 : memref<!tpu.dma_semaphore, #tpu.memory_space<semaphore_mem>>)
    %scan3A = arith.constant 0 : i32
    %scan3A_8 = arith.constant 0 : i32
    %scan3A_9 = arith.constant 62 : i32
    %scan3A_10 = arith.addi %scan3A_8, %scan3A_9 : i32
    %scan3A_11 = arith.constant 1 : i32
    scf.for %scan3A_24 = %scan3A_8 to %scan3A_10 step %scan3A_11  : i32 {
      %mul3A_25 = arith.constant 2 : i32
      %mul3A_26 = arith.muli %mul3A_25, %scan3A_24 : i32
      %add3A_27 = arith.constant 0 : i32
      %add3A_28 = arith.addi %mul3A_26, %add3A_27 : i32
      %add3A_29 = arith.constant 1 : i32
      %add3A_30 = arith.addi %add3A_28, %add3A_29 : i32
      %mul3A_31 = arith.constant 80 : i32
      %mul3A_32 = arith.muli %add3A_30, %mul3A_31 : i32
      %add3A_33 = arith.addi %mul3A_4, %mul3A_32 : i32
      %dma_start3A_34 = tpu.memref_slice %arg3[%add3A_33] : memref<320000xi32, #tpu.memory_space<hbm>> -> memref<80xi32, #tpu.memory_space<hbm>>
      %dma_start3A_35 = tpu.memref_slice %arg3[%add3A_33] : memref<320000xi32, #tpu.memory_space<hbm>> -> memref<80xi32, #tpu.memory_space<hbm>>
      tpu.enqueue_dma source(%dma_start3A_35 : memref<80xi32, #tpu.memory_space<hbm>>) target(%arg8 : memref<80xi32, #tpu.memory_space<vmem>>) target_semaphore(%arg12 : memref<!tpu.dma_semaphore, #tpu.memory_space<semaphore_mem>>)
      %dma_start3A_36 = tpu.memref_slice %arg2[%add3A_33] : memref<320000xf32, #tpu.memory_space<hbm>> -> memref<80xf32, #tpu.memory_space<hbm>>
      %dma_start3A_37 = tpu.memref_slice %arg2[%add3A_33] : memref<320000xf32, #tpu.memory_space<hbm>> -> memref<80xf32, #tpu.memory_space<hbm>>
      tpu.enqueue_dma source(%dma_start3A_37 : memref<80xf32, #tpu.memory_space<hbm>>) target(%arg10 : memref<80xf32, #tpu.memory_space<vmem>>) target_semaphore(%arg12 : memref<!tpu.dma_semaphore, #tpu.memory_space<semaphore_mem>>)
      %dma_wait3A_38 = arith.constant 0 : i32
      %dma_wait3A_39 = tpu.memref_slice %arg3[%dma_wait3A_38] : memref<320000xi32, #tpu.memory_space<hbm>> -> memref<80xi32, #tpu.memory_space<hbm>>
      %dma_wait3A_40 = arith.constant 0 : i32
      %dma_wait3A_41 = tpu.memref_slice %arg3[%dma_wait3A_40] : memref<320000xi32, #tpu.memory_space<hbm>> -> memref<80xi32, #tpu.memory_space<hbm>>
      tpu.wait_dma2 semaphore(%arg11 : memref<!tpu.dma_semaphore, #tpu.memory_space<semaphore_mem>>) src(%dma_wait3A_41 : memref<80xi32, #tpu.memory_space<hbm>>) dst(%arg7 : memref<80xi32, #tpu.memory_space<vmem>>)
      %dma_wait3A_42 = arith.constant 0 : i32
      %dma_wait3A_43 = tpu.memref_slice %arg2[%dma_wait3A_42] : memref<320000xf32, #tpu.memory_space<hbm>> -> memref<80xf32, #tpu.memory_space<hbm>>
      %dma_wait3A_44 = arith.constant 0 : i32
      %dma_wait3A_45 = tpu.memref_slice %arg2[%dma_wait3A_44] : memref<320000xf32, #tpu.memory_space<hbm>> -> memref<80xf32, #tpu.memory_space<hbm>>
      tpu.wait_dma2 semaphore(%arg11 : memref<!tpu.dma_semaphore, #tpu.memory_space<semaphore_mem>>) src(%dma_wait3A_45 : memref<80xf32, #tpu.memory_space<hbm>>) dst(%arg9 : memref<80xf32, #tpu.memory_space<vmem>>)
      "tpu.region"() ({
        %run_scoped3A = tpu.sem_alloc : memref<!tpu.dma_semaphore, #tpu.memory_space<semaphore_mem>>
        %dma_start3A_67 = arith.constant 0 : i32
        %dma_start3A_68 = tpu.memref_slice %arg6[%dma_start3A_67] : memref<10240xf32, #tpu.memory_space<vmem_shared>> -> memref<10240xf32, #tpu.memory_space<vmem_shared>>
        tpu.enqueue_indirect_dma source(%arg9 : memref<80xf32, #tpu.memory_space<vmem>>) target(%dma_start3A_68 : memref<10240xf32, #tpu.memory_space<vmem_shared>>) offsets(%arg7 : memref<80xi32, #tpu.memory_space<vmem>>) semaphore(%run_scoped3A : memref<!tpu.dma_semaphore, #tpu.memory_space<semaphore_mem>>) {add = true}
        %dma_wait3A_69 = arith.constant 0 : i32
        %dma_wait3A_70 = tpu.memref_slice %arg6[%dma_wait3A_69] : memref<10240xf32, #tpu.memory_space<vmem_shared>> -> memref<10240xf32, #tpu.memory_space<vmem_shared>>
        tpu.wait_indirect_dma semaphore(%run_scoped3A : memref<!tpu.dma_semaphore, #tpu.memory_space<semaphore_mem>>) src(%arg9 : memref<80xf32, #tpu.memory_space<vmem>>) dst(%dma_wait3A_70 : memref<10240xf32, #tpu.memory_space<vmem_shared>>)
        tpu.yield
      }) : () -> ()
      %mul3A_46 = arith.constant 2 : i32
      %mul3A_47 = arith.muli %mul3A_46, %scan3A_24 : i32
      %add3A_48 = arith.constant 1 : i32
      %add3A_49 = arith.addi %mul3A_47, %add3A_48 : i32
      %add3A_50 = arith.constant 1 : i32
      %add3A_51 = arith.addi %add3A_49, %add3A_50 : i32
      %mul3A_52 = arith.constant 80 : i32
      %mul3A_53 = arith.muli %add3A_51, %mul3A_52 : i32
      %add3A_54 = arith.addi %mul3A_4, %mul3A_53 : i32
      %dma_start3A_55 = tpu.memref_slice %arg3[%add3A_54] : memref<320000xi32, #tpu.memory_space<hbm>> -> memref<80xi32, #tpu.memory_space<hbm>>
      %dma_start3A_56 = tpu.memref_slice %arg3[%add3A_54] : memref<320000xi32, #tpu.memory_space<hbm>> -> memref<80xi32, #tpu.memory_space<hbm>>
      tpu.enqueue_dma source(%dma_start3A_56 : memref<80xi32, #tpu.memory_space<hbm>>) target(%arg7 : memref<80xi32, #tpu.memory_space<vmem>>) target_semaphore(%arg11 : memref<!tpu.dma_semaphore, #tpu.memory_space<semaphore_mem>>)
      %dma_start3A_57 = tpu.memref_slice %arg2[%add3A_54] : memref<320000xf32, #tpu.memory_space<hbm>> -> memref<80xf32, #tpu.memory_space<hbm>>
      %dma_start3A_58 = tpu.memref_slice %arg2[%add3A_54] : memref<320000xf32, #tpu.memory_space<hbm>> -> memref<80xf32, #tpu.memory_space<hbm>>
      tpu.enqueue_dma source(%dma_start3A_58 : memref<80xf32, #tpu.memory_space<hbm>>) target(%arg9 : memref<80xf32, #tpu.memory_space<vmem>>) target_semaphore(%arg11 : memref<!tpu.dma_semaphore, #tpu.memory_space<semaphore_mem>>)
      %dma_wait3A_59 = arith.constant 0 : i32
      %dma_wait3A_60 = tpu.memref_slice %arg3[%dma_wait3A_59] : memref<320000xi32, #tpu.memory_space<hbm>> -> memref<80xi32, #tpu.memory_space<hbm>>
      %dma_wait3A_61 = arith.constant 0 : i32
      %dma_wait3A_62 = tpu.memref_slice %arg3[%dma_wait3A_61] : memref<320000xi32, #tpu.memory_space<hbm>> -> memref<80xi32, #tpu.memory_space<hbm>>
      tpu.wait_dma2 semaphore(%arg12 : memref<!tpu.dma_semaphore, #tpu.memory_space<semaphore_mem>>) src(%dma_wait3A_62 : memref<80xi32, #tpu.memory_space<hbm>>) dst(%arg8 : memref<80xi32, #tpu.memory_space<vmem>>)
      %dma_wait3A_63 = arith.constant 0 : i32
      %dma_wait3A_64 = tpu.memref_slice %arg2[%dma_wait3A_63] : memref<320000xf32, #tpu.memory_space<hbm>> -> memref<80xf32, #tpu.memory_space<hbm>>
      %dma_wait3A_65 = arith.constant 0 : i32
      %dma_wait3A_66 = tpu.memref_slice %arg2[%dma_wait3A_65] : memref<320000xf32, #tpu.memory_space<hbm>> -> memref<80xf32, #tpu.memory_space<hbm>>
      tpu.wait_dma2 semaphore(%arg12 : memref<!tpu.dma_semaphore, #tpu.memory_space<semaphore_mem>>) src(%dma_wait3A_66 : memref<80xf32, #tpu.memory_space<hbm>>) dst(%arg10 : memref<80xf32, #tpu.memory_space<vmem>>)
      "tpu.region"() ({
        %run_scoped3A = tpu.sem_alloc : memref<!tpu.dma_semaphore, #tpu.memory_space<semaphore_mem>>
        %dma_start3A_67 = arith.constant 0 : i32
        %dma_start3A_68 = tpu.memref_slice %arg6[%dma_start3A_67] : memref<10240xf32, #tpu.memory_space<vmem_shared>> -> memref<10240xf32, #tpu.memory_space<vmem_shared>>
        tpu.enqueue_indirect_dma source(%arg10 : memref<80xf32, #tpu.memory_space<vmem>>) target(%dma_start3A_68 : memref<10240xf32, #tpu.memory_space<vmem_shared>>) offsets(%arg8 : memref<80xi32, #tpu.memory_space<vmem>>) semaphore(%run_scoped3A : memref<!tpu.dma_semaphore, #tpu.memory_space<semaphore_mem>>) {add = true}
        %dma_wait3A_69 = arith.constant 0 : i32
        %dma_wait3A_70 = tpu.memref_slice %arg6[%dma_wait3A_69] : memref<10240xf32, #tpu.memory_space<vmem_shared>> -> memref<10240xf32, #tpu.memory_space<vmem_shared>>
        tpu.wait_indirect_dma semaphore(%run_scoped3A : memref<!tpu.dma_semaphore, #tpu.memory_space<semaphore_mem>>) src(%arg10 : memref<80xf32, #tpu.memory_space<vmem>>) dst(%dma_wait3A_70 : memref<10240xf32, #tpu.memory_space<vmem_shared>>)
        tpu.yield
      }) : () -> ()
    }
    %scan3A_12 = arith.constant 62 : i32
    %dma_wait3A = arith.constant 0 : i32
    %dma_wait3A_13 = tpu.memref_slice %arg3[%dma_wait3A] : memref<320000xi32, #tpu.memory_space<hbm>> -> memref<80xi32, #tpu.memory_space<hbm>>
    %dma_wait3A_14 = arith.constant 0 : i32
    %dma_wait3A_15 = tpu.memref_slice %arg3[%dma_wait3A_14] : memref<320000xi32, #tpu.memory_space<hbm>> -> memref<80xi32, #tpu.memory_space<hbm>>
    tpu.wait_dma2 semaphore(%arg11 : memref<!tpu.dma_semaphore, #tpu.memory_space<semaphore_mem>>) src(%dma_wait3A_15 : memref<80xi32, #tpu.memory_space<hbm>>) dst(%arg7 : memref<80xi32, #tpu.memory_space<vmem>>)
    %dma_wait3A_16 = arith.constant 0 : i32
    %dma_wait3A_17 = tpu.memref_slice %arg2[%dma_wait3A_16] : memref<320000xf32, #tpu.memory_space<hbm>> -> memref<80xf32, #tpu.memory_space<hbm>>
    %dma_wait3A_18 = arith.constant 0 : i32
    %dma_wait3A_19 = tpu.memref_slice %arg2[%dma_wait3A_18] : memref<320000xf32, #tpu.memory_space<hbm>> -> memref<80xf32, #tpu.memory_space<hbm>>
    tpu.wait_dma2 semaphore(%arg11 : memref<!tpu.dma_semaphore, #tpu.memory_space<semaphore_mem>>) src(%dma_wait3A_19 : memref<80xf32, #tpu.memory_space<hbm>>) dst(%arg9 : memref<80xf32, #tpu.memory_space<vmem>>)
    "tpu.region"() ({
      %run_scoped3A = tpu.sem_alloc : memref<!tpu.dma_semaphore, #tpu.memory_space<semaphore_mem>>
      %dma_start3A_24 = arith.constant 0 : i32
      %dma_start3A_25 = tpu.memref_slice %arg6[%dma_start3A_24] : memref<10240xf32, #tpu.memory_space<vmem_shared>> -> memref<10240xf32, #tpu.memory_space<vmem_shared>>
      tpu.enqueue_indirect_dma source(%arg9 : memref<80xf32, #tpu.memory_space<vmem>>) target(%dma_start3A_25 : memref<10240xf32, #tpu.memory_space<vmem_shared>>) offsets(%arg7 : memref<80xi32, #tpu.memory_space<vmem>>) semaphore(%run_scoped3A : memref<!tpu.dma_semaphore, #tpu.memory_space<semaphore_mem>>) {add = true}
      %dma_wait3A_26 = arith.constant 0 : i32
      %dma_wait3A_27 = tpu.memref_slice %arg6[%dma_wait3A_26] : memref<10240xf32, #tpu.memory_space<vmem_shared>> -> memref<10240xf32, #tpu.memory_space<vmem_shared>>
      tpu.wait_indirect_dma semaphore(%run_scoped3A : memref<!tpu.dma_semaphore, #tpu.memory_space<semaphore_mem>>) src(%arg9 : memref<80xf32, #tpu.memory_space<vmem>>) dst(%dma_wait3A_27 : memref<10240xf32, #tpu.memory_space<vmem_shared>>)
      tpu.yield
    }) : () -> ()
    %barrier3A_20 = arith.constant 0 : index
    tpu.barrier barrier_id(%barrier3A_20)
    %mul3A_21 = arith.constant 10240 : i32
    %mul3A_22 = arith.muli %arg0, %mul3A_21 : i32
    %add3A_23 = arith.addi %mul3A_22, %mul3A_2 : i32
    "tpu.region"() ({
      %run_scoped3A = tpu.sem_alloc : memref<!tpu.dma_semaphore, #tpu.memory_space<semaphore_mem>>
      %dma_start3A_24 = tpu.memref_slice %arg5[%add3A_23] : memref<20480xf32, #tpu.memory_space<hbm>> -> memref<640xf32, #tpu.memory_space<hbm>>
      %dma_start3A_25 = tpu.memref_slice %arg6[%mul3A_2] : memref<10240xf32, #tpu.memory_space<vmem_shared>> -> memref<640xf32, #tpu.memory_space<vmem_shared>>
      tpu.enqueue_dma source(%dma_start3A_25 : memref<640xf32, #tpu.memory_space<vmem_shared>>) target(%dma_start3A_24 : memref<640xf32, #tpu.memory_space<hbm>>) target_semaphore(%run_scoped3A : memref<!tpu.dma_semaphore, #tpu.memory_space<semaphore_mem>>)
      %dma_wait3A_26 = tpu.memref_slice %arg5[%add3A_23] : memref<20480xf32, #tpu.memory_space<hbm>> -> memref<640xf32, #tpu.memory_space<hbm>>
      %dma_wait3A_27 = tpu.memref_slice %arg6[%mul3A_2] : memref<10240xf32, #tpu.memory_space<vmem_shared>> -> memref<640xf32, #tpu.memory_space<vmem_shared>>
      tpu.wait_dma2 semaphore(%run_scoped3A : memref<!tpu.dma_semaphore, #tpu.memory_space<semaphore_mem>>) src(%dma_wait3A_27 : memref<640xf32, #tpu.memory_space<vmem_shared>>) dst(%dma_wait3A_26 : memref<640xf32, #tpu.memory_space<hbm>>)
      tpu.yield
    }) : () -> ()
    return
  }
}

#map = affine_map<(d0, d1) -> (0)>
module attributes {stable_mosaic.version = 14 : i64} {
  func.func @sc_pred_den(%arg0: i32, %arg1: i32, %arg2: memref<20480xf32, #tpu.memory_space<hbm>>, %arg3: memref<10240xf32, #tpu.memory_space<hbm>>, %arg4: memref<10240xf32, #tpu.memory_space<hbm>>, %arg5: memref<320xf32, #tpu.memory_space<vmem>>, %arg6: memref<320xf32, #tpu.memory_space<vmem>>, %arg7: memref<320xf32, #tpu.memory_space<vmem>>) attributes {dimension_semantics = [#tpu.dimension_semantics<core_parallel>, #tpu.dimension_semantics<subcore_parallel>], iteration_bounds = array<i64: 2, 16>, scalar_prefetch = 0 : i64, scratch_operands = 3 : i64, tpu.core_type = #tpu.core_type<sc_vector_subcore>, window_params = [{transform_indices = #map}, {transform_indices = #map}, {transform_indices = #map}]} {
    %mul3A = arith.constant 16 : i32
    %mul3A_0 = arith.muli %arg0, %mul3A : i32
    %add3A = arith.addi %mul3A_0, %arg1 : i32
    %mul3A_1 = arith.constant 320 : i32
    %mul3A_2 = arith.muli %add3A, %mul3A_1 : i32
    "tpu.region"() ({
      %run_scoped3A = tpu.sem_alloc : memref<!tpu.dma_semaphore, #tpu.memory_space<semaphore_mem>>
      %dma_start3A = tpu.memref_slice %arg2[%mul3A_2] : memref<20480xf32, #tpu.memory_space<hbm>> -> memref<320xf32, #tpu.memory_space<hbm>>
      %dma_start3A_10 = tpu.memref_slice %arg2[%mul3A_2] : memref<20480xf32, #tpu.memory_space<hbm>> -> memref<320xf32, #tpu.memory_space<hbm>>
      tpu.enqueue_dma source(%dma_start3A_10 : memref<320xf32, #tpu.memory_space<hbm>>) target(%arg5 : memref<320xf32, #tpu.memory_space<vmem>>) target_semaphore(%run_scoped3A : memref<!tpu.dma_semaphore, #tpu.memory_space<semaphore_mem>>)
      %dma_wait3A = tpu.memref_slice %arg2[%mul3A_2] : memref<20480xf32, #tpu.memory_space<hbm>> -> memref<320xf32, #tpu.memory_space<hbm>>
      %dma_wait3A_11 = tpu.memref_slice %arg2[%mul3A_2] : memref<20480xf32, #tpu.memory_space<hbm>> -> memref<320xf32, #tpu.memory_space<hbm>>
      tpu.wait_dma2 semaphore(%run_scoped3A : memref<!tpu.dma_semaphore, #tpu.memory_space<semaphore_mem>>) src(%dma_wait3A_11 : memref<320xf32, #tpu.memory_space<hbm>>) dst(%arg5 : memref<320xf32, #tpu.memory_space<vmem>>)
      tpu.yield
    }) : () -> ()
    %add3A_3 = arith.constant 10240 : i32
    %add3A_4 = arith.addi %add3A_3, %mul3A_2 : i32
    "tpu.region"() ({
      %run_scoped3A = tpu.sem_alloc : memref<!tpu.dma_semaphore, #tpu.memory_space<semaphore_mem>>
      %dma_start3A = tpu.memref_slice %arg2[%add3A_4] : memref<20480xf32, #tpu.memory_space<hbm>> -> memref<320xf32, #tpu.memory_space<hbm>>
      %dma_start3A_10 = tpu.memref_slice %arg2[%add3A_4] : memref<20480xf32, #tpu.memory_space<hbm>> -> memref<320xf32, #tpu.memory_space<hbm>>
      tpu.enqueue_dma source(%dma_start3A_10 : memref<320xf32, #tpu.memory_space<hbm>>) target(%arg6 : memref<320xf32, #tpu.memory_space<vmem>>) target_semaphore(%run_scoped3A : memref<!tpu.dma_semaphore, #tpu.memory_space<semaphore_mem>>)
      %dma_wait3A = tpu.memref_slice %arg2[%add3A_4] : memref<20480xf32, #tpu.memory_space<hbm>> -> memref<320xf32, #tpu.memory_space<hbm>>
      %dma_wait3A_11 = tpu.memref_slice %arg2[%add3A_4] : memref<20480xf32, #tpu.memory_space<hbm>> -> memref<320xf32, #tpu.memory_space<hbm>>
      tpu.wait_dma2 semaphore(%run_scoped3A : memref<!tpu.dma_semaphore, #tpu.memory_space<semaphore_mem>>) src(%dma_wait3A_11 : memref<320xf32, #tpu.memory_space<hbm>>) dst(%arg6 : memref<320xf32, #tpu.memory_space<vmem>>)
      tpu.yield
    }) : () -> ()
    "tpu.region"() ({
      %run_scoped3A = tpu.sem_alloc : memref<!tpu.dma_semaphore, #tpu.memory_space<semaphore_mem>>
      %dma_start3A = tpu.memref_slice %arg3[%mul3A_2] : memref<10240xf32, #tpu.memory_space<hbm>> -> memref<320xf32, #tpu.memory_space<hbm>>
      %dma_start3A_10 = tpu.memref_slice %arg3[%mul3A_2] : memref<10240xf32, #tpu.memory_space<hbm>> -> memref<320xf32, #tpu.memory_space<hbm>>
      tpu.enqueue_dma source(%dma_start3A_10 : memref<320xf32, #tpu.memory_space<hbm>>) target(%arg7 : memref<320xf32, #tpu.memory_space<vmem>>) target_semaphore(%run_scoped3A : memref<!tpu.dma_semaphore, #tpu.memory_space<semaphore_mem>>)
      %dma_wait3A = tpu.memref_slice %arg3[%mul3A_2] : memref<10240xf32, #tpu.memory_space<hbm>> -> memref<320xf32, #tpu.memory_space<hbm>>
      %dma_wait3A_11 = tpu.memref_slice %arg3[%mul3A_2] : memref<10240xf32, #tpu.memory_space<hbm>> -> memref<320xf32, #tpu.memory_space<hbm>>
      tpu.wait_dma2 semaphore(%run_scoped3A : memref<!tpu.dma_semaphore, #tpu.memory_space<semaphore_mem>>) src(%dma_wait3A_11 : memref<320xf32, #tpu.memory_space<hbm>>) dst(%arg7 : memref<320xf32, #tpu.memory_space<vmem>>)
      tpu.yield
    }) : () -> ()
    %scan3A = arith.constant 0 : i32
    %scan3A_5 = arith.constant 0 : i32
    %scan3A_6 = arith.constant 20 : i32
    %scan3A_7 = arith.addi %scan3A_5, %scan3A_6 : i32
    %scan3A_8 = arith.constant 1 : i32
    scf.for %scan3A_10 = %scan3A_5 to %scan3A_7 step %scan3A_8  : i32 {
      %mul3A_11 = arith.constant 16 : i32
      %mul3A_12 = arith.muli %scan3A_10, %mul3A_11 : i32
      %get3A = arith.index_cast %mul3A_12 : i32 to index
      %get3A_13 = tpu.vector_load %arg5[%get3A] {strides = array<i32>} : memref<320xf32, #tpu.memory_space<vmem>>, vector<16xf32>,
      %get3A_14 = vector.shape_cast %get3A_13 : vector<16xf32> to vector<16xf32>
      %get3A_15 = arith.index_cast %mul3A_12 : i32 to index
      %get3A_16 = tpu.vector_load %arg6[%get3A_15] {strides = array<i32>} : memref<320xf32, #tpu.memory_space<vmem>>, vector<16xf32>,
      %get3A_17 = vector.shape_cast %get3A_16 : vector<16xf32> to vector<16xf32>
      %add3A_18 = arith.addf %get3A_14, %get3A_17 : vector<16xf32>
      %get3A_19 = arith.index_cast %mul3A_12 : i32 to index
      %get3A_20 = tpu.vector_load %arg7[%get3A_19] {strides = array<i32>} : memref<320xf32, #tpu.memory_space<vmem>>, vector<16xf32>,
      %get3A_21 = vector.shape_cast %get3A_20 : vector<16xf32> to vector<16xf32>
      %mul3A_22 = arith.mulf %add3A_18, %get3A_21 : vector<16xf32>
      %swap3A = arith.index_cast %mul3A_12 : i32 to index
      %swap3A_23 = tpu.vector_load %arg5[%swap3A] {strides = array<i32>} : memref<320xf32, #tpu.memory_space<vmem>>, vector<16xf32>,
      %swap3A_24 = vector.shape_cast %swap3A_23 : vector<16xf32> to vector<16xf32>
      %swap3A_25 = vector.shape_cast %mul3A_22 : vector<16xf32> to vector<16xf32>
      tpu.vector_store %arg5[%swap3A], %swap3A_25 {strides = array<i32>} : memref<320xf32, #tpu.memory_space<vmem>>, vector<16xf32>,
    }
    %scan3A_9 = arith.constant 20 : i32
    "tpu.region"() ({
      %run_scoped3A = tpu.sem_alloc : memref<!tpu.dma_semaphore, #tpu.memory_space<semaphore_mem>>
      %dma_start3A = tpu.memref_slice %arg4[%mul3A_2] : memref<10240xf32, #tpu.memory_space<hbm>> -> memref<320xf32, #tpu.memory_space<hbm>>
      %dma_start3A_10 = tpu.memref_slice %arg4[%mul3A_2] : memref<10240xf32, #tpu.memory_space<hbm>> -> memref<320xf32, #tpu.memory_space<hbm>>
      tpu.enqueue_dma source(%arg5 : memref<320xf32, #tpu.memory_space<vmem>>) target(%dma_start3A_10 : memref<320xf32, #tpu.memory_space<hbm>>) target_semaphore(%run_scoped3A : memref<!tpu.dma_semaphore, #tpu.memory_space<semaphore_mem>>)
      %dma_wait3A = tpu.memref_slice %arg4[%mul3A_2] : memref<10240xf32, #tpu.memory_space<hbm>> -> memref<320xf32, #tpu.memory_space<hbm>>
      %dma_wait3A_11 = tpu.memref_slice %arg4[%mul3A_2] : memref<10240xf32, #tpu.memory_space<hbm>> -> memref<320xf32, #tpu.memory_space<hbm>>
      tpu.wait_dma2 semaphore(%run_scoped3A : memref<!tpu.dma_semaphore, #tpu.memory_space<semaphore_mem>>) src(%arg5 : memref<320xf32, #tpu.memory_space<vmem>>) dst(%dma_wait3A_11 : memref<320xf32, #tpu.memory_space<hbm>>)
      tpu.yield
    }) : () -> ()
    return
  }
}

module attributes {stable_mosaic.version = 14 : i64} {
  func.func @_tc0_body(%arg0: i32, %arg1: memref<1024x128xf32, #tpu.memory_space<vmem>>, %arg2: memref<1024x128xf32, #tpu.memory_space<vmem>>, %arg3: memref<256x128xf32, #tpu.memory_space<vmem>>, %arg4: memref<256x128xf32, #tpu.memory_space<vmem>>, %arg5: memref<1x128xf32, #tpu.memory_space<vmem>>, %arg6: memref<1024x128xf32, #tpu.memory_space<vmem>>, %arg7: memref<1024x128xf32, #tpu.memory_space<vmem>>) attributes {dimension_semantics = [#tpu.dimension_semantics<arbitrary>], iteration_bounds = array<i64: 10>, scalar_prefetch = 0 : i64, scratch_operands = 0 : i64, tpu.core_type = #tpu.core_type<tc>, window_params = [{transform_indices = @transform_0, window_bounds = array<i64: 1024, 128>}, {transform_indices = @transform_1, window_bounds = array<i64: 1024, 128>}, {pipeline_mode = #tpu.pipeline_mode<synchronous>, transform_indices = @transform_2, window_bounds = array<i64: 256, 128>}, {pipeline_mode = #tpu.pipeline_mode<synchronous>, transform_indices = @transform_3, window_bounds = array<i64: 256, 128>}, {pipeline_mode = #tpu.pipeline_mode<synchronous>, transform_indices = @transform_4, window_bounds = array<i64: 1, 128>}, {transform_indices = @transform_5, window_bounds = array<i64: 1024, 128>}, {transform_indices = @transform_6, window_bounds = array<i64: 1024, 128>}]} {
    %get3A = arith.constant 0 : index
    %get3A_0 = arith.constant 0 : index
    %get3A_1 = vector.load %arg1[%get3A, %get3A_0] : memref<1024x128xf32, #tpu.memory_space<vmem>>, vector<1024x128xf32>
    %get3A_2 = arith.constant 0 : index
    %get3A_3 = arith.constant 0 : index
    %get3A_4 = vector.load %arg2[%get3A_2, %get3A_3] : memref<1024x128xf32, #tpu.memory_space<vmem>>, vector<1024x128xf32>
    %get3A_5 = arith.constant 0 : index
    %get3A_6 = arith.constant 0 : index
    %get3A_7 = vector.load %arg3[%get3A_5, %get3A_6] : memref<256x128xf32, #tpu.memory_space<vmem>>, vector<128x128xf32>
    %dot_general3A = arith.constant dense<0.000000e+00> : vector<1024x128xf32>
    %dot_general3A_8 = tpu.matmul %get3A_1, %get3A_7, %dot_general3A {dimension_numbers = #tpu.dot_dimension_numbers<[1], [0], [0], [1], [0, 0, 1, 1], [], []>, transpose_lhs_hint = false} : vector<1024x128xf32>, vector<128x128xf32>, vector<1024x128xf32> -> vector<1024x128xf32>
    %get3A_9 = arith.constant 128 : index
    %get3A_10 = arith.constant 0 : index
    %get3A_11 = vector.load %arg3[%get3A_9, %get3A_10] : memref<256x128xf32, #tpu.memory_space<vmem>>, vector<128x128xf32>
    %dot_general3A_12 = arith.constant dense<0.000000e+00> : vector<1024x128xf32>
    %dot_general3A_13 = tpu.matmul %get3A_4, %get3A_11, %dot_general3A_12 {dimension_numbers = #tpu.dot_dimension_numbers<[1], [0], [0], [1], [0, 0, 1, 1], [], []>, transpose_lhs_hint = false} : vector<1024x128xf32>, vector<128x128xf32>, vector<1024x128xf32> -> vector<1024x128xf32>
    %add3A = arith.addf %dot_general3A_8, %dot_general3A_13 : vector<1024x128xf32>
    %swap3A = arith.constant 0 : index
    %swap3A_14 = arith.constant 0 : index
    %swap3A_15 = vector.load %arg6[%swap3A, %swap3A_14] : memref<1024x128xf32, #tpu.memory_space<vmem>>, vector<1024x128xf32>
    tpu.vector_store %arg6[%swap3A, %swap3A_14], %add3A {strides = array<i32>} : memref<1024x128xf32, #tpu.memory_space<vmem>>, vector<1024x128xf32>,
    %get3A_16 = arith.constant 0 : index
    %get3A_17 = arith.constant 0 : index
    %get3A_18 = vector.load %arg4[%get3A_16, %get3A_17] : memref<256x128xf32, #tpu.memory_space<vmem>>, vector<128x128xf32>
    %dot_general3A_19 = arith.constant dense<0.000000e+00> : vector<1024x128xf32>
    %dot_general3A_20 = tpu.matmul %get3A_1, %get3A_18, %dot_general3A_19 {dimension_numbers = #tpu.dot_dimension_numbers<[1], [0], [0], [1], [0, 0, 1, 1], [], []>, transpose_lhs_hint = false} : vector<1024x128xf32>, vector<128x128xf32>, vector<1024x128xf32> -> vector<1024x128xf32>
    %get3A_21 = arith.constant 128 : index
    %get3A_22 = arith.constant 0 : index
    %get3A_23 = vector.load %arg4[%get3A_21, %get3A_22] : memref<256x128xf32, #tpu.memory_space<vmem>>, vector<128x128xf32>
    %dot_general3A_24 = arith.constant dense<0.000000e+00> : vector<1024x128xf32>
    %dot_general3A_25 = tpu.matmul %get3A_4, %get3A_23, %dot_general3A_24 {dimension_numbers = #tpu.dot_dimension_numbers<[1], [0], [0], [1], [0, 0, 1, 1], [], []>, transpose_lhs_hint = false} : vector<1024x128xf32>, vector<128x128xf32>, vector<1024x128xf32> -> vector<1024x128xf32>
    %add3A_26 = arith.addf %dot_general3A_20, %dot_general3A_25 : vector<1024x128xf32>
    %get3A_27 = arith.constant 0 : index
    %get3A_28 = arith.constant 0 : index
    %get3A_29 = vector.load %arg5[%get3A_27, %get3A_28] : memref<1x128xf32, #tpu.memory_space<vmem>>, vector<1x128xf32>
    %add3A_30 = vector.broadcast %get3A_29 : vector<1x128xf32> to vector<1024x128xf32>
    %add3A_31 = arith.addf %add3A_26, %add3A_30 : vector<1024x128xf32>
    %swap3A_32 = arith.constant 0 : index
    %swap3A_33 = arith.constant 0 : index
    %swap3A_34 = vector.load %arg7[%swap3A_32, %swap3A_33] : memref<1024x128xf32, #tpu.memory_space<vmem>>, vector<1024x128xf32>
    tpu.vector_store %arg7[%swap3A_32, %swap3A_33], %add3A_31 {strides = array<i32>} : memref<1024x128xf32, #tpu.memory_space<vmem>>, vector<1024x128xf32>,
    return
  }
  func.func @transform_0(%arg0: i32) -> (i32, i32) {
    %c0_i32 = arith.constant 0 : i32
    %c0_i32_0 = arith.constant 0 : i32
    return %arg0, %c0_i32 : i32, i32
  }
  func.func @transform_1(%arg0: i32) -> (i32, i32) {
    %c0_i32 = arith.constant 0 : i32
    %c0_i32_0 = arith.constant 0 : i32
    return %arg0, %c0_i32 : i32, i32
  }
  func.func @transform_2(%arg0: i32) -> (i32, i32) {
    %c0_i32 = arith.constant 0 : i32
    %c0_i32_0 = arith.constant 0 : i32
    %c0_i32_1 = arith.constant 0 : i32
    return %c0_i32, %c0_i32_0 : i32, i32
  }
  func.func @transform_3(%arg0: i32) -> (i32, i32) {
    %c0_i32 = arith.constant 0 : i32
    %c0_i32_0 = arith.constant 0 : i32
    %c0_i32_1 = arith.constant 0 : i32
    return %c0_i32, %c0_i32_0 : i32, i32
  }
  func.func @transform_4(%arg0: i32) -> (i32, i32) {
    %c0_i32 = arith.constant 0 : i32
    %c0_i32_0 = arith.constant 0 : i32
    %c0_i32_1 = arith.constant 0 : i32
    return %c0_i32, %c0_i32_0 : i32, i32
  }
  func.func @transform_5(%arg0: i32) -> (i32, i32) {
    %c0_i32 = arith.constant 0 : i32
    %c0_i32_0 = arith.constant 0 : i32
    return %arg0, %c0_i32 : i32, i32
  }
  func.func @transform_6(%arg0: i32) -> (i32, i32) {
    %c0_i32 = arith.constant 0 : i32
    %c0_i32_0 = arith.constant 0 : i32
    return %arg0, %c0_i32 : i32, i32
  }
}

module attributes {stable_mosaic.version = 14 : i64} {
  func.func @_tc_layer_body(%arg0: i32, %arg1: memref<2x1024x128xf32, #tpu.memory_space<vmem>>, %arg2: memref<1024x128xf32, #tpu.memory_space<vmem>>, %arg3: memref<1024x1xf32, #tpu.memory_space<vmem>>, %arg4: memref<128x128xf32, #tpu.memory_space<vmem>>, %arg5: memref<128x128xf32, #tpu.memory_space<vmem>>, %arg6: memref<1x128xf32, #tpu.memory_space<vmem>>, %arg7: memref<1024x128xf32, #tpu.memory_space<vmem>>, %arg8: memref<1024x128xf32, #tpu.memory_space<vmem>>) attributes {dimension_semantics = [#tpu.dimension_semantics<arbitrary>], iteration_bounds = array<i64: 10>, scalar_prefetch = 0 : i64, scratch_operands = 0 : i64, tpu.core_type = #tpu.core_type<tc>, window_params = [{transform_indices = @transform_0, window_bounds = array<i64: 2, 1024, 128>}, {transform_indices = @transform_1, window_bounds = array<i64: 1024, 128>}, {transform_indices = @transform_2, window_bounds = array<i64: 1024, 1>}, {pipeline_mode = #tpu.pipeline_mode<synchronous>, transform_indices = @transform_3, window_bounds = array<i64: 128, 128>}, {pipeline_mode = #tpu.pipeline_mode<synchronous>, transform_indices = @transform_4, window_bounds = array<i64: 128, 128>}, {pipeline_mode = #tpu.pipeline_mode<synchronous>, transform_indices = @transform_5, window_bounds = array<i64: 1, 128>}, {transform_indices = @transform_6, window_bounds = array<i64: 1024, 128>}, {transform_indices = @transform_7, window_bounds = array<i64: 1024, 128>}]} {
    %get3A = arith.constant 0 : index
    %get3A_0 = arith.constant 0 : index
    %get3A_1 = arith.constant 0 : index
    %get3A_2 = vector.load %arg1[%get3A, %get3A_0, %get3A_1] : memref<2x1024x128xf32, #tpu.memory_space<vmem>>, vector<1x1024x128xf32>
    %get3A_3 = vector.shape_cast %get3A_2 : vector<1x1024x128xf32> to vector<1024x128xf32>
    %get3A_4 = arith.constant 1 : index
    %get3A_5 = arith.constant 0 : index
    %get3A_6 = arith.constant 0 : index
    %get3A_7 = vector.load %arg1[%get3A_4, %get3A_5, %get3A_6] : memref<2x1024x128xf32, #tpu.memory_space<vmem>>, vector<1x1024x128xf32>
    %get3A_8 = vector.shape_cast %get3A_7 : vector<1x1024x128xf32> to vector<1024x128xf32>
    %add3A = arith.addf %get3A_3, %get3A_8 : vector<1024x128xf32>
    %get3A_9 = arith.constant 0 : index
    %get3A_10 = arith.constant 0 : index
    %get3A_11 = vector.load %arg3[%get3A_9, %get3A_10] : memref<1024x1xf32, #tpu.memory_space<vmem>>, vector<1024x1xf32>
    %mul3A = vector.broadcast %get3A_11 : vector<1024x1xf32> to vector<1024x128xf32>
    %mul3A_12 = arith.mulf %add3A, %mul3A : vector<1024x128xf32>
    %get3A_13 = arith.constant 0 : index
    %get3A_14 = arith.constant 0 : index
    %get3A_15 = vector.load %arg2[%get3A_13, %get3A_14] : memref<1024x128xf32, #tpu.memory_space<vmem>>, vector<1024x128xf32>
    %add3A_16 = arith.addf %get3A_15, %mul3A_12 : vector<1024x128xf32>
    %max3A = arith.constant 0.000000e+00 : f32
    %max3A_17 = vector.broadcast %max3A : f32 to vector<1024x128xf32>
    %max3A_18 = arith.maximumf %add3A_16, %max3A_17 : vector<1024x128xf32>
    %get3A_19 = arith.constant 0 : index
    %get3A_20 = arith.constant 0 : index
    %get3A_21 = vector.load %arg4[%get3A_19, %get3A_20] : memref<128x128xf32, #tpu.memory_space<vmem>>, vector<128x128xf32>
    %dot_general3A = arith.constant dense<0.000000e+00> : vector<1024x128xf32>
    %dot_general3A_22 = tpu.matmul %max3A_18, %get3A_21, %dot_general3A {dimension_numbers = #tpu.dot_dimension_numbers<[1], [0], [0], [1], [0, 0, 1, 1], [], []>, transpose_lhs_hint = false} : vector<1024x128xf32>, vector<128x128xf32>, vector<1024x128xf32> -> vector<1024x128xf32>
    %swap3A = arith.constant 0 : index
    %swap3A_23 = arith.constant 0 : index
    %swap3A_24 = vector.load %arg7[%swap3A, %swap3A_23] : memref<1024x128xf32, #tpu.memory_space<vmem>>, vector<1024x128xf32>
    tpu.vector_store %arg7[%swap3A, %swap3A_23], %dot_general3A_22 {strides = array<i32>} : memref<1024x128xf32, #tpu.memory_space<vmem>>, vector<1024x128xf32>,
    %get3A_25 = arith.constant 0 : index
    %get3A_26 = arith.constant 0 : index
    %get3A_27 = vector.load %arg5[%get3A_25, %get3A_26] : memref<128x128xf32, #tpu.memory_space<vmem>>, vector<128x128xf32>
    %dot_general3A_28 = arith.constant dense<0.000000e+00> : vector<1024x128xf32>
    %dot_general3A_29 = tpu.matmul %max3A_18, %get3A_27, %dot_general3A_28 {dimension_numbers = #tpu.dot_dimension_numbers<[1], [0], [0], [1], [0, 0, 1, 1], [], []>, transpose_lhs_hint = false} : vector<1024x128xf32>, vector<128x128xf32>, vector<1024x128xf32> -> vector<1024x128xf32>
    %get3A_30 = arith.constant 0 : index
    %get3A_31 = arith.constant 0 : index
    %get3A_32 = vector.load %arg6[%get3A_30, %get3A_31] : memref<1x128xf32, #tpu.memory_space<vmem>>, vector<1x128xf32>
    %add3A_33 = vector.broadcast %get3A_32 : vector<1x128xf32> to vector<1024x128xf32>
    %add3A_34 = arith.addf %dot_general3A_29, %add3A_33 : vector<1024x128xf32>
    %swap3A_35 = arith.constant 0 : index
    %swap3A_36 = arith.constant 0 : index
    %swap3A_37 = vector.load %arg8[%swap3A_35, %swap3A_36] : memref<1024x128xf32, #tpu.memory_space<vmem>>, vector<1024x128xf32>
    tpu.vector_store %arg8[%swap3A_35, %swap3A_36], %add3A_34 {strides = array<i32>} : memref<1024x128xf32, #tpu.memory_space<vmem>>, vector<1024x128xf32>,
    return
  }
  func.func @transform_0(%arg0: i32) -> (i32, i32, i32) {
    %c0_i32 = arith.constant 0 : i32
    %c0_i32_0 = arith.constant 0 : i32
    %c0_i32_1 = arith.constant 0 : i32
    return %c0_i32, %arg0, %c0_i32_0 : i32, i32, i32
  }
  func.func @transform_1(%arg0: i32) -> (i32, i32) {
    %c0_i32 = arith.constant 0 : i32
    %c0_i32_0 = arith.constant 0 : i32
    return %arg0, %c0_i32 : i32, i32
  }
  func.func @transform_2(%arg0: i32) -> (i32, i32) {
    %c0_i32 = arith.constant 0 : i32
    %c0_i32_0 = arith.constant 0 : i32
    return %arg0, %c0_i32 : i32, i32
  }
  func.func @transform_3(%arg0: i32) -> (i32, i32) {
    %c0_i32 = arith.constant 0 : i32
    %c0_i32_0 = arith.constant 0 : i32
    %c0_i32_1 = arith.constant 0 : i32
    return %c0_i32, %c0_i32_0 : i32, i32
  }
  func.func @transform_4(%arg0: i32) -> (i32, i32) {
    %c0_i32 = arith.constant 0 : i32
    %c0_i32_0 = arith.constant 0 : i32
    %c0_i32_1 = arith.constant 0 : i32
    return %c0_i32, %c0_i32_0 : i32, i32
  }
  func.func @transform_5(%arg0: i32) -> (i32, i32) {
    %c0_i32 = arith.constant 0 : i32
    %c0_i32_0 = arith.constant 0 : i32
    %c0_i32_1 = arith.constant 0 : i32
    return %c0_i32, %c0_i32_0 : i32, i32
  }
  func.func @transform_6(%arg0: i32) -> (i32, i32) {
    %c0_i32 = arith.constant 0 : i32
    %c0_i32_0 = arith.constant 0 : i32
    return %arg0, %c0_i32 : i32, i32
  }
  func.func @transform_7(%arg0: i32) -> (i32, i32) {
    %c0_i32 = arith.constant 0 : i32
    %c0_i32_0 = arith.constant 0 : i32
    return %arg0, %c0_i32 : i32, i32
  }
}

module attributes {stable_mosaic.version = 14 : i64} {
  func.func @_tc_layer_body(%arg0: i32, %arg1: memref<2x1024x128xf32, #tpu.memory_space<vmem>>, %arg2: memref<1024x128xf32, #tpu.memory_space<vmem>>, %arg3: memref<1024x1xf32, #tpu.memory_space<vmem>>, %arg4: memref<128x64xf32, #tpu.memory_space<vmem>>, %arg5: memref<128x64xf32, #tpu.memory_space<vmem>>, %arg6: memref<1x64xf32, #tpu.memory_space<vmem>>, %arg7: memref<1024x128xf32, #tpu.memory_space<vmem>>, %arg8: memref<1024x64xf32, #tpu.memory_space<vmem>>) attributes {dimension_semantics = [#tpu.dimension_semantics<arbitrary>], iteration_bounds = array<i64: 10>, scalar_prefetch = 0 : i64, scratch_operands = 0 : i64, tpu.core_type = #tpu.core_type<tc>, window_params = [{transform_indices = @transform_0, window_bounds = array<i64: 2, 1024, 128>}, {transform_indices = @transform_1, window_bounds = array<i64: 1024, 128>}, {transform_indices = @transform_2, window_bounds = array<i64: 1024, 1>}, {pipeline_mode = #tpu.pipeline_mode<synchronous>, transform_indices = @transform_3, window_bounds = array<i64: 128, 64>}, {pipeline_mode = #tpu.pipeline_mode<synchronous>, transform_indices = @transform_4, window_bounds = array<i64: 128, 64>}, {pipeline_mode = #tpu.pipeline_mode<synchronous>, transform_indices = @transform_5, window_bounds = array<i64: 1, 64>}, {transform_indices = @transform_6, window_bounds = array<i64: 1024, 128>}, {transform_indices = @transform_7, window_bounds = array<i64: 1024, 64>}]} {
    %get3A = arith.constant 0 : index
    %get3A_0 = arith.constant 0 : index
    %get3A_1 = arith.constant 0 : index
    %get3A_2 = vector.load %arg1[%get3A, %get3A_0, %get3A_1] : memref<2x1024x128xf32, #tpu.memory_space<vmem>>, vector<1x1024x128xf32>
    %get3A_3 = vector.shape_cast %get3A_2 : vector<1x1024x128xf32> to vector<1024x128xf32>
    %get3A_4 = arith.constant 1 : index
    %get3A_5 = arith.constant 0 : index
    %get3A_6 = arith.constant 0 : index
    %get3A_7 = vector.load %arg1[%get3A_4, %get3A_5, %get3A_6] : memref<2x1024x128xf32, #tpu.memory_space<vmem>>, vector<1x1024x128xf32>
    %get3A_8 = vector.shape_cast %get3A_7 : vector<1x1024x128xf32> to vector<1024x128xf32>
    %add3A = arith.addf %get3A_3, %get3A_8 : vector<1024x128xf32>
    %get3A_9 = arith.constant 0 : index
    %get3A_10 = arith.constant 0 : index
    %get3A_11 = vector.load %arg3[%get3A_9, %get3A_10] : memref<1024x1xf32, #tpu.memory_space<vmem>>, vector<1024x1xf32>
    %mul3A = vector.broadcast %get3A_11 : vector<1024x1xf32> to vector<1024x128xf32>
    %mul3A_12 = arith.mulf %add3A, %mul3A : vector<1024x128xf32>
    %get3A_13 = arith.constant 0 : index
    %get3A_14 = arith.constant 0 : index
    %get3A_15 = vector.load %arg2[%get3A_13, %get3A_14] : memref<1024x128xf32, #tpu.memory_space<vmem>>, vector<1024x128xf32>
    %add3A_16 = arith.addf %get3A_15, %mul3A_12 : vector<1024x128xf32>
    %max3A = arith.constant 0.000000e+00 : f32
    %max3A_17 = vector.broadcast %max3A : f32 to vector<1024x128xf32>
    %max3A_18 = arith.maximumf %add3A_16, %max3A_17 : vector<1024x128xf32>
    %get3A_19 = arith.constant 0 : index
    %get3A_20 = arith.constant 0 : index
    %get3A_21 = vector.load %arg4[%get3A_19, %get3A_20] : memref<128x64xf32, #tpu.memory_space<vmem>>, vector<128x64xf32>
    %dot_general3A = arith.constant dense<0.000000e+00> : vector<1024x64xf32>
    %dot_general3A_22 = tpu.matmul %max3A_18, %get3A_21, %dot_general3A {dimension_numbers = #tpu.dot_dimension_numbers<[1], [0], [0], [1], [0, 0, 1, 1], [], []>, transpose_lhs_hint = false} : vector<1024x128xf32>, vector<128x64xf32>, vector<1024x64xf32> -> vector<1024x64xf32>
    %swap3A = arith.constant 0 : index
    %swap3A_23 = arith.constant 0 : index
    %swap3A_24 = vector.load %arg7[%swap3A, %swap3A_23] : memref<1024x128xf32, #tpu.memory_space<vmem>>, vector<1024x64xf32>
    tpu.vector_store %arg7[%swap3A, %swap3A_23], %dot_general3A_22 {strides = array<i32>} : memref<1024x128xf32, #tpu.memory_space<vmem>>, vector<1024x64xf32>,
    %broadcast_in_dim3A = arith.constant 0.000000e+00 : f32
    %broadcast_in_dim3A_25 = vector.broadcast %broadcast_in_dim3A : f32 to vector<1024x64xf32>
    %swap3A_26 = arith.constant 0 : index
    %swap3A_27 = arith.constant 64 : index
    %swap3A_28 = vector.load %arg7[%swap3A_26, %swap3A_27] : memref<1024x128xf32, #tpu.memory_space<vmem>>, vector<1024x64xf32>
    tpu.vector_store %arg7[%swap3A_26, %swap3A_27], %broadcast_in_dim3A_25 {strides = array<i32>} : memref<1024x128xf32, #tpu.memory_space<vmem>>, vector<1024x64xf32>,
    %get3A_29 = arith.constant 0 : index
    %get3A_30 = arith.constant 0 : index
    %get3A_31 = vector.load %arg5[%get3A_29, %get3A_30] : memref<128x64xf32, #tpu.memory_space<vmem>>, vector<128x64xf32>
    %dot_general3A_32 = arith.constant dense<0.000000e+00> : vector<1024x64xf32>
    %dot_general3A_33 = tpu.matmul %max3A_18, %get3A_31, %dot_general3A_32 {dimension_numbers = #tpu.dot_dimension_numbers<[1], [0], [0], [1], [0, 0, 1, 1], [], []>, transpose_lhs_hint = false} : vector<1024x128xf32>, vector<128x64xf32>, vector<1024x64xf32> -> vector<1024x64xf32>
    %get3A_34 = arith.constant 0 : index
    %get3A_35 = arith.constant 0 : index
    %get3A_36 = vector.load %arg6[%get3A_34, %get3A_35] : memref<1x64xf32, #tpu.memory_space<vmem>>, vector<1x64xf32>
    %add3A_37 = vector.broadcast %get3A_36 : vector<1x64xf32> to vector<1024x64xf32>
    %add3A_38 = arith.addf %dot_general3A_33, %add3A_37 : vector<1024x64xf32>
    %swap3A_39 = arith.constant 0 : index
    %swap3A_40 = arith.constant 0 : index
    %swap3A_41 = vector.load %arg8[%swap3A_39, %swap3A_40] : memref<1024x64xf32, #tpu.memory_space<vmem>>, vector<1024x64xf32>
    tpu.vector_store %arg8[%swap3A_39, %swap3A_40], %add3A_38 {strides = array<i32>} : memref<1024x64xf32, #tpu.memory_space<vmem>>, vector<1024x64xf32>,
    return
  }
  func.func @transform_0(%arg0: i32) -> (i32, i32, i32) {
    %c0_i32 = arith.constant 0 : i32
    %c0_i32_0 = arith.constant 0 : i32
    %c0_i32_1 = arith.constant 0 : i32
    return %c0_i32, %arg0, %c0_i32_0 : i32, i32, i32
  }
  func.func @transform_1(%arg0: i32) -> (i32, i32) {
    %c0_i32 = arith.constant 0 : i32
    %c0_i32_0 = arith.constant 0 : i32
    return %arg0, %c0_i32 : i32, i32
  }
  func.func @transform_2(%arg0: i32) -> (i32, i32) {
    %c0_i32 = arith.constant 0 : i32
    %c0_i32_0 = arith.constant 0 : i32
    return %arg0, %c0_i32 : i32, i32
  }
  func.func @transform_3(%arg0: i32) -> (i32, i32) {
    %c0_i32 = arith.constant 0 : i32
    %c0_i32_0 = arith.constant 0 : i32
    %c0_i32_1 = arith.constant 0 : i32
    return %c0_i32, %c0_i32_0 : i32, i32
  }
  func.func @transform_4(%arg0: i32) -> (i32, i32) {
    %c0_i32 = arith.constant 0 : i32
    %c0_i32_0 = arith.constant 0 : i32
    %c0_i32_1 = arith.constant 0 : i32
    return %c0_i32, %c0_i32_0 : i32, i32
  }
  func.func @transform_5(%arg0: i32) -> (i32, i32) {
    %c0_i32 = arith.constant 0 : i32
    %c0_i32_0 = arith.constant 0 : i32
    %c0_i32_1 = arith.constant 0 : i32
    return %c0_i32, %c0_i32_0 : i32, i32
  }
  func.func @transform_6(%arg0: i32) -> (i32, i32) {
    %c0_i32 = arith.constant 0 : i32
    %c0_i32_0 = arith.constant 0 : i32
    return %arg0, %c0_i32 : i32, i32
  }
  func.func @transform_7(%arg0: i32) -> (i32, i32) {
    %c0_i32 = arith.constant 0 : i32
    %c0_i32_0 = arith.constant 0 : i32
    return %arg0, %c0_i32 : i32, i32
  }
}

module attributes {stable_mosaic.version = 14 : i64} {
  func.func @_tc_layer_body(%arg0: i32, %arg1: memref<2x1024x128xf32, #tpu.memory_space<vmem>>, %arg2: memref<1024x64xf32, #tpu.memory_space<vmem>>, %arg3: memref<1024x1xf32, #tpu.memory_space<vmem>>, %arg4: memref<64x64xf32, #tpu.memory_space<vmem>>, %arg5: memref<64x64xf32, #tpu.memory_space<vmem>>, %arg6: memref<1x64xf32, #tpu.memory_space<vmem>>, %arg7: memref<1024x128xf32, #tpu.memory_space<vmem>>, %arg8: memref<1024x64xf32, #tpu.memory_space<vmem>>) attributes {dimension_semantics = [#tpu.dimension_semantics<arbitrary>], iteration_bounds = array<i64: 10>, scalar_prefetch = 0 : i64, scratch_operands = 0 : i64, tpu.core_type = #tpu.core_type<tc>, window_params = [{transform_indices = @transform_0, window_bounds = array<i64: 2, 1024, 128>}, {transform_indices = @transform_1, window_bounds = array<i64: 1024, 64>}, {transform_indices = @transform_2, window_bounds = array<i64: 1024, 1>}, {pipeline_mode = #tpu.pipeline_mode<synchronous>, transform_indices = @transform_3, window_bounds = array<i64: 64, 64>}, {pipeline_mode = #tpu.pipeline_mode<synchronous>, transform_indices = @transform_4, window_bounds = array<i64: 64, 64>}, {pipeline_mode = #tpu.pipeline_mode<synchronous>, transform_indices = @transform_5, window_bounds = array<i64: 1, 64>}, {transform_indices = @transform_6, window_bounds = array<i64: 1024, 128>}, {transform_indices = @transform_7, window_bounds = array<i64: 1024, 64>}]} {
    %get3A = arith.constant 0 : index
    %get3A_0 = arith.constant 0 : index
    %get3A_1 = arith.constant 0 : index
    %get3A_2 = vector.load %arg1[%get3A, %get3A_0, %get3A_1] : memref<2x1024x128xf32, #tpu.memory_space<vmem>>, vector<1x1024x64xf32>
    %get3A_3 = vector.shape_cast %get3A_2 : vector<1x1024x64xf32> to vector<1024x64xf32>
    %get3A_4 = arith.constant 1 : index
    %get3A_5 = arith.constant 0 : index
    %get3A_6 = arith.constant 0 : index
    %get3A_7 = vector.load %arg1[%get3A_4, %get3A_5, %get3A_6] : memref<2x1024x128xf32, #tpu.memory_space<vmem>>, vector<1x1024x64xf32>
    %get3A_8 = vector.shape_cast %get3A_7 : vector<1x1024x64xf32> to vector<1024x64xf32>
    %add3A = arith.addf %get3A_3, %get3A_8 : vector<1024x64xf32>
    %get3A_9 = arith.constant 0 : index
    %get3A_10 = arith.constant 0 : index
    %get3A_11 = vector.load %arg3[%get3A_9, %get3A_10] : memref<1024x1xf32, #tpu.memory_space<vmem>>, vector<1024x1xf32>
    %mul3A = vector.broadcast %get3A_11 : vector<1024x1xf32> to vector<1024x64xf32>
    %mul3A_12 = arith.mulf %add3A, %mul3A : vector<1024x64xf32>
    %get3A_13 = arith.constant 0 : index
    %get3A_14 = arith.constant 0 : index
    %get3A_15 = vector.load %arg2[%get3A_13, %get3A_14] : memref<1024x64xf32, #tpu.memory_space<vmem>>, vector<1024x64xf32>
    %add3A_16 = arith.addf %get3A_15, %mul3A_12 : vector<1024x64xf32>
    %max3A = arith.constant 0.000000e+00 : f32
    %max3A_17 = vector.broadcast %max3A : f32 to vector<1024x64xf32>
    %max3A_18 = arith.maximumf %add3A_16, %max3A_17 : vector<1024x64xf32>
    %get3A_19 = arith.constant 0 : index
    %get3A_20 = arith.constant 0 : index
    %get3A_21 = vector.load %arg4[%get3A_19, %get3A_20] : memref<64x64xf32, #tpu.memory_space<vmem>>, vector<64x64xf32>
    %dot_general3A = arith.constant dense<0.000000e+00> : vector<1024x64xf32>
    %dot_general3A_22 = tpu.matmul %max3A_18, %get3A_21, %dot_general3A {dimension_numbers = #tpu.dot_dimension_numbers<[1], [0], [0], [1], [0, 0, 1, 1], [], []>, transpose_lhs_hint = false} : vector<1024x64xf32>, vector<64x64xf32>, vector<1024x64xf32> -> vector<1024x64xf32>
    %swap3A = arith.constant 0 : index
    %swap3A_23 = arith.constant 0 : index
    %swap3A_24 = vector.load %arg7[%swap3A, %swap3A_23] : memref<1024x128xf32, #tpu.memory_space<vmem>>, vector<1024x64xf32>
    tpu.vector_store %arg7[%swap3A, %swap3A_23], %dot_general3A_22 {strides = array<i32>} : memref<1024x128xf32, #tpu.memory_space<vmem>>, vector<1024x64xf32>,
    %broadcast_in_dim3A = arith.constant 0.000000e+00 : f32
    %broadcast_in_dim3A_25 = vector.broadcast %broadcast_in_dim3A : f32 to vector<1024x64xf32>
    %swap3A_26 = arith.constant 0 : index
    %swap3A_27 = arith.constant 64 : index
    %swap3A_28 = vector.load %arg7[%swap3A_26, %swap3A_27] : memref<1024x128xf32, #tpu.memory_space<vmem>>, vector<1024x64xf32>
    tpu.vector_store %arg7[%swap3A_26, %swap3A_27], %broadcast_in_dim3A_25 {strides = array<i32>} : memref<1024x128xf32, #tpu.memory_space<vmem>>, vector<1024x64xf32>,
    %get3A_29 = arith.constant 0 : index
    %get3A_30 = arith.constant 0 : index
    %get3A_31 = vector.load %arg5[%get3A_29, %get3A_30] : memref<64x64xf32, #tpu.memory_space<vmem>>, vector<64x64xf32>
    %dot_general3A_32 = arith.constant dense<0.000000e+00> : vector<1024x64xf32>
    %dot_general3A_33 = tpu.matmul %max3A_18, %get3A_31, %dot_general3A_32 {dimension_numbers = #tpu.dot_dimension_numbers<[1], [0], [0], [1], [0, 0, 1, 1], [], []>, transpose_lhs_hint = false} : vector<1024x64xf32>, vector<64x64xf32>, vector<1024x64xf32> -> vector<1024x64xf32>
    %get3A_34 = arith.constant 0 : index
    %get3A_35 = arith.constant 0 : index
    %get3A_36 = vector.load %arg6[%get3A_34, %get3A_35] : memref<1x64xf32, #tpu.memory_space<vmem>>, vector<1x64xf32>
    %add3A_37 = vector.broadcast %get3A_36 : vector<1x64xf32> to vector<1024x64xf32>
    %add3A_38 = arith.addf %dot_general3A_33, %add3A_37 : vector<1024x64xf32>
    %swap3A_39 = arith.constant 0 : index
    %swap3A_40 = arith.constant 0 : index
    %swap3A_41 = vector.load %arg8[%swap3A_39, %swap3A_40] : memref<1024x64xf32, #tpu.memory_space<vmem>>, vector<1024x64xf32>
    tpu.vector_store %arg8[%swap3A_39, %swap3A_40], %add3A_38 {strides = array<i32>} : memref<1024x64xf32, #tpu.memory_space<vmem>>, vector<1024x64xf32>,
    return
  }
  func.func @transform_0(%arg0: i32) -> (i32, i32, i32) {
    %c0_i32 = arith.constant 0 : i32
    %c0_i32_0 = arith.constant 0 : i32
    %c0_i32_1 = arith.constant 0 : i32
    return %c0_i32, %arg0, %c0_i32_0 : i32, i32, i32
  }
  func.func @transform_1(%arg0: i32) -> (i32, i32) {
    %c0_i32 = arith.constant 0 : i32
    %c0_i32_0 = arith.constant 0 : i32
    return %arg0, %c0_i32 : i32, i32
  }
  func.func @transform_2(%arg0: i32) -> (i32, i32) {
    %c0_i32 = arith.constant 0 : i32
    %c0_i32_0 = arith.constant 0 : i32
    return %arg0, %c0_i32 : i32, i32
  }
  func.func @transform_3(%arg0: i32) -> (i32, i32) {
    %c0_i32 = arith.constant 0 : i32
    %c0_i32_0 = arith.constant 0 : i32
    %c0_i32_1 = arith.constant 0 : i32
    return %c0_i32, %c0_i32_0 : i32, i32
  }
  func.func @transform_4(%arg0: i32) -> (i32, i32) {
    %c0_i32 = arith.constant 0 : i32
    %c0_i32_0 = arith.constant 0 : i32
    %c0_i32_1 = arith.constant 0 : i32
    return %c0_i32, %c0_i32_0 : i32, i32
  }
  func.func @transform_5(%arg0: i32) -> (i32, i32) {
    %c0_i32 = arith.constant 0 : i32
    %c0_i32_0 = arith.constant 0 : i32
    %c0_i32_1 = arith.constant 0 : i32
    return %c0_i32, %c0_i32_0 : i32, i32
  }
  func.func @transform_6(%arg0: i32) -> (i32, i32) {
    %c0_i32 = arith.constant 0 : i32
    %c0_i32_0 = arith.constant 0 : i32
    return %arg0, %c0_i32 : i32, i32
  }
  func.func @transform_7(%arg0: i32) -> (i32, i32) {
    %c0_i32 = arith.constant 0 : i32
    %c0_i32_0 = arith.constant 0 : i32
    return %arg0, %c0_i32 : i32, i32
  }
}

module attributes {stable_mosaic.version = 14 : i64} {
  func.func @_tc_head_body(%arg0: i32, %arg1: memref<2x1024x128xf32, #tpu.memory_space<vmem>>, %arg2: memref<1024x64xf32, #tpu.memory_space<vmem>>, %arg3: memref<1024x1xf32, #tpu.memory_space<vmem>>, %arg4: memref<64x64xf32, #tpu.memory_space<vmem>>, %arg5: memref<64x64xf32, #tpu.memory_space<vmem>>, %arg6: memref<1x64xf32, #tpu.memory_space<vmem>>, %arg7: memref<1024x128xf32, #tpu.memory_space<vmem>>) attributes {dimension_semantics = [#tpu.dimension_semantics<arbitrary>], iteration_bounds = array<i64: 10>, scalar_prefetch = 0 : i64, scratch_operands = 0 : i64, tpu.core_type = #tpu.core_type<tc>, window_params = [{transform_indices = @transform_0, window_bounds = array<i64: 2, 1024, 128>}, {transform_indices = @transform_1, window_bounds = array<i64: 1024, 64>}, {transform_indices = @transform_2, window_bounds = array<i64: 1024, 1>}, {pipeline_mode = #tpu.pipeline_mode<synchronous>, transform_indices = @transform_3, window_bounds = array<i64: 64, 64>}, {pipeline_mode = #tpu.pipeline_mode<synchronous>, transform_indices = @transform_4, window_bounds = array<i64: 64, 64>}, {pipeline_mode = #tpu.pipeline_mode<synchronous>, transform_indices = @transform_5, window_bounds = array<i64: 1, 64>}, {transform_indices = @transform_6, window_bounds = array<i64: 1024, 128>}]} {
    %get3A = arith.constant 0 : index
    %get3A_0 = arith.constant 0 : index
    %get3A_1 = arith.constant 0 : index
    %get3A_2 = vector.load %arg1[%get3A, %get3A_0, %get3A_1] : memref<2x1024x128xf32, #tpu.memory_space<vmem>>, vector<1x1024x64xf32>
    %get3A_3 = vector.shape_cast %get3A_2 : vector<1x1024x64xf32> to vector<1024x64xf32>
    %get3A_4 = arith.constant 1 : index
    %get3A_5 = arith.constant 0 : index
    %get3A_6 = arith.constant 0 : index
    %get3A_7 = vector.load %arg1[%get3A_4, %get3A_5, %get3A_6] : memref<2x1024x128xf32, #tpu.memory_space<vmem>>, vector<1x1024x64xf32>
    %get3A_8 = vector.shape_cast %get3A_7 : vector<1x1024x64xf32> to vector<1024x64xf32>
    %add3A = arith.addf %get3A_3, %get3A_8 : vector<1024x64xf32>
    %get3A_9 = arith.constant 0 : index
    %get3A_10 = arith.constant 0 : index
    %get3A_11 = vector.load %arg3[%get3A_9, %get3A_10] : memref<1024x1xf32, #tpu.memory_space<vmem>>, vector<1024x1xf32>
    %mul3A = vector.broadcast %get3A_11 : vector<1024x1xf32> to vector<1024x64xf32>
    %mul3A_12 = arith.mulf %add3A, %mul3A : vector<1024x64xf32>
    %get3A_13 = arith.constant 0 : index
    %get3A_14 = arith.constant 0 : index
    %get3A_15 = vector.load %arg2[%get3A_13, %get3A_14] : memref<1024x64xf32, #tpu.memory_space<vmem>>, vector<1024x64xf32>
    %add3A_16 = arith.addf %get3A_15, %mul3A_12 : vector<1024x64xf32>
    %max3A = arith.constant 0.000000e+00 : f32
    %max3A_17 = vector.broadcast %max3A : f32 to vector<1024x64xf32>
    %max3A_18 = arith.maximumf %add3A_16, %max3A_17 : vector<1024x64xf32>
    %get3A_19 = arith.constant 0 : index
    %get3A_20 = arith.constant 0 : index
    %get3A_21 = vector.load %arg4[%get3A_19, %get3A_20] : memref<64x64xf32, #tpu.memory_space<vmem>>, vector<64x64xf32>
    %dot_general3A = arith.constant dense<0.000000e+00> : vector<1024x64xf32>
    %dot_general3A_22 = tpu.matmul %max3A_18, %get3A_21, %dot_general3A {dimension_numbers = #tpu.dot_dimension_numbers<[1], [0], [0], [1], [0, 0, 1, 1], [], []>, transpose_lhs_hint = false} : vector<1024x64xf32>, vector<64x64xf32>, vector<1024x64xf32> -> vector<1024x64xf32>
    %swap3A = arith.constant 0 : index
    %swap3A_23 = arith.constant 0 : index
    %swap3A_24 = vector.load %arg7[%swap3A, %swap3A_23] : memref<1024x128xf32, #tpu.memory_space<vmem>>, vector<1024x64xf32>
    tpu.vector_store %arg7[%swap3A, %swap3A_23], %dot_general3A_22 {strides = array<i32>} : memref<1024x128xf32, #tpu.memory_space<vmem>>, vector<1024x64xf32>,
    %get3A_25 = arith.constant 0 : index
    %get3A_26 = arith.constant 0 : index
    %get3A_27 = vector.load %arg5[%get3A_25, %get3A_26] : memref<64x64xf32, #tpu.memory_space<vmem>>, vector<64x64xf32>
    %dot_general3A_28 = arith.constant dense<0.000000e+00> : vector<1024x64xf32>
    %dot_general3A_29 = tpu.matmul %max3A_18, %get3A_27, %dot_general3A_28 {dimension_numbers = #tpu.dot_dimension_numbers<[1], [0], [0], [1], [0, 0, 1, 1], [], []>, transpose_lhs_hint = false} : vector<1024x64xf32>, vector<64x64xf32>, vector<1024x64xf32> -> vector<1024x64xf32>
    %get3A_30 = arith.constant 0 : index
    %get3A_31 = arith.constant 0 : index
    %get3A_32 = vector.load %arg6[%get3A_30, %get3A_31] : memref<1x64xf32, #tpu.memory_space<vmem>>, vector<1x64xf32>
    %add3A_33 = vector.broadcast %get3A_32 : vector<1x64xf32> to vector<1024x64xf32>
    %add3A_34 = arith.addf %dot_general3A_29, %add3A_33 : vector<1024x64xf32>
    %swap3A_35 = arith.constant 0 : index
    %swap3A_36 = arith.constant 64 : index
    %swap3A_37 = vector.load %arg7[%swap3A_35, %swap3A_36] : memref<1024x128xf32, #tpu.memory_space<vmem>>, vector<1024x64xf32>
    tpu.vector_store %arg7[%swap3A_35, %swap3A_36], %add3A_34 {strides = array<i32>} : memref<1024x128xf32, #tpu.memory_space<vmem>>, vector<1024x64xf32>,
    return
  }
  func.func @transform_0(%arg0: i32) -> (i32, i32, i32) {
    %c0_i32 = arith.constant 0 : i32
    %c0_i32_0 = arith.constant 0 : i32
    %c0_i32_1 = arith.constant 0 : i32
    return %c0_i32, %arg0, %c0_i32_0 : i32, i32, i32
  }
  func.func @transform_1(%arg0: i32) -> (i32, i32) {
    %c0_i32 = arith.constant 0 : i32
    %c0_i32_0 = arith.constant 0 : i32
    return %arg0, %c0_i32 : i32, i32
  }
  func.func @transform_2(%arg0: i32) -> (i32, i32) {
    %c0_i32 = arith.constant 0 : i32
    %c0_i32_0 = arith.constant 0 : i32
    return %arg0, %c0_i32 : i32, i32
  }
  func.func @transform_3(%arg0: i32) -> (i32, i32) {
    %c0_i32 = arith.constant 0 : i32
    %c0_i32_0 = arith.constant 0 : i32
    %c0_i32_1 = arith.constant 0 : i32
    return %c0_i32, %c0_i32_0 : i32, i32
  }
  func.func @transform_4(%arg0: i32) -> (i32, i32) {
    %c0_i32 = arith.constant 0 : i32
    %c0_i32_0 = arith.constant 0 : i32
    %c0_i32_1 = arith.constant 0 : i32
    return %c0_i32, %c0_i32_0 : i32, i32
  }
  func.func @transform_5(%arg0: i32) -> (i32, i32) {
    %c0_i32 = arith.constant 0 : i32
    %c0_i32_0 = arith.constant 0 : i32
    %c0_i32_1 = arith.constant 0 : i32
    return %c0_i32, %c0_i32_0 : i32, i32
  }
  func.func @transform_6(%arg0: i32) -> (i32, i32) {
    %c0_i32 = arith.constant 0 : i32
    %c0_i32_0 = arith.constant 0 : i32
    return %arg0, %c0_i32 : i32, i32
  }
}

module attributes {stable_mosaic.version = 14 : i64} {
  func.func @_tc_edge_body(%arg0: i32, %arg1: memref<5000x64xf32, #tpu.memory_space<vmem>>, %arg2: memref<5000x1xf32, #tpu.memory_space<vmem>>, %arg3: memref<1x64xf32, #tpu.memory_space<vmem>>, %arg4: memref<64x64xf32, #tpu.memory_space<vmem>>, %arg5: memref<1x64xf32, #tpu.memory_space<vmem>>, %arg6: memref<1x64xf32, #tpu.memory_space<vmem>>, %arg7: memref<64x2xf32, #tpu.memory_space<vmem>>, %arg8: memref<1x2xf32, #tpu.memory_space<vmem>>, %arg9: memref<5000x2xf32, #tpu.memory_space<vmem>>, %arg10: memref<5000x1xf32, #tpu.memory_space<vmem>>) attributes {dimension_semantics = [#tpu.dimension_semantics<arbitrary>], iteration_bounds = array<i64: 64>, scalar_prefetch = 0 : i64, scratch_operands = 0 : i64, tpu.core_type = #tpu.core_type<tc>, window_params = [{transform_indices = @transform_0, window_bounds = array<i64: 5000, 64>}, {transform_indices = @transform_1, window_bounds = array<i64: 5000, 1>}, {pipeline_mode = #tpu.pipeline_mode<synchronous>, transform_indices = @transform_2, window_bounds = array<i64: 1, 64>}, {pipeline_mode = #tpu.pipeline_mode<synchronous>, transform_indices = @transform_3, window_bounds = array<i64: 64, 64>}, {pipeline_mode = #tpu.pipeline_mode<synchronous>, transform_indices = @transform_4, window_bounds = array<i64: 1, 64>}, {pipeline_mode = #tpu.pipeline_mode<synchronous>, transform_indices = @transform_5, window_bounds = array<i64: 1, 64>}, {pipeline_mode = #tpu.pipeline_mode<synchronous>, transform_indices = @transform_6, window_bounds = array<i64: 64, 2>}, {pipeline_mode = #tpu.pipeline_mode<synchronous>, transform_indices = @transform_7, window_bounds = array<i64: 1, 2>}, {transform_indices = @transform_8, window_bounds = array<i64: 5000, 2>}, {transform_indices = @transform_9, window_bounds = array<i64: 5000, 1>}]} {
    %get3A = arith.constant 0 : index
    %get3A_0 = arith.constant 0 : index
    %get3A_1 = vector.load %arg1[%get3A, %get3A_0] : memref<5000x64xf32, #tpu.memory_space<vmem>>, vector<5000x64xf32>
    %gt3A = arith.constant 0.000000e+00 : f32
    %gt3A_2 = vector.broadcast %gt3A : f32 to vector<5000x64xf32>
    %gt3A_3 = arith.cmpf ogt, %get3A_1, %gt3A_2 : vector<5000x64xf32>
    %get3A_4 = arith.constant 0 : index
    %get3A_5 = arith.constant 0 : index
    %get3A_6 = vector.load %arg3[%get3A_4, %get3A_5] : memref<1x64xf32, #tpu.memory_space<vmem>>, vector<1x64xf32>
    %mul3A = vector.broadcast %get3A_6 : vector<1x64xf32> to vector<5000x64xf32>
    %mul3A_7 = arith.mulf %mul3A, %get3A_1 : vector<5000x64xf32>
    %select_n3A = arith.select %gt3A_3, %get3A_1, %mul3A_7 : vector<5000x64xi1>, vector<5000x64xf32>
    %get3A_8 = arith.constant 0 : index
    %get3A_9 = arith.constant 0 : index
    %get3A_10 = vector.load %arg4[%get3A_8, %get3A_9] : memref<64x64xf32, #tpu.memory_space<vmem>>, vector<64x64xf32>
    %dot_general3A = arith.constant dense<0.000000e+00> : vector<5000x64xf32>
    %dot_general3A_11 = tpu.matmul %select_n3A, %get3A_10, %dot_general3A {dimension_numbers = #tpu.dot_dimension_numbers<[1], [0], [0], [1], [0, 0, 1, 1], [], []>, transpose_lhs_hint = false} : vector<5000x64xf32>, vector<64x64xf32>, vector<5000x64xf32> -> vector<5000x64xf32>
    %get3A_12 = arith.constant 0 : index
    %get3A_13 = arith.constant 0 : index
    %get3A_14 = vector.load %arg5[%get3A_12, %get3A_13] : memref<1x64xf32, #tpu.memory_space<vmem>>, vector<1x64xf32>
    %add3A = vector.broadcast %get3A_14 : vector<1x64xf32> to vector<5000x64xf32>
    %add3A_15 = arith.addf %dot_general3A_11, %add3A : vector<5000x64xf32>
    %gt3A_16 = arith.constant 0.000000e+00 : f32
    %gt3A_17 = vector.broadcast %gt3A_16 : f32 to vector<5000x64xf32>
    %gt3A_18 = arith.cmpf ogt, %add3A_15, %gt3A_17 : vector<5000x64xf32>
    %get3A_19 = arith.constant 0 : index
    %get3A_20 = arith.constant 0 : index
    %get3A_21 = vector.load %arg6[%get3A_19, %get3A_20] : memref<1x64xf32, #tpu.memory_space<vmem>>, vector<1x64xf32>
    %mul3A_22 = vector.broadcast %get3A_21 : vector<1x64xf32> to vector<5000x64xf32>
    %mul3A_23 = arith.mulf %mul3A_22, %add3A_15 : vector<5000x64xf32>
    %select_n3A_24 = arith.select %gt3A_18, %add3A_15, %mul3A_23 : vector<5000x64xi1>, vector<5000x64xf32>
    %get3A_25 = arith.constant 0 : index
    %get3A_26 = arith.constant 0 : index
    %get3A_27 = vector.load %arg7[%get3A_25, %get3A_26] : memref<64x2xf32, #tpu.memory_space<vmem>>, vector<64x2xf32>
    %dot_general3A_28 = arith.constant dense<0.000000e+00> : vector<5000x2xf32>
    %dot_general3A_29 = tpu.matmul %select_n3A_24, %get3A_27, %dot_general3A_28 {dimension_numbers = #tpu.dot_dimension_numbers<[1], [0], [0], [1], [0, 0, 1, 1], [], []>, transpose_lhs_hint = false} : vector<5000x64xf32>, vector<64x2xf32>, vector<5000x2xf32> -> vector<5000x2xf32>
    %get3A_30 = arith.constant 0 : index
    %get3A_31 = arith.constant 0 : index
    %get3A_32 = vector.load %arg8[%get3A_30, %get3A_31] : memref<1x2xf32, #tpu.memory_space<vmem>>, vector<1x2xf32>
    %add3A_33 = vector.broadcast %get3A_32 : vector<1x2xf32> to vector<5000x2xf32>
    %add3A_34 = arith.addf %dot_general3A_29, %add3A_33 : vector<5000x2xf32>
    %swap3A = arith.constant 0 : index
    %swap3A_35 = arith.constant 0 : index
    %swap3A_36 = vector.load %arg9[%swap3A, %swap3A_35] : memref<5000x2xf32, #tpu.memory_space<vmem>>, vector<5000x2xf32>
    tpu.vector_store %arg9[%swap3A, %swap3A_35], %add3A_34 {strides = array<i32>} : memref<5000x2xf32, #tpu.memory_space<vmem>>, vector<5000x2xf32>,
    %slice3A = vector.extract_strided_slice %add3A_34 {offsets = [0, 1], sizes = [5000, 1], strides = [1, 1]} : vector<5000x2xf32> to vector<5000x1xf32>
    %slice3A_37 = vector.extract_strided_slice %add3A_34 {offsets = [0, 0], sizes = [5000, 1], strides = [1, 1]} : vector<5000x2xf32> to vector<5000x1xf32>
    %sub3A = arith.subf %slice3A, %slice3A_37 : vector<5000x1xf32>
    %mul3A_38 = arith.constant 5.000000e-01 : f32
    %mul3A_39 = vector.broadcast %mul3A_38 : f32 to vector<5000x1xf32>
    %mul3A_40 = arith.mulf %sub3A, %mul3A_39 : vector<5000x1xf32>
    %tanh3A = math.tanh %mul3A_40 : vector<5000x1xf32>
    %get3A_41 = arith.constant 0 : index
    %get3A_42 = arith.constant 0 : index
    %get3A_43 = vector.load %arg2[%get3A_41, %get3A_42] : memref<5000x1xf32, #tpu.memory_space<vmem>>, vector<5000x1xf32>
    %mul3A_44 = arith.mulf %get3A_43, %tanh3A : vector<5000x1xf32>
    %swap3A_45 = arith.constant 0 : index
    %swap3A_46 = arith.constant 0 : index
    %swap3A_47 = vector.load %arg10[%swap3A_45, %swap3A_46] : memref<5000x1xf32, #tpu.memory_space<vmem>>, vector<5000x1xf32>
    tpu.vector_store %arg10[%swap3A_45, %swap3A_46], %mul3A_44 {strides = array<i32>} : memref<5000x1xf32, #tpu.memory_space<vmem>>, vector<5000x1xf32>,
    return
  }
  func.func @transform_0(%arg0: i32) -> (i32, i32) {
    %c0_i32 = arith.constant 0 : i32
    %c0_i32_0 = arith.constant 0 : i32
    return %arg0, %c0_i32 : i32, i32
  }
  func.func @transform_1(%arg0: i32) -> (i32, i32) {
    %c0_i32 = arith.constant 0 : i32
    %c0_i32_0 = arith.constant 0 : i32
    return %arg0, %c0_i32 : i32, i32
  }
  func.func @transform_2(%arg0: i32) -> (i32, i32) {
    %c0_i32 = arith.constant 0 : i32
    %c0_i32_0 = arith.constant 0 : i32
    %c0_i32_1 = arith.constant 0 : i32
    return %c0_i32, %c0_i32_0 : i32, i32
  }
  func.func @transform_3(%arg0: i32) -> (i32, i32) {
    %c0_i32 = arith.constant 0 : i32
    %c0_i32_0 = arith.constant 0 : i32
    %c0_i32_1 = arith.constant 0 : i32
    return %c0_i32, %c0_i32_0 : i32, i32
  }
  func.func @transform_4(%arg0: i32) -> (i32, i32) {
    %c0_i32 = arith.constant 0 : i32
    %c0_i32_0 = arith.constant 0 : i32
    %c0_i32_1 = arith.constant 0 : i32
    return %c0_i32, %c0_i32_0 : i32, i32
  }
  func.func @transform_5(%arg0: i32) -> (i32, i32) {
    %c0_i32 = arith.constant 0 : i32
    %c0_i32_0 = arith.constant 0 : i32
    %c0_i32_1 = arith.constant 0 : i32
    return %c0_i32, %c0_i32_0 : i32, i32
  }
  func.func @transform_6(%arg0: i32) -> (i32, i32) {
    %c0_i32 = arith.constant 0 : i32
    %c0_i32_0 = arith.constant 0 : i32
    %c0_i32_1 = arith.constant 0 : i32
    return %c0_i32, %c0_i32_0 : i32, i32
  }
  func.func @transform_7(%arg0: i32) -> (i32, i32) {
    %c0_i32 = arith.constant 0 : i32
    %c0_i32_0 = arith.constant 0 : i32
    %c0_i32_1 = arith.constant 0 : i32
    return %c0_i32, %c0_i32_0 : i32, i32
  }
  func.func @transform_8(%arg0: i32) -> (i32, i32) {
    %c0_i32 = arith.constant 0 : i32
    %c0_i32_0 = arith.constant 0 : i32
    return %arg0, %c0_i32 : i32, i32
  }
  func.func @transform_9(%arg0: i32) -> (i32, i32) {
    %c0_i32 = arith.constant 0 : i32
    %c0_i32_0 = arith.constant 0 : i32
    return %arg0, %c0_i32 : i32, i32
  }
}

</mosaic_0001>

<sc_bundles>
// kernel: sc_edge_gather.3.cloned.1.call-start
scs
__scs_entry_jumppad:
0x0: {  	(pc) =	sbr.rel $0x88, $3  }
0x1: {  	(tag) =	ssettag $0x0;
	lr =	simm.s32 $0x1  }
0x2: {  	[smem:$0x3F87] =	sst lr;
	_ =	strace $0xD0000000  }
0x3: {  	_ = 	snop  }
0x4: {  	_ = 	snop  }
0x5: {  	_ = 	snop  }
0x6: {  	_ = 	snop  }
0x7: {  	_ = 	snop  }
__scs_overlays_trampoline_lowered:
0x8: {  	[smem:$0x3F96] =	sst s0  }
0x9: {  	[smem:$0x3F97] =	sst s1  }
0xa: {  	[smem:$0x3F98] =	sst s2  }
0xb: {  	[smem:$0x3F99] =	sst s3  }
0xc: {  	[smem:$0x3F9A] =	sst s4  }
0xd: {  	[smem:$0x3F9B] =	sst s5  }
0xe: {  	[smem:$0x3F9C] =	sst s6  }
0xf: {  	[smem:$0x3F9D] =	sst s7  }
0x10: {  	[smem:$0x3F9E] =	sst s8  }
0x11: {  	[smem:$0x3F9F] =	sst s9;
	s0 =	simm.s32 @!p0 $0x0  }
0x12: {  	s1 =	sld [smem:$0x3F85];
	s0 =	simm.s32 @p0 $0x1  }
0x13: {  	[smem:$0x3FA0] =	sst s0;
	s0 =	simm.s32 @!p1 $0x0  }
0x14: {  	s2 =	sld [smem:$0x3F84];
	s0 =	simm.s32 @p1 $0x1  }
0x15: {  	[smem:$0x3FA1] =	sst s0;
	s0 =	simm.s32 @!p2 $0x0  }
0x16: {  	s3 =	sld [smem:$0x3FDB];
	s0 =	simm.s32 @p2 $0x1  }
0x17: {  	s4 =	simm.s32 $0x1BF5;
	[smem:$0x3FA3] =	sst s0  }
0x18: {  	s0 =	sld [smem:$0x3F86];
	_ =	swait.ge [sflag:s4], $0x0  }
0x19: {  	s7 =	sld [smem:$0x3F87]  }
0x1a: {  	s8 =	sadd.s32 $0xFFFFE003, lr  }
0x1b: {  	s9 =	sadd.s32 $0xFFFFFEF7, lr;
	s5 =	simm.s32 $0xFFFFFFFF;
	p2 =	slt.u32 s8, $0xFFFFF086  }
0x1c: {  	p1 =	slt.u32 s9, $0xF7A;
	s5 =	simm.s32 @!p2 $0x0  }
0x1d: {  	s5 =	simm.s32 @p1 $0x1;
	p0 =	seq.s32 s7, s2  }
0x1e: {  	s7 =	smul.u32 @!p0 $0xF7A, s2;
	p2 =	seq.s32 @!p0 s5, $0x0  }
0x1f: {  	s9 =	smul.u32 $0xF7A, s1;
	s8 =	simm.s32 @!p0 $0x1BF5;
	p2 =	por !p2, p0  }
0x20: {  	[sflag:s8] =	ssyncset.s32 @!p0 $0xFFFFF086;
	s6 =	sadd.s32 @!p0 s3, s7;
	s7 =	simm.s32 @!p0 $0x108  }
0x21: {  	s3 =	sadd.s32 s3, s9;
	s6 =	sadd.s32 @!p0 $0x88, s6;
	s7 =	simm.s32 @p2 $0x1082  }
0x22: {  	[simem:s7], [sflag:s8] =	dma.local @!p0 [hbm:s6], $0xF7A  }
0x23: {  	s9 =	sor.u32 $0xD0000000, s2;
	s6 =	simm.s32 $0x108;
	_ =	swait.ge @!p0 [sflag:s8], $0x0  }
0x24: {  	s3 =	sadd.s32 $0x88, s3;
	s6 =	simm.s32 @!p1 $0x1082;
	[sflag:s4] =	ssyncset.s32 $0xFFFFF086  }
0x25: {  	[simem:s6], [sflag:s4] =	dma.local [hbm:s3], $0xF7A  }
0x26: {  	[smem:$0x3F87] =	sst s1;
	(tag) =	ssettag s2;
	_ =	strace s9  }
0x27: {  	s1 =	sld [smem:$0x3F97]  }
0x28: {  	s2 =	sld [smem:$0x3F98]  }
0x29: {  	s4 =	sld [smem:$0x3F9A]  }
0x2a: {  	p0 =	seq.s32 s5, $0x0;
	s5 =	sld [smem:$0x3F9B]  }
0x2b: {  	s6 =	sld [smem:$0x3F9C]  }
0x2c: {  	s7 =	sld [smem:$0x3F9D]  }
0x2d: {  	s3 =	simm.s32 $0x108;
	s8 =	sld [smem:$0x3F9E]  }
0x2e: {  	s3 =	simm.s32 @!p0 $0x1082;
	s9 =	sld [smem:$0x3F9F]  }
0x2f: {  	lr =	sadd.s32 s0, s3;
	s0 =	sld [smem:$0x3F96]  }
0x30: {  	s3 =	sld [smem:$0x3F99]  }
0x31: {  	[smem:$0x3FA2] =	sst s10  }
0x32: {  	s10 =	sld [smem:$0x3FA0];
	_ =	sdelay $0x3  }
0x33: {  	p0 =	seq.s32 s10, $0x1;
	s10 =	sld [smem:$0x3FA2];
	_ =	sdelay $0x3  }
0x34: {  	[smem:$0x3FA2] =	sst s10  }
0x35: {  	s10 =	sld [smem:$0x3FA1];
	_ =	sdelay $0x3  }
0x36: {  	p1 =	seq.s32 s10, $0x1;
	s10 =	sld [smem:$0x3FA2];
	_ =	sdelay $0x3  }
0x37: {  	[smem:$0x3FA2] =	sst s10  }
0x38: {  	s10 =	sld [smem:$0x3FA3]  }
0x39: {  	_ = 	snop;
	(pc) =	sbr.ind lr, $3  }
0x3a: {  	_ = 	snop  }
0x3b: {  	_ = 	snop  }
0x3c: {  	p2 =	seq.s32 s10, $0x1;
	s10 =	sld [smem:$0x3FA2]  }
0x3d: {  	_ =	shalt  }
0x3e: {  	_ =	shalt  }
0x3f: {  	_ =	shalt  }
0x40: {  	_ =	shalt  }
0x41: {  	_ =	shalt  }
0x42: {  	_ =	shalt  }
0x43: {  	_ =	shalt  }
0x44: {  	_ =	shalt  }
0x45: {  	_ =	shalt  }
0x46: {  	_ =	shalt  }
0x47: {  	_ =	shalt  }
0x48: {  	_ =	shalt  }
0x49: {  	_ =	shalt  }
0x4a: {  	_ =	shalt  }
0x4b: {  	_ =	shalt  }
0x4c: {  	_ =	shalt  }
0x4d: {  	_ =	shalt  }
0x4e: {  	_ =	shalt  }
0x4f: {  	_ =	shalt  }
0x50: {  	_ =	shalt  }
0x51: {  	_ =	shalt  }
0x52: {  	_ =	shalt  }
0x53: {  	_ =	shalt  }
0x54: {  	_ =	shalt  }
0x55: {  	_ =	shalt  }
0x56: {  	_ =	shalt  }
0x57: {  	_ =	shalt  }
0x58: {  	_ =	shalt  }
0x59: {  	_ =	shalt  }
0x5a: {  	_ =	shalt  }
0x5b: {  	_ =	shalt  }
0x5c: {  	_ =	shalt  }
0x5d: {  	_ =	shalt  }
0x5e: {  	_ =	shalt  }
0x5f: {  	_ =	shalt  }
0x60: {  	_ =	shalt  }
0x61: {  	_ =	shalt  }
0x62: {  	_ =	shalt  }
0x63: {  	_ =	shalt  }
0x64: {  	_ =	shalt  }
0x65: {  	_ =	shalt  }
0x66: {  	_ =	shalt  }
0x67: {  	_ =	shalt  }
0x68: {  	_ =	shalt  }
0x69: {  	_ =	shalt  }
0x6a: {  	_ =	shalt  }
0x6b: {  	_ =	shalt  }
0x6c: {  	_ =	shalt  }
0x6d: {  	_ =	shalt  }
0x6e: {  	_ =	shalt  }
0x6f: {  	_ =	shalt  }
0x70: {  	_ =	shalt  }
0x71: {  	_ =	shalt  }
0x72: {  	_ =	shalt  }
0x73: {  	_ =	shalt  }
0x74: {  	_ =	shalt  }
0x75: {  	_ =	shalt  }
0x76: {  	_ =	shalt  }
0x77: {  	_ =	shalt  }
0x78: {  	_ =	shalt  }
0x79: {  	_ =	shalt  }
0x7a: {  	_ =	shalt  }
0x7b: {  	_ =	shalt  }
0x7c: {  	_ =	shalt  }
0x7d: {  	_ =	shalt  }
0x7e: {  	_ =	shalt  }
0x7f: {  	_ =	shalt  }
0x80: {  	_ =	shalt  }
0x81: {  	_ =	shalt  }
0x82: {  	_ =	shalt  }
0x83: {  	_ =	shalt  }
0x84: {  	_ =	shalt  }
0x85: {  	_ =	shalt  }
0x86: {  	_ =	shalt  }
0x87: {  	_ =	shalt  }
.Lfunc_end0:
.L_simem_size_0:
called_computation.5_lowered:
.L_overlay_start_0:
0x88: {  	s2 =	sld [smem:$0x3FD9]  }
0x89: {  	s3 =	sld [smem:$0x3FFE];
	_ =	sdelay $0x1  }
0x8a: {  	s1 =	srdreg.scid  }
0x8b: {  	s0 =	sand.u32 $0x1, s1  }
0x8c: {  	s14 =	sshll.u32 s0, $0xA;
	s2 =	sadd.s32 s3, s2  }
0x8d: {  	s2 =	sadd.s32 s2, s14  }
0x8e: {  	[smem:$0x3FAE] =	sst s2  }
0x8f: {  	_ = 	snop  }
0x90: {  	s2 =	sld [smem:$0x3FD0];
	_ =	sdelay $0x2  }
0x91: {  	s15 =	simm.s32 $0xA;
	s4 =	simm.s32 $0x10  }
0x92: {  	[smem:s4], [sflag:s15] =	dma.local [hbm:s2], $0x1  }
0x93: {  	_ =	swait.eq [sflag:s15], $0x1  }
0x94: {  	[sflag:s15] =	ssyncset.done $0x0  }
0x95: {  	[sflag:s15] =	ssyncadd.s32 $0xFFFFFFFF  }
0x96: {  	s16 =	sld [smem:$0x10];
	(tm) =	ssettm $0x1  }
0x97: {  	s17 =	sld [smem:$0x3FFB];
	_ =	sdelay $0x3  }
0x98: {  	_ =	strace s17  }
0x99: {  	s3 =	sld [smem:$0x3FFC];
	_ =	sdelay $0x3  }
0x9a: {  	_ =	strace s3  }
0x9b: {  	s3 =	sld [smem:$0x3FFD];
	_ =	sdelay $0x3  }
0x9c: {  	_ =	strace s3  }
0x9d: {  	_ =	strace $0x8FFFFFFF  }
0x9e: {  	s18 =	sld [smem:$0x3FDB];
	_ =	sdelay $0x1  }
0x9f: {  	s19 =	simm.s32 $_scs_section_size  }
0xa0: {  	s5 =	simm.s32 $_size__tile_overlayer_lowered;
	s6 =	simm.s32 $_tile_overlayer_lowered  }
0xa1: {  	s22 =	simm.s32 $0x1BFF;
	s21 =	sshll.u32 s6, $0x1;
	s3 =	sadd.s32 s19, s18  }
0xa2: {  	s7 =	simm.s32 $0x0;
	s20 =	sshll.u32 s5, $0x1;
	s5 =	sadd.s32 s21, s3  }
0xa3: {  	[timem:s7], [sflag:s22] =	dma.local [hbm:s5], s20  }
0xa4: {  	_ =	swait.ge [sflag:s22], s20  }
0xa5: {  	s4 =	ssub.s32 $0x0, s20;
	[sflag:s22] =	ssyncset.done $0x0  }
0xa6: {  	[sflag:s22] =	ssyncadd.s32 s4;
	_ =	sdelay $0x1  }
0xa7: {  	s23 =	simm.s32 $0x1B8B  }
0xa8: {  	_ =	swait.ge [sflag:s23], $0x1  }
0xa9: {  	[sflag:s23] =	ssyncset.done $0x0  }
0xaa: {  	s25 =	simm.s32 $0x1B8E;
	s24 =	sld [smem:$0x3FFE];
	[sflag:s23] =	ssyncadd.s32 $0xFFFFFFFF  }
0xab: {  	s26 =	simm.s32 $execute0_lowered;
	[smem:$0x3FD2] =	sst s25  }
0xac: {  	s5 =	sshll.u32 s26, $0x1;
	_ =	strace $0x80000055;
	[dreg:$0x1] =	wrdreg $0xFFFFFFFF  }
0xad: {  	s28 =	simm.s32 $_size_execute0_lowered;
	s3 =	sadd.s32 s3, s5;
	[dreg:$0x0] =	wrdreg $0x0  }
0xae: {  	s5 =	sshll.u32 s28, $0x1;
	[dreg:$0x2] =	wrdreg s3  }
0xaf: {  	[dreg:$0x3] =	wrdreg s5  }
0xb0: {  	[dreg:$0x4] =	wrdreg $0xC0  }
0xb1: {  	_ =	task [dreg:s7], $0x5FFFF  }
0xb2: {  	[dreg:$0x1] =	wrdreg $0xFFFFFFFF  }
0xb3: {  	[dreg:$0x0] =	wrdreg $0x60  }
0xb4: {  	[dreg:$0x2] =	wrdreg s24  }
0xb5: {  	[dreg:$0x3] =	wrdreg s16  }
0xb6: {  	[dreg:$0x4] =	wrdreg $0x9  }
0xb7: {  	_ =	task.clear_ibuf [dreg:s7], $0x5FFFF;
	_ =	strace $0x90000055  }
0xb8: {  	s29 =	simm.s32 $0x9;
	_ =	strace $0x80000057  }
0xb9: {  	_ =	swait.ge [sflag:s29], $0x1  }
0xba: {  	[sflag:s29] =	ssyncadd.s32 $0xFFFFFFFF  }
0xbb: {  	_ =	strace $0x90000057  }
0xbc: {  	_ =	sfence  }
0xbd: {  	s30 =	sld [smem:$0x0];
	_ =	sdelay $0x2  }
0xbe: {  	s31 =	sshll.u32 s1, $0xD;
	s1 =	sshrl.u32 s1, $0x2  }
0xbf: {  	s3 =	sand.u32 $0x4000, s31;
	s1 =	sadd.s32 s1, s30  }
0xc0: {  	s0 =	sor.u32 s3, s0;
	s1 =	sshll.u32 s1, $0x11  }
0xc1: {  	s0 =	sor.u32 s1, s0  }
0xc2: {  	s0 =	sadd.s32 $0x8F2B, s0  }
0xc3: {  	[sflag:s0] =	ssyncadd.remote.s32 $0x1  }
0xc4: {  	_ =	sfence.sel $0xFFFF  }
0xc5: {  	[dreg:$0x0] =	wrdreg $0xFFFFFFFF;
	(pc) =	sbr.abs _section_cstart, $3  }
0xc6: {  	[dreg:$0x1] =	wrdreg $0xFFFFFFFF  }
0xc7: {  	_ =	task.clear_ibuf [dreg:s7], $0x2FFFF;
	_ =	strace $0x9FFFFFFF  }
0xc8: {  	(tm) =	ssettm $0x7FFFFFFF  }
0xc9: {  	_ =	shalt  }
tec
execute0_lowered:
.L_overlay_start_1:
0x0: {  	(tag) =	ssettag $0x1  }
0x1: {  	s0 =	rddreg [dreg:$0x0]  }
0x2: {  	s1 =	rddreg [dreg:$0x1];
	s2 =	srdreg.scid;
	s3 =	simm.s32 $0x0  }
0x3: {  	s5 =	stileid.u32;
	s19 =	simm.s32 $0x100;
	s20 =	simm.s32 $0x50  }
0x4: {  	s21 =	simm.s32 $0x200;
	s28 =	simm.s32 $0x7A00;
	s29 =	simm.s32 $0x1  }
0x5: {  	s30 =	simm.s32 $0xA200;
	s31 =	simm.s32 $0x5;
	s2 =	sand.u32 $0x1, s2  }
0x6: {  	s12 =	simm.s32 $0x0;
	[smem:$0x7FF] =	sst s3;
	s4 =	sshll.u32 s2, $0x4  }
0x7: {  	s6 =	sadd.s32 $0x6200, s0;
	s2 =	ssub.s32 $0x2, s2;
	s4 =	sor.u32 s5, s4  }
0x8: {  	s7 =	sadd.s32 $0x38600, s0;
	s8 =	sshrl.u32 s2, $0x1;
	s4 =	smul.u32 $0x2710, s4  }
0x9: {  	_ =	strace $0x80000056;
	s5 =	sadd.s32 $0x10600, s0;
	s22 =	ssub.s32 s2, s8  }
0xa: {  	s0 =	smax.u32 s22, $0x1;
	s22 =	simm.s32 $0x5200;
	s8 =	sadd.s32 $0x50, s4  }
0xb: {  	s9 =	sadd.s32 $0x26C0, s4;
	s23 =	sshrl.u32 s4, $0x3;
	s14 =	sadd.s32 $0xA0, s4  }
0xc: {  	s15 =	sadd.s32 $0xF0, s4;
	[dreg:$0x8] =	wrdreg s0;
	s11 =	sadd.s32 s6, s23  }
0xd: {  	s10 =	sshrl.u32 s8, $0x3;
	s2 =	sadd.s32 s1, s23;
	[dreg:$0x3] =	wrdreg s11  }
0xe: {  	s0 =	simm.s32 $0x3;
	[dreg:$0x4] =	wrdreg s2;
	s24 =	sadd.s32 s6, s10  }
0xf: {  	s26 =	sshll.u32 s9, $0x4;
	s25 =	sadd.s32 s1, s10;
	[dreg:$0x5] =	wrdreg s24  }
0x10: {  	s23 =	simm.s32 $0x80;
	s2 =	sadd.s32 s7, s26;
	[dreg:$0x6] =	wrdreg s25  }
0x11: {  	s26 =	simm.s32 $0x2A00;
	s10 =	simm.s32 $0xCA00;
	[dreg:$0x7] =	wrdreg s2  }
0x12: {  	s24 =	simm.s32 $0x180;
	s25 =	simm.s32 $0x4;
	s2 =	simm.s32 $0x2  }
.LBB2_1:
0x13: {  	s11 =	rddreg [dreg:$0x3];
	s13 =	simm.s32 $0x7  }
0x14: {  	[tilespmem:s3], [sflag:$0x7] =	stream.linear.gather [hbm4b:s11+s3], $0x50, $0x38;
	[tilespmem:$0xF200] =	vst v63  }
0x15: {  	_ =	swait.ge [sflag:s13], $0x50  }
0x16: {  	[sflag:s13] =	ssyncset.done $0x0  }
0x17: {  	s16 =	rddreg [dreg:$0x4];
	[sflag:s13] =	ssyncadd.s32 $0xFFFFFFB0  }
0x18: {  	[tilespmem:s19], [sflag:$0x7] =	stream.linear.gather [hbm4b:s16+s3], $0x50, $0x38;
	[tilespmem:$0xF200] =	vst v63  }
0x19: {  	_ =	swait.ge [sflag:s13], $0x50  }
0x1a: {  	[sflag:s13] =	ssyncset.done $0x0  }
0x1b: {  	[sflag:s13] =	ssyncadd.s32 $0xFFFFFFB0  }
0x1c: {  	[tilespmem:s21], [sflag:$0x1] =	stream.indirect.gather [hbm4b:s5+s20], $0x80, s3, s20, $0xb8;
	[tilespmem:$0xF200] =	vst v63  }
0x1d: {  	_ = 	snop  }
0x1e: {  	[tilespmem:s22], [sflag:$0x1] =	stream.indirect.gather [hbm4b:s5+s20], $0x80, s19, s20, $0xb8;
	[tilespmem:$0xF200] =	vst v63  }
0x1f: {  	s17 =	rddreg [dreg:$0x5]  }
0x20: {  	[tilespmem:s23], [sflag:$0x4] =	stream.linear.gather [hbm4b:s17+s3], $0x50, $0x38;
	[tilespmem:$0xF200] =	vst v63  }
0x21: {  	s18 =	rddreg [dreg:$0x6];
	s13 =	simm.s32 $0x0  }
0x22: {  	[tilespmem:s24], [sflag:$0x4] =	stream.linear.gather [hbm4b:s18+s3], $0x50, $0x38;
	[tilespmem:$0xF200] =	vst v63  }
.LBB2_2:
0x23: {  	p0 =	seq.s32 s13, $0x0  }
0x24: {  	s11 =	simm.s32 @!p0 $0x6  }
0x25: {  	_ =	swait.ge @!p0 [sflag:s11], $0x2800  }
0x26: {  	[sflag:s11] =	ssyncset.done @!p0 $0x0  }
0x27: {  	[sflag:s11] =	ssyncadd.s32 @!p0 $0xFFFFD800  }
0x28: {  	_ =	swait.ge [sflag:s25], $0x50  }
0x29: {  	[sflag:s25] =	ssyncset.done $0x0  }
0x2a: {  	[sflag:s25] =	ssyncadd.s32 $0xFFFFFFB0  }
0x2b: {  	_ =	swait.ge [sflag:s25], $0x50  }
0x2c: {  	[sflag:s25] =	ssyncset.done $0x0  }
0x2d: {  	[sflag:s25] =	ssyncadd.s32 $0xFFFFFFB0  }
0x2e: {  	[tilespmem:s26], [sflag:$0x2] =	stream.indirect.gather [hbm4b:s5+s20], $0x80, s23, s20, $0xb8;
	[tilespmem:$0xF200] =	vst v63  }
0x2f: {  	_ = 	snop  }
0x30: {  	[tilespmem:s28], [sflag:$0x2] =	stream.indirect.gather [hbm4b:s5+s20], $0x80, s24, s20, $0xb8;
	[tilespmem:$0xF200] =	vst v63  }
0x31: {  	_ =	swait.ge [sflag:s29], $0x2800  }
0x32: {  	[sflag:s29] =	ssyncset.done $0x0  }
0x33: {  	[sflag:s29] =	ssyncadd.s32 $0xFFFFD800  }
0x34: {  	_ =	swait.ge [sflag:s29], $0x2800  }
0x35: {  	[sflag:s29] =	ssyncset.done $0x0  }
0x36: {  	s16 =	simm.s32 $0x0;
	[sflag:s29] =	ssyncadd.s32 $0xFFFFD800  }
0x37: {  	v2 =	vld [tilespmem:s16+$0x230]  }
0x38: {  	v4 =	vld [tilespmem:s16+$0x5270]  }
0x39: {  	v5 =	vld [tilespmem:s16+$0x200]  }
0x3a: {  	v6 =	vld [tilespmem:s16+$0x5240]  }
0x3b: {  	v1 =	vld [tilespmem:s16+$0x210]  }
0x3c: {  	v3 =	vld [tilespmem:s16+$0x5250]  }
0x3d: {  	v0 =	vld [tilespmem:s16+$0x220];
	v7 =	vadd.f32 v4, v2  }
0x3e: {  	s17 =	simm.s32 $0x80;
	v4 =	vld [tilespmem:s16+$0x5260]  }
0x3f: {  	s11 =	simm.s32 $0x400;
	v2 =	vld [tilespmem:s17+$0x230];
	v5 =	vadd.f32 v6, v5;
	[tilespmem:s16+$0xA230] =	vst v7  }
.LBB2_3:
0x40: {  	p0 =	sne.s32 s11, $0x9E00;
	v6 =	vld [tilespmem:s17+$0x5270]  }
0x41: {  	v7 =	vld [tilespmem:s17+$0x200];
	[tilespmem:s16+$0xA200] =	vst v5;
	v3 =	vadd.f32 v3, v1  }
0x42: {  	v5 =	vld [tilespmem:s17+$0x5240]  }
.Ltmp0:
0x43: {  	v1 =	vld [tilespmem:s17+$0x210];
	[tilespmem:s16+$0xA210] =	vst v3;
	v4 =	vadd.f32 v4, v0;
	(pc) =	sbr.rel @p0 .LBB2_3-.Ltmp0, $4  }
0x44: {  	v3 =	vld [tilespmem:s17+$0x5250]  }
0x45: {  	v0 =	vld [tilespmem:s17+$0x220];
	v6 =	vadd.f32 v6, v2;
	[tilespmem:s16+$0xA220] =	vst v4;
	s16 =	smov.u32 s17  }
0x46: {  	s17 =	sshra.s32 s11, $0x2;
	v4 =	vld [tilespmem:s16+$0x5260]  }
0x47: {  	s11 =	sadd.s32 $0x200, s11;
	v2 =	vld [tilespmem:s17+$0x230];
	v5 =	vadd.f32 v5, v7;
	[tilespmem:s16+$0xA230] =	vst v6  }
0x48: {  	v6 =	vld [tilespmem:s17+$0x5270]  }
0x49: {  	v7 =	vld [tilespmem:s17+$0x200];
	[tilespmem:s16+$0xA200] =	vst v5;
	v1 =	vadd.f32 v3, v1  }
0x4a: {  	v3 =	vld [tilespmem:s17+$0x5240]  }
0x4b: {  	v5 =	vld [tilespmem:s17+$0x210];
	[tilespmem:s16+$0xA210] =	vst v1;
	v0 =	vadd.f32 v4, v0  }
0x4c: {  	v1 =	vld [tilespmem:s17+$0x5250]  }
0x4d: {  	v4 =	vld [tilespmem:s17+$0x220];
	[tilespmem:s16+$0xA220] =	vst v0  }
0x4e: {  	v0 =	vld [tilespmem:s17+$0x5260];
	_ =	sdelay $0x1  }
0x4f: {  	v2 =	vadd.f32 v6, v2  }
0x50: {  	s16 =	smul.u32 $0xA0, s13;
	v3 =	vadd.f32 v3, v7  }
0x51: {  	[tilespmem:s17+$0xA230] =	vst v2;
	v1 =	vadd.f32 v1, v5  }
0x52: {  	s11 =	sadd.s32 s4, s16;
	[tilespmem:s17+$0xA200] =	vst v3;
	v0 =	vadd.f32 v0, v4  }
0x53: {  	s11 =	sshll.u32 s11, $0x4;
	[tilespmem:s17+$0xA210] =	vst v1  }
0x54: {  	s18 =	sadd.s32 s16, s14;
	s11 =	sadd.s32 s7, s11;
	[tilespmem:s17+$0xA220] =	vst v0;
	s17 =	simm.s32 $0x0  }
0x55: {  	[hbm4b:s11+s17] =	stream.linear.scatter [tilespmem:s30], [sflag:$0x5], $0x2800, $0x38;
	[tilespmem:$0xF200] =	vst v63  }
0x56: {  	s11 =	sshrl.u32 s18, $0x3  }
0x57: {  	s18 =	sadd.s32 s6, s11  }
0x58: {  	[tilespmem:s17], [sflag:$0x3] =	stream.linear.gather [hbm4b:s18+s17], $0x50, $0x38;
	[tilespmem:$0xF200] =	vst v63  }
0x59: {  	s11 =	sadd.s32 s1, s11  }
0x5a: {  	[tilespmem:s19], [sflag:$0x3] =	stream.linear.gather [hbm4b:s11+s17], $0x50, $0x38;
	[tilespmem:$0xF200] =	vst v63  }
0x5b: {  	_ =	swait.ge [sflag:s31], $0x2800  }
0x5c: {  	[sflag:s31] =	ssyncset.done $0x0  }
0x5d: {  	[sflag:s31] =	ssyncadd.s32 $0xFFFFD800  }
0x5e: {  	_ =	swait.ge [sflag:s0], $0x50  }
0x5f: {  	[sflag:s0] =	ssyncset.done $0x0  }
0x60: {  	[sflag:s0] =	ssyncadd.s32 $0xFFFFFFB0  }
0x61: {  	_ =	swait.ge [sflag:s0], $0x50  }
0x62: {  	[sflag:s0] =	ssyncset.done $0x0  }
0x63: {  	[sflag:s0] =	ssyncadd.s32 $0xFFFFFFB0  }
0x64: {  	[tilespmem:s21], [sflag:$0x1] =	stream.indirect.gather [hbm4b:s5+s20], $0x80, s17, s20, $0xb8;
	[tilespmem:$0xF200] =	vst v63  }
0x65: {  	_ = 	snop  }
0x66: {  	[tilespmem:s22], [sflag:$0x1] =	stream.indirect.gather [hbm4b:s5+s20], $0x80, s19, s20, $0xb8;
	[tilespmem:$0xF200] =	vst v63  }
0x67: {  	_ =	swait.ge [sflag:s2], $0x2800  }
0x68: {  	[sflag:s2] =	ssyncset.done $0x0  }
0x69: {  	[sflag:s2] =	ssyncadd.s32 $0xFFFFD800  }
0x6a: {  	_ =	swait.ge [sflag:s2], $0x2800  }
0x6b: {  	[sflag:s2] =	ssyncset.done $0x0  }
0x6c: {  	s11 =	simm.s32 $0x0;
	[sflag:s2] =	ssyncadd.s32 $0xFFFFD800  }
0x6d: {  	v2 =	vld [tilespmem:s11+$0x2A30]  }
0x6e: {  	v4 =	vld [tilespmem:s11+$0x7A70]  }
0x6f: {  	v5 =	vld [tilespmem:s11+$0x2A00]  }
0x70: {  	v6 =	vld [tilespmem:s11+$0x7A40]  }
0x71: {  	v1 =	vld [tilespmem:s11+$0x2A10]  }
0x72: {  	v3 =	vld [tilespmem:s11+$0x7A50]  }
0x73: {  	v0 =	vld [tilespmem:s11+$0x2A20];
	v7 =	vadd.f32 v4, v2  }
0x74: {  	s17 =	simm.s32 $0x80;
	v4 =	vld [tilespmem:s11+$0x7A60]  }
0x75: {  	s18 =	simm.s32 $0x400;
	v2 =	vld [tilespmem:s17+$0x2A30];
	v5 =	vadd.f32 v6, v5;
	[tilespmem:s11+$0xCA30] =	vst v7  }
.LBB2_5:
0x76: {  	p0 =	sne.s32 s18, $0x9E00;
	v6 =	vld [tilespmem:s17+$0x7A70]  }
0x77: {  	v7 =	vld [tilespmem:s17+$0x2A00];
	[tilespmem:s11+$0xCA00] =	vst v5;
	v3 =	vadd.f32 v3, v1  }
0x78: {  	v5 =	vld [tilespmem:s17+$0x7A40]  }
.Ltmp1:
0x79: {  	v1 =	vld [tilespmem:s17+$0x2A10];
	[tilespmem:s11+$0xCA10] =	vst v3;
	v4 =	vadd.f32 v4, v0;
	(pc) =	sbr.rel @p0 .LBB2_5-.Ltmp1, $4  }
0x7a: {  	v3 =	vld [tilespmem:s17+$0x7A50]  }
0x7b: {  	v0 =	vld [tilespmem:s17+$0x2A20];
	v6 =	vadd.f32 v6, v2;
	[tilespmem:s11+$0xCA20] =	vst v4;
	s11 =	smov.u32 s17  }
0x7c: {  	s17 =	sshra.s32 s18, $0x2;
	v4 =	vld [tilespmem:s11+$0x7A60]  }
0x7d: {  	s18 =	sadd.s32 $0x200, s18;
	v2 =	vld [tilespmem:s17+$0x2A30];
	v5 =	vadd.f32 v5, v7;
	[tilespmem:s11+$0xCA30] =	vst v6  }
0x7e: {  	v6 =	vld [tilespmem:s17+$0x7A70]  }
0x7f: {  	v7 =	vld [tilespmem:s17+$0x2A00];
	[tilespmem:s11+$0xCA00] =	vst v5;
	v1 =	vadd.f32 v3, v1  }
0x80: {  	v62 =	vld [tilespmem:s17+$0x7A40]  }
0x81: {  	v5 =	vld [tilespmem:s17+$0x2A10];
	[tilespmem:s11+$0xCA10] =	vst v1;
	v0 =	vadd.f32 v4, v0  }
0x82: {  	v1 =	vld [tilespmem:s17+$0x7A50]  }
0x83: {  	v63 =	vld [tilespmem:s17+$0x2A20];
	[tilespmem:s11+$0xCA20] =	vst v0  }
0x84: {  	v0 =	vld [tilespmem:s17+$0x7A60];
	_ =	sdelay $0x1  }
0x85: {  	v2 =	vadd.f32 v6, v2  }
0x86: {  	v3 =	vadd.f32 v62, v7  }
0x87: {  	[tilespmem:s17+$0xCA30] =	vst v2;
	v1 =	vadd.f32 v1, v5  }
0x88: {  	s18 =	sadd.s32 s16, s8;
	[tilespmem:s17+$0xCA00] =	vst v3;
	v0 =	vadd.f32 v0, v63  }
0x89: {  	s11 =	sshll.u32 s18, $0x4;
	[tilespmem:s17+$0xCA10] =	vst v1  }
0x8a: {  	s11 =	sadd.s32 s7, s11;
	[tilespmem:s17+$0xCA20] =	vst v0  }
0x8b: {  	[hbm4b:s11+s3] =	stream.linear.scatter [tilespmem:s10], [sflag:$0x6], $0x2800, $0x38;
	[tilespmem:$0xF200] =	vst v63  }
0x8c: {  	s11 =	sadd.s32 s16, s15  }
0x8d: {  	s13 =	sadd.s32 $0x1, s13;
	s16 =	smov.u32 s9;
	p0 =	slt.s32 s11, s9  }
0x8e: {  	s16 =	smov.u32 @p0 s11;
	p0 =	sne.s32 s13, $0x3E  }
.Ltmp2:
0x8f: {  	s11 =	sshrl.u32 s16, $0x3;
	(pc) =	sbr.rel @p0 .LBB2_2-.Ltmp2, $4  }
0x90: {  	s16 =	sadd.s32 s6, s11  }
0x91: {  	[tilespmem:s23], [sflag:$0x4] =	stream.linear.gather [hbm4b:s16+s3], $0x50, $0x38;
	[tilespmem:$0xF200] =	vst v63  }
0x92: {  	s11 =	sadd.s32 s1, s11  }
0x93: {  	[tilespmem:s24], [sflag:$0x4] =	stream.linear.gather [hbm4b:s11+s3], $0x50, $0x38;
	[tilespmem:$0xF200] =	vst v63  }
0x94: {  	s11 =	simm.s32 $0x6  }
0x95: {  	_ =	swait.ge [sflag:s11], $0x2800  }
0x96: {  	[sflag:s11] =	ssyncset.done $0x0  }
0x97: {  	[sflag:s11] =	ssyncadd.s32 $0xFFFFD800  }
0x98: {  	_ =	swait.ge [sflag:s29], $0x2800  }
0x99: {  	[sflag:s29] =	ssyncset.done $0x0  }
0x9a: {  	[sflag:s29] =	ssyncadd.s32 $0xFFFFD800  }
0x9b: {  	_ =	swait.ge [sflag:s29], $0x2800  }
0x9c: {  	[sflag:s29] =	ssyncset.done $0x0  }
0x9d: {  	s11 =	simm.s32 $0x0;
	[sflag:s29] =	ssyncadd.s32 $0xFFFFD800  }
0x9e: {  	v2 =	vld [tilespmem:s11+$0x230]  }
0x9f: {  	v4 =	vld [tilespmem:s11+$0x5270]  }
0xa0: {  	v5 =	vld [tilespmem:s11+$0x200]  }
0xa1: {  	v6 =	vld [tilespmem:s11+$0x5240]  }
0xa2: {  	v1 =	vld [tilespmem:s11+$0x210]  }
0xa3: {  	v3 =	vld [tilespmem:s11+$0x5250]  }
0xa4: {  	v0 =	vld [tilespmem:s11+$0x220];
	v7 =	vadd.f32 v4, v2  }
0xa5: {  	s13 =	simm.s32 $0x80;
	v4 =	vld [tilespmem:s11+$0x5260]  }
0xa6: {  	s16 =	simm.s32 $0x400;
	v2 =	vld [tilespmem:s13+$0x230];
	v5 =	vadd.f32 v6, v5;
	[tilespmem:s11+$0xA230] =	vst v7  }
.LBB2_8:
0xa7: {  	p0 =	sne.s32 s16, $0x9E00;
	v6 =	vld [tilespmem:s13+$0x5270]  }
0xa8: {  	v7 =	vld [tilespmem:s13+$0x200];
	[tilespmem:s11+$0xA200] =	vst v5;
	v3 =	vadd.f32 v3, v1  }
0xa9: {  	v5 =	vld [tilespmem:s13+$0x5240]  }
.Ltmp3:
0xaa: {  	v1 =	vld [tilespmem:s13+$0x210];
	[tilespmem:s11+$0xA210] =	vst v3;
	v4 =	vadd.f32 v4, v0;
	(pc) =	sbr.rel @p0 .LBB2_8-.Ltmp3, $4  }
0xab: {  	v3 =	vld [tilespmem:s13+$0x5250]  }
0xac: {  	v0 =	vld [tilespmem:s13+$0x220];
	v6 =	vadd.f32 v6, v2;
	[tilespmem:s11+$0xA220] =	vst v4;
	s11 =	smov.u32 s13  }
0xad: {  	s13 =	sshra.s32 s16, $0x2;
	v4 =	vld [tilespmem:s11+$0x5260]  }
0xae: {  	s16 =	sadd.s32 $0x200, s16;
	v2 =	vld [tilespmem:s13+$0x230];
	v5 =	vadd.f32 v5, v7;
	[tilespmem:s11+$0xA230] =	vst v6  }
0xaf: {  	v6 =	vld [tilespmem:s13+$0x5270]  }
0xb0: {  	v7 =	vld [tilespmem:s13+$0x200];
	[tilespmem:s11+$0xA200] =	vst v5;
	v1 =	vadd.f32 v3, v1  }
0xb1: {  	v62 =	vld [tilespmem:s13+$0x5240]  }
0xb2: {  	v5 =	vld [tilespmem:s13+$0x210];
	[tilespmem:s11+$0xA210] =	vst v1;
	v0 =	vadd.f32 v4, v0  }
0xb3: {  	v1 =	vld [tilespmem:s13+$0x5250]  }
0xb4: {  	v63 =	vld [tilespmem:s13+$0x220];
	[tilespmem:s11+$0xA220] =	vst v0  }
0xb5: {  	v0 =	vld [tilespmem:s13+$0x5260];
	_ =	sdelay $0x1  }
0xb6: {  	v2 =	vadd.f32 v6, v2  }
0xb7: {  	v3 =	vadd.f32 v62, v7  }
0xb8: {  	[tilespmem:s13+$0xA230] =	vst v2;
	v1 =	vadd.f32 v1, v5  }
0xb9: {  	[tilespmem:s13+$0xA200] =	vst v3;
	v0 =	vadd.f32 v0, v63  }
0xba: {  	[tilespmem:s13+$0xA210] =	vst v1  }
0xbb: {  	s17 =	rddreg [dreg:$0x7];
	[tilespmem:s13+$0xA220] =	vst v0  }
0xbc: {  	[hbm4b:s17+s3] =	stream.linear.scatter [tilespmem:s30], [sflag:$0x5], $0x2800, $0x38;
	[tilespmem:$0xF200] =	vst v63  }
0xbd: {  	_ =	swait.ge [sflag:s25], $0x50  }
0xbe: {  	[sflag:s25] =	ssyncset.done $0x0  }
0xbf: {  	[sflag:s25] =	ssyncadd.s32 $0xFFFFFFB0  }
0xc0: {  	_ =	swait.ge [sflag:s25], $0x50  }
0xc1: {  	[sflag:s25] =	ssyncset.done $0x0  }
0xc2: {  	[sflag:s25] =	ssyncadd.s32 $0xFFFFFFB0  }
0xc3: {  	_ =	swait.ge [sflag:s31], $0x2800  }
0xc4: {  	s12 =	sadd.s32 $0x1, s12;
	s18 =	rddreg [dreg:$0x8]  }
0xc5: {  	p0 =	sne.s32 s12, s18  }
.Ltmp4:
0xc6: {  	_ = 	snop;
	(pc) =	sbr.rel @p0 .LBB2_1-.Ltmp4, $3  }
0xc7: {  	_ =	sdelay $0x1  }
0xc8: {  	[sflag:s31] =	ssyncset.done $0x0  }
0xc9: {  	[sflag:s31] =	ssyncadd.s32 $0xFFFFD800  }
0xca: {  	_ =	sfence.sel $0x180000  }
0xcb: {  	[bflag:$0x0] =	sbarrier.arrive $0xFFFF  }
0xcc: {  	_ =	strace $0x90000056  }
0xcd: {  	s0 =	stileid.u32;
	[bflag:$0x2] =	sbarrier.arrive $0xFFFF  }
0xce: {  	p0 =	sne.s32 s0, $0x0;
	s0 =	rddreg [dreg:$0x2]  }
0xcf: {  	s0 =	sadd.s32 @!p0 $0x100000, s0  }
0xd0: {  	[sflag:s0] =	ssyncadd.tile.s32 @!p0 $0x1;
	_ =	shalt  }
.Lfunc_end2:
_tile_overlayer_lowered:
.L_overlay_start_2:
0xd1: {  	(tag) =	ssettag $0x2  }
0xd2: {  	s0 =	rddreg [dreg:$0x0];
	s2 =	stileid.u32  }
0xd3: {  	s1 =	rddreg [dreg:$0x1];
	p0 =	sne.s32 s2, $0x0  }
0xd4: {  	s3 =	rddreg [dreg:$0x2];
	[bflag:$0x3] =	sbarrier.arrive $0xFFFF;
	s2 =	simm.s32 @!p0 $0x1C07  }
0xd5: {  	[timem:s3], [sflag:s2] =	dma.local @!p0 [hbm:s0], s1  }
0xd6: {  	s0 =	simm.s32 @!p0 $0x7  }
0xd7: {  	_ =	swait.ge @!p0 [sflag:s0], s1  }
0xd8: {  	s1 =	ssub.s32 @!p0 $0x0, s1;
	[sflag:s0] =	ssyncset.done @!p0 $0x0  }
0xd9: {  	[sflag:s0] =	ssyncadd.s32 @!p0 s1  }
0xda: {  	[bflag:$0x3] =	sbarrier.arrive $0xFFFF  }
0xdb: {  	_ =	shalt  }

// kernel: sc_msg_scatter.3.cloned.1.call-start
scs
__scs_entry_jumppad:
0x0: {  	(pc) =	sbr.rel $0x88, $3  }
0x1: {  	(tag) =	ssettag $0x0;
	lr =	simm.s32 $0x1  }
0x2: {  	[smem:$0x3F87] =	sst lr;
	_ =	strace $0xD0000000  }
0x3: {  	_ = 	snop  }
0x4: {  	_ = 	snop  }
0x5: {  	_ = 	snop  }
0x6: {  	_ = 	snop  }
0x7: {  	_ = 	snop  }
__scs_overlays_trampoline_lowered:
0x8: {  	[smem:$0x3F96] =	sst s0  }
0x9: {  	[smem:$0x3F97] =	sst s1  }
0xa: {  	[smem:$0x3F98] =	sst s2  }
0xb: {  	[smem:$0x3F99] =	sst s3  }
0xc: {  	[smem:$0x3F9A] =	sst s4  }
0xd: {  	[smem:$0x3F9B] =	sst s5  }
0xe: {  	[smem:$0x3F9C] =	sst s6  }
0xf: {  	[smem:$0x3F9D] =	sst s7  }
0x10: {  	[smem:$0x3F9E] =	sst s8  }
0x11: {  	[smem:$0x3F9F] =	sst s9;
	s0 =	simm.s32 @!p0 $0x0  }
0x12: {  	s1 =	sld [smem:$0x3F85];
	s0 =	simm.s32 @p0 $0x1  }
0x13: {  	[smem:$0x3FA0] =	sst s0;
	s0 =	simm.s32 @!p1 $0x0  }
0x14: {  	s2 =	sld [smem:$0x3F84];
	s0 =	simm.s32 @p1 $0x1  }
0x15: {  	[smem:$0x3FA1] =	sst s0;
	s0 =	simm.s32 @!p2 $0x0  }
0x16: {  	s3 =	sld [smem:$0x3FDB];
	s0 =	simm.s32 @p2 $0x1  }
0x17: {  	s4 =	simm.s32 $0x1BF5;
	[smem:$0x3FA3] =	sst s0  }
0x18: {  	s0 =	sld [smem:$0x3F86];
	_ =	swait.ge [sflag:s4], $0x0  }
0x19: {  	s7 =	sld [smem:$0x3F87]  }
0x1a: {  	s8 =	sadd.s32 $0xFFFFE003, lr  }
0x1b: {  	s9 =	sadd.s32 $0xFFFFFEF7, lr;
	s5 =	simm.s32 $0xFFFFFFFF;
	p2 =	slt.u32 s8, $0xFFFFF086  }
0x1c: {  	p1 =	slt.u32 s9, $0xF7A;
	s5 =	simm.s32 @!p2 $0x0  }
0x1d: {  	s5 =	simm.s32 @p1 $0x1;
	p0 =	seq.s32 s7, s2  }
0x1e: {  	s7 =	smul.u32 @!p0 $0xF7A, s2;
	p2 =	seq.s32 @!p0 s5, $0x0  }
0x1f: {  	s9 =	smul.u32 $0xF7A, s1;
	s8 =	simm.s32 @!p0 $0x1BF5;
	p2 =	por !p2, p0  }
0x20: {  	[sflag:s8] =	ssyncset.s32 @!p0 $0xFFFFF086;
	s6 =	sadd.s32 @!p0 s3, s7;
	s7 =	simm.s32 @!p0 $0x108  }
0x21: {  	s3 =	sadd.s32 s3, s9;
	s6 =	sadd.s32 @!p0 $0x88, s6;
	s7 =	simm.s32 @p2 $0x1082  }
0x22: {  	[simem:s7], [sflag:s8] =	dma.local @!p0 [hbm:s6], $0xF7A  }
0x23: {  	s9 =	sor.u32 $0xD0000000, s2;
	s6 =	simm.s32 $0x108;
	_ =	swait.ge @!p0 [sflag:s8], $0x0  }
0x24: {  	s3 =	sadd.s32 $0x88, s3;
	s6 =	simm.s32 @!p1 $0x1082;
	[sflag:s4] =	ssyncset.s32 $0xFFFFF086  }
0x25: {  	[simem:s6], [sflag:s4] =	dma.local [hbm:s3], $0xF7A  }
0x26: {  	[smem:$0x3F87] =	sst s1;
	(tag) =	ssettag s2;
	_ =	strace s9  }
0x27: {  	s1 =	sld [smem:$0x3F97]  }
0x28: {  	s2 =	sld [smem:$0x3F98]  }
0x29: {  	s4 =	sld [smem:$0x3F9A]  }
0x2a: {  	p0 =	seq.s32 s5, $0x0;
	s5 =	sld [smem:$0x3F9B]  }
0x2b: {  	s6 =	sld [smem:$0x3F9C]  }
0x2c: {  	s7 =	sld [smem:$0x3F9D]  }
0x2d: {  	s3 =	simm.s32 $0x108;
	s8 =	sld [smem:$0x3F9E]  }
0x2e: {  	s3 =	simm.s32 @!p0 $0x1082;
	s9 =	sld [smem:$0x3F9F]  }
0x2f: {  	lr =	sadd.s32 s0, s3;
	s0 =	sld [smem:$0x3F96]  }
0x30: {  	s3 =	sld [smem:$0x3F99]  }
0x31: {  	[smem:$0x3FA2] =	sst s10  }
0x32: {  	s10 =	sld [smem:$0x3FA0];
	_ =	sdelay $0x3  }
0x33: {  	p0 =	seq.s32 s10, $0x1;
	s10 =	sld [smem:$0x3FA2];
	_ =	sdelay $0x3  }
0x34: {  	[smem:$0x3FA2] =	sst s10  }
0x35: {  	s10 =	sld [smem:$0x3FA1];
	_ =	sdelay $0x3  }
0x36: {  	p1 =	seq.s32 s10, $0x1;
	s10 =	sld [smem:$0x3FA2];
	_ =	sdelay $0x3  }
0x37: {  	[smem:$0x3FA2] =	sst s10  }
0x38: {  	s10 =	sld [smem:$0x3FA3]  }
0x39: {  	_ = 	snop;
	(pc) =	sbr.ind lr, $3  }
0x3a: {  	_ = 	snop  }
0x3b: {  	_ = 	snop  }
0x3c: {  	p2 =	seq.s32 s10, $0x1;
	s10 =	sld [smem:$0x3FA2]  }
0x3d: {  	_ =	shalt  }
0x3e: {  	_ =	shalt  }
0x3f: {  	_ =	shalt  }
0x40: {  	_ =	shalt  }
0x41: {  	_ =	shalt  }
0x42: {  	_ =	shalt  }
0x43: {  	_ =	shalt  }
0x44: {  	_ =	shalt  }
0x45: {  	_ =	shalt  }
0x46: {  	_ =	shalt  }
0x47: {  	_ =	shalt  }
0x48: {  	_ =	shalt  }
0x49: {  	_ =	shalt  }
0x4a: {  	_ =	shalt  }
0x4b: {  	_ =	shalt  }
0x4c: {  	_ =	shalt  }
0x4d: {  	_ =	shalt  }
0x4e: {  	_ =	shalt  }
0x4f: {  	_ =	shalt  }
0x50: {  	_ =	shalt  }
0x51: {  	_ =	shalt  }
0x52: {  	_ =	shalt  }
0x53: {  	_ =	shalt  }
0x54: {  	_ =	shalt  }
0x55: {  	_ =	shalt  }
0x56: {  	_ =	shalt  }
0x57: {  	_ =	shalt  }
0x58: {  	_ =	shalt  }
0x59: {  	_ =	shalt  }
0x5a: {  	_ =	shalt  }
0x5b: {  	_ =	shalt  }
0x5c: {  	_ =	shalt  }
0x5d: {  	_ =	shalt  }
0x5e: {  	_ =	shalt  }
0x5f: {  	_ =	shalt  }
0x60: {  	_ =	shalt  }
0x61: {  	_ =	shalt  }
0x62: {  	_ =	shalt  }
0x63: {  	_ =	shalt  }
0x64: {  	_ =	shalt  }
0x65: {  	_ =	shalt  }
0x66: {  	_ =	shalt  }
0x67: {  	_ =	shalt  }
0x68: {  	_ =	shalt  }
0x69: {  	_ =	shalt  }
0x6a: {  	_ =	shalt  }
0x6b: {  	_ =	shalt  }
0x6c: {  	_ =	shalt  }
0x6d: {  	_ =	shalt  }
0x6e: {  	_ =	shalt  }
0x6f: {  	_ =	shalt  }
0x70: {  	_ =	shalt  }
0x71: {  	_ =	shalt  }
0x72: {  	_ =	shalt  }
0x73: {  	_ =	shalt  }
0x74: {  	_ =	shalt  }
0x75: {  	_ =	shalt  }
0x76: {  	_ =	shalt  }
0x77: {  	_ =	shalt  }
0x78: {  	_ =	shalt  }
0x79: {  	_ =	shalt  }
0x7a: {  	_ =	shalt  }
0x7b: {  	_ =	shalt  }
0x7c: {  	_ =	shalt  }
0x7d: {  	_ =	shalt  }
0x7e: {  	_ =	shalt  }
0x7f: {  	_ =	shalt  }
0x80: {  	_ =	shalt  }
0x81: {  	_ =	shalt  }
0x82: {  	_ =	shalt  }
0x83: {  	_ =	shalt  }
0x84: {  	_ =	shalt  }
0x85: {  	_ =	shalt  }
0x86: {  	_ =	shalt  }
0x87: {  	_ =	shalt  }
.Lfunc_end0:
.L_simem_size_0:
called_computation.6_lowered:
.L_overlay_start_0:
0x88: {  	s2 =	sld [smem:$0x3FD9]  }
0x89: {  	s3 =	sld [smem:$0x3FFE];
	_ =	sdelay $0x1  }
0x8a: {  	s1 =	srdreg.scid  }
0x8b: {  	s0 =	sand.u32 $0x1, s1  }
0x8c: {  	s14 =	sshll.u32 s0, $0xA;
	s2 =	sadd.s32 s3, s2  }
0x8d: {  	s2 =	sadd.s32 s2, s14  }
0x8e: {  	[smem:$0x3FAE] =	sst s2  }
0x8f: {  	_ = 	snop  }
0x90: {  	s2 =	sld [smem:$0x3FD0];
	_ =	sdelay $0x2  }
0x91: {  	s15 =	simm.s32 $0xA;
	s4 =	simm.s32 $0x10  }
0x92: {  	[smem:s4], [sflag:s15] =	dma.local [hbm:s2], $0x1  }
0x93: {  	_ =	swait.eq [sflag:s15], $0x1  }
0x94: {  	[sflag:s15] =	ssyncset.done $0x0  }
0x95: {  	s16 =	sld [smem:$0x10];
	[sflag:s15] =	ssyncadd.s32 $0xFFFFFFFF  }
0x96: {  	s17 =	sld [smem:$0x11];
	(tm) =	ssettm $0x1  }
0x97: {  	s18 =	sld [smem:$0x3FFB];
	_ =	sdelay $0x3  }
0x98: {  	_ =	strace s18  }
0x99: {  	s4 =	sld [smem:$0x3FFC];
	_ =	sdelay $0x3  }
0x9a: {  	_ =	strace s4  }
0x9b: {  	s4 =	sld [smem:$0x3FFD];
	_ =	sdelay $0x3  }
0x9c: {  	_ =	strace s4  }
0x9d: {  	_ =	strace $0x8FFFFFFF  }
0x9e: {  	s19 =	sld [smem:$0x3FDB];
	_ =	sdelay $0x1  }
0x9f: {  	s5 =	simm.s32 $_scs_section_size  }
0xa0: {  	s6 =	simm.s32 $_size__tile_overlayer_lowered;
	s7 =	simm.s32 $_tile_overlayer_lowered  }
0xa1: {  	s22 =	simm.s32 $0x1BFF;
	s21 =	sshll.u32 s7, $0x1;
	s4 =	sadd.s32 s5, s19  }
0xa2: {  	s8 =	simm.s32 $0x0;
	s20 =	sshll.u32 s6, $0x1;
	s6 =	sadd.s32 s21, s4  }
0xa3: {  	[timem:s8], [sflag:s22] =	dma.local [hbm:s6], s20  }
0xa4: {  	_ =	swait.ge [sflag:s22], s20  }
0xa5: {  	s5 =	ssub.s32 $0x0, s20;
	[sflag:s22] =	ssyncset.done $0x0  }
0xa6: {  	[sflag:s22] =	ssyncadd.s32 s5;
	_ =	sdelay $0x1  }
0xa7: {  	s23 =	simm.s32 $0x1B8B  }
0xa8: {  	_ =	swait.ge [sflag:s23], $0x1  }
0xa9: {  	[sflag:s23] =	ssyncset.done $0x0  }
0xaa: {  	s25 =	simm.s32 $0x1B8E;
	s24 =	sld [smem:$0x3FFE];
	[sflag:s23] =	ssyncadd.s32 $0xFFFFFFFF  }
0xab: {  	s26 =	simm.s32 $execute0_lowered;
	[smem:$0x3FD2] =	sst s25  }
0xac: {  	s6 =	sshll.u32 s26, $0x1;
	_ =	strace $0x80000058;
	[dreg:$0x1] =	wrdreg $0xFFFFFFFF  }
0xad: {  	s28 =	simm.s32 $_size_execute0_lowered;
	s4 =	sadd.s32 s4, s6;
	[dreg:$0x0] =	wrdreg $0x0  }
0xae: {  	s6 =	sshll.u32 s28, $0x1;
	[dreg:$0x2] =	wrdreg s4  }
0xaf: {  	[dreg:$0x3] =	wrdreg s6  }
0xb0: {  	[dreg:$0x4] =	wrdreg $0xC0  }
0xb1: {  	_ =	task [dreg:s8], $0x5FFFF  }
0xb2: {  	[dreg:$0x1] =	wrdreg $0xFFFFFFFF  }
0xb3: {  	[dreg:$0x0] =	wrdreg $0x60  }
0xb4: {  	[dreg:$0x2] =	wrdreg s24  }
0xb5: {  	[dreg:$0x3] =	wrdreg s16  }
0xb6: {  	[dreg:$0x4] =	wrdreg s17  }
0xb7: {  	[dreg:$0x5] =	wrdreg $0x0  }
0xb8: {  	[dreg:$0x6] =	wrdreg $0x9  }
0xb9: {  	_ =	task.clear_ibuf [dreg:s8], $0x7FFFF;
	_ =	strace $0x90000058  }
0xba: {  	s29 =	simm.s32 $0x9;
	_ =	strace $0x8000005A  }
0xbb: {  	_ =	swait.ge [sflag:s29], $0x1  }
0xbc: {  	[sflag:s29] =	ssyncadd.s32 $0xFFFFFFFF  }
0xbd: {  	_ =	strace $0x9000005A  }
0xbe: {  	_ =	sfence  }
0xbf: {  	s30 =	sld [smem:$0x0];
	_ =	sdelay $0x2  }
0xc0: {  	s31 =	sshll.u32 s1, $0xD;
	s1 =	sshrl.u32 s1, $0x2  }
0xc1: {  	s3 =	sand.u32 $0x4000, s31;
	s1 =	sadd.s32 s1, s30  }
0xc2: {  	s0 =	sor.u32 s3, s0;
	s1 =	sshll.u32 s1, $0x11  }
0xc3: {  	s0 =	sor.u32 s1, s0  }
0xc4: {  	s0 =	sadd.s32 $0x8F2B, s0  }
0xc5: {  	[sflag:s0] =	ssyncadd.remote.s32 $0x1  }
0xc6: {  	_ =	sfence.sel $0xFFFF  }
0xc7: {  	[dreg:$0x0] =	wrdreg $0xFFFFFFFF;
	(pc) =	sbr.abs _section_cstart, $3  }
0xc8: {  	[dreg:$0x1] =	wrdreg $0xFFFFFFFF  }
0xc9: {  	_ =	task.clear_ibuf [dreg:s8], $0x2FFFF;
	_ =	strace $0x9FFFFFFF  }
0xca: {  	(tm) =	ssettm $0x7FFFFFFF  }
0xcb: {  	_ =	shalt  }
tec
execute0_lowered:
.L_overlay_start_1:
0x0: {  	(tag) =	ssettag $0x1  }
0x1: {  	s6 =	rddreg [dreg:$0x0]  }
0x2: {  	s1 =	rddreg [dreg:$0x1]  }
0x3: {  	s7 =	rddreg [dreg:$0x2]  }
0x4: {  	s3 =	rddreg [dreg:$0x3]  }
0x5: {  	s0 =	rddreg [dreg:$0x4];
	s5 =	srdreg.scid  }
0x6: {  	s2 =	stileid.u32;
	s4 =	simm.s32 $0x0;
	s16 =	simm.s32 $0x3  }
0x7: {  	s17 =	simm.s32 $0x280;
	s18 =	simm.s32 $0x380;
	s19 =	simm.s32 $0x300  }
0x8: {  	s20 =	simm.s32 $0x400;
	s21 =	simm.s32 $0x1;
	s22 =	simm.s32 $0x50  }
0x9: {  	s23 =	simm.s32 $0x2;
	s24 =	simm.s32 $0x0;
	s9 =	smul.u32 $0x280, s2  }
0xa: {  	s8 =	sand.u32 $0x1, s5;
	[smem:$0x7FF] =	sst s4;
	s30 =	smul.u32 $0x2710, s2  }
0xb: {  	s5 =	sadd.s32 $0x6200, s6;
	s31 =	sshll.u32 s2, $0x6;
	s10 =	smul.u32 $0x2800, s8  }
0xc: {  	_ =	strace $0x80000059;
	s11 =	sshll.u32 s8, $0x4;
	s12 =	ssub.s32 $0x2, s8  }
0xd: {  	s28 =	smul.u32 $0x27100, s8;
	s11 =	sor.u32 s2, s11;
	s13 =	sshrl.u32 s12, $0x1  }
0xe: {  	s15 =	sadd.s32 s9, s3;
	s29 =	sshrl.u32 s9, $0x3;
	s10 =	sadd.s32 s9, s10  }
0xf: {  	s11 =	smul.u32 $0x2710, s11;
	s12 =	ssub.s32 s12, s13;
	s13 =	sadd.s32 s30, s28  }
0x10: {  	s15 =	sshrl.u32 s15, $0x3;
	s10 =	sshrl.u32 s10, $0x3;
	s14 =	sadd.s32 $0x50, s13  }
0x11: {  	s10 =	sadd.s32 s10, s6;
	s6 =	sadd.s32 s7, s29;
	s11 =	sshrl.u32 s11, $0x3  }
0x12: {  	s7 =	sor.u32 $0x1C03, s31;
	s14 =	sshrl.u32 s14, $0x3;
	s8 =	sadd.s32 s1, s11  }
0x13: {  	s9 =	sadd.s32 s5, s11;
	s10 =	sadd.s32 $0x10600, s10;
	s11 =	smax.u32 s12, $0x1  }
0x14: {  	s12 =	sadd.s32 $0xA0, s13;
	s13 =	sadd.s32 s14, s5;
	s14 =	sadd.s32 s14, s1  }
.LBB2_1:
0x15: {  	[spmem:s15], [sflag:s7] =	dma.local [hbm:s6], $0x50  }
0x16: {  	_ =	swait.ge [sflag:s16], $0x50  }
0x17: {  	[sflag:s16] =	ssyncset.done $0x0  }
0x18: {  	[sflag:s16] =	ssyncadd.s32 $0xFFFFFFB0  }
0x19: {  	[bflag:$0x0] =	sbarrier.arrive $0xFFFF  }
0x1a: {  	[tilespmem:s17], [sflag:$0x1] =	stream.linear.gather [hbm4b:s8+s4], $0x50, $0x38;
	[tilespmem:$0x480] =	vst v63  }
0x1b: {  	_ = 	snop  }
0x1c: {  	[tilespmem:s18], [sflag:$0x1] =	stream.linear.gather [hbm4b:s9+s4], $0x50, $0x38;
	[tilespmem:$0x480] =	vst v63  }
0x1d: {  	s25 =	sadd.s32 $0x0, s14  }
0x1e: {  	[tilespmem:s19], [sflag:$0x2] =	stream.linear.gather [hbm4b:s25+s4], $0x50, $0x38;
	[tilespmem:$0x480] =	vst v63  }
0x1f: {  	s30 =	sadd.s32 $0x0, s13  }
0x20: {  	[tilespmem:s20], [sflag:$0x2] =	stream.linear.gather [hbm4b:s30+s4], $0x50, $0x38;
	[tilespmem:$0x480] =	vst v63  }
0x21: {  	_ =	swait.ge [sflag:s21], $0x50  }
0x22: {  	[sflag:s21] =	ssyncset.done $0x0  }
0x23: {  	[sflag:s21] =	ssyncadd.s32 $0xFFFFFFB0  }
0x24: {  	_ =	swait.ge [sflag:s21], $0x50  }
0x25: {  	[sflag:s21] =	ssyncset.done $0x0  }
0x26: {  	[sflag:s21] =	ssyncadd.s32 $0xFFFFFFB0  }
0x27: {  	[spmem:s3] =	stream.indirect.scatter.add.f32 [tilespmem:s18], [sflag:$0x3], $0x1, s17, s22, $0xb8;
	[tilespmem:$0x480] =	vst v63  }
0x28: {  	_ =	swait.ge [sflag:s16], $0x50  }
0x29: {  	s31 =	sshrl.u32 s12, $0x3;
	[sflag:s16] =	ssyncset.done $0x0  }
0x2a: {  	s26 =	sadd.s32 s1, s31;
	[sflag:s16] =	ssyncadd.s32 $0xFFFFFFB0  }
0x2b: {  	[tilespmem:s17], [sflag:$0x1] =	stream.linear.gather [hbm4b:s26+s4], $0x50, $0x38;
	[tilespmem:$0x480] =	vst v63  }
0x2c: {  	s25 =	sadd.s32 s5, s31  }
0x2d: {  	[tilespmem:s18], [sflag:$0x1] =	stream.linear.gather [hbm4b:s25+s4], $0x50, $0x38;
	[tilespmem:$0x480] =	vst v63  }
0x2e: {  	_ =	swait.ge [sflag:s23], $0x50  }
0x2f: {  	[sflag:s23] =	ssyncset.done $0x0  }
0x30: {  	[sflag:s23] =	ssyncadd.s32 $0xFFFFFFB0  }
0x31: {  	_ =	swait.ge [sflag:s23], $0x50  }
0x32: {  	[sflag:s23] =	ssyncset.done $0x0  }
0x33: {  	[sflag:s23] =	ssyncadd.s32 $0xFFFFFFB0  }
0x34: {  	[spmem:s3] =	stream.indirect.scatter.add.f32 [tilespmem:s20], [sflag:$0x3], $0x1, s19, s22, $0xb8;
	[tilespmem:$0x480] =	vst v63  }
0x35: {  	s28 =	simm.s32 $0x28;
	_ =	swait.ge [sflag:s16], $0x50  }
0x36: {  	s26 =	simm.s32 $0x14;
	s25 =	sadd.s32 $0xA0, s12;
	[sflag:s16] =	ssyncset.done $0x0  }
.LBB2_2:
0x37: {  	s29 =	sadd.s32 s26, s14  }
0x38: {  	[sflag:s16] =	ssyncadd.s32 $0xFFFFFFB0;
	s30 =	smov.u32 s28;
	s31 =	sadd.s32 $0x14, s28  }
0x39: {  	[tilespmem:s19], [sflag:$0x2] =	stream.linear.gather [hbm4b:s29+s4], $0x50, $0x38;
	[tilespmem:$0x480] =	vst v63  }
0x3a: {  	p0 =	sne.s32 s28, $0x4C4;
	s28 =	sadd.s32 s26, s13;
	s26 =	smov.u32 s30  }
0x3b: {  	[tilespmem:s20], [sflag:$0x2] =	stream.linear.gather [hbm4b:s28+s4], $0x50, $0x38;
	[tilespmem:$0x480] =	vst v63  }
0x3c: {  	_ =	swait.ge [sflag:s21], $0x50  }
0x3d: {  	[sflag:s21] =	ssyncset.done $0x0  }
0x3e: {  	[sflag:s21] =	ssyncadd.s32 $0xFFFFFFB0  }
0x3f: {  	_ =	swait.ge [sflag:s21], $0x50  }
0x40: {  	[sflag:s21] =	ssyncset.done $0x0  }
0x41: {  	[sflag:s21] =	ssyncadd.s32 $0xFFFFFFB0  }
0x42: {  	[spmem:s3] =	stream.indirect.scatter.add.f32 [tilespmem:s18], [sflag:$0x3], $0x1, s17, s22, $0xb8;
	[tilespmem:$0x480] =	vst v63  }
0x43: {  	_ =	swait.ge [sflag:s16], $0x50  }
0x44: {  	s28 =	sshrl.u32 s25, $0x3;
	[sflag:s16] =	ssyncset.done $0x0  }
0x45: {  	s29 =	sadd.s32 s1, s28;
	[sflag:s16] =	ssyncadd.s32 $0xFFFFFFB0  }
0x46: {  	[tilespmem:s17], [sflag:$0x1] =	stream.linear.gather [hbm4b:s29+s4], $0x50, $0x38;
	[tilespmem:$0x480] =	vst v63  }
0x47: {  	s28 =	sadd.s32 s5, s28  }
0x48: {  	[tilespmem:s18], [sflag:$0x1] =	stream.linear.gather [hbm4b:s28+s4], $0x50, $0x38;
	[tilespmem:$0x480] =	vst v63  }
0x49: {  	_ =	swait.ge [sflag:s23], $0x50  }
0x4a: {  	[sflag:s23] =	ssyncset.done $0x0  }
0x4b: {  	[sflag:s23] =	ssyncadd.s32 $0xFFFFFFB0  }
0x4c: {  	_ =	swait.ge [sflag:s23], $0x50  }
.Ltmp0:
0x4d: {  	[sflag:s23] =	ssyncset.done $0x0;
	(pc) =	sbr.rel @p0 .LBB2_2-.Ltmp0, $4  }
0x4e: {  	[sflag:s23] =	ssyncadd.s32 $0xFFFFFFB0  }
0x4f: {  	[spmem:s3] =	stream.indirect.scatter.add.f32 [tilespmem:s20], [sflag:$0x3], $0x1, s19, s22, $0xb8;
	[tilespmem:$0x480] =	vst v63  }
0x50: {  	_ =	swait.ge [sflag:s16], $0x50  }
0x51: {  	s25 =	sadd.s32 $0xA0, s25;
	s28 =	smov.u32 s31;
	[sflag:s16] =	ssyncset.done $0x0  }
0x52: {  	s28 =	sadd.s32 s26, s14;
	[sflag:s16] =	ssyncadd.s32 $0xFFFFFFB0  }
0x53: {  	[tilespmem:s19], [sflag:$0x2] =	stream.linear.gather [hbm4b:s28+s4], $0x50, $0x38;
	[tilespmem:$0x480] =	vst v63  }
0x54: {  	s30 =	sadd.s32 s26, s13  }
0x55: {  	[tilespmem:s20], [sflag:$0x2] =	stream.linear.gather [hbm4b:s30+s4], $0x50, $0x38;
	[tilespmem:$0x480] =	vst v63  }
0x56: {  	_ =	swait.ge [sflag:s21], $0x50  }
0x57: {  	[sflag:s21] =	ssyncset.done $0x0  }
0x58: {  	[sflag:s21] =	ssyncadd.s32 $0xFFFFFFB0  }
0x59: {  	_ =	swait.ge [sflag:s21], $0x50  }
0x5a: {  	[sflag:s21] =	ssyncset.done $0x0  }
0x5b: {  	[sflag:s21] =	ssyncadd.s32 $0xFFFFFFB0  }
0x5c: {  	[spmem:s3] =	stream.indirect.scatter.add.f32 [tilespmem:s18], [sflag:$0x3], $0x1, s17, s22, $0xb8;
	[tilespmem:$0x480] =	vst v63  }
0x5d: {  	_ =	swait.ge [sflag:s16], $0x50  }
0x5e: {  	s25 =	sshrl.u32 s25, $0x3;
	[sflag:s16] =	ssyncset.done $0x0  }
0x5f: {  	s31 =	sadd.s32 s1, s25;
	[sflag:s16] =	ssyncadd.s32 $0xFFFFFFB0  }
0x60: {  	[tilespmem:s17], [sflag:$0x1] =	stream.linear.gather [hbm4b:s31+s4], $0x50, $0x38;
	[tilespmem:$0x480] =	vst v63  }
0x61: {  	s25 =	sadd.s32 s5, s25  }
0x62: {  	[tilespmem:s18], [sflag:$0x1] =	stream.linear.gather [hbm4b:s25+s4], $0x50, $0x38;
	[tilespmem:$0x480] =	vst v63  }
0x63: {  	_ =	swait.ge [sflag:s23], $0x50  }
0x64: {  	[sflag:s23] =	ssyncset.done $0x0  }
0x65: {  	[sflag:s23] =	ssyncadd.s32 $0xFFFFFFB0  }
0x66: {  	_ =	swait.ge [sflag:s23], $0x50  }
0x67: {  	[sflag:s23] =	ssyncset.done $0x0  }
0x68: {  	[sflag:s23] =	ssyncadd.s32 $0xFFFFFFB0  }
0x69: {  	[spmem:s3] =	stream.indirect.scatter.add.f32 [tilespmem:s20], [sflag:$0x3], $0x1, s19, s22, $0xb8;
	[tilespmem:$0x480] =	vst v63  }
0x6a: {  	_ =	swait.ge [sflag:s16], $0x50  }
0x6b: {  	[sflag:s16] =	ssyncset.done $0x0  }
0x6c: {  	[sflag:s16] =	ssyncadd.s32 $0xFFFFFFB0  }
0x6d: {  	_ =	swait.ge [sflag:s21], $0x50  }
0x6e: {  	[sflag:s21] =	ssyncset.done $0x0  }
0x6f: {  	[sflag:s21] =	ssyncadd.s32 $0xFFFFFFB0  }
0x70: {  	_ =	swait.ge [sflag:s21], $0x50  }
0x71: {  	[sflag:s21] =	ssyncset.done $0x0  }
0x72: {  	[sflag:s21] =	ssyncadd.s32 $0xFFFFFFB0  }
0x73: {  	[spmem:s3] =	stream.indirect.scatter.add.f32 [tilespmem:s18], [sflag:$0x3], $0x1, s17, s22, $0xb8;
	[tilespmem:$0x480] =	vst v63  }
0x74: {  	_ =	swait.ge [sflag:s16], $0x50  }
0x75: {  	s24 =	sadd.s32 $0x1, s24;
	[sflag:s16] =	ssyncset.done $0x0  }
0x76: {  	p0 =	sne.s32 s24, s11;
	[sflag:s16] =	ssyncadd.s32 $0xFFFFFFB0  }
.Ltmp1:
0x77: {  	[bflag:$0x0] =	sbarrier.arrive $0xFFFF;
	(pc) =	sbr.rel @p0 .LBB2_1-.Ltmp1, $4  }
0x78: {  	[hbm:s10], [sflag:s7] =	dma.local [spmem:s15], $0x50  }
0x79: {  	_ =	swait.ge [sflag:s16], $0x50  }
0x7a: {  	[sflag:s16] =	ssyncset.done $0x0  }
0x7b: {  	[sflag:s16] =	ssyncadd.s32 $0xFFFFFFB0  }
0x7c: {  	_ =	sfence.sel $0x180000  }
0x7d: {  	[bflag:$0x0] =	sbarrier.arrive $0xFFFF  }
0x7e: {  	p0 =	sne.s32 s2, $0x0;
	_ =	strace $0x90000059  }
0x7f: {  	s0 =	sadd.s32 @!p0 $0x100000, s0;
	[bflag:$0x2] =	sbarrier.arrive $0xFFFF  }
0x80: {  	[sflag:s0] =	ssyncadd.tile.s32 @!p0 $0x1;
	_ =	shalt  }
.Lfunc_end2:
_tile_overlayer_lowered:
.L_overlay_start_2:
0x81: {  	(tag) =	ssettag $0x2  }
0x82: {  	s0 =	rddreg [dreg:$0x0];
	s2 =	stileid.u32  }
0x83: {  	s1 =	rddreg [dreg:$0x1];
	p0 =	sne.s32 s2, $0x0  }
0x84: {  	s3 =	rddreg [dreg:$0x2];
	[bflag:$0x3] =	sbarrier.arrive $0xFFFF;
	s2 =	simm.s32 @!p0 $0x1C03  }
0x85: {  	[timem:s3], [sflag:s2] =	dma.local @!p0 [hbm:s0], s1  }
0x86: {  	s0 =	simm.s32 @!p0 $0x3  }
0x87: {  	_ =	swait.ge @!p0 [sflag:s0], s1  }
0x88: {  	s1 =	ssub.s32 @!p0 $0x0, s1;
	[sflag:s0] =	ssyncset.done @!p0 $0x0  }
0x89: {  	[sflag:s0] =	ssyncadd.s32 @!p0 s1  }
0x8a: {  	[bflag:$0x3] =	sbarrier.arrive $0xFFFF  }
0x8b: {  	_ =	shalt  }

// kernel: sc_pred_den.3.cloned.1.call-start
scs
__scs_entry_jumppad:
0x0: {  	(pc) =	sbr.rel $0x88, $3  }
0x1: {  	(tag) =	ssettag $0x0;
	lr =	simm.s32 $0x1  }
0x2: {  	[smem:$0x3F87] =	sst lr;
	_ =	strace $0xD0000000  }
0x3: {  	_ = 	snop  }
0x4: {  	_ = 	snop  }
0x5: {  	_ = 	snop  }
0x6: {  	_ = 	snop  }
0x7: {  	_ = 	snop  }
__scs_overlays_trampoline_lowered:
0x8: {  	[smem:$0x3F96] =	sst s0  }
0x9: {  	[smem:$0x3F97] =	sst s1  }
0xa: {  	[smem:$0x3F98] =	sst s2  }
0xb: {  	[smem:$0x3F99] =	sst s3  }
0xc: {  	[smem:$0x3F9A] =	sst s4  }
0xd: {  	[smem:$0x3F9B] =	sst s5  }
0xe: {  	[smem:$0x3F9C] =	sst s6  }
0xf: {  	[smem:$0x3F9D] =	sst s7  }
0x10: {  	[smem:$0x3F9E] =	sst s8  }
0x11: {  	[smem:$0x3F9F] =	sst s9;
	s0 =	simm.s32 @!p0 $0x0  }
0x12: {  	s1 =	sld [smem:$0x3F85];
	s0 =	simm.s32 @p0 $0x1  }
0x13: {  	[smem:$0x3FA0] =	sst s0;
	s0 =	simm.s32 @!p1 $0x0  }
0x14: {  	s2 =	sld [smem:$0x3F84];
	s0 =	simm.s32 @p1 $0x1  }
0x15: {  	[smem:$0x3FA1] =	sst s0;
	s0 =	simm.s32 @!p2 $0x0  }
0x16: {  	s3 =	sld [smem:$0x3FDB];
	s0 =	simm.s32 @p2 $0x1  }
0x17: {  	s4 =	simm.s32 $0x1BF5;
	[smem:$0x3FA3] =	sst s0  }
0x18: {  	s0 =	sld [smem:$0x3F86];
	_ =	swait.ge [sflag:s4], $0x0  }
0x19: {  	s7 =	sld [smem:$0x3F87]  }
0x1a: {  	s8 =	sadd.s32 $0xFFFFE003, lr  }
0x1b: {  	s9 =	sadd.s32 $0xFFFFFEF7, lr;
	s5 =	simm.s32 $0xFFFFFFFF;
	p2 =	slt.u32 s8, $0xFFFFF086  }
0x1c: {  	p1 =	slt.u32 s9, $0xF7A;
	s5 =	simm.s32 @!p2 $0x0  }
0x1d: {  	s5 =	simm.s32 @p1 $0x1;
	p0 =	seq.s32 s7, s2  }
0x1e: {  	s7 =	smul.u32 @!p0 $0xF7A, s2;
	p2 =	seq.s32 @!p0 s5, $0x0  }
0x1f: {  	s9 =	smul.u32 $0xF7A, s1;
	s8 =	simm.s32 @!p0 $0x1BF5;
	p2 =	por !p2, p0  }
0x20: {  	[sflag:s8] =	ssyncset.s32 @!p0 $0xFFFFF086;
	s6 =	sadd.s32 @!p0 s3, s7;
	s7 =	simm.s32 @!p0 $0x108  }
0x21: {  	s3 =	sadd.s32 s3, s9;
	s6 =	sadd.s32 @!p0 $0x88, s6;
	s7 =	simm.s32 @p2 $0x1082  }
0x22: {  	[simem:s7], [sflag:s8] =	dma.local @!p0 [hbm:s6], $0xF7A  }
0x23: {  	s9 =	sor.u32 $0xD0000000, s2;
	s6 =	simm.s32 $0x108;
	_ =	swait.ge @!p0 [sflag:s8], $0x0  }
0x24: {  	s3 =	sadd.s32 $0x88, s3;
	s6 =	simm.s32 @!p1 $0x1082;
	[sflag:s4] =	ssyncset.s32 $0xFFFFF086  }
0x25: {  	[simem:s6], [sflag:s4] =	dma.local [hbm:s3], $0xF7A  }
0x26: {  	[smem:$0x3F87] =	sst s1;
	(tag) =	ssettag s2;
	_ =	strace s9  }
0x27: {  	s1 =	sld [smem:$0x3F97]  }
0x28: {  	s2 =	sld [smem:$0x3F98]  }
0x29: {  	s4 =	sld [smem:$0x3F9A]  }
0x2a: {  	p0 =	seq.s32 s5, $0x0;
	s5 =	sld [smem:$0x3F9B]  }
0x2b: {  	s6 =	sld [smem:$0x3F9C]  }
0x2c: {  	s7 =	sld [smem:$0x3F9D]  }
0x2d: {  	s3 =	simm.s32 $0x108;
	s8 =	sld [smem:$0x3F9E]  }
0x2e: {  	s3 =	simm.s32 @!p0 $0x1082;
	s9 =	sld [smem:$0x3F9F]  }
0x2f: {  	lr =	sadd.s32 s0, s3;
	s0 =	sld [smem:$0x3F96]  }
0x30: {  	s3 =	sld [smem:$0x3F99]  }
0x31: {  	[smem:$0x3FA2] =	sst s10  }
0x32: {  	s10 =	sld [smem:$0x3FA0];
	_ =	sdelay $0x3  }
0x33: {  	p0 =	seq.s32 s10, $0x1;
	s10 =	sld [smem:$0x3FA2];
	_ =	sdelay $0x3  }
0x34: {  	[smem:$0x3FA2] =	sst s10  }
0x35: {  	s10 =	sld [smem:$0x3FA1];
	_ =	sdelay $0x3  }
0x36: {  	p1 =	seq.s32 s10, $0x1;
	s10 =	sld [smem:$0x3FA2];
	_ =	sdelay $0x3  }
0x37: {  	[smem:$0x3FA2] =	sst s10  }
0x38: {  	s10 =	sld [smem:$0x3FA3]  }
0x39: {  	_ = 	snop;
	(pc) =	sbr.ind lr, $3  }
0x3a: {  	_ = 	snop  }
0x3b: {  	_ = 	snop  }
0x3c: {  	p2 =	seq.s32 s10, $0x1;
	s10 =	sld [smem:$0x3FA2]  }
0x3d: {  	_ =	shalt  }
0x3e: {  	_ =	shalt  }
0x3f: {  	_ =	shalt  }
0x40: {  	_ =	shalt  }
0x41: {  	_ =	shalt  }
0x42: {  	_ =	shalt  }
0x43: {  	_ =	shalt  }
0x44: {  	_ =	shalt  }
0x45: {  	_ =	shalt  }
0x46: {  	_ =	shalt  }
0x47: {  	_ =	shalt  }
0x48: {  	_ =	shalt  }
0x49: {  	_ =	shalt  }
0x4a: {  	_ =	shalt  }
0x4b: {  	_ =	shalt  }
0x4c: {  	_ =	shalt  }
0x4d: {  	_ =	shalt  }
0x4e: {  	_ =	shalt  }
0x4f: {  	_ =	shalt  }
0x50: {  	_ =	shalt  }
0x51: {  	_ =	shalt  }
0x52: {  	_ =	shalt  }
0x53: {  	_ =	shalt  }
0x54: {  	_ =	shalt  }
0x55: {  	_ =	shalt  }
0x56: {  	_ =	shalt  }
0x57: {  	_ =	shalt  }
0x58: {  	_ =	shalt  }
0x59: {  	_ =	shalt  }
0x5a: {  	_ =	shalt  }
0x5b: {  	_ =	shalt  }
0x5c: {  	_ =	shalt  }
0x5d: {  	_ =	shalt  }
0x5e: {  	_ =	shalt  }
0x5f: {  	_ =	shalt  }
0x60: {  	_ =	shalt  }
0x61: {  	_ =	shalt  }
0x62: {  	_ =	shalt  }
0x63: {  	_ =	shalt  }
0x64: {  	_ =	shalt  }
0x65: {  	_ =	shalt  }
0x66: {  	_ =	shalt  }
0x67: {  	_ =	shalt  }
0x68: {  	_ =	shalt  }
0x69: {  	_ =	shalt  }
0x6a: {  	_ =	shalt  }
0x6b: {  	_ =	shalt  }
0x6c: {  	_ =	shalt  }
0x6d: {  	_ =	shalt  }
0x6e: {  	_ =	shalt  }
0x6f: {  	_ =	shalt  }
0x70: {  	_ =	shalt  }
0x71: {  	_ =	shalt  }
0x72: {  	_ =	shalt  }
0x73: {  	_ =	shalt  }
0x74: {  	_ =	shalt  }
0x75: {  	_ =	shalt  }
0x76: {  	_ =	shalt  }
0x77: {  	_ =	shalt  }
0x78: {  	_ =	shalt  }
0x79: {  	_ =	shalt  }
0x7a: {  	_ =	shalt  }
0x7b: {  	_ =	shalt  }
0x7c: {  	_ =	shalt  }
0x7d: {  	_ =	shalt  }
0x7e: {  	_ =	shalt  }
0x7f: {  	_ =	shalt  }
0x80: {  	_ =	shalt  }
0x81: {  	_ =	shalt  }
0x82: {  	_ =	shalt  }
0x83: {  	_ =	shalt  }
0x84: {  	_ =	shalt  }
0x85: {  	_ =	shalt  }
0x86: {  	_ =	shalt  }
0x87: {  	_ =	shalt  }
.Lfunc_end0:
.L_simem_size_0:
called_computation.7_lowered:
.L_overlay_start_0:
0x88: {  	s2 =	sld [smem:$0x3FD9]  }
0x89: {  	s3 =	sld [smem:$0x3FFE];
	_ =	sdelay $0x1  }
0x8a: {  	s1 =	srdreg.scid  }
0x8b: {  	s0 =	sand.u32 $0x1, s1  }
0x8c: {  	s14 =	sshll.u32 s0, $0xA;
	s2 =	sadd.s32 s3, s2  }
0x8d: {  	s2 =	sadd.s32 s2, s14  }
0x8e: {  	[smem:$0x3FAE] =	sst s2  }
0x8f: {  	_ = 	snop  }
0x90: {  	s2 =	sld [smem:$0x3FD0];
	_ =	sdelay $0x2  }
0x91: {  	s15 =	simm.s32 $0xA;
	s4 =	simm.s32 $0x10  }
0x92: {  	[smem:s4], [sflag:s15] =	dma.local [hbm:s2], $0x1  }
0x93: {  	_ =	swait.eq [sflag:s15], $0x1  }
0x94: {  	[sflag:s15] =	ssyncset.done $0x0  }
0x95: {  	[sflag:s15] =	ssyncadd.s32 $0xFFFFFFFF  }
0x96: {  	s16 =	sld [smem:$0x11];
	(tm) =	ssettm $0x1  }
0x97: {  	s17 =	sld [smem:$0x3FFB];
	_ =	sdelay $0x3  }
0x98: {  	_ =	strace s17  }
0x99: {  	s3 =	sld [smem:$0x3FFC];
	_ =	sdelay $0x3  }
0x9a: {  	_ =	strace s3  }
0x9b: {  	s3 =	sld [smem:$0x3FFD];
	_ =	sdelay $0x3  }
0x9c: {  	_ =	strace s3  }
0x9d: {  	_ =	strace $0x8FFFFFFF  }
0x9e: {  	s18 =	sld [smem:$0x3FDB];
	_ =	sdelay $0x1  }
0x9f: {  	s19 =	simm.s32 $_scs_section_size  }
0xa0: {  	s5 =	simm.s32 $_size__tile_overlayer_lowered;
	s6 =	simm.s32 $_tile_overlayer_lowered  }
0xa1: {  	s22 =	simm.s32 $0x1BFF;
	s21 =	sshll.u32 s6, $0x1;
	s3 =	sadd.s32 s19, s18  }
0xa2: {  	s7 =	simm.s32 $0x0;
	s20 =	sshll.u32 s5, $0x1;
	s5 =	sadd.s32 s21, s3  }
0xa3: {  	[timem:s7], [sflag:s22] =	dma.local [hbm:s5], s20  }
0xa4: {  	_ =	swait.ge [sflag:s22], s20  }
0xa5: {  	s4 =	ssub.s32 $0x0, s20;
	[sflag:s22] =	ssyncset.done $0x0  }
0xa6: {  	[sflag:s22] =	ssyncadd.s32 s4;
	_ =	sdelay $0x1  }
0xa7: {  	s23 =	simm.s32 $0x1B8B  }
0xa8: {  	_ =	swait.ge [sflag:s23], $0x1  }
0xa9: {  	[sflag:s23] =	ssyncset.done $0x0  }
0xaa: {  	s25 =	simm.s32 $0x1B8E;
	s24 =	sld [smem:$0x3FFE];
	[sflag:s23] =	ssyncadd.s32 $0xFFFFFFFF  }
0xab: {  	s26 =	simm.s32 $execute0_lowered;
	[smem:$0x3FD2] =	sst s25  }
0xac: {  	s5 =	sshll.u32 s26, $0x1;
	_ =	strace $0x8000005B;
	[dreg:$0x1] =	wrdreg $0xFFFFFFFF  }
0xad: {  	s28 =	simm.s32 $_size_execute0_lowered;
	s3 =	sadd.s32 s3, s5;
	[dreg:$0x0] =	wrdreg $0x0  }
0xae: {  	s5 =	sshll.u32 s28, $0x1;
	[dreg:$0x2] =	wrdreg s3  }
0xaf: {  	[dreg:$0x3] =	wrdreg s5  }
0xb0: {  	[dreg:$0x4] =	wrdreg $0xC0  }
0xb1: {  	_ =	task [dreg:s7], $0x5FFFF  }
0xb2: {  	[dreg:$0x1] =	wrdreg $0xFFFFFFFF  }
0xb3: {  	[dreg:$0x0] =	wrdreg $0x60  }
0xb4: {  	[dreg:$0x2] =	wrdreg s24  }
0xb5: {  	[dreg:$0x3] =	wrdreg s16  }
0xb6: {  	[dreg:$0x4] =	wrdreg $0x9  }
0xb7: {  	_ =	task.clear_ibuf [dreg:s7], $0x5FFFF;
	_ =	strace $0x9000005B  }
0xb8: {  	s29 =	simm.s32 $0x9;
	_ =	strace $0x8000005D  }
0xb9: {  	_ =	swait.ge [sflag:s29], $0x1  }
0xba: {  	[sflag:s29] =	ssyncadd.s32 $0xFFFFFFFF  }
0xbb: {  	_ =	strace $0x9000005D  }
0xbc: {  	_ =	sfence  }
0xbd: {  	s30 =	sld [smem:$0x0];
	_ =	sdelay $0x2  }
0xbe: {  	s31 =	sshll.u32 s1, $0xD;
	s1 =	sshrl.u32 s1, $0x2  }
0xbf: {  	s3 =	sand.u32 $0x4000, s31;
	s1 =	sadd.s32 s1, s30  }
0xc0: {  	s0 =	sor.u32 s3, s0;
	s1 =	sshll.u32 s1, $0x11  }
0xc1: {  	s0 =	sor.u32 s1, s0  }
0xc2: {  	s0 =	sadd.s32 $0x8F2B, s0  }
0xc3: {  	[sflag:s0] =	ssyncadd.remote.s32 $0x1  }
0xc4: {  	_ =	sfence.sel $0xFFFF  }
0xc5: {  	[dreg:$0x0] =	wrdreg $0xFFFFFFFF;
	(pc) =	sbr.abs _section_cstart, $3  }
0xc6: {  	[dreg:$0x1] =	wrdreg $0xFFFFFFFF  }
0xc7: {  	_ =	task.clear_ibuf [dreg:s7], $0x2FFFF;
	_ =	strace $0x9FFFFFFF  }
0xc8: {  	(tm) =	ssettm $0x7FFFFFFF  }
0xc9: {  	_ =	shalt  }
tec
execute0_lowered:
.L_overlay_start_1:
0x0: {  	(tag) =	ssettag $0x1  }
0x1: {  	s0 =	srdreg.scid  }
0x2: {  	s3 =	sand.u32 $0x1, s0  }
0x3: {  	s4 =	rddreg [dreg:$0x0];
	s0 =	stileid.u32;
	s1 =	sshll.u32 s3, $0x4  }
0x4: {  	s6 =	rddreg [dreg:$0x1];
	s2 =	simm.s32 $0x0;
	s1 =	sor.u32 s0, s1  }
0x5: {  	s10 =	simm.s32 $0x300;
	s3 =	ssub.s32 $0x2, s3;
	s5 =	smul.u32 $0x140, s1  }
0x6: {  	s11 =	simm.s32 $0x0;
	[smem:$0x7FF] =	sst s2;
	s31 =	sshrl.u32 s3, $0x1  }
0x7: {  	s1 =	rddreg [dreg:$0x2];
	_ =	strace $0x8000005C;
	s7 =	sshrl.u32 s5, $0x3  }
0x8: {  	s9 =	ssub.s32 s3, s31;
	s8 =	sadd.s32 s7, s4;
	s6 =	sadd.s32 s6, s7  }
0x9: {  	s7 =	smax.u32 s9, $0x1;
	s9 =	simm.s32 $0x180;
	s3 =	sadd.s32 $0x10600, s8  }
0xa: {  	s4 =	sadd.s32 $0x10B00, s8;
	s5 =	sadd.s32 $0x10000, s8;
	s8 =	simm.s32 $0x1  }
.LBB2_1:
0xb: {  	[tilespmem:s2], [sflag:$0x1] =	stream.linear.gather [hbm4b:s3+s2], $0x140, $0x38;
	[tilespmem:$0x480] =	vst v63  }
0xc: {  	_ =	swait.ge [sflag:s8], $0x140  }
0xd: {  	[sflag:s8] =	ssyncset.done $0x0  }
0xe: {  	[sflag:s8] =	ssyncadd.s32 $0xFFFFFEC0  }
0xf: {  	[tilespmem:s9], [sflag:$0x1] =	stream.linear.gather [hbm4b:s4+s2], $0x140, $0x38;
	[tilespmem:$0x480] =	vst v63  }
0x10: {  	_ =	swait.ge [sflag:s8], $0x140  }
0x11: {  	[sflag:s8] =	ssyncset.done $0x0  }
0x12: {  	[sflag:s8] =	ssyncadd.s32 $0xFFFFFEC0  }
0x13: {  	[tilespmem:s10], [sflag:$0x1] =	stream.linear.gather [hbm4b:s5+s2], $0x140, $0x38;
	[tilespmem:$0x480] =	vst v63  }
0x14: {  	_ =	swait.ge [sflag:s8], $0x140  }
0x15: {  	[sflag:s8] =	ssyncset.done $0x0  }
0x16: {  	s12 =	simm.s32 $0x0;
	[sflag:s8] =	ssyncadd.s32 $0xFFFFFEC0  }
0x17: {  	s13 =	simm.s32 $0x40;
	v0 =	vld [tilespmem:s12+$0x180]  }
.LBB2_2:
0x18: {  	p0 =	sne.s32 s13, $0x4C0;
	v1 =	vld [tilespmem:s12+$0x0];
	_ =	sdelay $0x1  }
0x19: {  	v2 =	vld [tilespmem:s12+$0x300];
	_ =	sdelay $0x2  }
.Ltmp0:
0x1a: {  	v0 =	vadd.f32 v0, v1;
	(pc) =	sbr.rel @p0 .LBB2_2-.Ltmp0, $4  }
0x1b: {  	_ = 	snop  }
0x1c: {  	v1 =	vmul.f32 v2, v0  }
0x1d: {  	s14 =	sshra.s32 s13, $0x2  }
0x1e: {  	s13 =	sadd.s32 $0x40, s13;
	v0 =	vld [tilespmem:s14+$0x180];
	[tilespmem:s12+$0x0] =	vst v1;
	s12 =	smov.u32 s14  }
0x1f: {  	v1 =	vld [tilespmem:s12+$0x0];
	_ =	sdelay $0x1  }
0x20: {  	v2 =	vld [tilespmem:s12+$0x300];
	_ =	sdelay $0x2  }
0x21: {  	v0 =	vadd.f32 v0, v1;
	_ =	sdelay $0x1  }
0x22: {  	s11 =	sadd.s32 $0x1, s11;
	v0 =	vmul.f32 v2, v0  }
0x23: {  	p0 =	sne.s32 s11, s7  }
.Ltmp1:
0x24: {  	[tilespmem:s12+$0x0] =	vst v0;
	(pc) =	sbr.rel @p0 .LBB2_1-.Ltmp1, $4  }
0x25: {  	[hbm4b:s6+s2] =	stream.linear.scatter [tilespmem:s2], [sflag:$0x1], $0x140, $0x38;
	[tilespmem:$0x480] =	vst v63  }
0x26: {  	_ =	swait.ge [sflag:s8], $0x140  }
0x27: {  	[sflag:s8] =	ssyncset.done $0x0  }
0x28: {  	[sflag:s8] =	ssyncadd.s32 $0xFFFFFEC0  }
0x29: {  	_ =	sfence.sel $0x180000  }
0x2a: {  	[bflag:$0x0] =	sbarrier.arrive $0xFFFF  }
0x2b: {  	p0 =	sne.s32 s0, $0x0;
	_ =	strace $0x9000005C  }
0x2c: {  	s0 =	sadd.s32 @!p0 $0x100000, s1;
	[bflag:$0x2] =	sbarrier.arrive $0xFFFF  }
0x2d: {  	[sflag:s0] =	ssyncadd.tile.s32 @!p0 $0x1;
	_ =	shalt  }
.Lfunc_end2:
_tile_overlayer_lowered:
.L_overlay_start_2:
0x2e: {  	(tag) =	ssettag $0x2  }
0x2f: {  	s0 =	rddreg [dreg:$0x0];
	s2 =	stileid.u32  }
0x30: {  	s1 =	rddreg [dreg:$0x1];
	p0 =	sne.s32 s2, $0x0  }
0x31: {  	s3 =	rddreg [dreg:$0x2];
	[bflag:$0x3] =	sbarrier.arrive $0xFFFF;
	s2 =	simm.s32 @!p0 $0x1C01  }
0x32: {  	[timem:s3], [sflag:s2] =	dma.local @!p0 [hbm:s0], s1  }
0x33: {  	s0 =	simm.s32 @!p0 $0x1  }
0x34: {  	_ =	swait.ge @!p0 [sflag:s0], s1  }
0x35: {  	s1 =	ssub.s32 @!p0 $0x0, s1;
	[sflag:s0] =	ssyncset.done @!p0 $0x0  }
0x36: {  	[sflag:s0] =	ssyncadd.s32 @!p0 s1  }
0x37: {  	[bflag:$0x3] =	sbarrier.arrive $0xFFFF  }
0x38: {  	_ =	shalt  }

// kernel: sc_rdeg.3.cloned.1.call-start
scs
__scs_entry_jumppad:
0x0: {  	(pc) =	sbr.rel $0x88, $3  }
0x1: {  	(tag) =	ssettag $0x0;
	lr =	simm.s32 $0x1  }
0x2: {  	[smem:$0x3F87] =	sst lr;
	_ =	strace $0xD0000000  }
0x3: {  	_ = 	snop  }
0x4: {  	_ = 	snop  }
0x5: {  	_ = 	snop  }
0x6: {  	_ = 	snop  }
0x7: {  	_ = 	snop  }
__scs_overlays_trampoline_lowered:
0x8: {  	[smem:$0x3F96] =	sst s0  }
0x9: {  	[smem:$0x3F97] =	sst s1  }
0xa: {  	[smem:$0x3F98] =	sst s2  }
0xb: {  	[smem:$0x3F99] =	sst s3  }
0xc: {  	[smem:$0x3F9A] =	sst s4  }
0xd: {  	[smem:$0x3F9B] =	sst s5  }
0xe: {  	[smem:$0x3F9C] =	sst s6  }
0xf: {  	[smem:$0x3F9D] =	sst s7  }
0x10: {  	[smem:$0x3F9E] =	sst s8  }
0x11: {  	[smem:$0x3F9F] =	sst s9;
	s0 =	simm.s32 @!p0 $0x0  }
0x12: {  	s1 =	sld [smem:$0x3F85];
	s0 =	simm.s32 @p0 $0x1  }
0x13: {  	[smem:$0x3FA0] =	sst s0;
	s0 =	simm.s32 @!p1 $0x0  }
0x14: {  	s2 =	sld [smem:$0x3F84];
	s0 =	simm.s32 @p1 $0x1  }
0x15: {  	[smem:$0x3FA1] =	sst s0;
	s0 =	simm.s32 @!p2 $0x0  }
0x16: {  	s3 =	sld [smem:$0x3FDB];
	s0 =	simm.s32 @p2 $0x1  }
0x17: {  	s4 =	simm.s32 $0x1BF5;
	[smem:$0x3FA3] =	sst s0  }
0x18: {  	s0 =	sld [smem:$0x3F86];
	_ =	swait.ge [sflag:s4], $0x0  }
0x19: {  	s7 =	sld [smem:$0x3F87]  }
0x1a: {  	s8 =	sadd.s32 $0xFFFFE003, lr  }
0x1b: {  	s9 =	sadd.s32 $0xFFFFFEF7, lr;
	s5 =	simm.s32 $0xFFFFFFFF;
	p2 =	slt.u32 s8, $0xFFFFF086  }
0x1c: {  	p1 =	slt.u32 s9, $0xF7A;
	s5 =	simm.s32 @!p2 $0x0  }
0x1d: {  	s5 =	simm.s32 @p1 $0x1;
	p0 =	seq.s32 s7, s2  }
0x1e: {  	s7 =	smul.u32 @!p0 $0xF7A, s2;
	p2 =	seq.s32 @!p0 s5, $0x0  }
0x1f: {  	s9 =	smul.u32 $0xF7A, s1;
	s8 =	simm.s32 @!p0 $0x1BF5;
	p2 =	por !p2, p0  }
0x20: {  	[sflag:s8] =	ssyncset.s32 @!p0 $0xFFFFF086;
	s6 =	sadd.s32 @!p0 s3, s7;
	s7 =	simm.s32 @!p0 $0x108  }
0x21: {  	s3 =	sadd.s32 s3, s9;
	s6 =	sadd.s32 @!p0 $0x88, s6;
	s7 =	simm.s32 @p2 $0x1082  }
0x22: {  	[simem:s7], [sflag:s8] =	dma.local @!p0 [hbm:s6], $0xF7A  }
0x23: {  	s9 =	sor.u32 $0xD0000000, s2;
	s6 =	simm.s32 $0x108;
	_ =	swait.ge @!p0 [sflag:s8], $0x0  }
0x24: {  	s3 =	sadd.s32 $0x88, s3;
	s6 =	simm.s32 @!p1 $0x1082;
	[sflag:s4] =	ssyncset.s32 $0xFFFFF086  }
0x25: {  	[simem:s6], [sflag:s4] =	dma.local [hbm:s3], $0xF7A  }
0x26: {  	[smem:$0x3F87] =	sst s1;
	(tag) =	ssettag s2;
	_ =	strace s9  }
0x27: {  	s1 =	sld [smem:$0x3F97]  }
0x28: {  	s2 =	sld [smem:$0x3F98]  }
0x29: {  	s4 =	sld [smem:$0x3F9A]  }
0x2a: {  	p0 =	seq.s32 s5, $0x0;
	s5 =	sld [smem:$0x3F9B]  }
0x2b: {  	s6 =	sld [smem:$0x3F9C]  }
0x2c: {  	s7 =	sld [smem:$0x3F9D]  }
0x2d: {  	s3 =	simm.s32 $0x108;
	s8 =	sld [smem:$0x3F9E]  }
0x2e: {  	s3 =	simm.s32 @!p0 $0x1082;
	s9 =	sld [smem:$0x3F9F]  }
0x2f: {  	lr =	sadd.s32 s0, s3;
	s0 =	sld [smem:$0x3F96]  }
0x30: {  	s3 =	sld [smem:$0x3F99]  }
0x31: {  	[smem:$0x3FA2] =	sst s10  }
0x32: {  	s10 =	sld [smem:$0x3FA0];
	_ =	sdelay $0x3  }
0x33: {  	p0 =	seq.s32 s10, $0x1;
	s10 =	sld [smem:$0x3FA2];
	_ =	sdelay $0x3  }
0x34: {  	[smem:$0x3FA2] =	sst s10  }
0x35: {  	s10 =	sld [smem:$0x3FA1];
	_ =	sdelay $0x3  }
0x36: {  	p1 =	seq.s32 s10, $0x1;
	s10 =	sld [smem:$0x3FA2];
	_ =	sdelay $0x3  }
0x37: {  	[smem:$0x3FA2] =	sst s10  }
0x38: {  	s10 =	sld [smem:$0x3FA3]  }
0x39: {  	_ = 	snop;
	(pc) =	sbr.ind lr, $3  }
0x3a: {  	_ = 	snop  }
0x3b: {  	_ = 	snop  }
0x3c: {  	p2 =	seq.s32 s10, $0x1;
	s10 =	sld [smem:$0x3FA2]  }
0x3d: {  	_ =	shalt  }
0x3e: {  	_ =	shalt  }
0x3f: {  	_ =	shalt  }
0x40: {  	_ =	shalt  }
0x41: {  	_ =	shalt  }
0x42: {  	_ =	shalt  }
0x43: {  	_ =	shalt  }
0x44: {  	_ =	shalt  }
0x45: {  	_ =	shalt  }
0x46: {  	_ =	shalt  }
0x47: {  	_ =	shalt  }
0x48: {  	_ =	shalt  }
0x49: {  	_ =	shalt  }
0x4a: {  	_ =	shalt  }
0x4b: {  	_ =	shalt  }
0x4c: {  	_ =	shalt  }
0x4d: {  	_ =	shalt  }
0x4e: {  	_ =	shalt  }
0x4f: {  	_ =	shalt  }
0x50: {  	_ =	shalt  }
0x51: {  	_ =	shalt  }
0x52: {  	_ =	shalt  }
0x53: {  	_ =	shalt  }
0x54: {  	_ =	shalt  }
0x55: {  	_ =	shalt  }
0x56: {  	_ =	shalt  }
0x57: {  	_ =	shalt  }
0x58: {  	_ =	shalt  }
0x59: {  	_ =	shalt  }
0x5a: {  	_ =	shalt  }
0x5b: {  	_ =	shalt  }
0x5c: {  	_ =	shalt  }
0x5d: {  	_ =	shalt  }
0x5e: {  	_ =	shalt  }
0x5f: {  	_ =	shalt  }
0x60: {  	_ =	shalt  }
0x61: {  	_ =	shalt  }
0x62: {  	_ =	shalt  }
0x63: {  	_ =	shalt  }
0x64: {  	_ =	shalt  }
0x65: {  	_ =	shalt  }
0x66: {  	_ =	shalt  }
0x67: {  	_ =	shalt  }
0x68: {  	_ =	shalt  }
0x69: {  	_ =	shalt  }
0x6a: {  	_ =	shalt  }
0x6b: {  	_ =	shalt  }
0x6c: {  	_ =	shalt  }
0x6d: {  	_ =	shalt  }
0x6e: {  	_ =	shalt  }
0x6f: {  	_ =	shalt  }
0x70: {  	_ =	shalt  }
0x71: {  	_ =	shalt  }
0x72: {  	_ =	shalt  }
0x73: {  	_ =	shalt  }
0x74: {  	_ =	shalt  }
0x75: {  	_ =	shalt  }
0x76: {  	_ =	shalt  }
0x77: {  	_ =	shalt  }
0x78: {  	_ =	shalt  }
0x79: {  	_ =	shalt  }
0x7a: {  	_ =	shalt  }
0x7b: {  	_ =	shalt  }
0x7c: {  	_ =	shalt  }
0x7d: {  	_ =	shalt  }
0x7e: {  	_ =	shalt  }
0x7f: {  	_ =	shalt  }
0x80: {  	_ =	shalt  }
0x81: {  	_ =	shalt  }
0x82: {  	_ =	shalt  }
0x83: {  	_ =	shalt  }
0x84: {  	_ =	shalt  }
0x85: {  	_ =	shalt  }
0x86: {  	_ =	shalt  }
0x87: {  	_ =	shalt  }
.Lfunc_end0:
.L_simem_size_0:
called_computation.1_lowered:
.L_overlay_start_0:
0x88: {  	s2 =	sld [smem:$0x3FD9]  }
0x89: {  	s3 =	sld [smem:$0x3FFE];
	_ =	sdelay $0x1  }
0x8a: {  	s1 =	srdreg.scid  }
0x8b: {  	s0 =	sand.u32 $0x1, s1  }
0x8c: {  	s16 =	sshll.u32 s0, $0xA;
	s2 =	sadd.s32 s3, s2  }
0x8d: {  	s2 =	sadd.s32 s2, s16  }
0x8e: {  	[smem:$0x3FAE] =	sst s2  }
0x8f: {  	_ = 	snop  }
0x90: {  	(tm) =	ssettm $0x1  }
0x91: {  	s17 =	sld [smem:$0x3FFB];
	_ =	sdelay $0x3  }
0x92: {  	_ =	strace s17  }
0x93: {  	s2 =	sld [smem:$0x3FFC];
	_ =	sdelay $0x3  }
0x94: {  	_ =	strace s2  }
0x95: {  	s2 =	sld [smem:$0x3FFD];
	_ =	sdelay $0x3  }
0x96: {  	_ =	strace s2  }
0x97: {  	_ =	strace $0x8FFFFFFF  }
0x98: {  	s18 =	sld [smem:$0x3FDB];
	_ =	sdelay $0x1  }
0x99: {  	s19 =	simm.s32 $_scs_section_size  }
0x9a: {  	s4 =	simm.s32 $_size__tile_overlayer_lowered;
	s5 =	simm.s32 $_tile_overlayer_lowered  }
0x9b: {  	s22 =	simm.s32 $0x1BFF;
	s21 =	sshll.u32 s5, $0x1;
	s2 =	sadd.s32 s19, s18  }
0x9c: {  	s6 =	simm.s32 $0x0;
	s20 =	sshll.u32 s4, $0x1;
	s4 =	sadd.s32 s21, s2  }
0x9d: {  	[timem:s6], [sflag:s22] =	dma.local [hbm:s4], s20  }
0x9e: {  	_ =	swait.ge [sflag:s22], s20  }
0x9f: {  	s3 =	ssub.s32 $0x0, s20;
	[sflag:s22] =	ssyncset.done $0x0  }
0xa0: {  	[sflag:s22] =	ssyncadd.s32 s3;
	_ =	sdelay $0x1  }
0xa1: {  	s23 =	simm.s32 $0x1B8B  }
0xa2: {  	_ =	swait.ge [sflag:s23], $0x1  }
0xa3: {  	[sflag:s23] =	ssyncset.done $0x0  }
0xa4: {  	s25 =	simm.s32 $0x1B8E;
	s24 =	sld [smem:$0x3FFE];
	[sflag:s23] =	ssyncadd.s32 $0xFFFFFFFF  }
0xa5: {  	s26 =	simm.s32 $execute0_lowered;
	[smem:$0x3FD2] =	sst s25  }
0xa6: {  	s4 =	sshll.u32 s26, $0x1;
	_ =	strace $0x80000049;
	[dreg:$0x1] =	wrdreg $0xFFFFFFFF  }
0xa7: {  	s28 =	simm.s32 $_size_execute0_lowered;
	s2 =	sadd.s32 s2, s4;
	[dreg:$0x0] =	wrdreg $0x0  }
0xa8: {  	s4 =	sshll.u32 s28, $0x1;
	[dreg:$0x2] =	wrdreg s2  }
0xa9: {  	[dreg:$0x3] =	wrdreg s4  }
0xaa: {  	[dreg:$0x4] =	wrdreg $0xC0  }
0xab: {  	_ =	task [dreg:s6], $0x5FFFF  }
0xac: {  	[dreg:$0x1] =	wrdreg $0xFFFFFFFF  }
0xad: {  	[dreg:$0x0] =	wrdreg $0x60  }
0xae: {  	[dreg:$0x2] =	wrdreg s24  }
0xaf: {  	[dreg:$0x3] =	wrdreg $0x9  }
0xb0: {  	_ =	task.clear_ibuf [dreg:s6], $0x4FFFF;
	_ =	strace $0x90000049  }
0xb1: {  	s29 =	simm.s32 $0x9;
	_ =	strace $0x8000004B  }
0xb2: {  	_ =	swait.ge [sflag:s29], $0x1  }
0xb3: {  	[sflag:s29] =	ssyncadd.s32 $0xFFFFFFFF  }
0xb4: {  	_ =	strace $0x9000004B  }
0xb5: {  	_ =	sfence  }
0xb6: {  	s30 =	sld [smem:$0x0];
	_ =	sdelay $0x2  }
0xb7: {  	s31 =	sshll.u32 s1, $0xD;
	s1 =	sshrl.u32 s1, $0x2  }
0xb8: {  	s3 =	sand.u32 $0x4000, s31;
	s1 =	sadd.s32 s1, s30  }
0xb9: {  	s0 =	sor.u32 s3, s0;
	s1 =	sshll.u32 s1, $0x11  }
0xba: {  	s0 =	sor.u32 s1, s0  }
0xbb: {  	s0 =	sadd.s32 $0x8F2B, s0  }
0xbc: {  	[sflag:s0] =	ssyncadd.remote.s32 $0x1  }
0xbd: {  	_ =	sfence.sel $0xFFFF  }
0xbe: {  	[dreg:$0x0] =	wrdreg $0xFFFFFFFF;
	(pc) =	sbr.abs _section_cstart, $3  }
0xbf: {  	[dreg:$0x1] =	wrdreg $0xFFFFFFFF  }
0xc0: {  	_ =	task.clear_ibuf [dreg:s6], $0x2FFFF;
	_ =	strace $0x9FFFFFFF  }
0xc1: {  	(tm) =	ssettm $0x7FFFFFFF  }
tec
execute0_lowered:
.L_overlay_start_1:
0x0: {  	(tag) =	ssettag $0x1  }
0x1: {  	s0 =	srdreg.scid  }
0x2: {  	s3 =	sand.u32 $0x1, s0  }
0x3: {  	s4 =	rddreg [dreg:$0x0];
	s0 =	stileid.u32;
	s1 =	sshll.u32 s3, $0x4  }
0x4: {  	s2 =	simm.s32 $0x0;
	s7 =	simm.s32 $0x1;
	s1 =	sor.u32 s0, s1  }
0x5: {  	s8 =	simm.s32 $0x180;
	s3 =	ssub.s32 $0x2, s3;
	s5 =	smul.u32 $0x140, s1  }
0x6: {  	s9 =	simm.s32 $0x0;
	[smem:$0x7FF] =	sst s2;
	s31 =	sshrl.u32 s3, $0x1  }
0x7: {  	s1 =	rddreg [dreg:$0x1];
	s6 =	ssub.s32 s3, s31;
	s5 =	sshrl.u32 s5, $0x3  }
0x8: {  	_ =	strace $0x8000004A;
	s6 =	smax.u32 s6, $0x1;
	s5 =	sadd.s32 s5, s4  }
0x9: {  	s3 =	sadd.s32 $0x60200, s5;
	s4 =	sadd.s32 $0x60700, s5;
	s5 =	sadd.s32 $0x10000, s5  }
.LBB2_1:
0xa: {  	[tilespmem:s2], [sflag:$0x1] =	stream.linear.gather [hbm4b:s3+s2], $0x140, $0x38;
	[tilespmem:$0x300] =	vst v63  }
0xb: {  	_ =	swait.ge [sflag:s7], $0x140  }
0xc: {  	[sflag:s7] =	ssyncset.done $0x0  }
0xd: {  	[sflag:s7] =	ssyncadd.s32 $0xFFFFFEC0  }
0xe: {  	[tilespmem:s8], [sflag:$0x1] =	stream.linear.gather [hbm4b:s4+s2], $0x140, $0x38;
	[tilespmem:$0x300] =	vst v63  }
0xf: {  	_ =	swait.ge [sflag:s7], $0x140  }
0x10: {  	[sflag:s7] =	ssyncset.done $0x0  }
0x11: {  	s10 =	simm.s32 $0x0;
	[sflag:s7] =	ssyncadd.s32 $0xFFFFFEC0  }
0x12: {  	s11 =	simm.s32 $0x40;
	v0 =	vld [tilespmem:s10+$0x180]  }
.LBB2_2:
0x13: {  	p0 =	sne.s32 s11, $0x4C0;
	v1 =	vld [tilespmem:s10+$0x0];
	_ =	sdelay $0x4  }
0x14: {  	v0 =	vadd.f32 v0, v1;
	_ =	sdelay $0x1  }
0x15: {  	v0 =	vmax.f32 v0, $1.000000000e+00  }
0x16: {  	(erf) = vrcp.f32 v0;
	_ =	sdelay $0x5  }
.Ltmp0:
0x17: {  	(pc) =	sbr.rel @p0 .LBB2_2-.Ltmp0, $3  }
0x18: {  	_ =	sdelay $0x1  }
0x19: {  	s12 =	sshra.s32 s11, $0x2;
	v1 =	vpop (erf)  }
0x1a: {  	s11 =	sadd.s32 $0x40, s11;
	v0 =	vld [tilespmem:s12+$0x180];
	[tilespmem:s10+$0x0] =	vst v1;
	s10 =	smov.u32 s12  }
0x1b: {  	v1 =	vld [tilespmem:s10+$0x0];
	_ =	sdelay $0x4  }
0x1c: {  	v0 =	vadd.f32 v0, v1;
	_ =	sdelay $0x1  }
0x1d: {  	v0 =	vmax.f32 v0, $1.000000000e+00  }
0x1e: {  	(erf) = vrcp.f32 v0;
	_ =	sdelay $0x7  }
0x1f: {  	s9 =	sadd.s32 $0x1, s9  }
0x20: {  	p0 =	sne.s32 s9, s6;
	v0 =	vpop (erf)  }
.Ltmp1:
0x21: {  	[tilespmem:s10+$0x0] =	vst v0;
	(pc) =	sbr.rel @p0 .LBB2_1-.Ltmp1, $4  }
0x22: {  	[hbm4b:s5+s2] =	stream.linear.scatter [tilespmem:s2], [sflag:$0x1], $0x140, $0x38;
	[tilespmem:$0x300] =	vst v63  }
0x23: {  	_ =	swait.ge [sflag:s7], $0x140  }
0x24: {  	[sflag:s7] =	ssyncset.done $0x0  }
0x25: {  	[sflag:s7] =	ssyncadd.s32 $0xFFFFFEC0  }
0x26: {  	_ =	sfence.sel $0x180000  }
0x27: {  	[bflag:$0x0] =	sbarrier.arrive $0xFFFF  }
0x28: {  	p0 =	sne.s32 s0, $0x0;
	_ =	strace $0x9000004A  }
0x29: {  	s0 =	sadd.s32 @!p0 $0x100000, s1;
	[bflag:$0x2] =	sbarrier.arrive $0xFFFF  }
0x2a: {  	[sflag:s0] =	ssyncadd.tile.s32 @!p0 $0x1;
	_ =	shalt  }
.Lfunc_end2:
_tile_overlayer_lowered:
.L_overlay_start_2:
0x2b: {  	(tag) =	ssettag $0x2  }
0x2c: {  	s0 =	rddreg [dreg:$0x0];
	s2 =	stileid.u32  }
0x2d: {  	s1 =	rddreg [dreg:$0x1];
	p0 =	sne.s32 s2, $0x0  }
0x2e: {  	s3 =	rddreg [dreg:$0x2];
	[bflag:$0x3] =	sbarrier.arrive $0xFFFF;
	s2 =	simm.s32 @!p0 $0x1C01  }
0x2f: {  	[timem:s3], [sflag:s2] =	dma.local @!p0 [hbm:s0], s1  }
0x30: {  	s0 =	simm.s32 @!p0 $0x1  }
0x31: {  	_ =	swait.ge @!p0 [sflag:s0], s1  }
0x32: {  	s1 =	ssub.s32 @!p0 $0x0, s1;
	[sflag:s0] =	ssyncset.done @!p0 $0x0  }
0x33: {  	[sflag:s0] =	ssyncadd.s32 @!p0 s1  }
0x34: {  	[bflag:$0x3] =	sbarrier.arrive $0xFFFF  }
0x35: {  	_ =	shalt  }

// kernel: sc_seg_sum.11.cloned.1.call-start
scs
__scs_entry_jumppad:
0x0: {  	(pc) =	sbr.rel $0x88, $3  }
0x1: {  	(tag) =	ssettag $0x0;
	lr =	simm.s32 $0x1  }
0x2: {  	[smem:$0x3F87] =	sst lr;
	_ =	strace $0xD0000000  }
0x3: {  	_ = 	snop  }
0x4: {  	_ = 	snop  }
0x5: {  	_ = 	snop  }
0x6: {  	_ = 	snop  }
0x7: {  	_ = 	snop  }
__scs_overlays_trampoline_lowered:
0x8: {  	[smem:$0x3F96] =	sst s0  }
0x9: {  	[smem:$0x3F97] =	sst s1  }
0xa: {  	[smem:$0x3F98] =	sst s2  }
0xb: {  	[smem:$0x3F99] =	sst s3  }
0xc: {  	[smem:$0x3F9A] =	sst s4  }
0xd: {  	[smem:$0x3F9B] =	sst s5  }
0xe: {  	[smem:$0x3F9C] =	sst s6  }
0xf: {  	[smem:$0x3F9D] =	sst s7  }
0x10: {  	[smem:$0x3F9E] =	sst s8  }
0x11: {  	[smem:$0x3F9F] =	sst s9;
	s0 =	simm.s32 @!p0 $0x0  }
0x12: {  	s1 =	sld [smem:$0x3F85];
	s0 =	simm.s32 @p0 $0x1  }
0x13: {  	[smem:$0x3FA0] =	sst s0;
	s0 =	simm.s32 @!p1 $0x0  }
0x14: {  	s2 =	sld [smem:$0x3F84];
	s0 =	simm.s32 @p1 $0x1  }
0x15: {  	[smem:$0x3FA1] =	sst s0;
	s0 =	simm.s32 @!p2 $0x0  }
0x16: {  	s3 =	sld [smem:$0x3FDB];
	s0 =	simm.s32 @p2 $0x1  }
0x17: {  	s4 =	simm.s32 $0x1BF5;
	[smem:$0x3FA3] =	sst s0  }
0x18: {  	s0 =	sld [smem:$0x3F86];
	_ =	swait.ge [sflag:s4], $0x0  }
0x19: {  	s7 =	sld [smem:$0x3F87]  }
0x1a: {  	s8 =	sadd.s32 $0xFFFFE003, lr  }
0x1b: {  	s9 =	sadd.s32 $0xFFFFFEF7, lr;
	s5 =	simm.s32 $0xFFFFFFFF;
	p2 =	slt.u32 s8, $0xFFFFF086  }
0x1c: {  	p1 =	slt.u32 s9, $0xF7A;
	s5 =	simm.s32 @!p2 $0x0  }
0x1d: {  	s5 =	simm.s32 @p1 $0x1;
	p0 =	seq.s32 s7, s2  }
0x1e: {  	s7 =	smul.u32 @!p0 $0xF7A, s2;
	p2 =	seq.s32 @!p0 s5, $0x0  }
0x1f: {  	s9 =	smul.u32 $0xF7A, s1;
	s8 =	simm.s32 @!p0 $0x1BF5;
	p2 =	por !p2, p0  }
0x20: {  	[sflag:s8] =	ssyncset.s32 @!p0 $0xFFFFF086;
	s6 =	sadd.s32 @!p0 s3, s7;
	s7 =	simm.s32 @!p0 $0x108  }
0x21: {  	s3 =	sadd.s32 s3, s9;
	s6 =	sadd.s32 @!p0 $0x88, s6;
	s7 =	simm.s32 @p2 $0x1082  }
0x22: {  	[simem:s7], [sflag:s8] =	dma.local @!p0 [hbm:s6], $0xF7A  }
0x23: {  	s9 =	sor.u32 $0xD0000000, s2;
	s6 =	simm.s32 $0x108;
	_ =	swait.ge @!p0 [sflag:s8], $0x0  }
0x24: {  	s3 =	sadd.s32 $0x88, s3;
	s6 =	simm.s32 @!p1 $0x1082;
	[sflag:s4] =	ssyncset.s32 $0xFFFFF086  }
0x25: {  	[simem:s6], [sflag:s4] =	dma.local [hbm:s3], $0xF7A  }
0x26: {  	[smem:$0x3F87] =	sst s1;
	(tag) =	ssettag s2;
	_ =	strace s9  }
0x27: {  	s1 =	sld [smem:$0x3F97]  }
0x28: {  	s2 =	sld [smem:$0x3F98]  }
0x29: {  	s4 =	sld [smem:$0x3F9A]  }
0x2a: {  	p0 =	seq.s32 s5, $0x0;
	s5 =	sld [smem:$0x3F9B]  }
0x2b: {  	s6 =	sld [smem:$0x3F9C]  }
0x2c: {  	s7 =	sld [smem:$0x3F9D]  }
0x2d: {  	s3 =	simm.s32 $0x108;
	s8 =	sld [smem:$0x3F9E]  }
0x2e: {  	s3 =	simm.s32 @!p0 $0x1082;
	s9 =	sld [smem:$0x3F9F]  }
0x2f: {  	lr =	sadd.s32 s0, s3;
	s0 =	sld [smem:$0x3F96]  }
0x30: {  	s3 =	sld [smem:$0x3F99]  }
0x31: {  	[smem:$0x3FA2] =	sst s10  }
0x32: {  	s10 =	sld [smem:$0x3FA0];
	_ =	sdelay $0x3  }
0x33: {  	p0 =	seq.s32 s10, $0x1;
	s10 =	sld [smem:$0x3FA2];
	_ =	sdelay $0x3  }
0x34: {  	[smem:$0x3FA2] =	sst s10  }
0x35: {  	s10 =	sld [smem:$0x3FA1];
	_ =	sdelay $0x3  }
0x36: {  	p1 =	seq.s32 s10, $0x1;
	s10 =	sld [smem:$0x3FA2];
	_ =	sdelay $0x3  }
0x37: {  	[smem:$0x3FA2] =	sst s10  }
0x38: {  	s10 =	sld [smem:$0x3FA3]  }
0x39: {  	_ = 	snop;
	(pc) =	sbr.ind lr, $3  }
0x3a: {  	_ = 	snop  }
0x3b: {  	_ = 	snop  }
0x3c: {  	p2 =	seq.s32 s10, $0x1;
	s10 =	sld [smem:$0x3FA2]  }
0x3d: {  	_ =	shalt  }
0x3e: {  	_ =	shalt  }
0x3f: {  	_ =	shalt  }
0x40: {  	_ =	shalt  }
0x41: {  	_ =	shalt  }
0x42: {  	_ =	shalt  }
0x43: {  	_ =	shalt  }
0x44: {  	_ =	shalt  }
0x45: {  	_ =	shalt  }
0x46: {  	_ =	shalt  }
0x47: {  	_ =	shalt  }
0x48: {  	_ =	shalt  }
0x49: {  	_ =	shalt  }
0x4a: {  	_ =	shalt  }
0x4b: {  	_ =	shalt  }
0x4c: {  	_ =	shalt  }
0x4d: {  	_ =	shalt  }
0x4e: {  	_ =	shalt  }
0x4f: {  	_ =	shalt  }
0x50: {  	_ =	shalt  }
0x51: {  	_ =	shalt  }
0x52: {  	_ =	shalt  }
0x53: {  	_ =	shalt  }
0x54: {  	_ =	shalt  }
0x55: {  	_ =	shalt  }
0x56: {  	_ =	shalt  }
0x57: {  	_ =	shalt  }
0x58: {  	_ =	shalt  }
0x59: {  	_ =	shalt  }
0x5a: {  	_ =	shalt  }
0x5b: {  	_ =	shalt  }
0x5c: {  	_ =	shalt  }
0x5d: {  	_ =	shalt  }
0x5e: {  	_ =	shalt  }
0x5f: {  	_ =	shalt  }
0x60: {  	_ =	shalt  }
0x61: {  	_ =	shalt  }
0x62: {  	_ =	shalt  }
0x63: {  	_ =	shalt  }
0x64: {  	_ =	shalt  }
0x65: {  	_ =	shalt  }
0x66: {  	_ =	shalt  }
0x67: {  	_ =	shalt  }
0x68: {  	_ =	shalt  }
0x69: {  	_ =	shalt  }
0x6a: {  	_ =	shalt  }
0x6b: {  	_ =	shalt  }
0x6c: {  	_ =	shalt  }
0x6d: {  	_ =	shalt  }
0x6e: {  	_ =	shalt  }
0x6f: {  	_ =	shalt  }
0x70: {  	_ =	shalt  }
0x71: {  	_ =	shalt  }
0x72: {  	_ =	shalt  }
0x73: {  	_ =	shalt  }
0x74: {  	_ =	shalt  }
0x75: {  	_ =	shalt  }
0x76: {  	_ =	shalt  }
0x77: {  	_ =	shalt  }
0x78: {  	_ =	shalt  }
0x79: {  	_ =	shalt  }
0x7a: {  	_ =	shalt  }
0x7b: {  	_ =	shalt  }
0x7c: {  	_ =	shalt  }
0x7d: {  	_ =	shalt  }
0x7e: {  	_ =	shalt  }
0x7f: {  	_ =	shalt  }
0x80: {  	_ =	shalt  }
0x81: {  	_ =	shalt  }
0x82: {  	_ =	shalt  }
0x83: {  	_ =	shalt  }
0x84: {  	_ =	shalt  }
0x85: {  	_ =	shalt  }
0x86: {  	_ =	shalt  }
0x87: {  	_ =	shalt  }
.Lfunc_end0:
.L_simem_size_0:
called_computation.4_lowered:
.L_overlay_start_0:
0x88: {  	s2 =	sld [smem:$0x3FD9]  }
0x89: {  	s3 =	sld [smem:$0x3FFE];
	_ =	sdelay $0x1  }
0x8a: {  	s1 =	srdreg.scid  }
0x8b: {  	s0 =	sand.u32 $0x1, s1  }
0x8c: {  	s14 =	sshll.u32 s0, $0xA;
	s2 =	sadd.s32 s3, s2  }
0x8d: {  	s2 =	sadd.s32 s2, s14  }
0x8e: {  	[smem:$0x3FAE] =	sst s2  }
0x8f: {  	_ = 	snop  }
0x90: {  	s2 =	sld [smem:$0x3FD0];
	_ =	sdelay $0x2  }
0x91: {  	s15 =	simm.s32 $0xA;
	s4 =	simm.s32 $0x10  }
0x92: {  	[smem:s4], [sflag:s15] =	dma.local [hbm:s2], $0x1  }
0x93: {  	_ =	swait.eq [sflag:s15], $0x1  }
0x94: {  	[sflag:s15] =	ssyncset.done $0x0  }
0x95: {  	[sflag:s15] =	ssyncadd.s32 $0xFFFFFFFF  }
0x96: {  	s16 =	sld [smem:$0x10];
	(tm) =	ssettm $0x1  }
0x97: {  	s17 =	sld [smem:$0x3FFB];
	_ =	sdelay $0x3  }
0x98: {  	_ =	strace s17  }
0x99: {  	s3 =	sld [smem:$0x3FFC];
	_ =	sdelay $0x3  }
0x9a: {  	_ =	strace s3  }
0x9b: {  	s3 =	sld [smem:$0x3FFD];
	_ =	sdelay $0x3  }
0x9c: {  	_ =	strace s3  }
0x9d: {  	_ =	strace $0x8FFFFFFF  }
0x9e: {  	s18 =	sld [smem:$0x3FDB];
	_ =	sdelay $0x1  }
0x9f: {  	s19 =	simm.s32 $_scs_section_size  }
0xa0: {  	s5 =	simm.s32 $_size__tile_overlayer_lowered;
	s6 =	simm.s32 $_tile_overlayer_lowered  }
0xa1: {  	s22 =	simm.s32 $0x1BFF;
	s21 =	sshll.u32 s6, $0x1;
	s3 =	sadd.s32 s19, s18  }
0xa2: {  	s7 =	simm.s32 $0x0;
	s20 =	sshll.u32 s5, $0x1;
	s5 =	sadd.s32 s21, s3  }
0xa3: {  	[timem:s7], [sflag:s22] =	dma.local [hbm:s5], s20  }
0xa4: {  	_ =	swait.ge [sflag:s22], s20  }
0xa5: {  	s4 =	ssub.s32 $0x0, s20;
	[sflag:s22] =	ssyncset.done $0x0  }
0xa6: {  	[sflag:s22] =	ssyncadd.s32 s4;
	_ =	sdelay $0x1  }
0xa7: {  	s23 =	simm.s32 $0x1B8B  }
0xa8: {  	_ =	swait.ge [sflag:s23], $0x1  }
0xa9: {  	[sflag:s23] =	ssyncset.done $0x0  }
0xaa: {  	s25 =	simm.s32 $0x1B8E;
	s24 =	sld [smem:$0x3FFE];
	[sflag:s23] =	ssyncadd.s32 $0xFFFFFFFF  }
0xab: {  	s26 =	simm.s32 $execute0_lowered;
	[smem:$0x3FD2] =	sst s25  }
0xac: {  	s5 =	sshll.u32 s26, $0x1;
	_ =	strace $0x80000052;
	[dreg:$0x1] =	wrdreg $0xFFFFFFFF  }
0xad: {  	s28 =	simm.s32 $_size_execute0_lowered;
	s3 =	sadd.s32 s3, s5;
	[dreg:$0x0] =	wrdreg $0x0  }
0xae: {  	s5 =	sshll.u32 s28, $0x1;
	[dreg:$0x2] =	wrdreg s3  }
0xaf: {  	[dreg:$0x3] =	wrdreg s5  }
0xb0: {  	[dreg:$0x4] =	wrdreg $0xC0  }
0xb1: {  	_ =	task [dreg:s7], $0x5FFFF  }
0xb2: {  	[dreg:$0x1] =	wrdreg $0xFFFFFFFF  }
0xb3: {  	[dreg:$0x0] =	wrdreg $0x60  }
0xb4: {  	[dreg:$0x2] =	wrdreg s24  }
0xb5: {  	[dreg:$0x3] =	wrdreg s16  }
0xb6: {  	[dreg:$0x4] =	wrdreg $0x0  }
0xb7: {  	[dreg:$0x5] =	wrdreg $0x9  }
0xb8: {  	_ =	task.clear_ibuf [dreg:s7], $0x6FFFF;
	_ =	strace $0x90000052  }
0xb9: {  	s29 =	simm.s32 $0x9;
	_ =	strace $0x80000054  }
0xba: {  	_ =	swait.ge [sflag:s29], $0x1  }
0xbb: {  	[sflag:s29] =	ssyncadd.s32 $0xFFFFFFFF  }
0xbc: {  	_ =	strace $0x90000054  }
0xbd: {  	_ =	sfence  }
0xbe: {  	s30 =	sld [smem:$0x0];
	_ =	sdelay $0x2  }
0xbf: {  	s31 =	sshll.u32 s1, $0xD;
	s1 =	sshrl.u32 s1, $0x2  }
0xc0: {  	s3 =	sand.u32 $0x4000, s31;
	s1 =	sadd.s32 s1, s30  }
0xc1: {  	s0 =	sor.u32 s3, s0;
	s1 =	sshll.u32 s1, $0x11  }
0xc2: {  	s0 =	sor.u32 s1, s0  }
0xc3: {  	s0 =	sadd.s32 $0x8F2B, s0  }
0xc4: {  	[sflag:s0] =	ssyncadd.remote.s32 $0x1  }
0xc5: {  	_ =	sfence.sel $0xFFFF  }
0xc6: {  	[dreg:$0x0] =	wrdreg $0xFFFFFFFF;
	(pc) =	sbr.abs _section_cstart, $3  }
0xc7: {  	[dreg:$0x1] =	wrdreg $0xFFFFFFFF  }
0xc8: {  	_ =	task.clear_ibuf [dreg:s7], $0x2FFFF;
	_ =	strace $0x9FFFFFFF  }
0xc9: {  	(tm) =	ssettm $0x7FFFFFFF  }
tec
execute0_lowered:
.L_overlay_start_1:
0x0: {  	(tag) =	ssettag $0x1  }
0x1: {  	s0 =	rddreg [dreg:$0x0]  }
0x2: {  	s2 =	rddreg [dreg:$0x1]  }
0x3: {  	s3 =	rddreg [dreg:$0x2]  }
0x4: {  	s14 =	stileid.u32;
	s1 =	srdreg.scid  }
0x5: {  	s4 =	simm.s32 $0x0;
	s18 =	simm.s32 $0x5;
	s19 =	simm.s32 $0x14000  }
0x6: {  	s28 =	simm.s32 $0x1;
	s29 =	simm.s32 $0x3;
	s6 =	smul.u32 $0x14000, s14  }
0x7: {  	s30 =	simm.s32 $0x2;
	s31 =	simm.s32 $0x0;
	s10 =	smul.u32 $0x50000, s14  }
0x8: {  	s1 =	sand.u32 $0x1, s1;
	[smem:$0x7FF] =	sst s4;
	s16 =	smul.u32 $0x2710, s14  }
0x9: {  	s5 =	sadd.s32 $0x60200, s0;
	s24 =	sshll.u32 s14, $0x6;
	s7 =	smul.u32 $0x140000, s1  }
0xa: {  	_ =	strace $0x80000053;
	s9 =	ssub.s32 $0x2, s1;
	s11 =	sshll.u32 s1, $0x4  }
0xb: {  	s1 =	smul.u32 $0x27100, s1;
	s8 =	sshrl.u32 s6, $0x3;
	s20 =	sshrl.u32 s9, $0x1  }
0xc: {  	s11 =	sor.u32 s14, s11;
	s21 =	sshrl.u32 s10, $0x2;
	s7 =	sadd.s32 s6, s7  }
0xd: {  	s6 =	sadd.s32 $0x6200, s0;
	s8 =	sadd.s32 s8, s0;
	s15 =	ssub.s32 s9, s20  }
0xe: {  	s22 =	smul.u32 $0x2710, s11;
	s17 =	sadd.s32 s21, s3;
	s16 =	sadd.s32 s16, s1  }
0xf: {  	s20 =	simm.s32 $0x14100;
	s21 =	simm.s32 $0x50;
	s7 =	sshrl.u32 s7, $0x3  }
0x10: {  	s23 =	sadd.s32 $0x38200, s8;
	s8 =	sor.u32 $0x1C05, s24;
	s15 =	smax.u32 s15, $0x1  }
0x11: {  	s17 =	sshrl.u32 s17, $0x3;
	s24 =	simm.s32 $0x14180;
	s0 =	sadd.s32 s7, s0  }
0x12: {  	[dreg:$0x4] =	wrdreg s23;
	s11 =	sadd.s32 $0x26C0, s22;
	s25 =	sshrl.u32 s22, $0x3  }
0x13: {  	s22 =	simm.s32 $0x14200;
	s23 =	simm.s32 $0x14080;
	s26 =	sadd.s32 s6, s25  }
0x14: {  	s13 =	sadd.s32 $0xA, s25;
	s7 =	sadd.s32 s2, s25;
	[dreg:$0x5] =	wrdreg s26  }
0x15: {  	s14 =	sadd.s32 $0x88200, s0;
	s25 =	simm.s32 $0x4;
	[dreg:$0x6] =	wrdreg s7  }
0x16: {  	s12 =	sadd.s32 s6, s13;
	s13 =	sadd.s32 s2, s13;
	s26 =	simm.s32 $0x16A00  }
.LBB2_1:
0x17: {  	s0 =	rddreg [dreg:$0x4]  }
0x18: {  	[spmem:s17], [sflag:s8] =	dma.local [hbm:s0], $0x2800  }
0x19: {  	_ =	swait.ge [sflag:s18], $0x2800  }
0x1a: {  	[sflag:s18] =	ssyncset.done $0x0  }
0x1b: {  	[sflag:s18] =	ssyncadd.s32 $0xFFFFD800  }
0x1c: {  	[bflag:$0x0] =	sbarrier.arrive $0xFFFF  }
0x1d: {  	s1 =	rddreg [dreg:$0x5]  }
0x1e: {  	[tilespmem:s19], [sflag:$0x5] =	stream.linear.gather [hbm4b:s1+s4], $0x50, $0x38;
	[tilespmem:$0x19200] =	vst v63  }
0x1f: {  	_ =	swait.ge [sflag:s18], $0x50  }
0x20: {  	[sflag:s18] =	ssyncset.done $0x0  }
0x21: {  	s7 =	rddreg [dreg:$0x6];
	[sflag:s18] =	ssyncadd.s32 $0xFFFFFFB0  }
0x22: {  	[tilespmem:s20], [sflag:$0x5] =	stream.linear.gather [hbm4b:s7+s4], $0x50, $0x38;
	[tilespmem:$0x19200] =	vst v63  }
0x23: {  	_ =	swait.ge [sflag:s18], $0x50  }
0x24: {  	[sflag:s18] =	ssyncset.done $0x0  }
0x25: {  	[sflag:s18] =	ssyncadd.s32 $0xFFFFFFB0  }
0x26: {  	[tilespmem:s22], [sflag:$0x1] =	stream.indirect.gather [hbm4b:s5+s21], $0x80, s19, s21, $0xb8;
	[tilespmem:$0x19200] =	vst v63  }
0x27: {  	_ = 	snop  }
0x28: {  	[tilespmem:s23], [sflag:$0x4] =	stream.linear.gather [hbm4b:s12+s4], $0x50, $0x38;
	[tilespmem:$0x19200] =	vst v63  }
0x29: {  	_ = 	snop  }
0x2a: {  	[tilespmem:s24], [sflag:$0x4] =	stream.linear.gather [hbm4b:s13+s4], $0x50, $0x38;
	[tilespmem:$0x19200] =	vst v63  }
0x2b: {  	_ =	swait.ge [sflag:s25], $0x50  }
0x2c: {  	[sflag:s25] =	ssyncset.done $0x0  }
0x2d: {  	[sflag:s25] =	ssyncadd.s32 $0xFFFFFFB0  }
0x2e: {  	_ =	swait.ge [sflag:s25], $0x50  }
0x2f: {  	[sflag:s25] =	ssyncset.done $0x0  }
0x30: {  	[sflag:s25] =	ssyncadd.s32 $0xFFFFFFB0  }
0x31: {  	[tilespmem:s26], [sflag:$0x2] =	stream.indirect.gather [hbm4b:s5+s21], $0x80, s23, s21, $0xb8;
	[tilespmem:$0x19200] =	vst v63  }
0x32: {  	_ =	swait.ge [sflag:s28], $0x2800  }
0x33: {  	[sflag:s28] =	ssyncset.done $0x0  }
0x34: {  	s9 =	sadd.s32 $0xFFFFD940, s16;
	[sflag:s28] =	ssyncadd.s32 $0xFFFFD800  }
0x35: {  	[spmem:s3] =	stream.indirect.scatter.add.f32 [tilespmem:s22], [sflag:$0x5], $0x80, s20, s21, $0xb8;
	[tilespmem:$0x19200] =	vst v63  }
0x36: {  	s1 =	sadd.s32 $0x2760, s9;
	_ =	swait.ge [sflag:s18], $0x2800  }
0x37: {  	s1 =	sshrl.u32 s1, $0x3;
	[sflag:s18] =	ssyncset.done $0x0  }
0x38: {  	s7 =	sadd.s32 s6, s1;
	[sflag:s18] =	ssyncadd.s32 $0xFFFFD800  }
0x39: {  	[tilespmem:s19], [sflag:$0x3] =	stream.linear.gather [hbm4b:s7+s4], $0x50, $0x38;
	[tilespmem:$0x19200] =	vst v63  }
0x3a: {  	s1 =	sadd.s32 s2, s1  }
0x3b: {  	[tilespmem:s20], [sflag:$0x3] =	stream.linear.gather [hbm4b:s1+s4], $0x50, $0x38;
	[tilespmem:$0x19200] =	vst v63  }
0x3c: {  	_ =	swait.ge [sflag:s29], $0x50  }
0x3d: {  	[sflag:s29] =	ssyncset.done $0x0  }
0x3e: {  	[sflag:s29] =	ssyncadd.s32 $0xFFFFFFB0  }
0x3f: {  	_ =	swait.ge [sflag:s29], $0x50  }
0x40: {  	[sflag:s29] =	ssyncset.done $0x0  }
0x41: {  	[sflag:s29] =	ssyncadd.s32 $0xFFFFFFB0  }
0x42: {  	[tilespmem:s22], [sflag:$0x1] =	stream.indirect.gather [hbm4b:s5+s21], $0x80, s19, s21, $0xb8;
	[tilespmem:$0x19200] =	vst v63  }
0x43: {  	_ =	swait.ge [sflag:s30], $0x2800  }
0x44: {  	s0 =	sadd.s32 $0x27B0, s9;
	[sflag:s30] =	ssyncset.done $0x0  }
0x45: {  	p0 =	slt.s32 s0, s11;
	s1 =	smov.u32 s11;
	[sflag:s30] =	ssyncadd.s32 $0xFFFFD800  }
0x46: {  	[spmem:s3] =	stream.indirect.scatter.add.f32 [tilespmem:s26], [sflag:$0x5], $0x80, s24, s21, $0xb8;
	[tilespmem:$0x19200] =	vst v63  }
0x47: {  	s1 =	smov.u32 @p0 s0;
	_ =	swait.ge [sflag:s18], $0x2800  }
0x48: {  	s0 =	simm.s32 $0xFFFFD9E0;
	s1 =	sshrl.u32 s1, $0x3;
	[sflag:s18] =	ssyncset.done $0x0  }
0x49: {  	s10 =	sadd.s32 s6, s1;
	s1 =	sadd.s32 s2, s1;
	[sflag:s18] =	ssyncadd.s32 $0xFFFFD800  }
0x4a: {  	[tilespmem:s23], [sflag:$0x4] =	stream.linear.gather [hbm4b:s10+s4], $0x50, $0x38;
	[tilespmem:$0x19200] =	vst v63  }
.LBB2_2:
0x4b: {  	[tilespmem:s24], [sflag:$0x4] =	stream.linear.gather [hbm4b:s1+s4], $0x50, $0x38;
	[tilespmem:$0x19200] =	vst v63  }
0x4c: {  	s1 =	smov.u32 s0  }
0x4d: {  	p0 =	sne.s32 s0, $0xFFFFFF60;
	s0 =	sadd.s32 $0xA0, s0;
	_ =	swait.ge [sflag:s25], $0x50  }
0x4e: {  	[sflag:s25] =	ssyncset.done $0x0  }
0x4f: {  	[sflag:s25] =	ssyncadd.s32 $0xFFFFFFB0  }
0x50: {  	_ =	swait.ge [sflag:s25], $0x50  }
0x51: {  	[sflag:s25] =	ssyncset.done $0x0  }
0x52: {  	[sflag:s25] =	ssyncadd.s32 $0xFFFFFFB0  }
0x53: {  	[tilespmem:s26], [sflag:$0x2] =	stream.indirect.gather [hbm4b:s5+s21], $0x80, s23, s21, $0xb8;
	[tilespmem:$0x19200] =	vst v63  }
0x54: {  	_ =	swait.ge [sflag:s28], $0x2800  }
0x55: {  	[sflag:s28] =	ssyncset.done $0x0  }
0x56: {  	s9 =	smov.u32 s11;
	s1 =	sadd.s32 s1, s16;
	[sflag:s28] =	ssyncadd.s32 $0xFFFFD800  }
0x57: {  	[spmem:s3] =	stream.indirect.scatter.add.f32 [tilespmem:s22], [sflag:$0x5], $0x80, s20, s21, $0xb8;
	[tilespmem:$0x19200] =	vst v63  }
0x58: {  	s7 =	sadd.s32 $0x2760, s1;
	s1 =	sadd.s32 $0x27B0, s1;
	_ =	swait.ge [sflag:s18], $0x2800  }
0x59: {  	s7 =	sshrl.u32 s7, $0x3;
	p1 =	slt.s32 s1, s11;
	[sflag:s18] =	ssyncset.done $0x0  }
0x5a: {  	s10 =	sadd.s32 s6, s7;
	s9 =	smov.u32 @p1 s1;
	[sflag:s18] =	ssyncadd.s32 $0xFFFFD800  }
0x5b: {  	[tilespmem:s19], [sflag:$0x3] =	stream.linear.gather [hbm4b:s10+s4], $0x50, $0x38;
	[tilespmem:$0x19200] =	vst v63  }
0x5c: {  	s1 =	sadd.s32 s2, s7;
	s7 =	sshrl.u32 s9, $0x3  }
0x5d: {  	[tilespmem:s20], [sflag:$0x3] =	stream.linear.gather [hbm4b:s1+s4], $0x50, $0x38;
	[tilespmem:$0x19200] =	vst v63  }
0x5e: {  	_ =	swait.ge [sflag:s29], $0x50  }
0x5f: {  	[sflag:s29] =	ssyncset.done $0x0  }
0x60: {  	[sflag:s29] =	ssyncadd.s32 $0xFFFFFFB0  }
0x61: {  	_ =	swait.ge [sflag:s29], $0x50  }
0x62: {  	[sflag:s29] =	ssyncset.done $0x0  }
0x63: {  	[sflag:s29] =	ssyncadd.s32 $0xFFFFFFB0  }
0x64: {  	[tilespmem:s22], [sflag:$0x1] =	stream.indirect.gather [hbm4b:s5+s21], $0x80, s19, s21, $0xb8;
	[tilespmem:$0x19200] =	vst v63  }
0x65: {  	_ =	swait.ge [sflag:s30], $0x2800  }
0x66: {  	[sflag:s30] =	ssyncset.done $0x0  }
0x67: {  	[sflag:s30] =	ssyncadd.s32 $0xFFFFD800  }
0x68: {  	[spmem:s3] =	stream.indirect.scatter.add.f32 [tilespmem:s26], [sflag:$0x5], $0x80, s24, s21, $0xb8;
	[tilespmem:$0x19200] =	vst v63  }
.Ltmp0:
0x69: {  	_ =	swait.ge [sflag:s18], $0x2800;
	(pc) =	sbr.rel @p0 .LBB2_2-.Ltmp0, $4  }
0x6a: {  	[sflag:s18] =	ssyncset.done $0x0  }
0x6b: {  	s1 =	sadd.s32 s6, s7;
	[sflag:s18] =	ssyncadd.s32 $0xFFFFD800  }
0x6c: {  	[tilespmem:s23], [sflag:$0x4] =	stream.linear.gather [hbm4b:s1+s4], $0x50, $0x38;
	[tilespmem:$0x19200] =	vst v63  }
0x6d: {  	s1 =	sadd.s32 s2, s7  }
0x6e: {  	[tilespmem:s24], [sflag:$0x4] =	stream.linear.gather [hbm4b:s1+s4], $0x50, $0x38;
	[tilespmem:$0x19200] =	vst v63  }
0x6f: {  	_ =	swait.ge [sflag:s28], $0x2800  }
0x70: {  	[sflag:s28] =	ssyncset.done $0x0  }
0x71: {  	[sflag:s28] =	ssyncadd.s32 $0xFFFFD800  }
0x72: {  	[spmem:s3] =	stream.indirect.scatter.add.f32 [tilespmem:s22], [sflag:$0x5], $0x80, s20, s21, $0xb8;
	[tilespmem:$0x19200] =	vst v63  }
0x73: {  	_ =	swait.ge [sflag:s18], $0x2800  }
0x74: {  	[sflag:s18] =	ssyncset.done $0x0  }
0x75: {  	[sflag:s18] =	ssyncadd.s32 $0xFFFFD800  }
0x76: {  	_ =	swait.ge [sflag:s25], $0x50  }
0x77: {  	[sflag:s25] =	ssyncset.done $0x0  }
0x78: {  	[sflag:s25] =	ssyncadd.s32 $0xFFFFFFB0  }
0x79: {  	_ =	swait.ge [sflag:s25], $0x50  }
0x7a: {  	s31 =	sadd.s32 $0x1, s31;
	[sflag:s25] =	ssyncset.done $0x0  }
0x7b: {  	p0 =	sne.s32 s31, s15;
	[sflag:s25] =	ssyncadd.s32 $0xFFFFFFB0  }
.Ltmp1:
0x7c: {  	[bflag:$0x0] =	sbarrier.arrive $0xFFFF;
	(pc) =	sbr.rel @p0 .LBB2_1-.Ltmp1, $4  }
0x7d: {  	[hbm:s14], [sflag:s8] =	dma.local [spmem:s17], $0x2800  }
0x7e: {  	_ =	swait.ge [sflag:s18], $0x2800  }
0x7f: {  	[sflag:s18] =	ssyncset.done $0x0  }
0x80: {  	[sflag:s18] =	ssyncadd.s32 $0xFFFFD800  }
0x81: {  	_ =	sfence.sel $0x180000  }
0x82: {  	[bflag:$0x0] =	sbarrier.arrive $0xFFFF  }
0x83: {  	_ =	strace $0x90000053  }
0x84: {  	s0 =	stileid.u32;
	[bflag:$0x2] =	sbarrier.arrive $0xFFFF  }
0x85: {  	p0 =	sne.s32 s0, $0x0;
	s0 =	rddreg [dreg:$0x3]  }
0x86: {  	s0 =	sadd.s32 @!p0 $0x100000, s0  }
0x87: {  	[sflag:s0] =	ssyncadd.tile.s32 @!p0 $0x1;
	_ =	shalt  }
.Lfunc_end2:
_tile_overlayer_lowered:
.L_overlay_start_2:
0x88: {  	(tag) =	ssettag $0x2  }
0x89: {  	s0 =	rddreg [dreg:$0x0];
	s2 =	stileid.u32  }
0x8a: {  	s1 =	rddreg [dreg:$0x1];
	p0 =	sne.s32 s2, $0x0  }
0x8b: {  	s3 =	rddreg [dreg:$0x2];
	[bflag:$0x3] =	sbarrier.arrive $0xFFFF;
	s2 =	simm.s32 @!p0 $0x1C05  }
0x8c: {  	[timem:s3], [sflag:s2] =	dma.local @!p0 [hbm:s0], s1  }
0x8d: {  	s0 =	simm.s32 @!p0 $0x5  }
0x8e: {  	_ =	swait.ge @!p0 [sflag:s0], s1  }
0x8f: {  	s1 =	ssub.s32 @!p0 $0x0, s1;
	[sflag:s0] =	ssyncset.done @!p0 $0x0  }
0x90: {  	[sflag:s0] =	ssyncadd.s32 @!p0 s1  }
0x91: {  	[bflag:$0x3] =	sbarrier.arrive $0xFFFF  }
0x92: {  	_ =	shalt  }

// kernel: sc_seg_sum.5.cloned.1.call-start
scs
__scs_entry_jumppad:
0x0: {  	(pc) =	sbr.rel $0x88, $3  }
0x1: {  	(tag) =	ssettag $0x0;
	lr =	simm.s32 $0x1  }
0x2: {  	[smem:$0x3F87] =	sst lr;
	_ =	strace $0xD0000000  }
0x3: {  	_ = 	snop  }
0x4: {  	_ = 	snop  }
0x5: {  	_ = 	snop  }
0x6: {  	_ = 	snop  }
0x7: {  	_ = 	snop  }
__scs_overlays_trampoline_lowered:
0x8: {  	[smem:$0x3F96] =	sst s0  }
0x9: {  	[smem:$0x3F97] =	sst s1  }
0xa: {  	[smem:$0x3F98] =	sst s2  }
0xb: {  	[smem:$0x3F99] =	sst s3  }
0xc: {  	[smem:$0x3F9A] =	sst s4  }
0xd: {  	[smem:$0x3F9B] =	sst s5  }
0xe: {  	[smem:$0x3F9C] =	sst s6  }
0xf: {  	[smem:$0x3F9D] =	sst s7  }
0x10: {  	[smem:$0x3F9E] =	sst s8  }
0x11: {  	[smem:$0x3F9F] =	sst s9;
	s0 =	simm.s32 @!p0 $0x0  }
0x12: {  	s1 =	sld [smem:$0x3F85];
	s0 =	simm.s32 @p0 $0x1  }
0x13: {  	[smem:$0x3FA0] =	sst s0;
	s0 =	simm.s32 @!p1 $0x0  }
0x14: {  	s2 =	sld [smem:$0x3F84];
	s0 =	simm.s32 @p1 $0x1  }
0x15: {  	[smem:$0x3FA1] =	sst s0;
	s0 =	simm.s32 @!p2 $0x0  }
0x16: {  	s3 =	sld [smem:$0x3FDB];
	s0 =	simm.s32 @p2 $0x1  }
0x17: {  	s4 =	simm.s32 $0x1BF5;
	[smem:$0x3FA3] =	sst s0  }
0x18: {  	s0 =	sld [smem:$0x3F86];
	_ =	swait.ge [sflag:s4], $0x0  }
0x19: {  	s7 =	sld [smem:$0x3F87]  }
0x1a: {  	s8 =	sadd.s32 $0xFFFFE003, lr  }
0x1b: {  	s9 =	sadd.s32 $0xFFFFFEF7, lr;
	s5 =	simm.s32 $0xFFFFFFFF;
	p2 =	slt.u32 s8, $0xFFFFF086  }
0x1c: {  	p1 =	slt.u32 s9, $0xF7A;
	s5 =	simm.s32 @!p2 $0x0  }
0x1d: {  	s5 =	simm.s32 @p1 $0x1;
	p0 =	seq.s32 s7, s2  }
0x1e: {  	s7 =	smul.u32 @!p0 $0xF7A, s2;
	p2 =	seq.s32 @!p0 s5, $0x0  }
0x1f: {  	s9 =	smul.u32 $0xF7A, s1;
	s8 =	simm.s32 @!p0 $0x1BF5;
	p2 =	por !p2, p0  }
0x20: {  	[sflag:s8] =	ssyncset.s32 @!p0 $0xFFFFF086;
	s6 =	sadd.s32 @!p0 s3, s7;
	s7 =	simm.s32 @!p0 $0x108  }
0x21: {  	s3 =	sadd.s32 s3, s9;
	s6 =	sadd.s32 @!p0 $0x88, s6;
	s7 =	simm.s32 @p2 $0x1082  }
0x22: {  	[simem:s7], [sflag:s8] =	dma.local @!p0 [hbm:s6], $0xF7A  }
0x23: {  	s9 =	sor.u32 $0xD0000000, s2;
	s6 =	simm.s32 $0x108;
	_ =	swait.ge @!p0 [sflag:s8], $0x0  }
0x24: {  	s3 =	sadd.s32 $0x88, s3;
	s6 =	simm.s32 @!p1 $0x1082;
	[sflag:s4] =	ssyncset.s32 $0xFFFFF086  }
0x25: {  	[simem:s6], [sflag:s4] =	dma.local [hbm:s3], $0xF7A  }
0x26: {  	[smem:$0x3F87] =	sst s1;
	(tag) =	ssettag s2;
	_ =	strace s9  }
0x27: {  	s1 =	sld [smem:$0x3F97]  }
0x28: {  	s2 =	sld [smem:$0x3F98]  }
0x29: {  	s4 =	sld [smem:$0x3F9A]  }
0x2a: {  	p0 =	seq.s32 s5, $0x0;
	s5 =	sld [smem:$0x3F9B]  }
0x2b: {  	s6 =	sld [smem:$0x3F9C]  }
0x2c: {  	s7 =	sld [smem:$0x3F9D]  }
0x2d: {  	s3 =	simm.s32 $0x108;
	s8 =	sld [smem:$0x3F9E]  }
0x2e: {  	s3 =	simm.s32 @!p0 $0x1082;
	s9 =	sld [smem:$0x3F9F]  }
0x2f: {  	lr =	sadd.s32 s0, s3;
	s0 =	sld [smem:$0x3F96]  }
0x30: {  	s3 =	sld [smem:$0x3F99]  }
0x31: {  	[smem:$0x3FA2] =	sst s10  }
0x32: {  	s10 =	sld [smem:$0x3FA0];
	_ =	sdelay $0x3  }
0x33: {  	p0 =	seq.s32 s10, $0x1;
	s10 =	sld [smem:$0x3FA2];
	_ =	sdelay $0x3  }
0x34: {  	[smem:$0x3FA2] =	sst s10  }
0x35: {  	s10 =	sld [smem:$0x3FA1];
	_ =	sdelay $0x3  }
0x36: {  	p1 =	seq.s32 s10, $0x1;
	s10 =	sld [smem:$0x3FA2];
	_ =	sdelay $0x3  }
0x37: {  	[smem:$0x3FA2] =	sst s10  }
0x38: {  	s10 =	sld [smem:$0x3FA3]  }
0x39: {  	_ = 	snop;
	(pc) =	sbr.ind lr, $3  }
0x3a: {  	_ = 	snop  }
0x3b: {  	_ = 	snop  }
0x3c: {  	p2 =	seq.s32 s10, $0x1;
	s10 =	sld [smem:$0x3FA2]  }
0x3d: {  	_ =	shalt  }
0x3e: {  	_ =	shalt  }
0x3f: {  	_ =	shalt  }
0x40: {  	_ =	shalt  }
0x41: {  	_ =	shalt  }
0x42: {  	_ =	shalt  }
0x43: {  	_ =	shalt  }
0x44: {  	_ =	shalt  }
0x45: {  	_ =	shalt  }
0x46: {  	_ =	shalt  }
0x47: {  	_ =	shalt  }
0x48: {  	_ =	shalt  }
0x49: {  	_ =	shalt  }
0x4a: {  	_ =	shalt  }
0x4b: {  	_ =	shalt  }
0x4c: {  	_ =	shalt  }
0x4d: {  	_ =	shalt  }
0x4e: {  	_ =	shalt  }
0x4f: {  	_ =	shalt  }
0x50: {  	_ =	shalt  }
0x51: {  	_ =	shalt  }
0x52: {  	_ =	shalt  }
0x53: {  	_ =	shalt  }
0x54: {  	_ =	shalt  }
0x55: {  	_ =	shalt  }
0x56: {  	_ =	shalt  }
0x57: {  	_ =	shalt  }
0x58: {  	_ =	shalt  }
0x59: {  	_ =	shalt  }
0x5a: {  	_ =	shalt  }
0x5b: {  	_ =	shalt  }
0x5c: {  	_ =	shalt  }
0x5d: {  	_ =	shalt  }
0x5e: {  	_ =	shalt  }
0x5f: {  	_ =	shalt  }
0x60: {  	_ =	shalt  }
0x61: {  	_ =	shalt  }
0x62: {  	_ =	shalt  }
0x63: {  	_ =	shalt  }
0x64: {  	_ =	shalt  }
0x65: {  	_ =	shalt  }
0x66: {  	_ =	shalt  }
0x67: {  	_ =	shalt  }
0x68: {  	_ =	shalt  }
0x69: {  	_ =	shalt  }
0x6a: {  	_ =	shalt  }
0x6b: {  	_ =	shalt  }
0x6c: {  	_ =	shalt  }
0x6d: {  	_ =	shalt  }
0x6e: {  	_ =	shalt  }
0x6f: {  	_ =	shalt  }
0x70: {  	_ =	shalt  }
0x71: {  	_ =	shalt  }
0x72: {  	_ =	shalt  }
0x73: {  	_ =	shalt  }
0x74: {  	_ =	shalt  }
0x75: {  	_ =	shalt  }
0x76: {  	_ =	shalt  }
0x77: {  	_ =	shalt  }
0x78: {  	_ =	shalt  }
0x79: {  	_ =	shalt  }
0x7a: {  	_ =	shalt  }
0x7b: {  	_ =	shalt  }
0x7c: {  	_ =	shalt  }
0x7d: {  	_ =	shalt  }
0x7e: {  	_ =	shalt  }
0x7f: {  	_ =	shalt  }
0x80: {  	_ =	shalt  }
0x81: {  	_ =	shalt  }
0x82: {  	_ =	shalt  }
0x83: {  	_ =	shalt  }
0x84: {  	_ =	shalt  }
0x85: {  	_ =	shalt  }
0x86: {  	_ =	shalt  }
0x87: {  	_ =	shalt  }
.Lfunc_end0:
.L_simem_size_0:
called_computation.2_lowered:
.L_overlay_start_0:
0x88: {  	s2 =	sld [smem:$0x3FD9]  }
0x89: {  	s3 =	sld [smem:$0x3FFE];
	_ =	sdelay $0x1  }
0x8a: {  	s1 =	srdreg.scid  }
0x8b: {  	s0 =	sand.u32 $0x1, s1  }
0x8c: {  	s14 =	sshll.u32 s0, $0xA;
	s2 =	sadd.s32 s3, s2  }
0x8d: {  	s2 =	sadd.s32 s2, s14  }
0x8e: {  	[smem:$0x3FAE] =	sst s2  }
0x8f: {  	_ = 	snop  }
0x90: {  	s2 =	sld [smem:$0x3FD0];
	_ =	sdelay $0x2  }
0x91: {  	s15 =	simm.s32 $0xA;
	s4 =	simm.s32 $0x10  }
0x92: {  	[smem:s4], [sflag:s15] =	dma.local [hbm:s2], $0x1  }
0x93: {  	_ =	swait.eq [sflag:s15], $0x1  }
0x94: {  	[sflag:s15] =	ssyncset.done $0x0  }
0x95: {  	[sflag:s15] =	ssyncadd.s32 $0xFFFFFFFF  }
0x96: {  	s16 =	sld [smem:$0x10];
	(tm) =	ssettm $0x1  }
0x97: {  	s17 =	sld [smem:$0x3FFB];
	_ =	sdelay $0x3  }
0x98: {  	_ =	strace s17  }
0x99: {  	s3 =	sld [smem:$0x3FFC];
	_ =	sdelay $0x3  }
0x9a: {  	_ =	strace s3  }
0x9b: {  	s3 =	sld [smem:$0x3FFD];
	_ =	sdelay $0x3  }
0x9c: {  	_ =	strace s3  }
0x9d: {  	_ =	strace $0x8FFFFFFF  }
0x9e: {  	s18 =	sld [smem:$0x3FDB];
	_ =	sdelay $0x1  }
0x9f: {  	s19 =	simm.s32 $_scs_section_size  }
0xa0: {  	s5 =	simm.s32 $_size__tile_overlayer_lowered;
	s6 =	simm.s32 $_tile_overlayer_lowered  }
0xa1: {  	s22 =	simm.s32 $0x1BFF;
	s21 =	sshll.u32 s6, $0x1;
	s3 =	sadd.s32 s19, s18  }
0xa2: {  	s7 =	simm.s32 $0x0;
	s20 =	sshll.u32 s5, $0x1;
	s5 =	sadd.s32 s21, s3  }
0xa3: {  	[timem:s7], [sflag:s22] =	dma.local [hbm:s5], s20  }
0xa4: {  	_ =	swait.ge [sflag:s22], s20  }
0xa5: {  	s4 =	ssub.s32 $0x0, s20;
	[sflag:s22] =	ssyncset.done $0x0  }
0xa6: {  	[sflag:s22] =	ssyncadd.s32 s4;
	_ =	sdelay $0x1  }
0xa7: {  	s23 =	simm.s32 $0x1B8B  }
0xa8: {  	_ =	swait.ge [sflag:s23], $0x1  }
0xa9: {  	[sflag:s23] =	ssyncset.done $0x0  }
0xaa: {  	s25 =	simm.s32 $0x1B8E;
	s24 =	sld [smem:$0x3FFE];
	[sflag:s23] =	ssyncadd.s32 $0xFFFFFFFF  }
0xab: {  	s26 =	simm.s32 $execute0_lowered;
	[smem:$0x3FD2] =	sst s25  }
0xac: {  	s5 =	sshll.u32 s26, $0x1;
	_ =	strace $0x8000004C;
	[dreg:$0x1] =	wrdreg $0xFFFFFFFF  }
0xad: {  	s28 =	simm.s32 $_size_execute0_lowered;
	s3 =	sadd.s32 s3, s5;
	[dreg:$0x0] =	wrdreg $0x0  }
0xae: {  	s5 =	sshll.u32 s28, $0x1;
	[dreg:$0x2] =	wrdreg s3  }
0xaf: {  	[dreg:$0x3] =	wrdreg s5  }
0xb0: {  	[dreg:$0x4] =	wrdreg $0xC0  }
0xb1: {  	_ =	task [dreg:s7], $0x5FFFF  }
0xb2: {  	[dreg:$0x1] =	wrdreg $0xFFFFFFFF  }
0xb3: {  	[dreg:$0x0] =	wrdreg $0x60  }
0xb4: {  	[dreg:$0x2] =	wrdreg s24  }
0xb5: {  	[dreg:$0x3] =	wrdreg s16  }
0xb6: {  	[dreg:$0x4] =	wrdreg $0x0  }
0xb7: {  	[dreg:$0x5] =	wrdreg $0x9  }
0xb8: {  	_ =	task.clear_ibuf [dreg:s7], $0x6FFFF;
	_ =	strace $0x9000004C  }
0xb9: {  	s29 =	simm.s32 $0x9;
	_ =	strace $0x8000004E  }
0xba: {  	_ =	swait.ge [sflag:s29], $0x1  }
0xbb: {  	[sflag:s29] =	ssyncadd.s32 $0xFFFFFFFF  }
0xbc: {  	_ =	strace $0x9000004E  }
0xbd: {  	_ =	sfence  }
0xbe: {  	s30 =	sld [smem:$0x0];
	_ =	sdelay $0x2  }
0xbf: {  	s31 =	sshll.u32 s1, $0xD;
	s1 =	sshrl.u32 s1, $0x2  }
0xc0: {  	s3 =	sand.u32 $0x4000, s31;
	s1 =	sadd.s32 s1, s30  }
0xc1: {  	s0 =	sor.u32 s3, s0;
	s1 =	sshll.u32 s1, $0x11  }
0xc2: {  	s0 =	sor.u32 s1, s0  }
0xc3: {  	s0 =	sadd.s32 $0x8F2B, s0  }
0xc4: {  	[sflag:s0] =	ssyncadd.remote.s32 $0x1  }
0xc5: {  	_ =	sfence.sel $0xFFFF  }
0xc6: {  	[dreg:$0x0] =	wrdreg $0xFFFFFFFF;
	(pc) =	sbr.abs _section_cstart, $3  }
0xc7: {  	[dreg:$0x1] =	wrdreg $0xFFFFFFFF  }
0xc8: {  	_ =	task.clear_ibuf [dreg:s7], $0x2FFFF;
	_ =	strace $0x9FFFFFFF  }
0xc9: {  	(tm) =	ssettm $0x7FFFFFFF  }
tec
execute0_lowered:
.L_overlay_start_1:
0x0: {  	(tag) =	ssettag $0x1  }
0x1: {  	s0 =	rddreg [dreg:$0x0]  }
0x2: {  	s2 =	rddreg [dreg:$0x1]  }
0x3: {  	s3 =	rddreg [dreg:$0x2]  }
0x4: {  	s14 =	stileid.u32;
	s1 =	srdreg.scid  }
0x5: {  	s4 =	simm.s32 $0x0;
	s18 =	simm.s32 $0x5;
	s19 =	simm.s32 $0x14000  }
0x6: {  	s28 =	simm.s32 $0x1;
	s29 =	simm.s32 $0x3;
	s6 =	smul.u32 $0x14000, s14  }
0x7: {  	s30 =	simm.s32 $0x2;
	s31 =	simm.s32 $0x0;
	s10 =	smul.u32 $0x50000, s14  }
0x8: {  	s1 =	sand.u32 $0x1, s1;
	[smem:$0x7FF] =	sst s4;
	s16 =	smul.u32 $0x2710, s14  }
0x9: {  	s5 =	sadd.s32 $0x60200, s0;
	s24 =	sshll.u32 s14, $0x6;
	s7 =	smul.u32 $0x140000, s1  }
0xa: {  	_ =	strace $0x8000004D;
	s9 =	ssub.s32 $0x2, s1;
	s11 =	sshll.u32 s1, $0x4  }
0xb: {  	s1 =	smul.u32 $0x27100, s1;
	s8 =	sshrl.u32 s6, $0x3;
	s20 =	sshrl.u32 s9, $0x1  }
0xc: {  	s11 =	sor.u32 s14, s11;
	s21 =	sshrl.u32 s10, $0x2;
	s7 =	sadd.s32 s6, s7  }
0xd: {  	s6 =	sadd.s32 $0x6200, s0;
	s8 =	sadd.s32 s8, s0;
	s15 =	ssub.s32 s9, s20  }
0xe: {  	s22 =	smul.u32 $0x2710, s11;
	s17 =	sadd.s32 s21, s3;
	s16 =	sadd.s32 s16, s1  }
0xf: {  	s20 =	simm.s32 $0x14100;
	s21 =	simm.s32 $0x50;
	s7 =	sshrl.u32 s7, $0x3  }
0x10: {  	s23 =	sadd.s32 $0x38200, s8;
	s8 =	sor.u32 $0x1C05, s24;
	s15 =	smax.u32 s15, $0x1  }
0x11: {  	s17 =	sshrl.u32 s17, $0x3;
	s24 =	simm.s32 $0x14180;
	s0 =	sadd.s32 s7, s0  }
0x12: {  	[dreg:$0x4] =	wrdreg s23;
	s11 =	sadd.s32 $0x26C0, s22;
	s25 =	sshrl.u32 s22, $0x3  }
0x13: {  	s22 =	simm.s32 $0x14200;
	s23 =	simm.s32 $0x14080;
	s26 =	sadd.s32 s6, s25  }
0x14: {  	s13 =	sadd.s32 $0xA, s25;
	s7 =	sadd.s32 s2, s25;
	[dreg:$0x5] =	wrdreg s26  }
0x15: {  	s14 =	sadd.s32 $0x88200, s0;
	s25 =	simm.s32 $0x4;
	[dreg:$0x6] =	wrdreg s7  }
0x16: {  	s12 =	sadd.s32 s6, s13;
	s13 =	sadd.s32 s2, s13;
	s26 =	simm.s32 $0x16A00  }
.LBB2_1:
0x17: {  	s0 =	rddreg [dreg:$0x4]  }
0x18: {  	[spmem:s17], [sflag:s8] =	dma.local [hbm:s0], $0x2800  }
0x19: {  	_ =	swait.ge [sflag:s18], $0x2800  }
0x1a: {  	[sflag:s18] =	ssyncset.done $0x0  }
0x1b: {  	[sflag:s18] =	ssyncadd.s32 $0xFFFFD800  }
0x1c: {  	[bflag:$0x0] =	sbarrier.arrive $0xFFFF  }
0x1d: {  	s1 =	rddreg [dreg:$0x5]  }
0x1e: {  	[tilespmem:s19], [sflag:$0x5] =	stream.linear.gather [hbm4b:s1+s4], $0x50, $0x38;
	[tilespmem:$0x19200] =	vst v63  }
0x1f: {  	_ =	swait.ge [sflag:s18], $0x50  }
0x20: {  	[sflag:s18] =	ssyncset.done $0x0  }
0x21: {  	s7 =	rddreg [dreg:$0x6];
	[sflag:s18] =	ssyncadd.s32 $0xFFFFFFB0  }
0x22: {  	[tilespmem:s20], [sflag:$0x5] =	stream.linear.gather [hbm4b:s7+s4], $0x50, $0x38;
	[tilespmem:$0x19200] =	vst v63  }
0x23: {  	_ =	swait.ge [sflag:s18], $0x50  }
0x24: {  	[sflag:s18] =	ssyncset.done $0x0  }
0x25: {  	[sflag:s18] =	ssyncadd.s32 $0xFFFFFFB0  }
0x26: {  	[tilespmem:s22], [sflag:$0x1] =	stream.indirect.gather [hbm4b:s5+s21], $0x80, s19, s21, $0xb8;
	[tilespmem:$0x19200] =	vst v63  }
0x27: {  	_ = 	snop  }
0x28: {  	[tilespmem:s23], [sflag:$0x4] =	stream.linear.gather [hbm4b:s12+s4], $0x50, $0x38;
	[tilespmem:$0x19200] =	vst v63  }
0x29: {  	_ = 	snop  }
0x2a: {  	[tilespmem:s24], [sflag:$0x4] =	stream.linear.gather [hbm4b:s13+s4], $0x50, $0x38;
	[tilespmem:$0x19200] =	vst v63  }
0x2b: {  	_ =	swait.ge [sflag:s25], $0x50  }
0x2c: {  	[sflag:s25] =	ssyncset.done $0x0  }
0x2d: {  	[sflag:s25] =	ssyncadd.s32 $0xFFFFFFB0  }
0x2e: {  	_ =	swait.ge [sflag:s25], $0x50  }
0x2f: {  	[sflag:s25] =	ssyncset.done $0x0  }
0x30: {  	[sflag:s25] =	ssyncadd.s32 $0xFFFFFFB0  }
0x31: {  	[tilespmem:s26], [sflag:$0x2] =	stream.indirect.gather [hbm4b:s5+s21], $0x80, s23, s21, $0xb8;
	[tilespmem:$0x19200] =	vst v63  }
0x32: {  	_ =	swait.ge [sflag:s28], $0x2800  }
0x33: {  	[sflag:s28] =	ssyncset.done $0x0  }
0x34: {  	s9 =	sadd.s32 $0xFFFFD940, s16;
	[sflag:s28] =	ssyncadd.s32 $0xFFFFD800  }
0x35: {  	[spmem:s3] =	stream.indirect.scatter.add.f32 [tilespmem:s22], [sflag:$0x5], $0x80, s20, s21, $0xb8;
	[tilespmem:$0x19200] =	vst v63  }
0x36: {  	s1 =	sadd.s32 $0x2760, s9;
	_ =	swait.ge [sflag:s18], $0x2800  }
0x37: {  	s1 =	sshrl.u32 s1, $0x3;
	[sflag:s18] =	ssyncset.done $0x0  }
0x38: {  	s7 =	sadd.s32 s6, s1;
	[sflag:s18] =	ssyncadd.s32 $0xFFFFD800  }
0x39: {  	[tilespmem:s19], [sflag:$0x3] =	stream.linear.gather [hbm4b:s7+s4], $0x50, $0x38;
	[tilespmem:$0x19200] =	vst v63  }
0x3a: {  	s1 =	sadd.s32 s2, s1  }
0x3b: {  	[tilespmem:s20], [sflag:$0x3] =	stream.linear.gather [hbm4b:s1+s4], $0x50, $0x38;
	[tilespmem:$0x19200] =	vst v63  }
0x3c: {  	_ =	swait.ge [sflag:s29], $0x50  }
0x3d: {  	[sflag:s29] =	ssyncset.done $0x0  }
0x3e: {  	[sflag:s29] =	ssyncadd.s32 $0xFFFFFFB0  }
0x3f: {  	_ =	swait.ge [sflag:s29], $0x50  }
0x40: {  	[sflag:s29] =	ssyncset.done $0x0  }
0x41: {  	[sflag:s29] =	ssyncadd.s32 $0xFFFFFFB0  }
0x42: {  	[tilespmem:s22], [sflag:$0x1] =	stream.indirect.gather [hbm4b:s5+s21], $0x80, s19, s21, $0xb8;
	[tilespmem:$0x19200] =	vst v63  }
0x43: {  	_ =	swait.ge [sflag:s30], $0x2800  }
0x44: {  	s0 =	sadd.s32 $0x27B0, s9;
	[sflag:s30] =	ssyncset.done $0x0  }
0x45: {  	p0 =	slt.s32 s0, s11;
	s1 =	smov.u32 s11;
	[sflag:s30] =	ssyncadd.s32 $0xFFFFD800  }
0x46: {  	[spmem:s3] =	stream.indirect.scatter.add.f32 [tilespmem:s26], [sflag:$0x5], $0x80, s24, s21, $0xb8;
	[tilespmem:$0x19200] =	vst v63  }
0x47: {  	s1 =	smov.u32 @p0 s0;
	_ =	swait.ge [sflag:s18], $0x2800  }
0x48: {  	s0 =	simm.s32 $0xFFFFD9E0;
	s1 =	sshrl.u32 s1, $0x3;
	[sflag:s18] =	ssyncset.done $0x0  }
0x49: {  	s10 =	sadd.s32 s6, s1;
	s1 =	sadd.s32 s2, s1;
	[sflag:s18] =	ssyncadd.s32 $0xFFFFD800  }
0x4a: {  	[tilespmem:s23], [sflag:$0x4] =	stream.linear.gather [hbm4b:s10+s4], $0x50, $0x38;
	[tilespmem:$0x19200] =	vst v63  }
.LBB2_2:
0x4b: {  	[tilespmem:s24], [sflag:$0x4] =	stream.linear.gather [hbm4b:s1+s4], $0x50, $0x38;
	[tilespmem:$0x19200] =	vst v63  }
0x4c: {  	s1 =	smov.u32 s0  }
0x4d: {  	p0 =	sne.s32 s0, $0xFFFFFF60;
	s0 =	sadd.s32 $0xA0, s0;
	_ =	swait.ge [sflag:s25], $0x50  }
0x4e: {  	[sflag:s25] =	ssyncset.done $0x0  }
0x4f: {  	[sflag:s25] =	ssyncadd.s32 $0xFFFFFFB0  }
0x50: {  	_ =	swait.ge [sflag:s25], $0x50  }
0x51: {  	[sflag:s25] =	ssyncset.done $0x0  }
0x52: {  	[sflag:s25] =	ssyncadd.s32 $0xFFFFFFB0  }
0x53: {  	[tilespmem:s26], [sflag:$0x2] =	stream.indirect.gather [hbm4b:s5+s21], $0x80, s23, s21, $0xb8;
	[tilespmem:$0x19200] =	vst v63  }
0x54: {  	_ =	swait.ge [sflag:s28], $0x2800  }
0x55: {  	[sflag:s28] =	ssyncset.done $0x0  }
0x56: {  	s9 =	smov.u32 s11;
	s1 =	sadd.s32 s1, s16;
	[sflag:s28] =	ssyncadd.s32 $0xFFFFD800  }
0x57: {  	[spmem:s3] =	stream.indirect.scatter.add.f32 [tilespmem:s22], [sflag:$0x5], $0x80, s20, s21, $0xb8;
	[tilespmem:$0x19200] =	vst v63  }
0x58: {  	s7 =	sadd.s32 $0x2760, s1;
	s1 =	sadd.s32 $0x27B0, s1;
	_ =	swait.ge [sflag:s18], $0x2800  }
0x59: {  	s7 =	sshrl.u32 s7, $0x3;
	p1 =	slt.s32 s1, s11;
	[sflag:s18] =	ssyncset.done $0x0  }
0x5a: {  	s10 =	sadd.s32 s6, s7;
	s9 =	smov.u32 @p1 s1;
	[sflag:s18] =	ssyncadd.s32 $0xFFFFD800  }
0x5b: {  	[tilespmem:s19], [sflag:$0x3] =	stream.linear.gather [hbm4b:s10+s4], $0x50, $0x38;
	[tilespmem:$0x19200] =	vst v63  }
0x5c: {  	s1 =	sadd.s32 s2, s7;
	s7 =	sshrl.u32 s9, $0x3  }
0x5d: {  	[tilespmem:s20], [sflag:$0x3] =	stream.linear.gather [hbm4b:s1+s4], $0x50, $0x38;
	[tilespmem:$0x19200] =	vst v63  }
0x5e: {  	_ =	swait.ge [sflag:s29], $0x50  }
0x5f: {  	[sflag:s29] =	ssyncset.done $0x0  }
0x60: {  	[sflag:s29] =	ssyncadd.s32 $0xFFFFFFB0  }
0x61: {  	_ =	swait.ge [sflag:s29], $0x50  }
0x62: {  	[sflag:s29] =	ssyncset.done $0x0  }
0x63: {  	[sflag:s29] =	ssyncadd.s32 $0xFFFFFFB0  }
0x64: {  	[tilespmem:s22], [sflag:$0x1] =	stream.indirect.gather [hbm4b:s5+s21], $0x80, s19, s21, $0xb8;
	[tilespmem:$0x19200] =	vst v63  }
0x65: {  	_ =	swait.ge [sflag:s30], $0x2800  }
0x66: {  	[sflag:s30] =	ssyncset.done $0x0  }
0x67: {  	[sflag:s30] =	ssyncadd.s32 $0xFFFFD800  }
0x68: {  	[spmem:s3] =	stream.indirect.scatter.add.f32 [tilespmem:s26], [sflag:$0x5], $0x80, s24, s21, $0xb8;
	[tilespmem:$0x19200] =	vst v63  }
.Ltmp0:
0x69: {  	_ =	swait.ge [sflag:s18], $0x2800;
	(pc) =	sbr.rel @p0 .LBB2_2-.Ltmp0, $4  }
0x6a: {  	[sflag:s18] =	ssyncset.done $0x0  }
0x6b: {  	s1 =	sadd.s32 s6, s7;
	[sflag:s18] =	ssyncadd.s32 $0xFFFFD800  }
0x6c: {  	[tilespmem:s23], [sflag:$0x4] =	stream.linear.gather [hbm4b:s1+s4], $0x50, $0x38;
	[tilespmem:$0x19200] =	vst v63  }
0x6d: {  	s1 =	sadd.s32 s2, s7  }
0x6e: {  	[tilespmem:s24], [sflag:$0x4] =	stream.linear.gather [hbm4b:s1+s4], $0x50, $0x38;
	[tilespmem:$0x19200] =	vst v63  }
0x6f: {  	_ =	swait.ge [sflag:s28], $0x2800  }
0x70: {  	[sflag:s28] =	ssyncset.done $0x0  }
0x71: {  	[sflag:s28] =	ssyncadd.s32 $0xFFFFD800  }
0x72: {  	[spmem:s3] =	stream.indirect.scatter.add.f32 [tilespmem:s22], [sflag:$0x5], $0x80, s20, s21, $0xb8;
	[tilespmem:$0x19200] =	vst v63  }
0x73: {  	_ =	swait.ge [sflag:s18], $0x2800  }
0x74: {  	[sflag:s18] =	ssyncset.done $0x0  }
0x75: {  	[sflag:s18] =	ssyncadd.s32 $0xFFFFD800  }
0x76: {  	_ =	swait.ge [sflag:s25], $0x50  }
0x77: {  	[sflag:s25] =	ssyncset.done $0x0  }
0x78: {  	[sflag:s25] =	ssyncadd.s32 $0xFFFFFFB0  }
0x79: {  	_ =	swait.ge [sflag:s25], $0x50  }
0x7a: {  	s31 =	sadd.s32 $0x1, s31;
	[sflag:s25] =	ssyncset.done $0x0  }
0x7b: {  	p0 =	sne.s32 s31, s15;
	[sflag:s25] =	ssyncadd.s32 $0xFFFFFFB0  }
.Ltmp1:
0x7c: {  	[bflag:$0x0] =	sbarrier.arrive $0xFFFF;
	(pc) =	sbr.rel @p0 .LBB2_1-.Ltmp1, $4  }
0x7d: {  	[hbm:s14], [sflag:s8] =	dma.local [spmem:s17], $0x2800  }
0x7e: {  	_ =	swait.ge [sflag:s18], $0x2800  }
0x7f: {  	[sflag:s18] =	ssyncset.done $0x0  }
0x80: {  	[sflag:s18] =	ssyncadd.s32 $0xFFFFD800  }
0x81: {  	_ =	sfence.sel $0x180000  }
0x82: {  	[bflag:$0x0] =	sbarrier.arrive $0xFFFF  }
0x83: {  	_ =	strace $0x9000004D  }
0x84: {  	s0 =	stileid.u32;
	[bflag:$0x2] =	sbarrier.arrive $0xFFFF  }
0x85: {  	p0 =	sne.s32 s0, $0x0;
	s0 =	rddreg [dreg:$0x3]  }
0x86: {  	s0 =	sadd.s32 @!p0 $0x100000, s0  }
0x87: {  	[sflag:s0] =	ssyncadd.tile.s32 @!p0 $0x1;
	_ =	shalt  }
.Lfunc_end2:
_tile_overlayer_lowered:
.L_overlay_start_2:
0x88: {  	(tag) =	ssettag $0x2  }
0x89: {  	s0 =	rddreg [dreg:$0x0];
	s2 =	stileid.u32  }
0x8a: {  	s1 =	rddreg [dreg:$0x1];
	p0 =	sne.s32 s2, $0x0  }
0x8b: {  	s3 =	rddreg [dreg:$0x2];
	[bflag:$0x3] =	sbarrier.arrive $0xFFFF;
	s2 =	simm.s32 @!p0 $0x1C05  }
0x8c: {  	[timem:s3], [sflag:s2] =	dma.local @!p0 [hbm:s0], s1  }
0x8d: {  	s0 =	simm.s32 @!p0 $0x5  }
0x8e: {  	_ =	swait.ge @!p0 [sflag:s0], s1  }
0x8f: {  	s1 =	ssub.s32 @!p0 $0x0, s1;
	[sflag:s0] =	ssyncset.done @!p0 $0x0  }
0x90: {  	[sflag:s0] =	ssyncadd.s32 @!p0 s1  }
0x91: {  	[bflag:$0x3] =	sbarrier.arrive $0xFFFF  }
0x92: {  	_ =	shalt  }

// kernel: sc_seg_sum.8.cloned.1.call-start
scs
__scs_entry_jumppad:
0x0: {  	(pc) =	sbr.rel $0x88, $3  }
0x1: {  	(tag) =	ssettag $0x0;
	lr =	simm.s32 $0x1  }
0x2: {  	[smem:$0x3F87] =	sst lr;
	_ =	strace $0xD0000000  }
0x3: {  	_ = 	snop  }
0x4: {  	_ = 	snop  }
0x5: {  	_ = 	snop  }
0x6: {  	_ = 	snop  }
0x7: {  	_ = 	snop  }
__scs_overlays_trampoline_lowered:
0x8: {  	[smem:$0x3F96] =	sst s0  }
0x9: {  	[smem:$0x3F97] =	sst s1  }
0xa: {  	[smem:$0x3F98] =	sst s2  }
0xb: {  	[smem:$0x3F99] =	sst s3  }
0xc: {  	[smem:$0x3F9A] =	sst s4  }
0xd: {  	[smem:$0x3F9B] =	sst s5  }
0xe: {  	[smem:$0x3F9C] =	sst s6  }
0xf: {  	[smem:$0x3F9D] =	sst s7  }
0x10: {  	[smem:$0x3F9E] =	sst s8  }
0x11: {  	[smem:$0x3F9F] =	sst s9;
	s0 =	simm.s32 @!p0 $0x0  }
0x12: {  	s1 =	sld [smem:$0x3F85];
	s0 =	simm.s32 @p0 $0x1  }
0x13: {  	[smem:$0x3FA0] =	sst s0;
	s0 =	simm.s32 @!p1 $0x0  }
0x14: {  	s2 =	sld [smem:$0x3F84];
	s0 =	simm.s32 @p1 $0x1  }
0x15: {  	[smem:$0x3FA1] =	sst s0;
	s0 =	simm.s32 @!p2 $0x0  }
0x16: {  	s3 =	sld [smem:$0x3FDB];
	s0 =	simm.s32 @p2 $0x1  }
0x17: {  	s4 =	simm.s32 $0x1BF5;
	[smem:$0x3FA3] =	sst s0  }
0x18: {  	s0 =	sld [smem:$0x3F86];
	_ =	swait.ge [sflag:s4], $0x0  }
0x19: {  	s7 =	sld [smem:$0x3F87]  }
0x1a: {  	s8 =	sadd.s32 $0xFFFFE003, lr  }
0x1b: {  	s9 =	sadd.s32 $0xFFFFFEF7, lr;
	s5 =	simm.s32 $0xFFFFFFFF;
	p2 =	slt.u32 s8, $0xFFFFF086  }
0x1c: {  	p1 =	slt.u32 s9, $0xF7A;
	s5 =	simm.s32 @!p2 $0x0  }
0x1d: {  	s5 =	simm.s32 @p1 $0x1;
	p0 =	seq.s32 s7, s2  }
0x1e: {  	s7 =	smul.u32 @!p0 $0xF7A, s2;
	p2 =	seq.s32 @!p0 s5, $0x0  }
0x1f: {  	s9 =	smul.u32 $0xF7A, s1;
	s8 =	simm.s32 @!p0 $0x1BF5;
	p2 =	por !p2, p0  }
0x20: {  	[sflag:s8] =	ssyncset.s32 @!p0 $0xFFFFF086;
	s6 =	sadd.s32 @!p0 s3, s7;
	s7 =	simm.s32 @!p0 $0x108  }
0x21: {  	s3 =	sadd.s32 s3, s9;
	s6 =	sadd.s32 @!p0 $0x88, s6;
	s7 =	simm.s32 @p2 $0x1082  }
0x22: {  	[simem:s7], [sflag:s8] =	dma.local @!p0 [hbm:s6], $0xF7A  }
0x23: {  	s9 =	sor.u32 $0xD0000000, s2;
	s6 =	simm.s32 $0x108;
	_ =	swait.ge @!p0 [sflag:s8], $0x0  }
0x24: {  	s3 =	sadd.s32 $0x88, s3;
	s6 =	simm.s32 @!p1 $0x1082;
	[sflag:s4] =	ssyncset.s32 $0xFFFFF086  }
0x25: {  	[simem:s6], [sflag:s4] =	dma.local [hbm:s3], $0xF7A  }
0x26: {  	[smem:$0x3F87] =	sst s1;
	(tag) =	ssettag s2;
	_ =	strace s9  }
0x27: {  	s1 =	sld [smem:$0x3F97]  }
0x28: {  	s2 =	sld [smem:$0x3F98]  }
0x29: {  	s4 =	sld [smem:$0x3F9A]  }
0x2a: {  	p0 =	seq.s32 s5, $0x0;
	s5 =	sld [smem:$0x3F9B]  }
0x2b: {  	s6 =	sld [smem:$0x3F9C]  }
0x2c: {  	s7 =	sld [smem:$0x3F9D]  }
0x2d: {  	s3 =	simm.s32 $0x108;
	s8 =	sld [smem:$0x3F9E]  }
0x2e: {  	s3 =	simm.s32 @!p0 $0x1082;
	s9 =	sld [smem:$0x3F9F]  }
0x2f: {  	lr =	sadd.s32 s0, s3;
	s0 =	sld [smem:$0x3F96]  }
0x30: {  	s3 =	sld [smem:$0x3F99]  }
0x31: {  	[smem:$0x3FA2] =	sst s10  }
0x32: {  	s10 =	sld [smem:$0x3FA0];
	_ =	sdelay $0x3  }
0x33: {  	p0 =	seq.s32 s10, $0x1;
	s10 =	sld [smem:$0x3FA2];
	_ =	sdelay $0x3  }
0x34: {  	[smem:$0x3FA2] =	sst s10  }
0x35: {  	s10 =	sld [smem:$0x3FA1];
	_ =	sdelay $0x3  }
0x36: {  	p1 =	seq.s32 s10, $0x1;
	s10 =	sld [smem:$0x3FA2];
	_ =	sdelay $0x3  }
0x37: {  	[smem:$0x3FA2] =	sst s10  }
0x38: {  	s10 =	sld [smem:$0x3FA3]  }
0x39: {  	_ = 	snop;
	(pc) =	sbr.ind lr, $3  }
0x3a: {  	_ = 	snop  }
0x3b: {  	_ = 	snop  }
0x3c: {  	p2 =	seq.s32 s10, $0x1;
	s10 =	sld [smem:$0x3FA2]  }
0x3d: {  	_ =	shalt  }
0x3e: {  	_ =	shalt  }
0x3f: {  	_ =	shalt  }
0x40: {  	_ =	shalt  }
0x41: {  	_ =	shalt  }
0x42: {  	_ =	shalt  }
0x43: {  	_ =	shalt  }
0x44: {  	_ =	shalt  }
0x45: {  	_ =	shalt  }
0x46: {  	_ =	shalt  }
0x47: {  	_ =	shalt  }
0x48: {  	_ =	shalt  }
0x49: {  	_ =	shalt  }
0x4a: {  	_ =	shalt  }
0x4b: {  	_ =	shalt  }
0x4c: {  	_ =	shalt  }
0x4d: {  	_ =	shalt  }
0x4e: {  	_ =	shalt  }
0x4f: {  	_ =	shalt  }
0x50: {  	_ =	shalt  }
0x51: {  	_ =	shalt  }
0x52: {  	_ =	shalt  }
0x53: {  	_ =	shalt  }
0x54: {  	_ =	shalt  }
0x55: {  	_ =	shalt  }
0x56: {  	_ =	shalt  }
0x57: {  	_ =	shalt  }
0x58: {  	_ =	shalt  }
0x59: {  	_ =	shalt  }
0x5a: {  	_ =	shalt  }
0x5b: {  	_ =	shalt  }
0x5c: {  	_ =	shalt  }
0x5d: {  	_ =	shalt  }
0x5e: {  	_ =	shalt  }
0x5f: {  	_ =	shalt  }
0x60: {  	_ =	shalt  }
0x61: {  	_ =	shalt  }
0x62: {  	_ =	shalt  }
0x63: {  	_ =	shalt  }
0x64: {  	_ =	shalt  }
0x65: {  	_ =	shalt  }
0x66: {  	_ =	shalt  }
0x67: {  	_ =	shalt  }
0x68: {  	_ =	shalt  }
0x69: {  	_ =	shalt  }
0x6a: {  	_ =	shalt  }
0x6b: {  	_ =	shalt  }
0x6c: {  	_ =	shalt  }
0x6d: {  	_ =	shalt  }
0x6e: {  	_ =	shalt  }
0x6f: {  	_ =	shalt  }
0x70: {  	_ =	shalt  }
0x71: {  	_ =	shalt  }
0x72: {  	_ =	shalt  }
0x73: {  	_ =	shalt  }
0x74: {  	_ =	shalt  }
0x75: {  	_ =	shalt  }
0x76: {  	_ =	shalt  }
0x77: {  	_ =	shalt  }
0x78: {  	_ =	shalt  }
0x79: {  	_ =	shalt  }
0x7a: {  	_ =	shalt  }
0x7b: {  	_ =	shalt  }
0x7c: {  	_ =	shalt  }
0x7d: {  	_ =	shalt  }
0x7e: {  	_ =	shalt  }
0x7f: {  	_ =	shalt  }
0x80: {  	_ =	shalt  }
0x81: {  	_ =	shalt  }
0x82: {  	_ =	shalt  }
0x83: {  	_ =	shalt  }
0x84: {  	_ =	shalt  }
0x85: {  	_ =	shalt  }
0x86: {  	_ =	shalt  }
0x87: {  	_ =	shalt  }
.Lfunc_end0:
.L_simem_size_0:
called_computation.3_lowered:
.L_overlay_start_0:
0x88: {  	s2 =	sld [smem:$0x3FD9]  }
0x89: {  	s3 =	sld [smem:$0x3FFE];
	_ =	sdelay $0x1  }
0x8a: {  	s1 =	srdreg.scid  }
0x8b: {  	s0 =	sand.u32 $0x1, s1  }
0x8c: {  	s14 =	sshll.u32 s0, $0xA;
	s2 =	sadd.s32 s3, s2  }
0x8d: {  	s2 =	sadd.s32 s2, s14  }
0x8e: {  	[smem:$0x3FAE] =	sst s2  }
0x8f: {  	_ = 	snop  }
0x90: {  	s2 =	sld [smem:$0x3FD0];
	_ =	sdelay $0x2  }
0x91: {  	s15 =	simm.s32 $0xA;
	s4 =	simm.s32 $0x10  }
0x92: {  	[smem:s4], [sflag:s15] =	dma.local [hbm:s2], $0x1  }
0x93: {  	_ =	swait.eq [sflag:s15], $0x1  }
0x94: {  	[sflag:s15] =	ssyncset.done $0x0  }
0x95: {  	[sflag:s15] =	ssyncadd.s32 $0xFFFFFFFF  }
0x96: {  	s16 =	sld [smem:$0x10];
	(tm) =	ssettm $0x1  }
0x97: {  	s17 =	sld [smem:$0x3FFB];
	_ =	sdelay $0x3  }
0x98: {  	_ =	strace s17  }
0x99: {  	s3 =	sld [smem:$0x3FFC];
	_ =	sdelay $0x3  }
0x9a: {  	_ =	strace s3  }
0x9b: {  	s3 =	sld [smem:$0x3FFD];
	_ =	sdelay $0x3  }
0x9c: {  	_ =	strace s3  }
0x9d: {  	_ =	strace $0x8FFFFFFF  }
0x9e: {  	s18 =	sld [smem:$0x3FDB];
	_ =	sdelay $0x1  }
0x9f: {  	s19 =	simm.s32 $_scs_section_size  }
0xa0: {  	s5 =	simm.s32 $_size__tile_overlayer_lowered;
	s6 =	simm.s32 $_tile_overlayer_lowered  }
0xa1: {  	s22 =	simm.s32 $0x1BFF;
	s21 =	sshll.u32 s6, $0x1;
	s3 =	sadd.s32 s19, s18  }
0xa2: {  	s7 =	simm.s32 $0x0;
	s20 =	sshll.u32 s5, $0x1;
	s5 =	sadd.s32 s21, s3  }
0xa3: {  	[timem:s7], [sflag:s22] =	dma.local [hbm:s5], s20  }
0xa4: {  	_ =	swait.ge [sflag:s22], s20  }
0xa5: {  	s4 =	ssub.s32 $0x0, s20;
	[sflag:s22] =	ssyncset.done $0x0  }
0xa6: {  	[sflag:s22] =	ssyncadd.s32 s4;
	_ =	sdelay $0x1  }
0xa7: {  	s23 =	simm.s32 $0x1B8B  }
0xa8: {  	_ =	swait.ge [sflag:s23], $0x1  }
0xa9: {  	[sflag:s23] =	ssyncset.done $0x0  }
0xaa: {  	s25 =	simm.s32 $0x1B8E;
	s24 =	sld [smem:$0x3FFE];
	[sflag:s23] =	ssyncadd.s32 $0xFFFFFFFF  }
0xab: {  	s26 =	simm.s32 $execute0_lowered;
	[smem:$0x3FD2] =	sst s25  }
0xac: {  	s5 =	sshll.u32 s26, $0x1;
	_ =	strace $0x8000004F;
	[dreg:$0x1] =	wrdreg $0xFFFFFFFF  }
0xad: {  	s28 =	simm.s32 $_size_execute0_lowered;
	s3 =	sadd.s32 s3, s5;
	[dreg:$0x0] =	wrdreg $0x0  }
0xae: {  	s5 =	sshll.u32 s28, $0x1;
	[dreg:$0x2] =	wrdreg s3  }
0xaf: {  	[dreg:$0x3] =	wrdreg s5  }
0xb0: {  	[dreg:$0x4] =	wrdreg $0xC0  }
0xb1: {  	_ =	task [dreg:s7], $0x5FFFF  }
0xb2: {  	[dreg:$0x1] =	wrdreg $0xFFFFFFFF  }
0xb3: {  	[dreg:$0x0] =	wrdreg $0x60  }
0xb4: {  	[dreg:$0x2] =	wrdreg s24  }
0xb5: {  	[dreg:$0x3] =	wrdreg s16  }
0xb6: {  	[dreg:$0x4] =	wrdreg $0x0  }
0xb7: {  	[dreg:$0x5] =	wrdreg $0x9  }
0xb8: {  	_ =	task.clear_ibuf [dreg:s7], $0x6FFFF;
	_ =	strace $0x9000004F  }
0xb9: {  	s29 =	simm.s32 $0x9;
	_ =	strace $0x80000051  }
0xba: {  	_ =	swait.ge [sflag:s29], $0x1  }
0xbb: {  	[sflag:s29] =	ssyncadd.s32 $0xFFFFFFFF  }
0xbc: {  	_ =	strace $0x90000051  }
0xbd: {  	_ =	sfence  }
0xbe: {  	s30 =	sld [smem:$0x0];
	_ =	sdelay $0x2  }
0xbf: {  	s31 =	sshll.u32 s1, $0xD;
	s1 =	sshrl.u32 s1, $0x2  }
0xc0: {  	s3 =	sand.u32 $0x4000, s31;
	s1 =	sadd.s32 s1, s30  }
0xc1: {  	s0 =	sor.u32 s3, s0;
	s1 =	sshll.u32 s1, $0x11  }
0xc2: {  	s0 =	sor.u32 s1, s0  }
0xc3: {  	s0 =	sadd.s32 $0x8F2B, s0  }
0xc4: {  	[sflag:s0] =	ssyncadd.remote.s32 $0x1  }
0xc5: {  	_ =	sfence.sel $0xFFFF  }
0xc6: {  	[dreg:$0x0] =	wrdreg $0xFFFFFFFF;
	(pc) =	sbr.abs _section_cstart, $3  }
0xc7: {  	[dreg:$0x1] =	wrdreg $0xFFFFFFFF  }
0xc8: {  	_ =	task.clear_ibuf [dreg:s7], $0x2FFFF;
	_ =	strace $0x9FFFFFFF  }
0xc9: {  	(tm) =	ssettm $0x7FFFFFFF  }
tec
execute0_lowered:
.L_overlay_start_1:
0x0: {  	(tag) =	ssettag $0x1  }
0x1: {  	s0 =	rddreg [dreg:$0x0]  }
0x2: {  	s2 =	rddreg [dreg:$0x1]  }
0x3: {  	s3 =	rddreg [dreg:$0x2]  }
0x4: {  	s14 =	stileid.u32;
	s1 =	srdreg.scid  }
0x5: {  	s4 =	simm.s32 $0x0;
	s18 =	simm.s32 $0x5;
	s19 =	simm.s32 $0x14000  }
0x6: {  	s28 =	simm.s32 $0x1;
	s29 =	simm.s32 $0x3;
	s6 =	smul.u32 $0x14000, s14  }
0x7: {  	s30 =	simm.s32 $0x2;
	s31 =	simm.s32 $0x0;
	s10 =	smul.u32 $0x50000, s14  }
0x8: {  	s1 =	sand.u32 $0x1, s1;
	[smem:$0x7FF] =	sst s4;
	s16 =	smul.u32 $0x2710, s14  }
0x9: {  	s5 =	sadd.s32 $0x60200, s0;
	s24 =	sshll.u32 s14, $0x6;
	s7 =	smul.u32 $0x140000, s1  }
0xa: {  	_ =	strace $0x80000050;
	s9 =	ssub.s32 $0x2, s1;
	s11 =	sshll.u32 s1, $0x4  }
0xb: {  	s1 =	smul.u32 $0x27100, s1;
	s8 =	sshrl.u32 s6, $0x3;
	s20 =	sshrl.u32 s9, $0x1  }
0xc: {  	s11 =	sor.u32 s14, s11;
	s21 =	sshrl.u32 s10, $0x2;
	s7 =	sadd.s32 s6, s7  }
0xd: {  	s6 =	sadd.s32 $0x6200, s0;
	s8 =	sadd.s32 s8, s0;
	s15 =	ssub.s32 s9, s20  }
0xe: {  	s22 =	smul.u32 $0x2710, s11;
	s17 =	sadd.s32 s21, s3;
	s16 =	sadd.s32 s16, s1  }
0xf: {  	s20 =	simm.s32 $0x14100;
	s21 =	simm.s32 $0x50;
	s7 =	sshrl.u32 s7, $0x3  }
0x10: {  	s23 =	sadd.s32 $0x38200, s8;
	s8 =	sor.u32 $0x1C05, s24;
	s15 =	smax.u32 s15, $0x1  }
0x11: {  	s17 =	sshrl.u32 s17, $0x3;
	s24 =	simm.s32 $0x14180;
	s0 =	sadd.s32 s7, s0  }
0x12: {  	[dreg:$0x4] =	wrdreg s23;
	s11 =	sadd.s32 $0x26C0, s22;
	s25 =	sshrl.u32 s22, $0x3  }
0x13: {  	s22 =	simm.s32 $0x14200;
	s23 =	simm.s32 $0x14080;
	s26 =	sadd.s32 s6, s25  }
0x14: {  	s13 =	sadd.s32 $0xA, s25;
	s7 =	sadd.s32 s2, s25;
	[dreg:$0x5] =	wrdreg s26  }
0x15: {  	s14 =	sadd.s32 $0x88200, s0;
	s25 =	simm.s32 $0x4;
	[dreg:$0x6] =	wrdreg s7  }
0x16: {  	s12 =	sadd.s32 s6, s13;
	s13 =	sadd.s32 s2, s13;
	s26 =	simm.s32 $0x16A00  }
.LBB2_1:
0x17: {  	s0 =	rddreg [dreg:$0x4]  }
0x18: {  	[spmem:s17], [sflag:s8] =	dma.local [hbm:s0], $0x2800  }
0x19: {  	_ =	swait.ge [sflag:s18], $0x2800  }
0x1a: {  	[sflag:s18] =	ssyncset.done $0x0  }
0x1b: {  	[sflag:s18] =	ssyncadd.s32 $0xFFFFD800  }
0x1c: {  	[bflag:$0x0] =	sbarrier.arrive $0xFFFF  }
0x1d: {  	s1 =	rddreg [dreg:$0x5]  }
0x1e: {  	[tilespmem:s19], [sflag:$0x5] =	stream.linear.gather [hbm4b:s1+s4], $0x50, $0x38;
	[tilespmem:$0x19200] =	vst v63  }
0x1f: {  	_ =	swait.ge [sflag:s18], $0x50  }
0x20: {  	[sflag:s18] =	ssyncset.done $0x0  }
0x21: {  	s7 =	rddreg [dreg:$0x6];
	[sflag:s18] =	ssyncadd.s32 $0xFFFFFFB0  }
0x22: {  	[tilespmem:s20], [sflag:$0x5] =	stream.linear.gather [hbm4b:s7+s4], $0x50, $0x38;
	[tilespmem:$0x19200] =	vst v63  }
0x23: {  	_ =	swait.ge [sflag:s18], $0x50  }
0x24: {  	[sflag:s18] =	ssyncset.done $0x0  }
0x25: {  	[sflag:s18] =	ssyncadd.s32 $0xFFFFFFB0  }
0x26: {  	[tilespmem:s22], [sflag:$0x1] =	stream.indirect.gather [hbm4b:s5+s21], $0x80, s19, s21, $0xb8;
	[tilespmem:$0x19200] =	vst v63  }
0x27: {  	_ = 	snop  }
0x28: {  	[tilespmem:s23], [sflag:$0x4] =	stream.linear.gather [hbm4b:s12+s4], $0x50, $0x38;
	[tilespmem:$0x19200] =	vst v63  }
0x29: {  	_ = 	snop  }
0x2a: {  	[tilespmem:s24], [sflag:$0x4] =	stream.linear.gather [hbm4b:s13+s4], $0x50, $0x38;
	[tilespmem:$0x19200] =	vst v63  }
0x2b: {  	_ =	swait.ge [sflag:s25], $0x50  }
0x2c: {  	[sflag:s25] =	ssyncset.done $0x0  }
0x2d: {  	[sflag:s25] =	ssyncadd.s32 $0xFFFFFFB0  }
0x2e: {  	_ =	swait.ge [sflag:s25], $0x50  }
0x2f: {  	[sflag:s25] =	ssyncset.done $0x0  }
0x30: {  	[sflag:s25] =	ssyncadd.s32 $0xFFFFFFB0  }
0x31: {  	[tilespmem:s26], [sflag:$0x2] =	stream.indirect.gather [hbm4b:s5+s21], $0x80, s23, s21, $0xb8;
	[tilespmem:$0x19200] =	vst v63  }
0x32: {  	_ =	swait.ge [sflag:s28], $0x2800  }
0x33: {  	[sflag:s28] =	ssyncset.done $0x0  }
0x34: {  	s9 =	sadd.s32 $0xFFFFD940, s16;
	[sflag:s28] =	ssyncadd.s32 $0xFFFFD800  }
0x35: {  	[spmem:s3] =	stream.indirect.scatter.add.f32 [tilespmem:s22], [sflag:$0x5], $0x80, s20, s21, $0xb8;
	[tilespmem:$0x19200] =	vst v63  }
0x36: {  	s1 =	sadd.s32 $0x2760, s9;
	_ =	swait.ge [sflag:s18], $0x2800  }
0x37: {  	s1 =	sshrl.u32 s1, $0x3;
	[sflag:s18] =	ssyncset.done $0x0  }
0x38: {  	s7 =	sadd.s32 s6, s1;
	[sflag:s18] =	ssyncadd.s32 $0xFFFFD800  }
0x39: {  	[tilespmem:s19], [sflag:$0x3] =	stream.linear.gather [hbm4b:s7+s4], $0x50, $0x38;
	[tilespmem:$0x19200] =	vst v63  }
0x3a: {  	s1 =	sadd.s32 s2, s1  }
0x3b: {  	[tilespmem:s20], [sflag:$0x3] =	stream.linear.gather [hbm4b:s1+s4], $0x50, $0x38;
	[tilespmem:$0x19200] =	vst v63  }
0x3c: {  	_ =	swait.ge [sflag:s29], $0x50  }
0x3d: {  	[sflag:s29] =	ssyncset.done $0x0  }
0x3e: {  	[sflag:s29] =	ssyncadd.s32 $0xFFFFFFB0  }
0x3f: {  	_ =	swait.ge [sflag:s29], $0x50  }
0x40: {  	[sflag:s29] =	ssyncset.done $0x0  }
0x41: {  	[sflag:s29] =	ssyncadd.s32 $0xFFFFFFB0  }
0x42: {  	[tilespmem:s22], [sflag:$0x1] =	stream.indirect.gather [hbm4b:s5+s21], $0x80, s19, s21, $0xb8;
	[tilespmem:$0x19200] =	vst v63  }
0x43: {  	_ =	swait.ge [sflag:s30], $0x2800  }
0x44: {  	s0 =	sadd.s32 $0x27B0, s9;
	[sflag:s30] =	ssyncset.done $0x0  }
0x45: {  	p0 =	slt.s32 s0, s11;
	s1 =	smov.u32 s11;
	[sflag:s30] =	ssyncadd.s32 $0xFFFFD800  }
0x46: {  	[spmem:s3] =	stream.indirect.scatter.add.f32 [tilespmem:s26], [sflag:$0x5], $0x80, s24, s21, $0xb8;
	[tilespmem:$0x19200] =	vst v63  }
0x47: {  	s1 =	smov.u32 @p0 s0;
	_ =	swait.ge [sflag:s18], $0x2800  }
0x48: {  	s0 =	simm.s32 $0xFFFFD9E0;
	s1 =	sshrl.u32 s1, $0x3;
	[sflag:s18] =	ssyncset.done $0x0  }
0x49: {  	s10 =	sadd.s32 s6, s1;
	s1 =	sadd.s32 s2, s1;
	[sflag:s18] =	ssyncadd.s32 $0xFFFFD800  }
0x4a: {  	[tilespmem:s23], [sflag:$0x4] =	stream.linear.gather [hbm4b:s10+s4], $0x50, $0x38;
	[tilespmem:$0x19200] =	vst v63  }
.LBB2_2:
0x4b: {  	[tilespmem:s24], [sflag:$0x4] =	stream.linear.gather [hbm4b:s1+s4], $0x50, $0x38;
	[tilespmem:$0x19200] =	vst v63  }
0x4c: {  	s1 =	smov.u32 s0  }
0x4d: {  	p0 =	sne.s32 s0, $0xFFFFFF60;
	s0 =	sadd.s32 $0xA0, s0;
	_ =	swait.ge [sflag:s25], $0x50  }
0x4e: {  	[sflag:s25] =	ssyncset.done $0x0  }
0x4f: {  	[sflag:s25] =	ssyncadd.s32 $0xFFFFFFB0  }
0x50: {  	_ =	swait.ge [sflag:s25], $0x50  }
0x51: {  	[sflag:s25] =	ssyncset.done $0x0  }
0x52: {  	[sflag:s25] =	ssyncadd.s32 $0xFFFFFFB0  }
0x53: {  	[tilespmem:s26], [sflag:$0x2] =	stream.indirect.gather [hbm4b:s5+s21], $0x80, s23, s21, $0xb8;
	[tilespmem:$0x19200] =	vst v63  }
0x54: {  	_ =	swait.ge [sflag:s28], $0x2800  }
0x55: {  	[sflag:s28] =	ssyncset.done $0x0  }
0x56: {  	s9 =	smov.u32 s11;
	s1 =	sadd.s32 s1, s16;
	[sflag:s28] =	ssyncadd.s32 $0xFFFFD800  }
0x57: {  	[spmem:s3] =	stream.indirect.scatter.add.f32 [tilespmem:s22], [sflag:$0x5], $0x80, s20, s21, $0xb8;
	[tilespmem:$0x19200] =	vst v63  }
0x58: {  	s7 =	sadd.s32 $0x2760, s1;
	s1 =	sadd.s32 $0x27B0, s1;
	_ =	swait.ge [sflag:s18], $0x2800  }
0x59: {  	s7 =	sshrl.u32 s7, $0x3;
	p1 =	slt.s32 s1, s11;
	[sflag:s18] =	ssyncset.done $0x0  }
0x5a: {  	s10 =	sadd.s32 s6, s7;
	s9 =	smov.u32 @p1 s1;
	[sflag:s18] =	ssyncadd.s32 $0xFFFFD800  }
0x5b: {  	[tilespmem:s19], [sflag:$0x3] =	stream.linear.gather [hbm4b:s10+s4], $0x50, $0x38;
	[tilespmem:$0x19200] =	vst v63  }
0x5c: {  	s1 =	sadd.s32 s2, s7;
	s7 =	sshrl.u32 s9, $0x3  }
0x5d: {  	[tilespmem:s20], [sflag:$0x3] =	stream.linear.gather [hbm4b:s1+s4], $0x50, $0x38;
	[tilespmem:$0x19200] =	vst v63  }
0x5e: {  	_ =	swait.ge [sflag:s29], $0x50  }
0x5f: {  	[sflag:s29] =	ssyncset.done $0x0  }
0x60: {  	[sflag:s29] =	ssyncadd.s32 $0xFFFFFFB0  }
0x61: {  	_ =	swait.ge [sflag:s29], $0x50  }
0x62: {  	[sflag:s29] =	ssyncset.done $0x0  }
0x63: {  	[sflag:s29] =	ssyncadd.s32 $0xFFFFFFB0  }
0x64: {  	[tilespmem:s22], [sflag:$0x1] =	stream.indirect.gather [hbm4b:s5+s21], $0x80, s19, s21, $0xb8;
	[tilespmem:$0x19200] =	vst v63  }
0x65: {  	_ =	swait.ge [sflag:s30], $0x2800  }
0x66: {  	[sflag:s30] =	ssyncset.done $0x0  }
0x67: {  	[sflag:s30] =	ssyncadd.s32 $0xFFFFD800  }
0x68: {  	[spmem:s3] =	stream.indirect.scatter.add.f32 [tilespmem:s26], [sflag:$0x5], $0x80, s24, s21, $0xb8;
	[tilespmem:$0x19200] =	vst v63  }
.Ltmp0:
0x69: {  	_ =	swait.ge [sflag:s18], $0x2800;
	(pc) =	sbr.rel @p0 .LBB2_2-.Ltmp0, $4  }
0x6a: {  	[sflag:s18] =	ssyncset.done $0x0  }
0x6b: {  	s1 =	sadd.s32 s6, s7;
	[sflag:s18] =	ssyncadd.s32 $0xFFFFD800  }
0x6c: {  	[tilespmem:s23], [sflag:$0x4] =	stream.linear.gather [hbm4b:s1+s4], $0x50, $0x38;
	[tilespmem:$0x19200] =	vst v63  }
0x6d: {  	s1 =	sadd.s32 s2, s7  }
0x6e: {  	[tilespmem:s24], [sflag:$0x4] =	stream.linear.gather [hbm4b:s1+s4], $0x50, $0x38;
	[tilespmem:$0x19200] =	vst v63  }
0x6f: {  	_ =	swait.ge [sflag:s28], $0x2800  }
0x70: {  	[sflag:s28] =	ssyncset.done $0x0  }
0x71: {  	[sflag:s28] =	ssyncadd.s32 $0xFFFFD800  }
0x72: {  	[spmem:s3] =	stream.indirect.scatter.add.f32 [tilespmem:s22], [sflag:$0x5], $0x80, s20, s21, $0xb8;
	[tilespmem:$0x19200] =	vst v63  }
0x73: {  	_ =	swait.ge [sflag:s18], $0x2800  }
0x74: {  	[sflag:s18] =	ssyncset.done $0x0  }
0x75: {  	[sflag:s18] =	ssyncadd.s32 $0xFFFFD800  }
0x76: {  	_ =	swait.ge [sflag:s25], $0x50  }
0x77: {  	[sflag:s25] =	ssyncset.done $0x0  }
0x78: {  	[sflag:s25] =	ssyncadd.s32 $0xFFFFFFB0  }
0x79: {  	_ =	swait.ge [sflag:s25], $0x50  }
0x7a: {  	s31 =	sadd.s32 $0x1, s31;
	[sflag:s25] =	ssyncset.done $0x0  }
0x7b: {  	p0 =	sne.s32 s31, s15;
	[sflag:s25] =	ssyncadd.s32 $0xFFFFFFB0  }
.Ltmp1:
0x7c: {  	[bflag:$0x0] =	sbarrier.arrive $0xFFFF;
	(pc) =	sbr.rel @p0 .LBB2_1-.Ltmp1, $4  }
0x7d: {  	[hbm:s14], [sflag:s8] =	dma.local [spmem:s17], $0x2800  }
0x7e: {  	_ =	swait.ge [sflag:s18], $0x2800  }
0x7f: {  	[sflag:s18] =	ssyncset.done $0x0  }
0x80: {  	[sflag:s18] =	ssyncadd.s32 $0xFFFFD800  }
0x81: {  	_ =	sfence.sel $0x180000  }
0x82: {  	[bflag:$0x0] =	sbarrier.arrive $0xFFFF  }
0x83: {  	_ =	strace $0x90000050  }
0x84: {  	s0 =	stileid.u32;
	[bflag:$0x2] =	sbarrier.arrive $0xFFFF  }
0x85: {  	p0 =	sne.s32 s0, $0x0;
	s0 =	rddreg [dreg:$0x3]  }
0x86: {  	s0 =	sadd.s32 @!p0 $0x100000, s0  }
0x87: {  	[sflag:s0] =	ssyncadd.tile.s32 @!p0 $0x1;
	_ =	shalt  }
.Lfunc_end2:
_tile_overlayer_lowered:
.L_overlay_start_2:
0x88: {  	(tag) =	ssettag $0x2  }
0x89: {  	s0 =	rddreg [dreg:$0x0];
	s2 =	stileid.u32  }
0x8a: {  	s1 =	rddreg [dreg:$0x1];
	p0 =	sne.s32 s2, $0x0  }
0x8b: {  	s3 =	rddreg [dreg:$0x2];
	[bflag:$0x3] =	sbarrier.arrive $0xFFFF;
	s2 =	simm.s32 @!p0 $0x1C05  }
0x8c: {  	[timem:s3], [sflag:s2] =	dma.local @!p0 [hbm:s0], s1  }
0x8d: {  	s0 =	simm.s32 @!p0 $0x5  }
0x8e: {  	_ =	swait.ge @!p0 [sflag:s0], s1  }
0x8f: {  	s1 =	ssub.s32 @!p0 $0x0, s1;
	[sflag:s0] =	ssyncset.done @!p0 $0x0  }
0x90: {  	[sflag:s0] =	ssyncadd.s32 @!p0 s1  }
0x91: {  	[bflag:$0x3] =	sbarrier.arrive $0xFFFF  }
0x92: {  	_ =	shalt  }

// kernel: sc_seg_sum_deg.3.cloned.1.call-start
scs
__scs_entry_jumppad:
0x0: {  	(pc) =	sbr.rel $0x88, $3  }
0x1: {  	(tag) =	ssettag $0x0;
	lr =	simm.s32 $0x1  }
0x2: {  	[smem:$0x3F87] =	sst lr;
	_ =	strace $0xD0000000  }
0x3: {  	_ = 	snop  }
0x4: {  	_ = 	snop  }
0x5: {  	_ = 	snop  }
0x6: {  	_ = 	snop  }
0x7: {  	_ = 	snop  }
__scs_overlays_trampoline_lowered:
0x8: {  	[smem:$0x3F96] =	sst s0  }
0x9: {  	[smem:$0x3F97] =	sst s1  }
0xa: {  	[smem:$0x3F98] =	sst s2  }
0xb: {  	[smem:$0x3F99] =	sst s3  }
0xc: {  	[smem:$0x3F9A] =	sst s4  }
0xd: {  	[smem:$0x3F9B] =	sst s5  }
0xe: {  	[smem:$0x3F9C] =	sst s6  }
0xf: {  	[smem:$0x3F9D] =	sst s7  }
0x10: {  	[smem:$0x3F9E] =	sst s8  }
0x11: {  	[smem:$0x3F9F] =	sst s9;
	s0 =	simm.s32 @!p0 $0x0  }
0x12: {  	s1 =	sld [smem:$0x3F85];
	s0 =	simm.s32 @p0 $0x1  }
0x13: {  	[smem:$0x3FA0] =	sst s0;
	s0 =	simm.s32 @!p1 $0x0  }
0x14: {  	s2 =	sld [smem:$0x3F84];
	s0 =	simm.s32 @p1 $0x1  }
0x15: {  	[smem:$0x3FA1] =	sst s0;
	s0 =	simm.s32 @!p2 $0x0  }
0x16: {  	s3 =	sld [smem:$0x3FDB];
	s0 =	simm.s32 @p2 $0x1  }
0x17: {  	s4 =	simm.s32 $0x1BF5;
	[smem:$0x3FA3] =	sst s0  }
0x18: {  	s0 =	sld [smem:$0x3F86];
	_ =	swait.ge [sflag:s4], $0x0  }
0x19: {  	s7 =	sld [smem:$0x3F87]  }
0x1a: {  	s8 =	sadd.s32 $0xFFFFE003, lr  }
0x1b: {  	s9 =	sadd.s32 $0xFFFFFEF7, lr;
	s5 =	simm.s32 $0xFFFFFFFF;
	p2 =	slt.u32 s8, $0xFFFFF086  }
0x1c: {  	p1 =	slt.u32 s9, $0xF7A;
	s5 =	simm.s32 @!p2 $0x0  }
0x1d: {  	s5 =	simm.s32 @p1 $0x1;
	p0 =	seq.s32 s7, s2  }
0x1e: {  	s7 =	smul.u32 @!p0 $0xF7A, s2;
	p2 =	seq.s32 @!p0 s5, $0x0  }
0x1f: {  	s9 =	smul.u32 $0xF7A, s1;
	s8 =	simm.s32 @!p0 $0x1BF5;
	p2 =	por !p2, p0  }
0x20: {  	[sflag:s8] =	ssyncset.s32 @!p0 $0xFFFFF086;
	s6 =	sadd.s32 @!p0 s3, s7;
	s7 =	simm.s32 @!p0 $0x108  }
0x21: {  	s3 =	sadd.s32 s3, s9;
	s6 =	sadd.s32 @!p0 $0x88, s6;
	s7 =	simm.s32 @p2 $0x1082  }
0x22: {  	[simem:s7], [sflag:s8] =	dma.local @!p0 [hbm:s6], $0xF7A  }
0x23: {  	s9 =	sor.u32 $0xD0000000, s2;
	s6 =	simm.s32 $0x108;
	_ =	swait.ge @!p0 [sflag:s8], $0x0  }
0x24: {  	s3 =	sadd.s32 $0x88, s3;
	s6 =	simm.s32 @!p1 $0x1082;
	[sflag:s4] =	ssyncset.s32 $0xFFFFF086  }
0x25: {  	[simem:s6], [sflag:s4] =	dma.local [hbm:s3], $0xF7A  }
0x26: {  	[smem:$0x3F87] =	sst s1;
	(tag) =	ssettag s2;
	_ =	strace s9  }
0x27: {  	s1 =	sld [smem:$0x3F97]  }
0x28: {  	s2 =	sld [smem:$0x3F98]  }
0x29: {  	s4 =	sld [smem:$0x3F9A]  }
0x2a: {  	p0 =	seq.s32 s5, $0x0;
	s5 =	sld [smem:$0x3F9B]  }
0x2b: {  	s6 =	sld [smem:$0x3F9C]  }
0x2c: {  	s7 =	sld [smem:$0x3F9D]  }
0x2d: {  	s3 =	simm.s32 $0x108;
	s8 =	sld [smem:$0x3F9E]  }
0x2e: {  	s3 =	simm.s32 @!p0 $0x1082;
	s9 =	sld [smem:$0x3F9F]  }
0x2f: {  	lr =	sadd.s32 s0, s3;
	s0 =	sld [smem:$0x3F96]  }
0x30: {  	s3 =	sld [smem:$0x3F99]  }
0x31: {  	[smem:$0x3FA2] =	sst s10  }
0x32: {  	s10 =	sld [smem:$0x3FA0];
	_ =	sdelay $0x3  }
0x33: {  	p0 =	seq.s32 s10, $0x1;
	s10 =	sld [smem:$0x3FA2];
	_ =	sdelay $0x3  }
0x34: {  	[smem:$0x3FA2] =	sst s10  }
0x35: {  	s10 =	sld [smem:$0x3FA1];
	_ =	sdelay $0x3  }
0x36: {  	p1 =	seq.s32 s10, $0x1;
	s10 =	sld [smem:$0x3FA2];
	_ =	sdelay $0x3  }
0x37: {  	[smem:$0x3FA2] =	sst s10  }
0x38: {  	s10 =	sld [smem:$0x3FA3]  }
0x39: {  	_ = 	snop;
	(pc) =	sbr.ind lr, $3  }
0x3a: {  	_ = 	snop  }
0x3b: {  	_ = 	snop  }
0x3c: {  	p2 =	seq.s32 s10, $0x1;
	s10 =	sld [smem:$0x3FA2]  }
0x3d: {  	_ =	shalt  }
0x3e: {  	_ =	shalt  }
0x3f: {  	_ =	shalt  }
0x40: {  	_ =	shalt  }
0x41: {  	_ =	shalt  }
0x42: {  	_ =	shalt  }
0x43: {  	_ =	shalt  }
0x44: {  	_ =	shalt  }
0x45: {  	_ =	shalt  }
0x46: {  	_ =	shalt  }
0x47: {  	_ =	shalt  }
0x48: {  	_ =	shalt  }
0x49: {  	_ =	shalt  }
0x4a: {  	_ =	shalt  }
0x4b: {  	_ =	shalt  }
0x4c: {  	_ =	shalt  }
0x4d: {  	_ =	shalt  }
0x4e: {  	_ =	shalt  }
0x4f: {  	_ =	shalt  }
0x50: {  	_ =	shalt  }
0x51: {  	_ =	shalt  }
0x52: {  	_ =	shalt  }
0x53: {  	_ =	shalt  }
0x54: {  	_ =	shalt  }
0x55: {  	_ =	shalt  }
0x56: {  	_ =	shalt  }
0x57: {  	_ =	shalt  }
0x58: {  	_ =	shalt  }
0x59: {  	_ =	shalt  }
0x5a: {  	_ =	shalt  }
0x5b: {  	_ =	shalt  }
0x5c: {  	_ =	shalt  }
0x5d: {  	_ =	shalt  }
0x5e: {  	_ =	shalt  }
0x5f: {  	_ =	shalt  }
0x60: {  	_ =	shalt  }
0x61: {  	_ =	shalt  }
0x62: {  	_ =	shalt  }
0x63: {  	_ =	shalt  }
0x64: {  	_ =	shalt  }
0x65: {  	_ =	shalt  }
0x66: {  	_ =	shalt  }
0x67: {  	_ =	shalt  }
0x68: {  	_ =	shalt  }
0x69: {  	_ =	shalt  }
0x6a: {  	_ =	shalt  }
0x6b: {  	_ =	shalt  }
0x6c: {  	_ =	shalt  }
0x6d: {  	_ =	shalt  }
0x6e: {  	_ =	shalt  }
0x6f: {  	_ =	shalt  }
0x70: {  	_ =	shalt  }
0x71: {  	_ =	shalt  }
0x72: {  	_ =	shalt  }
0x73: {  	_ =	shalt  }
0x74: {  	_ =	shalt  }
0x75: {  	_ =	shalt  }
0x76: {  	_ =	shalt  }
0x77: {  	_ =	shalt  }
0x78: {  	_ =	shalt  }
0x79: {  	_ =	shalt  }
0x7a: {  	_ =	shalt  }
0x7b: {  	_ =	shalt  }
0x7c: {  	_ =	shalt  }
0x7d: {  	_ =	shalt  }
0x7e: {  	_ =	shalt  }
0x7f: {  	_ =	shalt  }
0x80: {  	_ =	shalt  }
0x81: {  	_ =	shalt  }
0x82: {  	_ =	shalt  }
0x83: {  	_ =	shalt  }
0x84: {  	_ =	shalt  }
0x85: {  	_ =	shalt  }
0x86: {  	_ =	shalt  }
0x87: {  	_ =	shalt  }
.Lfunc_end0:
.L_simem_size_0:
called_computation_lowered:
.L_overlay_start_0:
0x88: {  	s2 =	sld [smem:$0x3FD9]  }
0x89: {  	s3 =	sld [smem:$0x3FFE];
	_ =	sdelay $0x1  }
0x8a: {  	s1 =	srdreg.scid  }
0x8b: {  	s0 =	sand.u32 $0x1, s1  }
0x8c: {  	s14 =	sshll.u32 s0, $0xA;
	s2 =	sadd.s32 s3, s2  }
0x8d: {  	s2 =	sadd.s32 s2, s14  }
0x8e: {  	[smem:$0x3FAE] =	sst s2  }
0x8f: {  	_ = 	snop  }
0x90: {  	s2 =	sld [smem:$0x3FD0];
	_ =	sdelay $0x2  }
0x91: {  	s15 =	simm.s32 $0xA;
	s4 =	simm.s32 $0x10  }
0x92: {  	[smem:s4], [sflag:s15] =	dma.local [hbm:s2], $0x1  }
0x93: {  	_ =	swait.eq [sflag:s15], $0x1  }
0x94: {  	[sflag:s15] =	ssyncset.done $0x0  }
0x95: {  	s16 =	sld [smem:$0x10];
	[sflag:s15] =	ssyncadd.s32 $0xFFFFFFFF  }
0x96: {  	s17 =	sld [smem:$0x11];
	(tm) =	ssettm $0x1  }
0x97: {  	s18 =	sld [smem:$0x3FFB];
	_ =	sdelay $0x3  }
0x98: {  	_ =	strace s18  }
0x99: {  	s4 =	sld [smem:$0x3FFC];
	_ =	sdelay $0x3  }
0x9a: {  	_ =	strace s4  }
0x9b: {  	s4 =	sld [smem:$0x3FFD];
	_ =	sdelay $0x3  }
0x9c: {  	_ =	strace s4  }
0x9d: {  	_ =	strace $0x8FFFFFFF  }
0x9e: {  	s19 =	sld [smem:$0x3FDB];
	_ =	sdelay $0x1  }
0x9f: {  	s5 =	simm.s32 $_scs_section_size  }
0xa0: {  	s6 =	simm.s32 $_size__tile_overlayer_lowered;
	s7 =	simm.s32 $_tile_overlayer_lowered  }
0xa1: {  	s22 =	simm.s32 $0x1BFF;
	s21 =	sshll.u32 s7, $0x1;
	s4 =	sadd.s32 s5, s19  }
0xa2: {  	s8 =	simm.s32 $0x0;
	s20 =	sshll.u32 s6, $0x1;
	s6 =	sadd.s32 s21, s4  }
0xa3: {  	[timem:s8], [sflag:s22] =	dma.local [hbm:s6], s20  }
0xa4: {  	_ =	swait.ge [sflag:s22], s20  }
0xa5: {  	s5 =	ssub.s32 $0x0, s20;
	[sflag:s22] =	ssyncset.done $0x0  }
0xa6: {  	[sflag:s22] =	ssyncadd.s32 s5;
	_ =	sdelay $0x1  }
0xa7: {  	s23 =	simm.s32 $0x1B8B  }
0xa8: {  	_ =	swait.ge [sflag:s23], $0x1  }
0xa9: {  	[sflag:s23] =	ssyncset.done $0x0  }
0xaa: {  	s25 =	simm.s32 $0x1B8E;
	s24 =	sld [smem:$0x3FFE];
	[sflag:s23] =	ssyncadd.s32 $0xFFFFFFFF  }
0xab: {  	s26 =	simm.s32 $execute0_lowered;
	[smem:$0x3FD2] =	sst s25  }
0xac: {  	s6 =	sshll.u32 s26, $0x1;
	_ =	strace $0x80000046;
	[dreg:$0x1] =	wrdreg $0xFFFFFFFF  }
0xad: {  	s28 =	simm.s32 $_size_execute0_lowered;
	s4 =	sadd.s32 s4, s6;
	[dreg:$0x0] =	wrdreg $0x0  }
0xae: {  	s6 =	sshll.u32 s28, $0x1;
	[dreg:$0x2] =	wrdreg s4  }
0xaf: {  	[dreg:$0x3] =	wrdreg s6  }
0xb0: {  	[dreg:$0x4] =	wrdreg $0xC0  }
0xb1: {  	_ =	task [dreg:s8], $0x5FFFF  }
0xb2: {  	[dreg:$0x1] =	wrdreg $0xFFFFFFFF  }
0xb3: {  	[dreg:$0x0] =	wrdreg $0x60  }
0xb4: {  	[dreg:$0x2] =	wrdreg s24  }
0xb5: {  	[dreg:$0x3] =	wrdreg s16  }
0xb6: {  	[dreg:$0x4] =	wrdreg s17  }
0xb7: {  	[dreg:$0x5] =	wrdreg $0x0  }
0xb8: {  	[dreg:$0x6] =	wrdreg $0x140000  }
0xb9: {  	[dreg:$0x7] =	wrdreg $0x9  }
0xba: {  	_ =	task.clear_ibuf [dreg:s8], $0x8FFFF;
	_ =	strace $0x90000046  }
0xbb: {  	s29 =	simm.s32 $0x9;
	_ =	strace $0x80000048  }
0xbc: {  	_ =	swait.ge [sflag:s29], $0x1  }
0xbd: {  	[sflag:s29] =	ssyncadd.s32 $0xFFFFFFFF  }
0xbe: {  	_ =	strace $0x90000048  }
0xbf: {  	_ =	sfence  }
0xc0: {  	s30 =	sld [smem:$0x0];
	_ =	sdelay $0x2  }
0xc1: {  	s31 =	sshll.u32 s1, $0xD;
	s1 =	sshrl.u32 s1, $0x2  }
0xc2: {  	s3 =	sand.u32 $0x4000, s31;
	s1 =	sadd.s32 s1, s30  }
0xc3: {  	s0 =	sor.u32 s3, s0;
	s1 =	sshll.u32 s1, $0x11  }
0xc4: {  	s0 =	sor.u32 s1, s0  }
0xc5: {  	s0 =	sadd.s32 $0x8F2B, s0  }
0xc6: {  	[sflag:s0] =	ssyncadd.remote.s32 $0x1  }
0xc7: {  	_ =	sfence.sel $0xFFFF  }
0xc8: {  	[dreg:$0x0] =	wrdreg $0xFFFFFFFF;
	(pc) =	sbr.abs _section_cstart, $3  }
0xc9: {  	[dreg:$0x1] =	wrdreg $0xFFFFFFFF  }
0xca: {  	_ =	task.clear_ibuf [dreg:s8], $0x2FFFF;
	_ =	strace $0x9FFFFFFF  }
0xcb: {  	(tm) =	ssettm $0x7FFFFFFF  }
tec
execute0_lowered:
.L_overlay_start_1:
0x0: {  	(tag) =	ssettag $0x1  }
0x1: {  	s0 =	rddreg [dreg:$0x0]  }
0x2: {  	s1 =	rddreg [dreg:$0x1]  }
0x3: {  	s2 =	rddreg [dreg:$0x2]  }
0x4: {  	s3 =	rddreg [dreg:$0x3]  }
0x5: {  	s4 =	rddreg [dreg:$0x4]  }
0x6: {  	s16 =	stileid.u32;
	s6 =	srdreg.scid  }
0x7: {  	s5 =	simm.s32 $0x0;
	s28 =	simm.s32 $0x14480;
	s7 =	smul.u32 $0x14000, s16  }
0x8: {  	s29 =	simm.s32 $0x14300;
	s30 =	simm.s32 $0x14400;
	s10 =	smul.u32 $0x280, s16  }
0x9: {  	s31 =	simm.s32 $0x4;
	s8 =	sand.u32 $0x1, s6;
	s14 =	smul.u32 $0x50000, s16  }
0xa: {  	[smem:$0x7FF] =	sst s5;
	s6 =	sadd.s32 $0x10000, s0;
	s23 =	smul.u32 $0x2710, s16  }
0xb: {  	s13 =	sadd.s32 $0x38000, s0;
	s18 =	sshll.u32 s16, $0x6;
	s9 =	smul.u32 $0x140000, s8  }
0xc: {  	_ =	strace $0x80000047;
	s12 =	smul.u32 $0x2800, s8;
	[dreg:$0x7] =	wrdreg s13  }
0xd: {  	s25 =	ssub.s32 $0x2, s8;
	s15 =	sshll.u32 s8, $0x4;
	s8 =	smul.u32 $0x27100, s8  }
0xe: {  	s11 =	sshrl.u32 s7, $0x3;
	s26 =	sshrl.u32 s25, $0x1;
	s17 =	sor.u32 s16, s15  }
0xf: {  	s14 =	sshrl.u32 s14, $0x2;
	s19 =	sshrl.u32 s10, $0x3;
	s9 =	sadd.s32 s7, s9  }
0x10: {  	s7 =	sadd.s32 $0x6200, s0;
	s11 =	sadd.s32 s11, s0;
	s12 =	sadd.s32 s10, s12  }
0x11: {  	s14 =	sadd.s32 s14, s3;
	s13 =	smul.u32 $0x2710, s17;
	s10 =	sadd.s32 s10, s4  }
0x12: {  	s2 =	sadd.s32 s2, s19;
	s9 =	sshrl.u32 s9, $0x3;
	[dreg:$0x8] =	wrdreg s14  }
0x13: {  	s12 =	sshrl.u32 s12, $0x3;
	s11 =	sadd.s32 $0x38200, s11;
	[dreg:$0xa] =	wrdreg s10  }
0x14: {  	[dreg:$0xb] =	wrdreg s2;
	s10 =	simm.s32 $0x0;
	s9 =	sadd.s32 s9, s0  }
0x15: {  	s0 =	sadd.s32 s12, s0;
	s12 =	ssub.s32 s25, s26;
	[dreg:$0x9] =	wrdreg s11  }
0x16: {  	s11 =	sor.u32 $0x1C05, s18;
	s20 =	sshrl.u32 s13, $0x3;
	s19 =	sadd.s32 $0x26C0, s13  }
0x17: {  	s26 =	sadd.s32 s23, s8;
	s23 =	simm.s32 $0x19480;
	s8 =	simm.s32 $0x3  }
0x18: {  	s21 =	sadd.s32 s7, s20;
	s22 =	sadd.s32 s1, s20;
	s2 =	sadd.s32 $0xA, s20  }
0x19: {  	s25 =	sadd.s32 $0x60C00, s9;
	s20 =	sadd.s32 $0x60200, s0;
	[dreg:$0x6] =	wrdreg s26  }
0x1a: {  	s26 =	simm.s32 $0x50;
	s0 =	simm.s32 $0x16C80;
	[dreg:$0xc] =	wrdreg s21  }
0x1b: {  	s9 =	simm.s32 $0x2;
	[dreg:$0xd] =	wrdreg s22;
	s24 =	sadd.s32 s7, s2  }
0x1c: {  	s2 =	sadd.s32 s1, s2;
	[dreg:$0x10] =	wrdreg s25;
	s21 =	smax.u32 s12, $0x1  }
0x1d: {  	s22 =	simm.s32 $0x5;
	s25 =	simm.s32 $0x14380;
	[dreg:$0xe] =	wrdreg s24  }
0x1e: {  	[dreg:$0xf] =	wrdreg s2;
	s24 =	simm.s32 $0x14280;
	s2 =	simm.s32 $0x1  }
.LBB2_1:
0x1f: {  	s12 =	rddreg [dreg:$0x8]  }
0x20: {  	s13 =	rddreg [dreg:$0x9];
	s12 =	sshrl.u32 s12, $0x3  }
0x21: {  	[spmem:s12], [sflag:s11] =	dma.local [hbm:s13], $0x2800  }
0x22: {  	_ =	swait.ge [sflag:s22], $0x2800  }
0x23: {  	[sflag:s22] =	ssyncset.done $0x0;
	s16 =	rddreg [dreg:$0xa]  }
0x24: {  	s14 =	rddreg [dreg:$0xb];
	[sflag:s22] =	ssyncadd.s32 $0xFFFFD800;
	s13 =	sshrl.u32 s16, $0x3  }
0x25: {  	[spmem:s13], [sflag:s11] =	dma.local [hbm:s14], $0x50  }
0x26: {  	_ =	swait.ge [sflag:s22], $0x50  }
0x27: {  	[sflag:s22] =	ssyncset.done $0x0  }
0x28: {  	s17 =	rddreg [dreg:$0x7];
	[sflag:s22] =	ssyncadd.s32 $0xFFFFFFB0  }
0x29: {  	[tilespmem:s23], [sflag:$0x5] =	stream.linear.gather [hbm4b:s17+s5], $0x80, $0x38;
	[tilespmem:$0x19500] =	vst v63  }
0x2a: {  	_ =	swait.ge [sflag:s22], $0x80  }
0x2b: {  	[sflag:s22] =	ssyncset.done $0x0  }
0x2c: {  	[sflag:s22] =	ssyncadd.s32 $0xFFFFFF80  }
0x2d: {  	[bflag:$0x0] =	sbarrier.arrive $0xFFFF  }
0x2e: {  	s18 =	rddreg [dreg:$0xc]  }
0x2f: {  	[tilespmem:s24], [sflag:$0x5] =	stream.linear.gather [hbm4b:s18+s5], $0x50, $0x38;
	[tilespmem:$0x19500] =	vst v63  }
0x30: {  	_ =	swait.ge [sflag:s22], $0x50  }
0x31: {  	[sflag:s22] =	ssyncset.done $0x0  }
0x32: {  	s15 =	rddreg [dreg:$0xd];
	[sflag:s22] =	ssyncadd.s32 $0xFFFFFFB0  }
0x33: {  	[tilespmem:s25], [sflag:$0x5] =	stream.linear.gather [hbm4b:s15+s5], $0x50, $0x38;
	[tilespmem:$0x19500] =	vst v63  }
0x34: {  	_ =	swait.ge [sflag:s22], $0x50  }
0x35: {  	[sflag:s22] =	ssyncset.done $0x0  }
0x36: {  	[sflag:s22] =	ssyncadd.s32 $0xFFFFFFB0  }
0x37: {  	[tilespmem:s28], [sflag:$0x1] =	stream.indirect.gather [hbm4b:s6+s26], $0x80, s24, s26, $0xb8;
	[tilespmem:$0x19500] =	vst v63  }
0x38: {  	s16 =	rddreg [dreg:$0xe]  }
0x39: {  	[tilespmem:s29], [sflag:$0x4] =	stream.linear.gather [hbm4b:s16+s5], $0x50, $0x38;
	[tilespmem:$0x19500] =	vst v63  }
0x3a: {  	s17 =	rddreg [dreg:$0xf]  }
0x3b: {  	[tilespmem:s30], [sflag:$0x4] =	stream.linear.gather [hbm4b:s17+s5], $0x50, $0x38;
	[tilespmem:$0x19500] =	vst v63  }
0x3c: {  	_ =	swait.ge [sflag:s31], $0x50  }
0x3d: {  	[sflag:s31] =	ssyncset.done $0x0  }
0x3e: {  	[sflag:s31] =	ssyncadd.s32 $0xFFFFFFB0  }
0x3f: {  	_ =	swait.ge [sflag:s31], $0x50  }
0x40: {  	[sflag:s31] =	ssyncset.done $0x0  }
0x41: {  	[sflag:s31] =	ssyncadd.s32 $0xFFFFFFB0  }
0x42: {  	[tilespmem:s0], [sflag:$0x2] =	stream.indirect.gather [hbm4b:s6+s26], $0x80, s29, s26, $0xb8;
	[tilespmem:$0x19500] =	vst v63  }
0x43: {  	_ =	swait.ge [sflag:s2], $0x2800  }
0x44: {  	[sflag:s2] =	ssyncset.done $0x0  }
0x45: {  	[sflag:s2] =	ssyncadd.s32 $0xFFFFD800  }
0x46: {  	[spmem:s3] =	stream.indirect.scatter.add.f32 [tilespmem:s28], [sflag:$0x5], $0x80, s25, s26, $0xb8;
	[tilespmem:$0x19500] =	vst v63  }
0x47: {  	_ =	swait.ge [sflag:s22], $0x2800  }
0x48: {  	[sflag:s22] =	ssyncset.done $0x0  }
0x49: {  	[sflag:s22] =	ssyncadd.s32 $0xFFFFD800  }
0x4a: {  	[spmem:s4] =	stream.indirect.scatter.add.f32 [tilespmem:s23], [sflag:$0x5], $0x1, s25, s26, $0xb8;
	[tilespmem:$0x19500] =	vst v63  }
0x4b: {  	_ =	swait.ge [sflag:s22], $0x50  }
0x4c: {  	s15 =	rddreg [dreg:$0x6]  }
0x4d: {  	s15 =	sadd.s32 $0xFFFFD940, s15  }
0x4e: {  	s16 =	sadd.s32 $0x2760, s15  }
0x4f: {  	[sflag:s22] =	ssyncset.done $0x0;
	s16 =	sshrl.u32 s16, $0x3  }
0x50: {  	[sflag:s22] =	ssyncadd.s32 $0xFFFFFFB0;
	s17 =	sadd.s32 s7, s16  }
0x51: {  	[tilespmem:s24], [sflag:$0x3] =	stream.linear.gather [hbm4b:s17+s5], $0x50, $0x38;
	[tilespmem:$0x19500] =	vst v63  }
0x52: {  	s16 =	sadd.s32 s1, s16  }
0x53: {  	[tilespmem:s25], [sflag:$0x3] =	stream.linear.gather [hbm4b:s16+s5], $0x50, $0x38;
	[tilespmem:$0x19500] =	vst v63  }
0x54: {  	_ =	swait.ge [sflag:s8], $0x50  }
0x55: {  	[sflag:s8] =	ssyncset.done $0x0  }
0x56: {  	[sflag:s8] =	ssyncadd.s32 $0xFFFFFFB0  }
0x57: {  	_ =	swait.ge [sflag:s8], $0x50  }
0x58: {  	[sflag:s8] =	ssyncset.done $0x0  }
0x59: {  	[sflag:s8] =	ssyncadd.s32 $0xFFFFFFB0  }
0x5a: {  	[tilespmem:s28], [sflag:$0x1] =	stream.indirect.gather [hbm4b:s6+s26], $0x80, s24, s26, $0xb8;
	[tilespmem:$0x19500] =	vst v63  }
0x5b: {  	_ =	swait.ge [sflag:s9], $0x2800  }
0x5c: {  	[sflag:s9] =	ssyncset.done $0x0  }
0x5d: {  	[sflag:s9] =	ssyncadd.s32 $0xFFFFD800  }
0x5e: {  	[spmem:s3] =	stream.indirect.scatter.add.f32 [tilespmem:s0], [sflag:$0x5], $0x80, s30, s26, $0xb8;
	[tilespmem:$0x19500] =	vst v63  }
0x5f: {  	_ =	swait.ge [sflag:s22], $0x2800  }
0x60: {  	s15 =	sadd.s32 $0x27B0, s15;
	[sflag:s22] =	ssyncset.done $0x0  }
0x61: {  	p0 =	slt.s32 s15, s19;
	s16 =	smov.u32 s19;
	[sflag:s22] =	ssyncadd.s32 $0xFFFFD800  }
0x62: {  	[spmem:s4] =	stream.indirect.scatter.add.f32 [tilespmem:s23], [sflag:$0x5], $0x1, s30, s26, $0xb8;
	[tilespmem:$0x19500] =	vst v63  }
0x63: {  	s16 =	smov.u32 @p0 s15;
	_ =	swait.ge [sflag:s22], $0x50  }
0x64: {  	s15 =	simm.s32 $0xFFFFD9E0;
	s16 =	sshrl.u32 s16, $0x3;
	[sflag:s22] =	ssyncset.done $0x0  }
0x65: {  	s18 =	sadd.s32 s7, s16;
	s16 =	sadd.s32 s1, s16;
	[sflag:s22] =	ssyncadd.s32 $0xFFFFFFB0  }
0x66: {  	[tilespmem:s29], [sflag:$0x4] =	stream.linear.gather [hbm4b:s18+s5], $0x50, $0x38;
	[tilespmem:$0x19500] =	vst v63  }
.LBB2_2:
0x67: {  	[tilespmem:s30], [sflag:$0x4] =	stream.linear.gather [hbm4b:s16+s5], $0x50, $0x38;
	[tilespmem:$0x19500] =	vst v63  }
0x68: {  	_ =	swait.ge [sflag:s31], $0x50  }
0x69: {  	[sflag:s31] =	ssyncset.done $0x0  }
0x6a: {  	[sflag:s31] =	ssyncadd.s32 $0xFFFFFFB0  }
0x6b: {  	_ =	swait.ge [sflag:s31], $0x50  }
0x6c: {  	[sflag:s31] =	ssyncset.done $0x0  }
0x6d: {  	[sflag:s31] =	ssyncadd.s32 $0xFFFFFFB0  }
0x6e: {  	[tilespmem:s0], [sflag:$0x2] =	stream.indirect.gather [hbm4b:s6+s26], $0x80, s29, s26, $0xb8;
	[tilespmem:$0x19500] =	vst v63  }
0x6f: {  	_ =	swait.ge [sflag:s2], $0x2800  }
0x70: {  	[sflag:s2] =	ssyncset.done $0x0  }
0x71: {  	[sflag:s2] =	ssyncadd.s32 $0xFFFFD800  }
0x72: {  	[spmem:s3] =	stream.indirect.scatter.add.f32 [tilespmem:s28], [sflag:$0x5], $0x80, s25, s26, $0xb8;
	[tilespmem:$0x19500] =	vst v63  }
0x73: {  	_ =	swait.ge [sflag:s22], $0x2800  }
0x74: {  	[sflag:s22] =	ssyncset.done $0x0  }
0x75: {  	[sflag:s22] =	ssyncadd.s32 $0xFFFFD800  }
0x76: {  	[spmem:s4] =	stream.indirect.scatter.add.f32 [tilespmem:s23], [sflag:$0x5], $0x1, s25, s26, $0xb8;
	[tilespmem:$0x19500] =	vst v63  }
0x77: {  	_ =	swait.ge [sflag:s22], $0x50  }
0x78: {  	s14 =	smov.u32 s15;
	s17 =	rddreg [dreg:$0x6]  }
0x79: {  	s16 =	sadd.s32 s14, s17  }
0x7a: {  	s17 =	sadd.s32 $0x2760, s16  }
0x7b: {  	[sflag:s22] =	ssyncset.done $0x0;
	s17 =	sshrl.u32 s17, $0x3  }
0x7c: {  	[sflag:s22] =	ssyncadd.s32 $0xFFFFFFB0;
	s18 =	sadd.s32 s7, s17  }
0x7d: {  	[tilespmem:s24], [sflag:$0x3] =	stream.linear.gather [hbm4b:s18+s5], $0x50, $0x38;
	[tilespmem:$0x19500] =	vst v63  }
0x7e: {  	s17 =	sadd.s32 s1, s17  }
0x7f: {  	[tilespmem:s25], [sflag:$0x3] =	stream.linear.gather [hbm4b:s17+s5], $0x50, $0x38;
	[tilespmem:$0x19500] =	vst v63  }
0x80: {  	_ =	swait.ge [sflag:s8], $0x50  }
0x81: {  	[sflag:s8] =	ssyncset.done $0x0  }
0x82: {  	[sflag:s8] =	ssyncadd.s32 $0xFFFFFFB0  }
0x83: {  	_ =	swait.ge [sflag:s8], $0x50  }
0x84: {  	[sflag:s8] =	ssyncset.done $0x0  }
0x85: {  	[sflag:s8] =	ssyncadd.s32 $0xFFFFFFB0  }
0x86: {  	[tilespmem:s28], [sflag:$0x1] =	stream.indirect.gather [hbm4b:s6+s26], $0x80, s24, s26, $0xb8;
	[tilespmem:$0x19500] =	vst v63  }
0x87: {  	_ =	swait.ge [sflag:s9], $0x2800  }
0x88: {  	[sflag:s9] =	ssyncset.done $0x0  }
0x89: {  	[sflag:s9] =	ssyncadd.s32 $0xFFFFD800  }
0x8a: {  	[spmem:s3] =	stream.indirect.scatter.add.f32 [tilespmem:s0], [sflag:$0x5], $0x80, s30, s26, $0xb8;
	[tilespmem:$0x19500] =	vst v63  }
0x8b: {  	_ =	swait.ge [sflag:s22], $0x2800  }
0x8c: {  	[sflag:s22] =	ssyncset.done $0x0  }
0x8d: {  	p0 =	sne.s32 s15, $0xFFFFFF60;
	s16 =	sadd.s32 $0x27B0, s16;
	[sflag:s22] =	ssyncadd.s32 $0xFFFFD800  }
0x8e: {  	[spmem:s4] =	stream.indirect.scatter.add.f32 [tilespmem:s23], [sflag:$0x5], $0x1, s30, s26, $0xb8;
	[tilespmem:$0x19500] =	vst v63  }
.Ltmp0:
0x8f: {  	s14 =	smov.u32 s19;
	p1 =	slt.s32 s16, s19;
	(pc) =	sbr.rel @p0 .LBB2_2-.Ltmp0, $4  }
0x90: {  	s14 =	smov.u32 @p1 s16;
	_ =	swait.ge [sflag:s22], $0x50  }
0x91: {  	s15 =	sadd.s32 $0xA0, s15;
	s14 =	sshrl.u32 s14, $0x3;
	[sflag:s22] =	ssyncset.done $0x0  }
0x92: {  	s18 =	sadd.s32 s7, s14;
	s16 =	sadd.s32 s1, s14;
	[sflag:s22] =	ssyncadd.s32 $0xFFFFFFB0  }
0x93: {  	[tilespmem:s29], [sflag:$0x4] =	stream.linear.gather [hbm4b:s18+s5], $0x50, $0x38;
	[tilespmem:$0x19500] =	vst v63  }
0x94: {  	[tilespmem:s30], [sflag:$0x4] =	stream.linear.gather [hbm4b:s16+s5], $0x50, $0x38;
	[tilespmem:$0x19500] =	vst v63  }
0x95: {  	_ =	swait.ge [sflag:s2], $0x2800  }
0x96: {  	[sflag:s2] =	ssyncset.done $0x0  }
0x97: {  	[sflag:s2] =	ssyncadd.s32 $0xFFFFD800  }
0x98: {  	[spmem:s3] =	stream.indirect.scatter.add.f32 [tilespmem:s28], [sflag:$0x5], $0x80, s25, s26, $0xb8;
	[tilespmem:$0x19500] =	vst v63  }
0x99: {  	_ =	swait.ge [sflag:s22], $0x2800  }
0x9a: {  	[sflag:s22] =	ssyncset.done $0x0  }
0x9b: {  	[sflag:s22] =	ssyncadd.s32 $0xFFFFD800  }
0x9c: {  	[spmem:s4] =	stream.indirect.scatter.add.f32 [tilespmem:s23], [sflag:$0x5], $0x1, s25, s26, $0xb8;
	[tilespmem:$0x19500] =	vst v63  }
0x9d: {  	_ =	swait.ge [sflag:s22], $0x50  }
0x9e: {  	[sflag:s22] =	ssyncset.done $0x0  }
0x9f: {  	[sflag:s22] =	ssyncadd.s32 $0xFFFFFFB0  }
0xa0: {  	_ =	swait.ge [sflag:s31], $0x50  }
0xa1: {  	[sflag:s31] =	ssyncset.done $0x0  }
0xa2: {  	[sflag:s31] =	ssyncadd.s32 $0xFFFFFFB0  }
0xa3: {  	_ =	swait.ge [sflag:s31], $0x50  }
0xa4: {  	[sflag:s31] =	ssyncset.done $0x0  }
0xa5: {  	[sflag:s31] =	ssyncadd.s32 $0xFFFFFFB0  }
0xa6: {  	[bflag:$0x0] =	sbarrier.arrive $0xFFFF  }
0xa7: {  	s14 =	rddreg [dreg:$0x10]  }
0xa8: {  	[hbm:s14], [sflag:s11] =	dma.local [spmem:s12], $0x2800  }
0xa9: {  	s10 =	sadd.s32 $0x1, s10;
	_ =	swait.ge [sflag:s22], $0x2800  }
0xaa: {  	p0 =	sne.s32 s10, s21;
	[sflag:s22] =	ssyncset.done $0x0  }
.Ltmp1:
0xab: {  	[sflag:s22] =	ssyncadd.s32 $0xFFFFD800;
	(pc) =	sbr.rel @p0 .LBB2_1-.Ltmp1, $4  }
0xac: {  	[hbm:s20], [sflag:s11] =	dma.local [spmem:s13], $0x50  }
0xad: {  	_ =	swait.ge [sflag:s22], $0x50  }
0xae: {  	[sflag:s22] =	ssyncset.done $0x0  }
0xaf: {  	[sflag:s22] =	ssyncadd.s32 $0xFFFFFFB0  }
0xb0: {  	_ =	sfence.sel $0x180000  }
0xb1: {  	[bflag:$0x0] =	sbarrier.arrive $0xFFFF  }
0xb2: {  	_ =	strace $0x90000047  }
0xb3: {  	s0 =	stileid.u32;
	[bflag:$0x2] =	sbarrier.arrive $0xFFFF  }
0xb4: {  	p0 =	sne.s32 s0, $0x0;
	s0 =	rddreg [dreg:$0x5]  }
0xb5: {  	s0 =	sadd.s32 @!p0 $0x100000, s0  }
0xb6: {  	[sflag:s0] =	ssyncadd.tile.s32 @!p0 $0x1;
	_ =	shalt  }
.Lfunc_end2:
_tile_overlayer_lowered:
.L_overlay_start_2:
0xb7: {  	(tag) =	ssettag $0x2  }
0xb8: {  	s0 =	rddreg [dreg:$0x0];
	s2 =	stileid.u32  }
0xb9: {  	s1 =	rddreg [dreg:$0x1];
	p0 =	sne.s32 s2, $0x0  }
0xba: {  	s3 =	rddreg [dreg:$0x2];
	[bflag:$0x3] =	sbarrier.arrive $0xFFFF;
	s2 =	simm.s32 @!p0 $0x1C05  }
0xbb: {  	[timem:s3], [sflag:s2] =	dma.local @!p0 [hbm:s0], s1  }
0xbc: {  	s0 =	simm.s32 @!p0 $0x5  }
0xbd: {  	_ =	swait.ge @!p0 [sflag:s0], s1  }
0xbe: {  	s1 =	ssub.s32 @!p0 $0x0, s1;
	[sflag:s0] =	ssyncset.done @!p0 $0x0  }
0xbf: {  	[sflag:s0] =	ssyncadd.s32 @!p0 s1  }
0xc0: {  	[bflag:$0x3] =	sbarrier.arrive $0xFFFF  }
0xc1: {  	_ =	shalt  }

</sc_bundles>
